<compile_context>
chip_gen: v7x
topology: tpu7x:2x2x1
jax: 0.10.2.dev20260603
libtpu: 0.0.44.dev20260713+nightly
codegen_flags: <defaults>
</compile_context>

<pallas_src>
import functools
import math

import jax
import jax.numpy as jnp
from jax import lax
from jax.experimental import pallas as pl
from jax.experimental.pallas import tpu as pltpu
from jax.experimental.pallas import tpu_sc as plsc

_B = 64
_NSLOT = 5
_LEAD = 3
_KB = 8


def _sc_segment_sum(emb, ei3, adj2d, zeros):
    n, d = emb.shape
    _, nrows, b = ei3.shape
    assert b == _B
    info = plsc.get_sparse_core_info()
    nc, ns, lanes = info.num_cores, info.num_subcores, info.num_lanes
    nw = nc * ns
    per_w = nrows // nw
    assert per_w % _KB == 0 and nrows == per_w * nw
    g_iters = per_w // _NSLOT
    vregs = d // lanes

    rows_per_sub = (n // ns) // 8 * 8
    tail_start = ns * rows_per_sub
    tail = n - tail_start

    mesh = plsc.VectorSubcoreMesh(core_axis_name="c", subcore_axis_name="s")

    @functools.partial(
        pl.kernel,
        mesh=mesh,
        out_type=jax.ShapeDtypeStruct((nc, n, d), jnp.float32),
        compiler_params=pltpu.CompilerParams(needs_layout_passes=False),
        scratch_types=[
            pltpu.VMEM((2, _KB, b), jnp.int32),
            pltpu.VMEM((2, _KB, b), jnp.int32),
            pltpu.VMEM((2, _KB, b), jnp.float32),
            pltpu.VMEM((_NSLOT, b, d), jnp.float32),
            pltpu.VMEM_SHARED((n, d), jnp.float32),
            [pltpu.SemaphoreType.DMA] * _NSLOT,
            [pltpu.SemaphoreType.DMA] * _NSLOT,
            pltpu.SemaphoreType.DMA,
        ],
    )
    def sc_k(emb_hbm, ei_hbm, adj_hbm, zeros_hbm, part_hbm,
             src_k, dst_k, adj_k, rows, acc, g_sems, s_sems, i_sem):
        c = lax.axis_index("c")
        s = lax.axis_index("s")
        w = c * ns + s
        start = w * per_w

        def issue_idx(bi):
            off = pl.multiple_of(start + bi * _KB, 8)
            sl = bi % 2
            pltpu.async_copy(ei_hbm.at[1, pl.ds(off, _KB)], src_k.at[sl], i_sem)
            pltpu.async_copy(ei_hbm.at[0, pl.ds(off, _KB)], dst_k.at[sl], i_sem)
            pltpu.async_copy(adj_hbm.at[pl.ds(off, _KB)], adj_k.at[sl], i_sem)

        def wait_idx():
            for ref in (src_k, dst_k, adj_k):
                pltpu.make_async_copy(
                    ei_hbm.at[0, pl.ds(start, _KB)], ref.at[0], i_sem
                ).wait()

        def issue_gather(t, slot):
            pltpu.async_copy(
                emb_hbm.at[src_k.at[(t // _KB) % 2, t % _KB]],
                rows.at[slot], g_sems[slot],
            )

        def wait_gather(slot):
            pltpu.make_async_copy(
                emb_hbm.at[src_k.at[0, 0]], rows.at[slot], g_sems[slot]
            ).wait()

        def issue_scatter(t, slot):
            pltpu.async_copy(
                rows.at[slot],
                acc.at[dst_k.at[(t // _KB) % 2, t % _KB]],
                s_sems[slot], add=True,
            )

        def wait_scatter(slot):
            pltpu.make_async_copy(
                rows.at[slot], acc.at[dst_k.at[0, 0]], s_sems[slot]
            ).wait()

        def scale(t, slot):
            bsl = jnp.full((lanes,), (t // _KB) % 2, jnp.int32)
            rr = jnp.full((lanes,), t % _KB, jnp.int32)

            @plsc.parallel_loop(0, b, step=1, unroll=4)
            def _scale_edge(r):
                av = plsc.load_gather(
                    adj_k, [bsl, rr, jnp.full((lanes,), r, jnp.int32)]
                )
                for jj in range(vregs):
                    sl = pl.ds(jj * lanes, lanes)
                    rows[slot, r, sl] = rows[slot, r, sl] * av

        issue_idx(0)
        wait_idx()
        issue_gather(0, 0)

        off = pl.multiple_of(s * rows_per_sub, 8)
        pltpu.sync_copy(
            zeros_hbm.at[pl.ds(off, rows_per_sub)],
            acc.at[pl.ds(off, rows_per_sub)],
        )
        if tail:
            @pl.when(s == 0)
            def _zero_tail():
                pltpu.sync_copy(
                    zeros_hbm.at[pl.ds(tail_start, tail)],
                    acc.at[pl.ds(tail_start, tail)],
                )
        plsc.subcore_barrier()

        nbatch = per_w // _KB
        assert per_w % _NSLOT == 0 and _NSLOT == 5 and per_w % _KB == 0
        inv = pow(_NSLOT, -1, _KB)
        c_issue = [(inv * (1 - j)) % _KB for j in range(_NSLOT)]
        c_wait = [(inv * (_KB - _LEAD - j)) % _KB for j in range(_NSLOT)]
        for pchunk in range(1, _LEAD):
            issue_gather(pchunk, pchunk)

        def gbody(g, carry):
            for j in range(_NSLOT):
                t = g * _NSLOT + j
                tgt = (j + _LEAD) % _NSLOT

                def _do_idx_wait():
                    @pl.when(g % _KB == c_wait[j])
                    def _widx():
                        wait_idx()

                if j < _NSLOT - _LEAD:
                    @pl.when(g > 0)
                    def _drain():
                        wait_scatter(tgt)

                    _do_idx_wait()
                    issue_gather(t + _LEAD, tgt)
                else:
                    wait_scatter(tgt)

                    @pl.when(g < g_iters - 1)
                    def _issue():
                        _do_idx_wait()
                        issue_gather(t + _LEAD, tgt)

                @pl.when(
                    (g % _KB == c_issue[j])
                    & ((g * _NSLOT + j - 1) // _KB + 1 < nbatch)
                )
                def _prefetch_idx():
                    issue_idx((g * _NSLOT + j - 1) // _KB + 1)

                wait_gather(j)
                scale(t, j)
                issue_scatter(t, j)
            return carry

        lax.fori_loop(0, g_iters, gbody, 0)
        for j in range(_NSLOT - _LEAD):
            wait_scatter((j + _LEAD) % _NSLOT)
        plsc.subcore_barrier()

        pltpu.sync_copy(
            acc.at[pl.ds(off, rows_per_sub)],
            part_hbm.at[c, pl.ds(off, rows_per_sub)],
        )
        if tail:
            @pl.when(s == 0)
            def _write_tail():
                pltpu.sync_copy(
                    acc.at[pl.ds(tail_start, tail)],
                    part_hbm.at[c, pl.ds(tail_start, tail)],
                )

    return sc_k(emb, ei3, adj2d, zeros)


def _tc_transform(partials, emb, w1, w2):
    n, d = emb.shape
    nc = partials.shape[0]
    blk = 2000

    def body(p_ref, e_ref, w1_ref, w2_ref, o_ref):
        rel = p_ref[0]
        for i in range(1, nc):
            rel = rel + p_ref[i]
        o_ref[...] = jnp.dot(
            rel, w1_ref[...], preferred_element_type=jnp.float32
        ) + jnp.dot(
            rel * e_ref[...], w2_ref[...], preferred_element_type=jnp.float32
        )

    return pl.pallas_call(
        body,
        grid=(n // blk,),
        in_specs=[
            pl.BlockSpec((nc, blk, d), lambda i: (0, i, 0)),
            pl.BlockSpec((blk, d), lambda i: (i, 0)),
            pl.BlockSpec((d, d), lambda i: (0, 0)),
            pl.BlockSpec((d, d), lambda i: (0, 0)),
        ],
        out_specs=pl.BlockSpec((blk, d), lambda i: (i, 0)),
        out_shape=jax.ShapeDtypeStruct((n, d), jnp.float32),
    )(partials, emb, w1, w2)


def kernel(embeddings, edge_index, adj_values, W1, W2):
    n, d = embeddings.shape
    e = adj_values.shape[0]
    info = plsc.get_sparse_core_info()
    nw = info.num_cores * info.num_subcores

    chunk_unit = _B * nw * (_KB * _NSLOT // math.gcd(_KB, _NSLOT))
    e_pad = (e + chunk_unit - 1) // chunk_unit * chunk_unit
    pad = e_pad - e
    ei = edge_index
    adj = adj_values
    if pad:
        spread = jnp.arange(pad, dtype=jnp.int32) % jnp.int32(n)
        ei = jnp.concatenate([ei, jnp.broadcast_to(spread, (2, pad))], axis=1)
        adj = jnp.concatenate([adj, jnp.zeros((pad,), jnp.float32)])
    ei3 = ei.reshape(2, e_pad // _B, _B)
    adj2d = adj.reshape(e_pad // _B, _B)
    zeros = jnp.zeros_like(embeddings)
    partials = _sc_segment_sum(embeddings, ei3, adj2d, zeros)
    return _tc_transform(partials, embeddings, W1, W2)

# --- scband reference (transcript-rebuilt; emitter-appended) ---
"""Pipeline reference for scband-ngcflayer-17875653886167 (READ-ONLY COPY).

The authoritative reference and input builder live on the scoring server;
editing this copy changes nothing except your own understanding.
"""

import jax, jax.numpy as jnp
import numpy as np

N = 10000
E = 320000
D = 128


def setup_inputs(seed: int = 0) -> dict:
    key = jax.random.key(seed)
    k1, k2, k3, k4, k5 = jax.random.split(key, 5)
    embeddings = jax.random.normal(k1, (N, D), dtype=jnp.float32)
    edge_index = jax.random.randint(k2, (2, E), 0, N, dtype=jnp.int32)
    adj_values = jax.random.uniform(k3, (E,), dtype=jnp.float32)
    # glorot_uniform for W1, W2 with shape (D, D)
    limit = float(np.sqrt(6.0 / (D + D)))
    W1 = jax.random.uniform(k4, (D, D), dtype=jnp.float32, minval=-limit, maxval=limit)
    W2 = jax.random.uniform(k5, (D, D), dtype=jnp.float32, minval=-limit, maxval=limit)
    return {"embeddings": embeddings, "edge_index": edge_index, "adj_values": adj_values, "W1": W1, "W2": W2}


def reference(embeddings, edge_index, adj_values, W1, W2):
    # NGCFLayer.call with include_self_messages=False (the default)
    # adj_submatrix is a SparseTensor; here represented as (edge_index, adj_values)
    # where row = edge_index[0], col = edge_index[1].
    dst = edge_index[0]
    src = edge_index[1]
    # tf.sparse.sparse_dense_matmul(adj_submatrix, embeddings)
    gathered = adj_values[:, None] * jnp.take(embeddings, src, axis=0)
    relevant_embeddings = jax.ops.segment_sum(gathered, dst, num_segments=embeddings.shape[0])
    # non_interactive_messages = relevant @ W1
    non_interactive_messages = jnp.matmul(relevant_embeddings, W1)
    # interactive_messages = (relevant * embeddings) @ W2
    interactive_messages = jnp.matmul(relevant_embeddings * embeddings, W2)
    return non_interactive_messages + interactive_messages

if __name__ == "__main__":
    import jax
    _d = setup_inputs()
    print(jax.jit(kernel)(*tuple(_d.values())))

</pallas_src>

<mosaic_0001>
#map = affine_map<(d0, d1) -> (0, 0)>
#map1 = affine_map<(d0, d1) -> (0, 0, 0)>
module attributes {stable_mosaic.version = 14 : i64} {
  func.func @sc_k(%arg0: i32, %arg1: i32, %arg2: memref<10000x128xf32, #tpu.memory_space<hbm>>, %arg3: memref<2x5120x64xi32, #tpu.memory_space<hbm>>, %arg4: memref<5120x64xf32, #tpu.memory_space<hbm>>, %arg5: memref<10000x128xf32, #tpu.memory_space<hbm>>, %arg6: memref<2x10000x128xf32, #tpu.memory_space<hbm>>, %arg7: memref<2x8x64xi32, #tpu.memory_space<vmem>>, %arg8: memref<2x8x64xi32, #tpu.memory_space<vmem>>, %arg9: memref<2x8x64xf32, #tpu.memory_space<vmem>>, %arg10: memref<5x64x128xf32, #tpu.memory_space<vmem>>, %arg11: memref<10000x128xf32, #tpu.memory_space<vmem_shared>>, %arg12: memref<!tpu.dma_semaphore, #tpu.memory_space<semaphore_mem>>, %arg13: memref<!tpu.dma_semaphore, #tpu.memory_space<semaphore_mem>>, %arg14: memref<!tpu.dma_semaphore, #tpu.memory_space<semaphore_mem>>, %arg15: memref<!tpu.dma_semaphore, #tpu.memory_space<semaphore_mem>>, %arg16: memref<!tpu.dma_semaphore, #tpu.memory_space<semaphore_mem>>, %arg17: memref<!tpu.dma_semaphore, #tpu.memory_space<semaphore_mem>>, %arg18: memref<!tpu.dma_semaphore, #tpu.memory_space<semaphore_mem>>, %arg19: memref<!tpu.dma_semaphore, #tpu.memory_space<semaphore_mem>>, %arg20: memref<!tpu.dma_semaphore, #tpu.memory_space<semaphore_mem>>, %arg21: memref<!tpu.dma_semaphore, #tpu.memory_space<semaphore_mem>>, %arg22: memref<!tpu.dma_semaphore, #tpu.memory_space<semaphore_mem>>) attributes {dimension_semantics = [#tpu.dimension_semantics<core_parallel>, #tpu.dimension_semantics<subcore_parallel>], iteration_bounds = array<i64: 2, 16>, scalar_prefetch = 0 : i64, scratch_operands = 16 : i64, tpu.core_type = #tpu.core_type<sc_vector_subcore>, window_params = [{transform_indices = #map}, {transform_indices = #map1}, {transform_indices = #map}, {transform_indices = #map}, {transform_indices = #map1}]} {
    %mul3A = arith.constant 16 : i32
    %mul3A_0 = arith.muli %arg0, %mul3A : i32
    %add3A = arith.addi %mul3A_0, %arg1 : i32
    %mul3A_1 = arith.constant 160 : i32
    %mul3A_2 = arith.muli %add3A, %mul3A_1 : i32
    %add3A_3 = arith.constant 0 : i32
    %add3A_4 = arith.addi %mul3A_2, %add3A_3 : i32
    %multiple_of3A = tpu.assume_multiple %add3A_4, 8 : i32
    %dma_start3A = arith.constant 1 : i32
    %dma_start3A_5 = arith.constant 0 : i32
    %dma_start3A_6 = arith.constant 0 : i32
    %dma_start3A_7 = arith.constant 0 : i32
    %dma_start3A_8 = tpu.memref_slice %arg7[%dma_start3A_5, %dma_start3A_6, %dma_start3A_7] : memref<2x8x64xi32, #tpu.memory_space<vmem>> -> memref<1x8x64xi32, #tpu.memory_space<vmem>>
    %dma_start3A_9 = tpu.memref_squeeze %dma_start3A_8 : memref<1x8x64xi32, #tpu.memory_space<vmem>> -> memref<8x64xi32, #tpu.memory_space<vmem>>
    %dma_start3A_10 = arith.constant 0 : i32
    %dma_start3A_11 = tpu.memref_slice %arg3[%dma_start3A, %multiple_of3A, %dma_start3A_10] : memref<2x5120x64xi32, #tpu.memory_space<hbm>> -> memref<1x8x64xi32, #tpu.memory_space<hbm>>
    %dma_start3A_12 = tpu.memref_squeeze %dma_start3A_11 : memref<1x8x64xi32, #tpu.memory_space<hbm>> -> memref<8x64xi32, #tpu.memory_space<hbm>>
    %dma_start3A_13 = arith.constant 0 : i32
    %dma_start3A_14 = arith.constant 0 : i32
    %dma_start3A_15 = tpu.memref_slice %arg7[%dma_start3A_5, %dma_start3A_13, %dma_start3A_14] : memref<2x8x64xi32, #tpu.memory_space<vmem>> -> memref<1x8x64xi32, #tpu.memory_space<vmem>>
    %dma_start3A_16 = tpu.memref_squeeze %dma_start3A_15 : memref<1x8x64xi32, #tpu.memory_space<vmem>> -> memref<8x64xi32, #tpu.memory_space<vmem>>
    %dma_start3A_17 = arith.constant 0 : i32
    %dma_start3A_18 = tpu.memref_slice %arg3[%dma_start3A, %multiple_of3A, %dma_start3A_17] : memref<2x5120x64xi32, #tpu.memory_space<hbm>> -> memref<1x8x64xi32, #tpu.memory_space<hbm>>
    %dma_start3A_19 = tpu.memref_squeeze %dma_start3A_18 : memref<1x8x64xi32, #tpu.memory_space<hbm>> -> memref<8x64xi32, #tpu.memory_space<hbm>>
    tpu.enqueue_dma source(%dma_start3A_19 : memref<8x64xi32, #tpu.memory_space<hbm>>) target(%dma_start3A_16 : memref<8x64xi32, #tpu.memory_space<vmem>>) target_semaphore(%arg22 : memref<!tpu.dma_semaphore, #tpu.memory_space<semaphore_mem>>)
    %dma_start3A_20 = arith.constant 0 : i32
    %dma_start3A_21 = arith.constant 0 : i32
    %dma_start3A_22 = arith.constant 0 : i32
    %dma_start3A_23 = arith.constant 0 : i32
    %dma_start3A_24 = tpu.memref_slice %arg8[%dma_start3A_21, %dma_start3A_22, %dma_start3A_23] : memref<2x8x64xi32, #tpu.memory_space<vmem>> -> memref<1x8x64xi32, #tpu.memory_space<vmem>>
    %dma_start3A_25 = tpu.memref_squeeze %dma_start3A_24 : memref<1x8x64xi32, #tpu.memory_space<vmem>> -> memref<8x64xi32, #tpu.memory_space<vmem>>
    %dma_start3A_26 = arith.constant 0 : i32
    %dma_start3A_27 = tpu.memref_slice %arg3[%dma_start3A_20, %multiple_of3A, %dma_start3A_26] : memref<2x5120x64xi32, #tpu.memory_space<hbm>> -> memref<1x8x64xi32, #tpu.memory_space<hbm>>
    %dma_start3A_28 = tpu.memref_squeeze %dma_start3A_27 : memref<1x8x64xi32, #tpu.memory_space<hbm>> -> memref<8x64xi32, #tpu.memory_space<hbm>>
    %dma_start3A_29 = arith.constant 0 : i32
    %dma_start3A_30 = arith.constant 0 : i32
    %dma_start3A_31 = tpu.memref_slice %arg8[%dma_start3A_21, %dma_start3A_29, %dma_start3A_30] : memref<2x8x64xi32, #tpu.memory_space<vmem>> -> memref<1x8x64xi32, #tpu.memory_space<vmem>>
    %dma_start3A_32 = tpu.memref_squeeze %dma_start3A_31 : memref<1x8x64xi32, #tpu.memory_space<vmem>> -> memref<8x64xi32, #tpu.memory_space<vmem>>
    %dma_start3A_33 = arith.constant 0 : i32
    %dma_start3A_34 = tpu.memref_slice %arg3[%dma_start3A_20, %multiple_of3A, %dma_start3A_33] : memref<2x5120x64xi32, #tpu.memory_space<hbm>> -> memref<1x8x64xi32, #tpu.memory_space<hbm>>
    %dma_start3A_35 = tpu.memref_squeeze %dma_start3A_34 : memref<1x8x64xi32, #tpu.memory_space<hbm>> -> memref<8x64xi32, #tpu.memory_space<hbm>>
    tpu.enqueue_dma source(%dma_start3A_35 : memref<8x64xi32, #tpu.memory_space<hbm>>) target(%dma_start3A_32 : memref<8x64xi32, #tpu.memory_space<vmem>>) target_semaphore(%arg22 : memref<!tpu.dma_semaphore, #tpu.memory_space<semaphore_mem>>)
    %dma_start3A_36 = arith.constant 0 : i32
    %dma_start3A_37 = arith.constant 0 : i32
    %dma_start3A_38 = arith.constant 0 : i32
    %dma_start3A_39 = tpu.memref_slice %arg9[%dma_start3A_36, %dma_start3A_37, %dma_start3A_38] : memref<2x8x64xf32, #tpu.memory_space<vmem>> -> memref<1x8x64xf32, #tpu.memory_space<vmem>>
    %dma_start3A_40 = tpu.memref_squeeze %dma_start3A_39 : memref<1x8x64xf32, #tpu.memory_space<vmem>> -> memref<8x64xf32, #tpu.memory_space<vmem>>
    %dma_start3A_41 = arith.constant 0 : i32
    %dma_start3A_42 = tpu.memref_slice %arg4[%multiple_of3A, %dma_start3A_41] : memref<5120x64xf32, #tpu.memory_space<hbm>> -> memref<8x64xf32, #tpu.memory_space<hbm>>
    %dma_start3A_43 = arith.constant 0 : i32
    %dma_start3A_44 = arith.constant 0 : i32
    %dma_start3A_45 = tpu.memref_slice %arg9[%dma_start3A_36, %dma_start3A_43, %dma_start3A_44] : memref<2x8x64xf32, #tpu.memory_space<vmem>> -> memref<1x8x64xf32, #tpu.memory_space<vmem>>
    %dma_start3A_46 = tpu.memref_squeeze %dma_start3A_45 : memref<1x8x64xf32, #tpu.memory_space<vmem>> -> memref<8x64xf32, #tpu.memory_space<vmem>>
    %dma_start3A_47 = arith.constant 0 : i32
    %dma_start3A_48 = tpu.memref_slice %arg4[%multiple_of3A, %dma_start3A_47] : memref<5120x64xf32, #tpu.memory_space<hbm>> -> memref<8x64xf32, #tpu.memory_space<hbm>>
    tpu.enqueue_dma source(%dma_start3A_48 : memref<8x64xf32, #tpu.memory_space<hbm>>) target(%dma_start3A_46 : memref<8x64xf32, #tpu.memory_space<vmem>>) target_semaphore(%arg22 : memref<!tpu.dma_semaphore, #tpu.memory_space<semaphore_mem>>)
    %dma_wait3A = arith.constant 0 : i32
    %dma_wait3A_49 = arith.constant 0 : i32
    %dma_wait3A_50 = arith.constant 0 : i32
    %dma_wait3A_51 = arith.constant 0 : i32
    %dma_wait3A_52 = tpu.memref_slice %arg7[%dma_wait3A_49, %dma_wait3A_50, %dma_wait3A_51] : memref<2x8x64xi32, #tpu.memory_space<vmem>> -> memref<1x8x64xi32, #tpu.memory_space<vmem>>
    %dma_wait3A_53 = tpu.memref_squeeze %dma_wait3A_52 : memref<1x8x64xi32, #tpu.memory_space<vmem>> -> memref<8x64xi32, #tpu.memory_space<vmem>>
    %dma_wait3A_54 = arith.constant 0 : i32
    %dma_wait3A_55 = tpu.memref_slice %arg3[%dma_wait3A, %mul3A_2, %dma_wait3A_54] : memref<2x5120x64xi32, #tpu.memory_space<hbm>> -> memref<1x8x64xi32, #tpu.memory_space<hbm>>
    %dma_wait3A_56 = tpu.memref_squeeze %dma_wait3A_55 : memref<1x8x64xi32, #tpu.memory_space<hbm>> -> memref<8x64xi32, #tpu.memory_space<hbm>>
    %dma_wait3A_57 = arith.constant 0 : i32
    %dma_wait3A_58 = arith.constant 0 : i32
    %dma_wait3A_59 = tpu.memref_slice %arg7[%dma_wait3A_49, %dma_wait3A_57, %dma_wait3A_58] : memref<2x8x64xi32, #tpu.memory_space<vmem>> -> memref<1x8x64xi32, #tpu.memory_space<vmem>>
    %dma_wait3A_60 = tpu.memref_squeeze %dma_wait3A_59 : memref<1x8x64xi32, #tpu.memory_space<vmem>> -> memref<8x64xi32, #tpu.memory_space<vmem>>
    %dma_wait3A_61 = arith.constant 0 : i32
    %dma_wait3A_62 = tpu.memref_slice %arg3[%dma_wait3A, %mul3A_2, %dma_wait3A_61] : memref<2x5120x64xi32, #tpu.memory_space<hbm>> -> memref<1x8x64xi32, #tpu.memory_space<hbm>>
    %dma_wait3A_63 = tpu.memref_squeeze %dma_wait3A_62 : memref<1x8x64xi32, #tpu.memory_space<hbm>> -> memref<8x64xi32, #tpu.memory_space<hbm>>
    tpu.wait_dma2 semaphore(%arg22 : memref<!tpu.dma_semaphore, #tpu.memory_space<semaphore_mem>>) src(%dma_wait3A_63 : memref<8x64xi32, #tpu.memory_space<hbm>>) dst(%dma_wait3A_60 : memref<8x64xi32, #tpu.memory_space<vmem>>)
    %dma_wait3A_64 = arith.constant 0 : i32
    %dma_wait3A_65 = arith.constant 0 : i32
    %dma_wait3A_66 = arith.constant 0 : i32
    %dma_wait3A_67 = arith.constant 0 : i32
    %dma_wait3A_68 = tpu.memref_slice %arg8[%dma_wait3A_65, %dma_wait3A_66, %dma_wait3A_67] : memref<2x8x64xi32, #tpu.memory_space<vmem>> -> memref<1x8x64xi32, #tpu.memory_space<vmem>>
    %dma_wait3A_69 = tpu.memref_squeeze %dma_wait3A_68 : memref<1x8x64xi32, #tpu.memory_space<vmem>> -> memref<8x64xi32, #tpu.memory_space<vmem>>
    %dma_wait3A_70 = arith.constant 0 : i32
    %dma_wait3A_71 = tpu.memref_slice %arg3[%dma_wait3A_64, %mul3A_2, %dma_wait3A_70] : memref<2x5120x64xi32, #tpu.memory_space<hbm>> -> memref<1x8x64xi32, #tpu.memory_space<hbm>>
    %dma_wait3A_72 = tpu.memref_squeeze %dma_wait3A_71 : memref<1x8x64xi32, #tpu.memory_space<hbm>> -> memref<8x64xi32, #tpu.memory_space<hbm>>
    %dma_wait3A_73 = arith.constant 0 : i32
    %dma_wait3A_74 = arith.constant 0 : i32
    %dma_wait3A_75 = tpu.memref_slice %arg8[%dma_wait3A_65, %dma_wait3A_73, %dma_wait3A_74] : memref<2x8x64xi32, #tpu.memory_space<vmem>> -> memref<1x8x64xi32, #tpu.memory_space<vmem>>
    %dma_wait3A_76 = tpu.memref_squeeze %dma_wait3A_75 : memref<1x8x64xi32, #tpu.memory_space<vmem>> -> memref<8x64xi32, #tpu.memory_space<vmem>>
    %dma_wait3A_77 = arith.constant 0 : i32
    %dma_wait3A_78 = tpu.memref_slice %arg3[%dma_wait3A_64, %mul3A_2, %dma_wait3A_77] : memref<2x5120x64xi32, #tpu.memory_space<hbm>> -> memref<1x8x64xi32, #tpu.memory_space<hbm>>
    %dma_wait3A_79 = tpu.memref_squeeze %dma_wait3A_78 : memref<1x8x64xi32, #tpu.memory_space<hbm>> -> memref<8x64xi32, #tpu.memory_space<hbm>>
    tpu.wait_dma2 semaphore(%arg22 : memref<!tpu.dma_semaphore, #tpu.memory_space<semaphore_mem>>) src(%dma_wait3A_79 : memref<8x64xi32, #tpu.memory_space<hbm>>) dst(%dma_wait3A_76 : memref<8x64xi32, #tpu.memory_space<vmem>>)
    %dma_wait3A_80 = arith.constant 0 : i32
    %dma_wait3A_81 = arith.constant 0 : i32
    %dma_wait3A_82 = arith.constant 0 : i32
    %dma_wait3A_83 = arith.constant 0 : i32
    %dma_wait3A_84 = tpu.memref_slice %arg9[%dma_wait3A_81, %dma_wait3A_82, %dma_wait3A_83] : memref<2x8x64xf32, #tpu.memory_space<vmem>> -> memref<1x8x64xf32, #tpu.memory_space<vmem>>
    %dma_wait3A_85 = tpu.memref_squeeze %dma_wait3A_84 : memref<1x8x64xf32, #tpu.memory_space<vmem>> -> memref<8x64xf32, #tpu.memory_space<vmem>>
    %dma_wait3A_86 = arith.constant 0 : i32
    %dma_wait3A_87 = tpu.memref_slice %arg3[%dma_wait3A_80, %mul3A_2, %dma_wait3A_86] : memref<2x5120x64xi32, #tpu.memory_space<hbm>> -> memref<1x8x64xi32, #tpu.memory_space<hbm>>
    %dma_wait3A_88 = tpu.memref_squeeze %dma_wait3A_87 : memref<1x8x64xi32, #tpu.memory_space<hbm>> -> memref<8x64xi32, #tpu.memory_space<hbm>>
    %dma_wait3A_89 = arith.constant 0 : i32
    %dma_wait3A_90 = arith.constant 0 : i32
    %dma_wait3A_91 = tpu.memref_slice %arg9[%dma_wait3A_81, %dma_wait3A_89, %dma_wait3A_90] : memref<2x8x64xf32, #tpu.memory_space<vmem>> -> memref<1x8x64xf32, #tpu.memory_space<vmem>>
    %dma_wait3A_92 = tpu.memref_squeeze %dma_wait3A_91 : memref<1x8x64xf32, #tpu.memory_space<vmem>> -> memref<8x64xf32, #tpu.memory_space<vmem>>
    %dma_wait3A_93 = arith.constant 0 : i32
    %dma_wait3A_94 = tpu.memref_slice %arg3[%dma_wait3A_80, %mul3A_2, %dma_wait3A_93] : memref<2x5120x64xi32, #tpu.memory_space<hbm>> -> memref<1x8x64xi32, #tpu.memory_space<hbm>>
    %dma_wait3A_95 = tpu.memref_squeeze %dma_wait3A_94 : memref<1x8x64xi32, #tpu.memory_space<hbm>> -> memref<8x64xi32, #tpu.memory_space<hbm>>
    tpu.wait_dma2 semaphore(%arg22 : memref<!tpu.dma_semaphore, #tpu.memory_space<semaphore_mem>>) src(%dma_wait3A_95 : memref<8x64xi32, #tpu.memory_space<hbm>>) dst(%dma_wait3A_92 : memref<8x64xf32, #tpu.memory_space<vmem>>)
    %dma_start3A_96 = arith.constant 0 : i32
    %dma_start3A_97 = arith.constant 0 : i32
    %dma_start3A_98 = arith.constant 0 : i32
    %dma_start3A_99 = arith.constant 0 : i32
    %dma_start3A_100 = arith.constant 0 : i32
    %dma_start3A_101 = tpu.memref_slice %arg10[%dma_start3A_98, %dma_start3A_99, %dma_start3A_100] : memref<5x64x128xf32, #tpu.memory_space<vmem>> -> memref<1x64x128xf32, #tpu.memory_space<vmem>>
    %dma_start3A_102 = tpu.memref_squeeze %dma_start3A_101 : memref<1x64x128xf32, #tpu.memory_space<vmem>> -> memref<64x128xf32, #tpu.memory_space<vmem>>
    %dma_start3A_103 = arith.constant 0 : i32
    %dma_start3A_104 = tpu.memref_slice %arg7[%dma_start3A_96, %dma_start3A_97, %dma_start3A_103] : memref<2x8x64xi32, #tpu.memory_space<vmem>> -> memref<1x1x64xi32, #tpu.memory_space<vmem>>
    %dma_start3A_105 = tpu.memref_squeeze %dma_start3A_104 : memref<1x1x64xi32, #tpu.memory_space<vmem>> -> memref<64xi32, #tpu.memory_space<vmem>>
    %dma_start3A_106 = arith.constant 0 : i32
    %dma_start3A_107 = arith.constant 0 : i32
    %dma_start3A_108 = tpu.memref_slice %arg2[%dma_start3A_106, %dma_start3A_107] : memref<10000x128xf32, #tpu.memory_space<hbm>> -> memref<10000x128xf32, #tpu.memory_space<hbm>>
    tpu.enqueue_indirect_dma source(%dma_start3A_108 : memref<10000x128xf32, #tpu.memory_space<hbm>>) target(%dma_start3A_102 : memref<64x128xf32, #tpu.memory_space<vmem>>) offsets(%dma_start3A_105 : memref<64xi32, #tpu.memory_space<vmem>>) semaphore(%arg12 : memref<!tpu.dma_semaphore, #tpu.memory_space<semaphore_mem>>)
    %mul3A_109 = arith.constant 624 : i32
    %mul3A_110 = arith.muli %arg1, %mul3A_109 : i32
    %multiple_of3A_111 = tpu.assume_multiple %mul3A_110, 8 : i32
    "tpu.region"() ({
      %run_scoped3A = tpu.sem_alloc : memref<!tpu.dma_semaphore, #tpu.memory_space<semaphore_mem>>
      %dma_start3A_177 = arith.constant 0 : i32
      %dma_start3A_178 = tpu.memref_slice %arg11[%multiple_of3A_111, %dma_start3A_177] : memref<10000x128xf32, #tpu.memory_space<vmem_shared>> -> memref<624x128xf32, #tpu.memory_space<vmem_shared>>
      %dma_start3A_179 = arith.constant 0 : i32
      %dma_start3A_180 = tpu.memref_slice %arg5[%multiple_of3A_111, %dma_start3A_179] : memref<10000x128xf32, #tpu.memory_space<hbm>> -> memref<624x128xf32, #tpu.memory_space<hbm>>
      tpu.enqueue_dma source(%dma_start3A_180 : memref<624x128xf32, #tpu.memory_space<hbm>>) target(%dma_start3A_178 : memref<624x128xf32, #tpu.memory_space<vmem_shared>>) target_semaphore(%run_scoped3A : memref<!tpu.dma_semaphore, #tpu.memory_space<semaphore_mem>>)
      %dma_wait3A_181 = arith.constant 0 : i32
      %dma_wait3A_182 = tpu.memref_slice %arg11[%multiple_of3A_111, %dma_wait3A_181] : memref<10000x128xf32, #tpu.memory_space<vmem_shared>> -> memref<624x128xf32, #tpu.memory_space<vmem_shared>>
      %dma_wait3A_183 = arith.constant 0 : i32
      %dma_wait3A_184 = tpu.memref_slice %arg5[%multiple_of3A_111, %dma_wait3A_183] : memref<10000x128xf32, #tpu.memory_space<hbm>> -> memref<624x128xf32, #tpu.memory_space<hbm>>
      tpu.wait_dma2 semaphore(%run_scoped3A : memref<!tpu.dma_semaphore, #tpu.memory_space<semaphore_mem>>) src(%dma_wait3A_184 : memref<624x128xf32, #tpu.memory_space<hbm>>) dst(%dma_wait3A_182 : memref<624x128xf32, #tpu.memory_space<vmem_shared>>)
      tpu.yield
    }) : () -> ()
    %eq3A = arith.constant 0 : i32
    %eq3A_112 = arith.cmpi eq, %arg1, %eq3A : i32
    %convert_element_type3A = arith.extui %eq3A_112 : i1 to i32
    %cond3A = arith.constant 0 : i32
    %cond3A_113 = arith.cmpi ne, %convert_element_type3A, %cond3A : i32
    scf.if %cond3A_113 {
      "tpu.region"() ({
        %run_scoped3A = tpu.sem_alloc : memref<!tpu.dma_semaphore, #tpu.memory_space<semaphore_mem>>
        %dma_start3A_177 = arith.constant 9984 : i32
        %dma_start3A_178 = arith.constant 0 : i32
        %dma_start3A_179 = tpu.memref_slice %arg11[%dma_start3A_177, %dma_start3A_178] : memref<10000x128xf32, #tpu.memory_space<vmem_shared>> -> memref<16x128xf32, #tpu.memory_space<vmem_shared>>
        %dma_start3A_180 = arith.constant 9984 : i32
        %dma_start3A_181 = arith.constant 0 : i32
        %dma_start3A_182 = tpu.memref_slice %arg5[%dma_start3A_180, %dma_start3A_181] : memref<10000x128xf32, #tpu.memory_space<hbm>> -> memref<16x128xf32, #tpu.memory_space<hbm>>
        tpu.enqueue_dma source(%dma_start3A_182 : memref<16x128xf32, #tpu.memory_space<hbm>>) target(%dma_start3A_179 : memref<16x128xf32, #tpu.memory_space<vmem_shared>>) target_semaphore(%run_scoped3A : memref<!tpu.dma_semaphore, #tpu.memory_space<semaphore_mem>>)
        %dma_wait3A_183 = arith.constant 9984 : i32
        %dma_wait3A_184 = arith.constant 0 : i32
        %dma_wait3A_185 = tpu.memref_slice %arg11[%dma_wait3A_183, %dma_wait3A_184] : memref<10000x128xf32, #tpu.memory_space<vmem_shared>> -> memref<16x128xf32, #tpu.memory_space<vmem_shared>>
        %dma_wait3A_186 = arith.constant 9984 : i32
        %dma_wait3A_187 = arith.constant 0 : i32
        %dma_wait3A_188 = tpu.memref_slice %arg5[%dma_wait3A_186, %dma_wait3A_187] : memref<10000x128xf32, #tpu.memory_space<hbm>> -> memref<16x128xf32, #tpu.memory_space<hbm>>
        tpu.wait_dma2 semaphore(%run_scoped3A : memref<!tpu.dma_semaphore, #tpu.memory_space<semaphore_mem>>) src(%dma_wait3A_188 : memref<16x128xf32, #tpu.memory_space<hbm>>) dst(%dma_wait3A_185 : memref<16x128xf32, #tpu.memory_space<vmem_shared>>)
        tpu.yield
      }) : () -> ()
    } else {
    }
    %barrier3A = arith.constant 0 : index
    tpu.barrier barrier_id(%barrier3A)
    %dma_start3A_114 = arith.constant 0 : i32
    %dma_start3A_115 = arith.constant 1 : i32
    %dma_start3A_116 = arith.constant 1 : i32
    %dma_start3A_117 = arith.constant 0 : i32
    %dma_start3A_118 = arith.constant 0 : i32
    %dma_start3A_119 = tpu.memref_slice %arg10[%dma_start3A_116, %dma_start3A_117, %dma_start3A_118] : memref<5x64x128xf32, #tpu.memory_space<vmem>> -> memref<1x64x128xf32, #tpu.memory_space<vmem>>
    %dma_start3A_120 = tpu.memref_squeeze %dma_start3A_119 : memref<1x64x128xf32, #tpu.memory_space<vmem>> -> memref<64x128xf32, #tpu.memory_space<vmem>>
    %dma_start3A_121 = arith.constant 0 : i32
    %dma_start3A_122 = tpu.memref_slice %arg7[%dma_start3A_114, %dma_start3A_115, %dma_start3A_121] : memref<2x8x64xi32, #tpu.memory_space<vmem>> -> memref<1x1x64xi32, #tpu.memory_space<vmem>>
    %dma_start3A_123 = tpu.memref_squeeze %dma_start3A_122 : memref<1x1x64xi32, #tpu.memory_space<vmem>> -> memref<64xi32, #tpu.memory_space<vmem>>
    %dma_start3A_124 = arith.constant 0 : i32
    %dma_start3A_125 = arith.constant 0 : i32
    %dma_start3A_126 = tpu.memref_slice %arg2[%dma_start3A_124, %dma_start3A_125] : memref<10000x128xf32, #tpu.memory_space<hbm>> -> memref<10000x128xf32, #tpu.memory_space<hbm>>
    tpu.enqueue_indirect_dma source(%dma_start3A_126 : memref<10000x128xf32, #tpu.memory_space<hbm>>) target(%dma_start3A_120 : memref<64x128xf32, #tpu.memory_space<vmem>>) offsets(%dma_start3A_123 : memref<64xi32, #tpu.memory_space<vmem>>) semaphore(%arg13 : memref<!tpu.dma_semaphore, #tpu.memory_space<semaphore_mem>>)
    %dma_start3A_127 = arith.constant 0 : i32
    %dma_start3A_128 = arith.constant 2 : i32
    %dma_start3A_129 = arith.constant 2 : i32
    %dma_start3A_130 = arith.constant 0 : i32
    %dma_start3A_131 = arith.constant 0 : i32
    %dma_start3A_132 = tpu.memref_slice %arg10[%dma_start3A_129, %dma_start3A_130, %dma_start3A_131] : memref<5x64x128xf32, #tpu.memory_space<vmem>> -> memref<1x64x128xf32, #tpu.memory_space<vmem>>
    %dma_start3A_133 = tpu.memref_squeeze %dma_start3A_132 : memref<1x64x128xf32, #tpu.memory_space<vmem>> -> memref<64x128xf32, #tpu.memory_space<vmem>>
    %dma_start3A_134 = arith.constant 0 : i32
    %dma_start3A_135 = tpu.memref_slice %arg7[%dma_start3A_127, %dma_start3A_128, %dma_start3A_134] : memref<2x8x64xi32, #tpu.memory_space<vmem>> -> memref<1x1x64xi32, #tpu.memory_space<vmem>>
    %dma_start3A_136 = tpu.memref_squeeze %dma_start3A_135 : memref<1x1x64xi32, #tpu.memory_space<vmem>> -> memref<64xi32, #tpu.memory_space<vmem>>
    %dma_start3A_137 = arith.constant 0 : i32
    %dma_start3A_138 = arith.constant 0 : i32
    %dma_start3A_139 = tpu.memref_slice %arg2[%dma_start3A_137, %dma_start3A_138] : memref<10000x128xf32, #tpu.memory_space<hbm>> -> memref<10000x128xf32, #tpu.memory_space<hbm>>
    tpu.enqueue_indirect_dma source(%dma_start3A_139 : memref<10000x128xf32, #tpu.memory_space<hbm>>) target(%dma_start3A_133 : memref<64x128xf32, #tpu.memory_space<vmem>>) offsets(%dma_start3A_136 : memref<64xi32, #tpu.memory_space<vmem>>) semaphore(%arg14 : memref<!tpu.dma_semaphore, #tpu.memory_space<semaphore_mem>>)
    %scan3A = arith.constant 0 : i32
    %scan3A_140 = arith.constant 0 : i32
    %scan3A_141 = arith.constant 32 : i32
    %scan3A_142 = arith.addi %scan3A_140, %scan3A_141 : i32
    %scan3A_143 = arith.constant 1 : i32
    scf.for %scan3A_177 = %scan3A_140 to %scan3A_142 step %scan3A_143  : i32 {
      %mul3A_178 = arith.constant 5 : i32
      %mul3A_179 = arith.muli %scan3A_177, %mul3A_178 : i32
      %add3A_180 = arith.constant 0 : i32
      %add3A_181 = arith.addi %mul3A_179, %add3A_180 : i32
      %gt3A = arith.constant 0 : i32
      %gt3A_182 = arith.cmpi sgt, %scan3A_177, %gt3A : i32
      %convert_element_type3A_183 = arith.extui %gt3A_182 : i1 to i32
      %cond3A_184 = arith.constant 0 : i32
      %cond3A_185 = arith.cmpi ne, %convert_element_type3A_183, %cond3A_184 : i32
      scf.if %cond3A_185 {
        %dma_wait3A_1415 = arith.constant 3 : i32
        %dma_wait3A_1416 = arith.constant 0 : i32
        %dma_wait3A_1417 = arith.constant 0 : i32
        %dma_wait3A_1418 = arith.constant 0 : i32
        %dma_wait3A_1419 = arith.constant 0 : i32
        %dma_wait3A_1420 = tpu.memref_slice %arg10[%dma_wait3A_1415, %dma_wait3A_1418, %dma_wait3A_1419] : memref<5x64x128xf32, #tpu.memory_space<vmem>> -> memref<1x64x128xf32, #tpu.memory_space<vmem>>
        %dma_wait3A_1421 = tpu.memref_squeeze %dma_wait3A_1420 : memref<1x64x128xf32, #tpu.memory_space<vmem>> -> memref<64x128xf32, #tpu.memory_space<vmem>>
        %dma_wait3A_1422 = arith.constant 0 : i32
        %dma_wait3A_1423 = tpu.memref_slice %arg8[%dma_wait3A_1416, %dma_wait3A_1417, %dma_wait3A_1422] : memref<2x8x64xi32, #tpu.memory_space<vmem>> -> memref<1x1x64xi32, #tpu.memory_space<vmem>>
        %dma_wait3A_1424 = tpu.memref_squeeze %dma_wait3A_1423 : memref<1x1x64xi32, #tpu.memory_space<vmem>> -> memref<64xi32, #tpu.memory_space<vmem>>
        %dma_wait3A_1425 = arith.constant 0 : i32
        %dma_wait3A_1426 = arith.constant 0 : i32
        %dma_wait3A_1427 = tpu.memref_slice %arg11[%dma_wait3A_1425, %dma_wait3A_1426] : memref<10000x128xf32, #tpu.memory_space<vmem_shared>> -> memref<10000x128xf32, #tpu.memory_space<vmem_shared>>
        tpu.wait_indirect_dma semaphore(%arg20 : memref<!tpu.dma_semaphore, #tpu.memory_space<semaphore_mem>>) src(%dma_wait3A_1421 : memref<64x128xf32, #tpu.memory_space<vmem>>) dst(%dma_wait3A_1427 : memref<10000x128xf32, #tpu.memory_space<vmem_shared>>)
      } else {
      }
      %jit3A = arith.constant 8 : i32
      %eq3A_186 = arith.constant 0 : i32
      %eq3A_187 = arith.cmpi eq, %jit3A, %eq3A_186 : i32
      %jit3A_188 = arith.constant 1 : i32
      %select_n3A = arith.select %eq3A_187, %jit3A_188, %jit3A : i32
      %rem3A = arith.remsi %scan3A_177, %select_n3A : i32
      %ne3A = arith.constant 0 : i32
      %ne3A_189 = arith.cmpi ne, %rem3A, %ne3A : i32
      %lt3A = arith.constant 0 : i32
      %lt3A_190 = arith.cmpi slt, %rem3A, %lt3A : i32
      %lt3A_191 = arith.constant 0 : i32
      %lt3A_192 = arith.cmpi slt, %select_n3A, %lt3A_191 : i32
      %ne3A_193 = arith.xori %lt3A_190, %lt3A_192 : i1
      %and3A = arith.andi %ne3A_193, %ne3A_189 : i1
      %add3A_194 = arith.addi %rem3A, %select_n3A : i32
      %select_n3A_195 = arith.select %and3A, %add3A_194, %rem3A : i32
      %eq3A_196 = arith.constant 1 : i32
      %eq3A_197 = arith.cmpi eq, %select_n3A_195, %eq3A_196 : i32
      %convert_element_type3A_198 = arith.extui %eq3A_197 : i1 to i32
      %cond3A_199 = arith.constant 0 : i32
      %cond3A_200 = arith.cmpi ne, %convert_element_type3A_198, %cond3A_199 : i32
      scf.if %cond3A_200 {
        %dma_wait3A_1415 = arith.constant 0 : i32
        %dma_wait3A_1416 = arith.constant 0 : i32
        %dma_wait3A_1417 = arith.constant 0 : i32
        %dma_wait3A_1418 = arith.constant 0 : i32
        %dma_wait3A_1419 = tpu.memref_slice %arg7[%dma_wait3A_1416, %dma_wait3A_1417, %dma_wait3A_1418] : memref<2x8x64xi32, #tpu.memory_space<vmem>> -> memref<1x8x64xi32, #tpu.memory_space<vmem>>
        %dma_wait3A_1420 = tpu.memref_squeeze %dma_wait3A_1419 : memref<1x8x64xi32, #tpu.memory_space<vmem>> -> memref<8x64xi32, #tpu.memory_space<vmem>>
        %dma_wait3A_1421 = arith.constant 0 : i32
        %dma_wait3A_1422 = tpu.memref_slice %arg3[%dma_wait3A_1415, %mul3A_2, %dma_wait3A_1421] : memref<2x5120x64xi32, #tpu.memory_space<hbm>> -> memref<1x8x64xi32, #tpu.memory_space<hbm>>
        %dma_wait3A_1423 = tpu.memref_squeeze %dma_wait3A_1422 : memref<1x8x64xi32, #tpu.memory_space<hbm>> -> memref<8x64xi32, #tpu.memory_space<hbm>>
        %dma_wait3A_1424 = arith.constant 0 : i32
        %dma_wait3A_1425 = arith.constant 0 : i32
        %dma_wait3A_1426 = tpu.memref_slice %arg7[%dma_wait3A_1416, %dma_wait3A_1424, %dma_wait3A_1425] : memref<2x8x64xi32, #tpu.memory_space<vmem>> -> memref<1x8x64xi32, #tpu.memory_space<vmem>>
        %dma_wait3A_1427 = tpu.memref_squeeze %dma_wait3A_1426 : memref<1x8x64xi32, #tpu.memory_space<vmem>> -> memref<8x64xi32, #tpu.memory_space<vmem>>
        %dma_wait3A_1428 = arith.constant 0 : i32
        %dma_wait3A_1429 = tpu.memref_slice %arg3[%dma_wait3A_1415, %mul3A_2, %dma_wait3A_1428] : memref<2x5120x64xi32, #tpu.memory_space<hbm>> -> memref<1x8x64xi32, #tpu.memory_space<hbm>>
        %dma_wait3A_1430 = tpu.memref_squeeze %dma_wait3A_1429 : memref<1x8x64xi32, #tpu.memory_space<hbm>> -> memref<8x64xi32, #tpu.memory_space<hbm>>
        tpu.wait_dma2 semaphore(%arg22 : memref<!tpu.dma_semaphore, #tpu.memory_space<semaphore_mem>>) src(%dma_wait3A_1430 : memref<8x64xi32, #tpu.memory_space<hbm>>) dst(%dma_wait3A_1427 : memref<8x64xi32, #tpu.memory_space<vmem>>)
        %dma_wait3A_1431 = arith.constant 0 : i32
        %dma_wait3A_1432 = arith.constant 0 : i32
        %dma_wait3A_1433 = arith.constant 0 : i32
        %dma_wait3A_1434 = arith.constant 0 : i32
        %dma_wait3A_1435 = tpu.memref_slice %arg8[%dma_wait3A_1432, %dma_wait3A_1433, %dma_wait3A_1434] : memref<2x8x64xi32, #tpu.memory_space<vmem>> -> memref<1x8x64xi32, #tpu.memory_space<vmem>>
        %dma_wait3A_1436 = tpu.memref_squeeze %dma_wait3A_1435 : memref<1x8x64xi32, #tpu.memory_space<vmem>> -> memref<8x64xi32, #tpu.memory_space<vmem>>
        %dma_wait3A_1437 = arith.constant 0 : i32
        %dma_wait3A_1438 = tpu.memref_slice %arg3[%dma_wait3A_1431, %mul3A_2, %dma_wait3A_1437] : memref<2x5120x64xi32, #tpu.memory_space<hbm>> -> memref<1x8x64xi32, #tpu.memory_space<hbm>>
        %dma_wait3A_1439 = tpu.memref_squeeze %dma_wait3A_1438 : memref<1x8x64xi32, #tpu.memory_space<hbm>> -> memref<8x64xi32, #tpu.memory_space<hbm>>
        %dma_wait3A_1440 = arith.constant 0 : i32
        %dma_wait3A_1441 = arith.constant 0 : i32
        %dma_wait3A_1442 = tpu.memref_slice %arg8[%dma_wait3A_1432, %dma_wait3A_1440, %dma_wait3A_1441] : memref<2x8x64xi32, #tpu.memory_space<vmem>> -> memref<1x8x64xi32, #tpu.memory_space<vmem>>
        %dma_wait3A_1443 = tpu.memref_squeeze %dma_wait3A_1442 : memref<1x8x64xi32, #tpu.memory_space<vmem>> -> memref<8x64xi32, #tpu.memory_space<vmem>>
        %dma_wait3A_1444 = arith.constant 0 : i32
        %dma_wait3A_1445 = tpu.memref_slice %arg3[%dma_wait3A_1431, %mul3A_2, %dma_wait3A_1444] : memref<2x5120x64xi32, #tpu.memory_space<hbm>> -> memref<1x8x64xi32, #tpu.memory_space<hbm>>
        %dma_wait3A_1446 = tpu.memref_squeeze %dma_wait3A_1445 : memref<1x8x64xi32, #tpu.memory_space<hbm>> -> memref<8x64xi32, #tpu.memory_space<hbm>>
        tpu.wait_dma2 semaphore(%arg22 : memref<!tpu.dma_semaphore, #tpu.memory_space<semaphore_mem>>) src(%dma_wait3A_1446 : memref<8x64xi32, #tpu.memory_space<hbm>>) dst(%dma_wait3A_1443 : memref<8x64xi32, #tpu.memory_space<vmem>>)
        %dma_wait3A_1447 = arith.constant 0 : i32
        %dma_wait3A_1448 = arith.constant 0 : i32
        %dma_wait3A_1449 = arith.constant 0 : i32
        %dma_wait3A_1450 = arith.constant 0 : i32
        %dma_wait3A_1451 = tpu.memref_slice %arg9[%dma_wait3A_1448, %dma_wait3A_1449, %dma_wait3A_1450] : memref<2x8x64xf32, #tpu.memory_space<vmem>> -> memref<1x8x64xf32, #tpu.memory_space<vmem>>
        %dma_wait3A_1452 = tpu.memref_squeeze %dma_wait3A_1451 : memref<1x8x64xf32, #tpu.memory_space<vmem>> -> memref<8x64xf32, #tpu.memory_space<vmem>>
        %dma_wait3A_1453 = arith.constant 0 : i32
        %dma_wait3A_1454 = tpu.memref_slice %arg3[%dma_wait3A_1447, %mul3A_2, %dma_wait3A_1453] : memref<2x5120x64xi32, #tpu.memory_space<hbm>> -> memref<1x8x64xi32, #tpu.memory_space<hbm>>
        %dma_wait3A_1455 = tpu.memref_squeeze %dma_wait3A_1454 : memref<1x8x64xi32, #tpu.memory_space<hbm>> -> memref<8x64xi32, #tpu.memory_space<hbm>>
        %dma_wait3A_1456 = arith.constant 0 : i32
        %dma_wait3A_1457 = arith.constant 0 : i32
        %dma_wait3A_1458 = tpu.memref_slice %arg9[%dma_wait3A_1448, %dma_wait3A_1456, %dma_wait3A_1457] : memref<2x8x64xf32, #tpu.memory_space<vmem>> -> memref<1x8x64xf32, #tpu.memory_space<vmem>>
        %dma_wait3A_1459 = tpu.memref_squeeze %dma_wait3A_1458 : memref<1x8x64xf32, #tpu.memory_space<vmem>> -> memref<8x64xf32, #tpu.memory_space<vmem>>
        %dma_wait3A_1460 = arith.constant 0 : i32
        %dma_wait3A_1461 = tpu.memref_slice %arg3[%dma_wait3A_1447, %mul3A_2, %dma_wait3A_1460] : memref<2x5120x64xi32, #tpu.memory_space<hbm>> -> memref<1x8x64xi32, #tpu.memory_space<hbm>>
        %dma_wait3A_1462 = tpu.memref_squeeze %dma_wait3A_1461 : memref<1x8x64xi32, #tpu.memory_space<hbm>> -> memref<8x64xi32, #tpu.memory_space<hbm>>
        tpu.wait_dma2 semaphore(%arg22 : memref<!tpu.dma_semaphore, #tpu.memory_space<semaphore_mem>>) src(%dma_wait3A_1462 : memref<8x64xi32, #tpu.memory_space<hbm>>) dst(%dma_wait3A_1459 : memref<8x64xf32, #tpu.memory_space<vmem>>)
      } else {
      }
      %add3A_201 = arith.constant 3 : i32
      %add3A_202 = arith.addi %add3A_181, %add3A_201 : i32
      %jit3A_203 = arith.constant 8 : i32
      %div3A = arith.divsi %add3A_202, %jit3A_203 : i32
      %sign3A = arith.constant 0 : i32
      %sign3A_204 = arith.cmpi sgt, %add3A_202, %sign3A : i32
      %sign3A_205 = arith.extui %sign3A_204 : i1 to i32
      %sign3A_206 = arith.constant 0 : i32
      %sign3A_207 = arith.cmpi slt, %add3A_202, %sign3A_206 : i32
      %sign3A_208 = arith.extui %sign3A_207 : i1 to i32
      %sign3A_209 = arith.subi %sign3A_205, %sign3A_208 : i32
      %sign3A_210 = arith.constant 0 : i32
      %sign3A_211 = arith.cmpi sgt, %jit3A_203, %sign3A_210 : i32
      %sign3A_212 = arith.extui %sign3A_211 : i1 to i32
      %sign3A_213 = arith.constant 0 : i32
      %sign3A_214 = arith.cmpi slt, %jit3A_203, %sign3A_213 : i32
      %sign3A_215 = arith.extui %sign3A_214 : i1 to i32
      %sign3A_216 = arith.subi %sign3A_212, %sign3A_215 : i32
      %ne3A_217 = arith.cmpi ne, %sign3A_209, %sign3A_216 : i32
      %rem3A_218 = arith.remsi %add3A_202, %jit3A_203 : i32
      %ne3A_219 = arith.constant 0 : i32
      %ne3A_220 = arith.cmpi ne, %rem3A_218, %ne3A_219 : i32
      %and3A_221 = arith.andi %ne3A_217, %ne3A_220 : i1
      %sub3A = arith.constant 1 : i32
      %sub3A_222 = arith.subi %div3A, %sub3A : i32
      %select_n3A_223 = arith.select %and3A_221, %sub3A_222, %div3A : i32
      %jit3A_224 = arith.constant 2 : i32
      %eq3A_225 = arith.constant 0 : i32
      %eq3A_226 = arith.cmpi eq, %jit3A_224, %eq3A_225 : i32
      %jit3A_227 = arith.constant 1 : i32
      %select_n3A_228 = arith.select %eq3A_226, %jit3A_227, %jit3A_224 : i32
      %rem3A_229 = arith.remsi %select_n3A_223, %select_n3A_228 : i32
      %ne3A_230 = arith.constant 0 : i32
      %ne3A_231 = arith.cmpi ne, %rem3A_229, %ne3A_230 : i32
      %lt3A_232 = arith.constant 0 : i32
      %lt3A_233 = arith.cmpi slt, %rem3A_229, %lt3A_232 : i32
      %lt3A_234 = arith.constant 0 : i32
      %lt3A_235 = arith.cmpi slt, %select_n3A_228, %lt3A_234 : i32
      %ne3A_236 = arith.xori %lt3A_233, %lt3A_235 : i1
      %and3A_237 = arith.andi %ne3A_236, %ne3A_231 : i1
      %add3A_238 = arith.addi %rem3A_229, %select_n3A_228 : i32
      %select_n3A_239 = arith.select %and3A_237, %add3A_238, %rem3A_229 : i32
      %jit3A_240 = arith.constant 8 : i32
      %eq3A_241 = arith.constant 0 : i32
      %eq3A_242 = arith.cmpi eq, %jit3A_240, %eq3A_241 : i32
      %jit3A_243 = arith.constant 1 : i32
      %select_n3A_244 = arith.select %eq3A_242, %jit3A_243, %jit3A_240 : i32
      %rem3A_245 = arith.remsi %add3A_202, %select_n3A_244 : i32
      %ne3A_246 = arith.constant 0 : i32
      %ne3A_247 = arith.cmpi ne, %rem3A_245, %ne3A_246 : i32
      %lt3A_248 = arith.constant 0 : i32
      %lt3A_249 = arith.cmpi slt, %rem3A_245, %lt3A_248 : i32
      %lt3A_250 = arith.constant 0 : i32
      %lt3A_251 = arith.cmpi slt, %select_n3A_244, %lt3A_250 : i32
      %ne3A_252 = arith.xori %lt3A_249, %lt3A_251 : i1
      %and3A_253 = arith.andi %ne3A_252, %ne3A_247 : i1
      %add3A_254 = arith.addi %rem3A_245, %select_n3A_244 : i32
      %select_n3A_255 = arith.select %and3A_253, %add3A_254, %rem3A_245 : i32
      %dma_start3A_256 = arith.constant 3 : i32
      %dma_start3A_257 = arith.constant 0 : i32
      %dma_start3A_258 = arith.constant 0 : i32
      %dma_start3A_259 = tpu.memref_slice %arg10[%dma_start3A_256, %dma_start3A_257, %dma_start3A_258] : memref<5x64x128xf32, #tpu.memory_space<vmem>> -> memref<1x64x128xf32, #tpu.memory_space<vmem>>
      %dma_start3A_260 = tpu.memref_squeeze %dma_start3A_259 : memref<1x64x128xf32, #tpu.memory_space<vmem>> -> memref<64x128xf32, #tpu.memory_space<vmem>>
      %dma_start3A_261 = arith.constant 0 : i32
      %dma_start3A_262 = tpu.memref_slice %arg7[%select_n3A_239, %select_n3A_255, %dma_start3A_261] : memref<2x8x64xi32, #tpu.memory_space<vmem>> -> memref<1x1x64xi32, #tpu.memory_space<vmem>>
      %dma_start3A_263 = tpu.memref_squeeze %dma_start3A_262 : memref<1x1x64xi32, #tpu.memory_space<vmem>> -> memref<64xi32, #tpu.memory_space<vmem>>
      %dma_start3A_264 = arith.constant 0 : i32
      %dma_start3A_265 = arith.constant 0 : i32
      %dma_start3A_266 = tpu.memref_slice %arg2[%dma_start3A_264, %dma_start3A_265] : memref<10000x128xf32, #tpu.memory_space<hbm>> -> memref<10000x128xf32, #tpu.memory_space<hbm>>
      tpu.enqueue_indirect_dma source(%dma_start3A_266 : memref<10000x128xf32, #tpu.memory_space<hbm>>) target(%dma_start3A_260 : memref<64x128xf32, #tpu.memory_space<vmem>>) offsets(%dma_start3A_263 : memref<64xi32, #tpu.memory_space<vmem>>) semaphore(%arg15 : memref<!tpu.dma_semaphore, #tpu.memory_space<semaphore_mem>>)
      %jit3A_267 = arith.constant 8 : i32
      %eq3A_268 = arith.constant 0 : i32
      %eq3A_269 = arith.cmpi eq, %jit3A_267, %eq3A_268 : i32
      %jit3A_270 = arith.constant 1 : i32
      %select_n3A_271 = arith.select %eq3A_269, %jit3A_270, %jit3A_267 : i32
      %rem3A_272 = arith.remsi %scan3A_177, %select_n3A_271 : i32
      %ne3A_273 = arith.constant 0 : i32
      %ne3A_274 = arith.cmpi ne, %rem3A_272, %ne3A_273 : i32
      %lt3A_275 = arith.constant 0 : i32
      %lt3A_276 = arith.cmpi slt, %rem3A_272, %lt3A_275 : i32
      %lt3A_277 = arith.constant 0 : i32
      %lt3A_278 = arith.cmpi slt, %select_n3A_271, %lt3A_277 : i32
      %ne3A_279 = arith.xori %lt3A_276, %lt3A_278 : i1
      %and3A_280 = arith.andi %ne3A_279, %ne3A_274 : i1
      %add3A_281 = arith.addi %rem3A_272, %select_n3A_271 : i32
      %select_n3A_282 = arith.select %and3A_280, %add3A_281, %rem3A_272 : i32
      %eq3A_283 = arith.constant 5 : i32
      %eq3A_284 = arith.cmpi eq, %select_n3A_282, %eq3A_283 : i32
      %mul3A_285 = arith.constant 5 : i32
      %mul3A_286 = arith.muli %scan3A_177, %mul3A_285 : i32
      %add3A_287 = arith.constant 0 : i32
      %add3A_288 = arith.addi %mul3A_286, %add3A_287 : i32
      %sub3A_289 = arith.constant 1 : i32
      %sub3A_290 = arith.subi %add3A_288, %sub3A_289 : i32
      %jit3A_291 = arith.constant 8 : i32
      %div3A_292 = arith.divsi %sub3A_290, %jit3A_291 : i32
      %sign3A_293 = arith.constant 0 : i32
      %sign3A_294 = arith.cmpi sgt, %sub3A_290, %sign3A_293 : i32
      %sign3A_295 = arith.extui %sign3A_294 : i1 to i32
      %sign3A_296 = arith.constant 0 : i32
      %sign3A_297 = arith.cmpi slt, %sub3A_290, %sign3A_296 : i32
      %sign3A_298 = arith.extui %sign3A_297 : i1 to i32
      %sign3A_299 = arith.subi %sign3A_295, %sign3A_298 : i32
      %sign3A_300 = arith.constant 0 : i32
      %sign3A_301 = arith.cmpi sgt, %jit3A_291, %sign3A_300 : i32
      %sign3A_302 = arith.extui %sign3A_301 : i1 to i32
      %sign3A_303 = arith.constant 0 : i32
      %sign3A_304 = arith.cmpi slt, %jit3A_291, %sign3A_303 : i32
      %sign3A_305 = arith.extui %sign3A_304 : i1 to i32
      %sign3A_306 = arith.subi %sign3A_302, %sign3A_305 : i32
      %ne3A_307 = arith.cmpi ne, %sign3A_299, %sign3A_306 : i32
      %rem3A_308 = arith.remsi %sub3A_290, %jit3A_291 : i32
      %ne3A_309 = arith.constant 0 : i32
      %ne3A_310 = arith.cmpi ne, %rem3A_308, %ne3A_309 : i32
      %and3A_311 = arith.andi %ne3A_307, %ne3A_310 : i1
      %sub3A_312 = arith.constant 1 : i32
      %sub3A_313 = arith.subi %div3A_292, %sub3A_312 : i32
      %select_n3A_314 = arith.select %and3A_311, %sub3A_313, %div3A_292 : i32
      %add3A_315 = arith.constant 1 : i32
      %add3A_316 = arith.addi %select_n3A_314, %add3A_315 : i32
      %lt3A_317 = arith.constant 20 : i32
      %lt3A_318 = arith.cmpi slt, %add3A_316, %lt3A_317 : i32
      %and3A_319 = arith.andi %eq3A_284, %lt3A_318 : i1
      %convert_element_type3A_320 = arith.extui %and3A_319 : i1 to i32
      %cond3A_321 = arith.constant 0 : i32
      %cond3A_322 = arith.cmpi ne, %convert_element_type3A_320, %cond3A_321 : i32
      scf.if %cond3A_322 {
        %mul3A_1415 = arith.constant 5 : i32
        %mul3A_1416 = arith.muli %scan3A_177, %mul3A_1415 : i32
        %add3A_1417 = arith.constant 0 : i32
        %add3A_1418 = arith.addi %mul3A_1416, %add3A_1417 : i32
        %sub3A_1419 = arith.constant 1 : i32
        %sub3A_1420 = arith.subi %add3A_1418, %sub3A_1419 : i32
        %jit3A_1421 = arith.constant 8 : i32
        %div3A_1422 = arith.divsi %sub3A_1420, %jit3A_1421 : i32
        %sign3A_1423 = arith.constant 0 : i32
        %sign3A_1424 = arith.cmpi sgt, %sub3A_1420, %sign3A_1423 : i32
        %sign3A_1425 = arith.extui %sign3A_1424 : i1 to i32
        %sign3A_1426 = arith.constant 0 : i32
        %sign3A_1427 = arith.cmpi slt, %sub3A_1420, %sign3A_1426 : i32
        %sign3A_1428 = arith.extui %sign3A_1427 : i1 to i32
        %sign3A_1429 = arith.subi %sign3A_1425, %sign3A_1428 : i32
        %sign3A_1430 = arith.constant 0 : i32
        %sign3A_1431 = arith.cmpi sgt, %jit3A_1421, %sign3A_1430 : i32
        %sign3A_1432 = arith.extui %sign3A_1431 : i1 to i32
        %sign3A_1433 = arith.constant 0 : i32
        %sign3A_1434 = arith.cmpi slt, %jit3A_1421, %sign3A_1433 : i32
        %sign3A_1435 = arith.extui %sign3A_1434 : i1 to i32
        %sign3A_1436 = arith.subi %sign3A_1432, %sign3A_1435 : i32
        %ne3A_1437 = arith.cmpi ne, %sign3A_1429, %sign3A_1436 : i32
        %rem3A_1438 = arith.remsi %sub3A_1420, %jit3A_1421 : i32
        %ne3A_1439 = arith.constant 0 : i32
        %ne3A_1440 = arith.cmpi ne, %rem3A_1438, %ne3A_1439 : i32
        %and3A_1441 = arith.andi %ne3A_1437, %ne3A_1440 : i1
        %sub3A_1442 = arith.constant 1 : i32
        %sub3A_1443 = arith.subi %div3A_1422, %sub3A_1442 : i32
        %select_n3A_1444 = arith.select %and3A_1441, %sub3A_1443, %div3A_1422 : i32
        %add3A_1445 = arith.constant 1 : i32
        %add3A_1446 = arith.addi %select_n3A_1444, %add3A_1445 : i32
        %mul3A_1447 = arith.constant 8 : i32
        %mul3A_1448 = arith.muli %add3A_1446, %mul3A_1447 : i32
        %add3A_1449 = arith.addi %mul3A_2, %mul3A_1448 : i32
        %multiple_of3A_1450 = tpu.assume_multiple %add3A_1449, 8 : i32
        %jit3A_1451 = arith.constant 2 : i32
        %eq3A_1452 = arith.constant 0 : i32
        %eq3A_1453 = arith.cmpi eq, %jit3A_1451, %eq3A_1452 : i32
        %jit3A_1454 = arith.constant 1 : i32
        %select_n3A_1455 = arith.select %eq3A_1453, %jit3A_1454, %jit3A_1451 : i32
        %rem3A_1456 = arith.remsi %add3A_1446, %select_n3A_1455 : i32
        %ne3A_1457 = arith.constant 0 : i32
        %ne3A_1458 = arith.cmpi ne, %rem3A_1456, %ne3A_1457 : i32
        %lt3A_1459 = arith.constant 0 : i32
        %lt3A_1460 = arith.cmpi slt, %rem3A_1456, %lt3A_1459 : i32
        %lt3A_1461 = arith.constant 0 : i32
        %lt3A_1462 = arith.cmpi slt, %select_n3A_1455, %lt3A_1461 : i32
        %ne3A_1463 = arith.xori %lt3A_1460, %lt3A_1462 : i1
        %and3A_1464 = arith.andi %ne3A_1463, %ne3A_1458 : i1
        %add3A_1465 = arith.addi %rem3A_1456, %select_n3A_1455 : i32
        %select_n3A_1466 = arith.select %and3A_1464, %add3A_1465, %rem3A_1456 : i32
        %dma_start3A_1467 = arith.constant 1 : i32
        %dma_start3A_1468 = arith.constant 0 : i32
        %dma_start3A_1469 = arith.constant 0 : i32
        %dma_start3A_1470 = tpu.memref_slice %arg7[%select_n3A_1466, %dma_start3A_1468, %dma_start3A_1469] : memref<2x8x64xi32, #tpu.memory_space<vmem>> -> memref<1x8x64xi32, #tpu.memory_space<vmem>>
        %dma_start3A_1471 = tpu.memref_squeeze %dma_start3A_1470 : memref<1x8x64xi32, #tpu.memory_space<vmem>> -> memref<8x64xi32, #tpu.memory_space<vmem>>
        %dma_start3A_1472 = arith.constant 0 : i32
        %dma_start3A_1473 = tpu.memref_slice %arg3[%dma_start3A_1467, %multiple_of3A_1450, %dma_start3A_1472] : memref<2x5120x64xi32, #tpu.memory_space<hbm>> -> memref<1x8x64xi32, #tpu.memory_space<hbm>>
        %dma_start3A_1474 = tpu.memref_squeeze %dma_start3A_1473 : memref<1x8x64xi32, #tpu.memory_space<hbm>> -> memref<8x64xi32, #tpu.memory_space<hbm>>
        %dma_start3A_1475 = arith.constant 0 : i32
        %dma_start3A_1476 = arith.constant 0 : i32
        %dma_start3A_1477 = tpu.memref_slice %arg7[%select_n3A_1466, %dma_start3A_1475, %dma_start3A_1476] : memref<2x8x64xi32, #tpu.memory_space<vmem>> -> memref<1x8x64xi32, #tpu.memory_space<vmem>>
        %dma_start3A_1478 = tpu.memref_squeeze %dma_start3A_1477 : memref<1x8x64xi32, #tpu.memory_space<vmem>> -> memref<8x64xi32, #tpu.memory_space<vmem>>
        %dma_start3A_1479 = arith.constant 0 : i32
        %dma_start3A_1480 = tpu.memref_slice %arg3[%dma_start3A_1467, %multiple_of3A_1450, %dma_start3A_1479] : memref<2x5120x64xi32, #tpu.memory_space<hbm>> -> memref<1x8x64xi32, #tpu.memory_space<hbm>>
        %dma_start3A_1481 = tpu.memref_squeeze %dma_start3A_1480 : memref<1x8x64xi32, #tpu.memory_space<hbm>> -> memref<8x64xi32, #tpu.memory_space<hbm>>
        tpu.enqueue_dma source(%dma_start3A_1481 : memref<8x64xi32, #tpu.memory_space<hbm>>) target(%dma_start3A_1478 : memref<8x64xi32, #tpu.memory_space<vmem>>) target_semaphore(%arg22 : memref<!tpu.dma_semaphore, #tpu.memory_space<semaphore_mem>>)
        %dma_start3A_1482 = arith.constant 0 : i32
        %dma_start3A_1483 = arith.constant 0 : i32
        %dma_start3A_1484 = arith.constant 0 : i32
        %dma_start3A_1485 = tpu.memref_slice %arg8[%select_n3A_1466, %dma_start3A_1483, %dma_start3A_1484] : memref<2x8x64xi32, #tpu.memory_space<vmem>> -> memref<1x8x64xi32, #tpu.memory_space<vmem>>
        %dma_start3A_1486 = tpu.memref_squeeze %dma_start3A_1485 : memref<1x8x64xi32, #tpu.memory_space<vmem>> -> memref<8x64xi32, #tpu.memory_space<vmem>>
        %dma_start3A_1487 = arith.constant 0 : i32
        %dma_start3A_1488 = tpu.memref_slice %arg3[%dma_start3A_1482, %multiple_of3A_1450, %dma_start3A_1487] : memref<2x5120x64xi32, #tpu.memory_space<hbm>> -> memref<1x8x64xi32, #tpu.memory_space<hbm>>
        %dma_start3A_1489 = tpu.memref_squeeze %dma_start3A_1488 : memref<1x8x64xi32, #tpu.memory_space<hbm>> -> memref<8x64xi32, #tpu.memory_space<hbm>>
        %dma_start3A_1490 = arith.constant 0 : i32
        %dma_start3A_1491 = arith.constant 0 : i32
        %dma_start3A_1492 = tpu.memref_slice %arg8[%select_n3A_1466, %dma_start3A_1490, %dma_start3A_1491] : memref<2x8x64xi32, #tpu.memory_space<vmem>> -> memref<1x8x64xi32, #tpu.memory_space<vmem>>
        %dma_start3A_1493 = tpu.memref_squeeze %dma_start3A_1492 : memref<1x8x64xi32, #tpu.memory_space<vmem>> -> memref<8x64xi32, #tpu.memory_space<vmem>>
        %dma_start3A_1494 = arith.constant 0 : i32
        %dma_start3A_1495 = tpu.memref_slice %arg3[%dma_start3A_1482, %multiple_of3A_1450, %dma_start3A_1494] : memref<2x5120x64xi32, #tpu.memory_space<hbm>> -> memref<1x8x64xi32, #tpu.memory_space<hbm>>
        %dma_start3A_1496 = tpu.memref_squeeze %dma_start3A_1495 : memref<1x8x64xi32, #tpu.memory_space<hbm>> -> memref<8x64xi32, #tpu.memory_space<hbm>>
        tpu.enqueue_dma source(%dma_start3A_1496 : memref<8x64xi32, #tpu.memory_space<hbm>>) target(%dma_start3A_1493 : memref<8x64xi32, #tpu.memory_space<vmem>>) target_semaphore(%arg22 : memref<!tpu.dma_semaphore, #tpu.memory_space<semaphore_mem>>)
        %dma_start3A_1497 = arith.constant 0 : i32
        %dma_start3A_1498 = arith.constant 0 : i32
        %dma_start3A_1499 = tpu.memref_slice %arg9[%select_n3A_1466, %dma_start3A_1497, %dma_start3A_1498] : memref<2x8x64xf32, #tpu.memory_space<vmem>> -> memref<1x8x64xf32, #tpu.memory_space<vmem>>
        %dma_start3A_1500 = tpu.memref_squeeze %dma_start3A_1499 : memref<1x8x64xf32, #tpu.memory_space<vmem>> -> memref<8x64xf32, #tpu.memory_space<vmem>>
        %dma_start3A_1501 = arith.constant 0 : i32
        %dma_start3A_1502 = tpu.memref_slice %arg4[%multiple_of3A_1450, %dma_start3A_1501] : memref<5120x64xf32, #tpu.memory_space<hbm>> -> memref<8x64xf32, #tpu.memory_space<hbm>>
        %dma_start3A_1503 = arith.constant 0 : i32
        %dma_start3A_1504 = arith.constant 0 : i32
        %dma_start3A_1505 = tpu.memref_slice %arg9[%select_n3A_1466, %dma_start3A_1503, %dma_start3A_1504] : memref<2x8x64xf32, #tpu.memory_space<vmem>> -> memref<1x8x64xf32, #tpu.memory_space<vmem>>
        %dma_start3A_1506 = tpu.memref_squeeze %dma_start3A_1505 : memref<1x8x64xf32, #tpu.memory_space<vmem>> -> memref<8x64xf32, #tpu.memory_space<vmem>>
        %dma_start3A_1507 = arith.constant 0 : i32
        %dma_start3A_1508 = tpu.memref_slice %arg4[%multiple_of3A_1450, %dma_start3A_1507] : memref<5120x64xf32, #tpu.memory_space<hbm>> -> memref<8x64xf32, #tpu.memory_space<hbm>>
        tpu.enqueue_dma source(%dma_start3A_1508 : memref<8x64xf32, #tpu.memory_space<hbm>>) target(%dma_start3A_1506 : memref<8x64xf32, #tpu.memory_space<vmem>>) target_semaphore(%arg22 : memref<!tpu.dma_semaphore, #tpu.memory_space<semaphore_mem>>)
      } else {
      }
      %dma_wait3A_323 = arith.constant 0 : i32
      %dma_wait3A_324 = arith.constant 0 : i32
      %dma_wait3A_325 = arith.constant 0 : i32
      %dma_wait3A_326 = arith.constant 0 : i32
      %dma_wait3A_327 = arith.constant 0 : i32
      %dma_wait3A_328 = tpu.memref_slice %arg10[%dma_wait3A_325, %dma_wait3A_326, %dma_wait3A_327] : memref<5x64x128xf32, #tpu.memory_space<vmem>> -> memref<1x64x128xf32, #tpu.memory_space<vmem>>
      %dma_wait3A_329 = tpu.memref_squeeze %dma_wait3A_328 : memref<1x64x128xf32, #tpu.memory_space<vmem>> -> memref<64x128xf32, #tpu.memory_space<vmem>>
      %dma_wait3A_330 = arith.constant 0 : i32
      %dma_wait3A_331 = tpu.memref_slice %arg7[%dma_wait3A_323, %dma_wait3A_324, %dma_wait3A_330] : memref<2x8x64xi32, #tpu.memory_space<vmem>> -> memref<1x1x64xi32, #tpu.memory_space<vmem>>
      %dma_wait3A_332 = tpu.memref_squeeze %dma_wait3A_331 : memref<1x1x64xi32, #tpu.memory_space<vmem>> -> memref<64xi32, #tpu.memory_space<vmem>>
      %dma_wait3A_333 = arith.constant 0 : i32
      %dma_wait3A_334 = arith.constant 0 : i32
      %dma_wait3A_335 = tpu.memref_slice %arg2[%dma_wait3A_333, %dma_wait3A_334] : memref<10000x128xf32, #tpu.memory_space<hbm>> -> memref<10000x128xf32, #tpu.memory_space<hbm>>
      tpu.wait_indirect_dma semaphore(%arg12 : memref<!tpu.dma_semaphore, #tpu.memory_space<semaphore_mem>>) src(%dma_wait3A_335 : memref<10000x128xf32, #tpu.memory_space<hbm>>) dst(%dma_wait3A_329 : memref<64x128xf32, #tpu.memory_space<vmem>>)
      %jit3A_336 = arith.constant 8 : i32
      %div3A_337 = arith.divsi %add3A_181, %jit3A_336 : i32
      %sign3A_338 = arith.constant 0 : i32
      %sign3A_339 = arith.cmpi sgt, %add3A_181, %sign3A_338 : i32
      %sign3A_340 = arith.extui %sign3A_339 : i1 to i32
      %sign3A_341 = arith.constant 0 : i32
      %sign3A_342 = arith.cmpi slt, %add3A_181, %sign3A_341 : i32
      %sign3A_343 = arith.extui %sign3A_342 : i1 to i32
      %sign3A_344 = arith.subi %sign3A_340, %sign3A_343 : i32
      %sign3A_345 = arith.constant 0 : i32
      %sign3A_346 = arith.cmpi sgt, %jit3A_336, %sign3A_345 : i32
      %sign3A_347 = arith.extui %sign3A_346 : i1 to i32
      %sign3A_348 = arith.constant 0 : i32
      %sign3A_349 = arith.cmpi slt, %jit3A_336, %sign3A_348 : i32
      %sign3A_350 = arith.extui %sign3A_349 : i1 to i32
      %sign3A_351 = arith.subi %sign3A_347, %sign3A_350 : i32
      %ne3A_352 = arith.cmpi ne, %sign3A_344, %sign3A_351 : i32
      %rem3A_353 = arith.remsi %add3A_181, %jit3A_336 : i32
      %ne3A_354 = arith.constant 0 : i32
      %ne3A_355 = arith.cmpi ne, %rem3A_353, %ne3A_354 : i32
      %and3A_356 = arith.andi %ne3A_352, %ne3A_355 : i1
      %sub3A_357 = arith.constant 1 : i32
      %sub3A_358 = arith.subi %div3A_337, %sub3A_357 : i32
      %select_n3A_359 = arith.select %and3A_356, %sub3A_358, %div3A_337 : i32
      %jit3A_360 = arith.constant 2 : i32
      %eq3A_361 = arith.constant 0 : i32
      %eq3A_362 = arith.cmpi eq, %jit3A_360, %eq3A_361 : i32
      %jit3A_363 = arith.constant 1 : i32
      %select_n3A_364 = arith.select %eq3A_362, %jit3A_363, %jit3A_360 : i32
      %rem3A_365 = arith.remsi %select_n3A_359, %select_n3A_364 : i32
      %ne3A_366 = arith.constant 0 : i32
      %ne3A_367 = arith.cmpi ne, %rem3A_365, %ne3A_366 : i32
      %lt3A_368 = arith.constant 0 : i32
      %lt3A_369 = arith.cmpi slt, %rem3A_365, %lt3A_368 : i32
      %lt3A_370 = arith.constant 0 : i32
      %lt3A_371 = arith.cmpi slt, %select_n3A_364, %lt3A_370 : i32
      %ne3A_372 = arith.xori %lt3A_369, %lt3A_371 : i1
      %and3A_373 = arith.andi %ne3A_372, %ne3A_367 : i1
      %add3A_374 = arith.addi %rem3A_365, %select_n3A_364 : i32
      %select_n3A_375 = arith.select %and3A_373, %add3A_374, %rem3A_365 : i32
      %broadcast_in_dim3A = vector.broadcast %select_n3A_375 : i32 to vector<16xi32>
      %jit3A_376 = arith.constant 8 : i32
      %eq3A_377 = arith.constant 0 : i32
      %eq3A_378 = arith.cmpi eq, %jit3A_376, %eq3A_377 : i32
      %jit3A_379 = arith.constant 1 : i32
      %select_n3A_380 = arith.select %eq3A_378, %jit3A_379, %jit3A_376 : i32
      %rem3A_381 = arith.remsi %add3A_181, %select_n3A_380 : i32
      %ne3A_382 = arith.constant 0 : i32
      %ne3A_383 = arith.cmpi ne, %rem3A_381, %ne3A_382 : i32
      %lt3A_384 = arith.constant 0 : i32
      %lt3A_385 = arith.cmpi slt, %rem3A_381, %lt3A_384 : i32
      %lt3A_386 = arith.constant 0 : i32
      %lt3A_387 = arith.cmpi slt, %select_n3A_380, %lt3A_386 : i32
      %ne3A_388 = arith.xori %lt3A_385, %lt3A_387 : i1
      %and3A_389 = arith.andi %ne3A_388, %ne3A_383 : i1
      %add3A_390 = arith.addi %rem3A_381, %select_n3A_380 : i32
      %select_n3A_391 = arith.select %and3A_389, %add3A_390, %rem3A_381 : i32
      %broadcast_in_dim3A_392 = vector.broadcast %select_n3A_391 : i32 to vector<16xi32>
      %parallel_loop3A = arith.constant 0 : i32
      %parallel_loop3A_393 = arith.constant 64 : i32
      %parallel_loop3A_394 = arith.constant 1 : i32
      scf.for %parallel_loop3A_1415 = %parallel_loop3A to %parallel_loop3A_393 step %parallel_loop3A_394  : i32 {
        %parallel_loop3A_1416 = vector.broadcast %parallel_loop3A_1415 : i32 to vector<16xi32>
        %parallel_loop3A_1417 = tpu.vector_load_idx %arg9[%broadcast_in_dim3A, %broadcast_in_dim3A_392, %parallel_loop3A_1416] : memref<2x8x64xf32, #tpu.memory_space<vmem>>[vector<16xi32>, vector<16xi32>, vector<16xi32>], vector<16xf32>,
        %parallel_loop3A_1418 = arith.constant 0 : i32
        %parallel_loop3A_1419 = arith.index_cast %parallel_loop3A_1418 : i32 to index
        %parallel_loop3A_1420 = arith.index_cast %parallel_loop3A_1415 : i32 to index
        %parallel_loop3A_1421 = arith.constant 0 : index
        %parallel_loop3A_1422 = tpu.vector_load %arg10[%parallel_loop3A_1419, %parallel_loop3A_1420, %parallel_loop3A_1421] {strides = array<i32>} : memref<5x64x128xf32, #tpu.memory_space<vmem>>, vector<16xf32>,
        %parallel_loop3A_1423 = arith.mulf %parallel_loop3A_1422, %parallel_loop3A_1417 : vector<16xf32>
        %parallel_loop3A_1424 = arith.constant 0 : i32
        %parallel_loop3A_1425 = arith.index_cast %parallel_loop3A_1424 : i32 to index
        %parallel_loop3A_1426 = arith.index_cast %parallel_loop3A_1415 : i32 to index
        %parallel_loop3A_1427 = arith.constant 0 : index
        %parallel_loop3A_1428 = tpu.vector_load %arg10[%parallel_loop3A_1425, %parallel_loop3A_1426, %parallel_loop3A_1427] {strides = array<i32>} : memref<5x64x128xf32, #tpu.memory_space<vmem>>, vector<16xf32>,
        tpu.vector_store %arg10[%parallel_loop3A_1425, %parallel_loop3A_1426, %parallel_loop3A_1427], %parallel_loop3A_1423 {strides = array<i32>} : memref<5x64x128xf32, #tpu.memory_space<vmem>>, vector<16xf32>,
        %parallel_loop3A_1429 = arith.constant 0 : i32
        %parallel_loop3A_1430 = arith.index_cast %parallel_loop3A_1429 : i32 to index
        %parallel_loop3A_1431 = arith.index_cast %parallel_loop3A_1415 : i32 to index
        %parallel_loop3A_1432 = arith.constant 16 : index
        %parallel_loop3A_1433 = tpu.vector_load %arg10[%parallel_loop3A_1430, %parallel_loop3A_1431, %parallel_loop3A_1432] {strides = array<i32>} : memref<5x64x128xf32, #tpu.memory_space<vmem>>, vector<16xf32>,
        %parallel_loop3A_1434 = arith.mulf %parallel_loop3A_1433, %parallel_loop3A_1417 : vector<16xf32>
        %parallel_loop3A_1435 = arith.constant 0 : i32
        %parallel_loop3A_1436 = arith.index_cast %parallel_loop3A_1435 : i32 to index
        %parallel_loop3A_1437 = arith.index_cast %parallel_loop3A_1415 : i32 to index
        %parallel_loop3A_1438 = arith.constant 16 : index
        %parallel_loop3A_1439 = tpu.vector_load %arg10[%parallel_loop3A_1436, %parallel_loop3A_1437, %parallel_loop3A_1438] {strides = array<i32>} : memref<5x64x128xf32, #tpu.memory_space<vmem>>, vector<16xf32>,
        tpu.vector_store %arg10[%parallel_loop3A_1436, %parallel_loop3A_1437, %parallel_loop3A_1438], %parallel_loop3A_1434 {strides = array<i32>} : memref<5x64x128xf32, #tpu.memory_space<vmem>>, vector<16xf32>,
        %parallel_loop3A_1440 = arith.constant 0 : i32
        %parallel_loop3A_1441 = arith.index_cast %parallel_loop3A_1440 : i32 to index
        %parallel_loop3A_1442 = arith.index_cast %parallel_loop3A_1415 : i32 to index
        %parallel_loop3A_1443 = arith.constant 32 : index
        %parallel_loop3A_1444 = tpu.vector_load %arg10[%parallel_loop3A_1441, %parallel_loop3A_1442, %parallel_loop3A_1443] {strides = array<i32>} : memref<5x64x128xf32, #tpu.memory_space<vmem>>, vector<16xf32>,
        %parallel_loop3A_1445 = arith.mulf %parallel_loop3A_1444, %parallel_loop3A_1417 : vector<16xf32>
        %parallel_loop3A_1446 = arith.constant 0 : i32
        %parallel_loop3A_1447 = arith.index_cast %parallel_loop3A_1446 : i32 to index
        %parallel_loop3A_1448 = arith.index_cast %parallel_loop3A_1415 : i32 to index
        %parallel_loop3A_1449 = arith.constant 32 : index
        %parallel_loop3A_1450 = tpu.vector_load %arg10[%parallel_loop3A_1447, %parallel_loop3A_1448, %parallel_loop3A_1449] {strides = array<i32>} : memref<5x64x128xf32, #tpu.memory_space<vmem>>, vector<16xf32>,
        tpu.vector_store %arg10[%parallel_loop3A_1447, %parallel_loop3A_1448, %parallel_loop3A_1449], %parallel_loop3A_1445 {strides = array<i32>} : memref<5x64x128xf32, #tpu.memory_space<vmem>>, vector<16xf32>,
        %parallel_loop3A_1451 = arith.constant 0 : i32
        %parallel_loop3A_1452 = arith.index_cast %parallel_loop3A_1451 : i32 to index
        %parallel_loop3A_1453 = arith.index_cast %parallel_loop3A_1415 : i32 to index
        %parallel_loop3A_1454 = arith.constant 48 : index
        %parallel_loop3A_1455 = tpu.vector_load %arg10[%parallel_loop3A_1452, %parallel_loop3A_1453, %parallel_loop3A_1454] {strides = array<i32>} : memref<5x64x128xf32, #tpu.memory_space<vmem>>, vector<16xf32>,
        %parallel_loop3A_1456 = arith.mulf %parallel_loop3A_1455, %parallel_loop3A_1417 : vector<16xf32>
        %parallel_loop3A_1457 = arith.constant 0 : i32
        %parallel_loop3A_1458 = arith.index_cast %parallel_loop3A_1457 : i32 to index
        %parallel_loop3A_1459 = arith.index_cast %parallel_loop3A_1415 : i32 to index
        %parallel_loop3A_1460 = arith.constant 48 : index
        %parallel_loop3A_1461 = tpu.vector_load %arg10[%parallel_loop3A_1458, %parallel_loop3A_1459, %parallel_loop3A_1460] {strides = array<i32>} : memref<5x64x128xf32, #tpu.memory_space<vmem>>, vector<16xf32>,
        tpu.vector_store %arg10[%parallel_loop3A_1458, %parallel_loop3A_1459, %parallel_loop3A_1460], %parallel_loop3A_1456 {strides = array<i32>} : memref<5x64x128xf32, #tpu.memory_space<vmem>>, vector<16xf32>,
        %parallel_loop3A_1462 = arith.constant 0 : i32
        %parallel_loop3A_1463 = arith.index_cast %parallel_loop3A_1462 : i32 to index
        %parallel_loop3A_1464 = arith.index_cast %parallel_loop3A_1415 : i32 to index
        %parallel_loop3A_1465 = arith.constant 64 : index
        %parallel_loop3A_1466 = tpu.vector_load %arg10[%parallel_loop3A_1463, %parallel_loop3A_1464, %parallel_loop3A_1465] {strides = array<i32>} : memref<5x64x128xf32, #tpu.memory_space<vmem>>, vector<16xf32>,
        %parallel_loop3A_1467 = arith.mulf %parallel_loop3A_1466, %parallel_loop3A_1417 : vector<16xf32>
        %parallel_loop3A_1468 = arith.constant 0 : i32
        %parallel_loop3A_1469 = arith.index_cast %parallel_loop3A_1468 : i32 to index
        %parallel_loop3A_1470 = arith.index_cast %parallel_loop3A_1415 : i32 to index
        %parallel_loop3A_1471 = arith.constant 64 : index
        %parallel_loop3A_1472 = tpu.vector_load %arg10[%parallel_loop3A_1469, %parallel_loop3A_1470, %parallel_loop3A_1471] {strides = array<i32>} : memref<5x64x128xf32, #tpu.memory_space<vmem>>, vector<16xf32>,
        tpu.vector_store %arg10[%parallel_loop3A_1469, %parallel_loop3A_1470, %parallel_loop3A_1471], %parallel_loop3A_1467 {strides = array<i32>} : memref<5x64x128xf32, #tpu.memory_space<vmem>>, vector<16xf32>,
        %parallel_loop3A_1473 = arith.constant 0 : i32
        %parallel_loop3A_1474 = arith.index_cast %parallel_loop3A_1473 : i32 to index
        %parallel_loop3A_1475 = arith.index_cast %parallel_loop3A_1415 : i32 to index
        %parallel_loop3A_1476 = arith.constant 80 : index
        %parallel_loop3A_1477 = tpu.vector_load %arg10[%parallel_loop3A_1474, %parallel_loop3A_1475, %parallel_loop3A_1476] {strides = array<i32>} : memref<5x64x128xf32, #tpu.memory_space<vmem>>, vector<16xf32>,
        %parallel_loop3A_1478 = arith.mulf %parallel_loop3A_1477, %parallel_loop3A_1417 : vector<16xf32>
        %parallel_loop3A_1479 = arith.constant 0 : i32
        %parallel_loop3A_1480 = arith.index_cast %parallel_loop3A_1479 : i32 to index
        %parallel_loop3A_1481 = arith.index_cast %parallel_loop3A_1415 : i32 to index
        %parallel_loop3A_1482 = arith.constant 80 : index
        %parallel_loop3A_1483 = tpu.vector_load %arg10[%parallel_loop3A_1480, %parallel_loop3A_1481, %parallel_loop3A_1482] {strides = array<i32>} : memref<5x64x128xf32, #tpu.memory_space<vmem>>, vector<16xf32>,
        tpu.vector_store %arg10[%parallel_loop3A_1480, %parallel_loop3A_1481, %parallel_loop3A_1482], %parallel_loop3A_1478 {strides = array<i32>} : memref<5x64x128xf32, #tpu.memory_space<vmem>>, vector<16xf32>,
        %parallel_loop3A_1484 = arith.constant 0 : i32
        %parallel_loop3A_1485 = arith.index_cast %parallel_loop3A_1484 : i32 to index
        %parallel_loop3A_1486 = arith.index_cast %parallel_loop3A_1415 : i32 to index
        %parallel_loop3A_1487 = arith.constant 96 : index
        %parallel_loop3A_1488 = tpu.vector_load %arg10[%parallel_loop3A_1485, %parallel_loop3A_1486, %parallel_loop3A_1487] {strides = array<i32>} : memref<5x64x128xf32, #tpu.memory_space<vmem>>, vector<16xf32>,
        %parallel_loop3A_1489 = arith.mulf %parallel_loop3A_1488, %parallel_loop3A_1417 : vector<16xf32>
        %parallel_loop3A_1490 = arith.constant 0 : i32
        %parallel_loop3A_1491 = arith.index_cast %parallel_loop3A_1490 : i32 to index
        %parallel_loop3A_1492 = arith.index_cast %parallel_loop3A_1415 : i32 to index
        %parallel_loop3A_1493 = arith.constant 96 : index
        %parallel_loop3A_1494 = tpu.vector_load %arg10[%parallel_loop3A_1491, %parallel_loop3A_1492, %parallel_loop3A_1493] {strides = array<i32>} : memref<5x64x128xf32, #tpu.memory_space<vmem>>, vector<16xf32>,
        tpu.vector_store %arg10[%parallel_loop3A_1491, %parallel_loop3A_1492, %parallel_loop3A_1493], %parallel_loop3A_1489 {strides = array<i32>} : memref<5x64x128xf32, #tpu.memory_space<vmem>>, vector<16xf32>,
        %parallel_loop3A_1495 = arith.constant 0 : i32
        %parallel_loop3A_1496 = arith.index_cast %parallel_loop3A_1495 : i32 to index
        %parallel_loop3A_1497 = arith.index_cast %parallel_loop3A_1415 : i32 to index
        %parallel_loop3A_1498 = arith.constant 112 : index
        %parallel_loop3A_1499 = tpu.vector_load %arg10[%parallel_loop3A_1496, %parallel_loop3A_1497, %parallel_loop3A_1498] {strides = array<i32>} : memref<5x64x128xf32, #tpu.memory_space<vmem>>, vector<16xf32>,
        %parallel_loop3A_1500 = arith.mulf %parallel_loop3A_1499, %parallel_loop3A_1417 : vector<16xf32>
        %parallel_loop3A_1501 = arith.constant 0 : i32
        %parallel_loop3A_1502 = arith.index_cast %parallel_loop3A_1501 : i32 to index
        %parallel_loop3A_1503 = arith.index_cast %parallel_loop3A_1415 : i32 to index
        %parallel_loop3A_1504 = arith.constant 112 : index
        %parallel_loop3A_1505 = tpu.vector_load %arg10[%parallel_loop3A_1502, %parallel_loop3A_1503, %parallel_loop3A_1504] {strides = array<i32>} : memref<5x64x128xf32, #tpu.memory_space<vmem>>, vector<16xf32>,
        tpu.vector_store %arg10[%parallel_loop3A_1502, %parallel_loop3A_1503, %parallel_loop3A_1504], %parallel_loop3A_1500 {strides = array<i32>} : memref<5x64x128xf32, #tpu.memory_space<vmem>>, vector<16xf32>,
      } {sc.loop_unroll_factor = 4 : i64, sc.parallel_access}
      %jit3A_395 = arith.constant 8 : i32
      %div3A_396 = arith.divsi %add3A_181, %jit3A_395 : i32
      %sign3A_397 = arith.constant 0 : i32
      %sign3A_398 = arith.cmpi sgt, %add3A_181, %sign3A_397 : i32
      %sign3A_399 = arith.extui %sign3A_398 : i1 to i32
      %sign3A_400 = arith.constant 0 : i32
      %sign3A_401 = arith.cmpi slt, %add3A_181, %sign3A_400 : i32
      %sign3A_402 = arith.extui %sign3A_401 : i1 to i32
      %sign3A_403 = arith.subi %sign3A_399, %sign3A_402 : i32
      %sign3A_404 = arith.constant 0 : i32
      %sign3A_405 = arith.cmpi sgt, %jit3A_395, %sign3A_404 : i32
      %sign3A_406 = arith.extui %sign3A_405 : i1 to i32
      %sign3A_407 = arith.constant 0 : i32
      %sign3A_408 = arith.cmpi slt, %jit3A_395, %sign3A_407 : i32
      %sign3A_409 = arith.extui %sign3A_408 : i1 to i32
      %sign3A_410 = arith.subi %sign3A_406, %sign3A_409 : i32
      %ne3A_411 = arith.cmpi ne, %sign3A_403, %sign3A_410 : i32
      %rem3A_412 = arith.remsi %add3A_181, %jit3A_395 : i32
      %ne3A_413 = arith.constant 0 : i32
      %ne3A_414 = arith.cmpi ne, %rem3A_412, %ne3A_413 : i32
      %and3A_415 = arith.andi %ne3A_411, %ne3A_414 : i1
      %sub3A_416 = arith.constant 1 : i32
      %sub3A_417 = arith.subi %div3A_396, %sub3A_416 : i32
      %select_n3A_418 = arith.select %and3A_415, %sub3A_417, %div3A_396 : i32
      %jit3A_419 = arith.constant 2 : i32
      %eq3A_420 = arith.constant 0 : i32
      %eq3A_421 = arith.cmpi eq, %jit3A_419, %eq3A_420 : i32
      %jit3A_422 = arith.constant 1 : i32
      %select_n3A_423 = arith.select %eq3A_421, %jit3A_422, %jit3A_419 : i32
      %rem3A_424 = arith.remsi %select_n3A_418, %select_n3A_423 : i32
      %ne3A_425 = arith.constant 0 : i32
      %ne3A_426 = arith.cmpi ne, %rem3A_424, %ne3A_425 : i32
      %lt3A_427 = arith.constant 0 : i32
      %lt3A_428 = arith.cmpi slt, %rem3A_424, %lt3A_427 : i32
      %lt3A_429 = arith.constant 0 : i32
      %lt3A_430 = arith.cmpi slt, %select_n3A_423, %lt3A_429 : i32
      %ne3A_431 = arith.xori %lt3A_428, %lt3A_430 : i1
      %and3A_432 = arith.andi %ne3A_431, %ne3A_426 : i1
      %add3A_433 = arith.addi %rem3A_424, %select_n3A_423 : i32
      %select_n3A_434 = arith.select %and3A_432, %add3A_433, %rem3A_424 : i32
      %jit3A_435 = arith.constant 8 : i32
      %eq3A_436 = arith.constant 0 : i32
      %eq3A_437 = arith.cmpi eq, %jit3A_435, %eq3A_436 : i32
      %jit3A_438 = arith.constant 1 : i32
      %select_n3A_439 = arith.select %eq3A_437, %jit3A_438, %jit3A_435 : i32
      %rem3A_440 = arith.remsi %add3A_181, %select_n3A_439 : i32
      %ne3A_441 = arith.constant 0 : i32
      %ne3A_442 = arith.cmpi ne, %rem3A_440, %ne3A_441 : i32
      %lt3A_443 = arith.constant 0 : i32
      %lt3A_444 = arith.cmpi slt, %rem3A_440, %lt3A_443 : i32
      %lt3A_445 = arith.constant 0 : i32
      %lt3A_446 = arith.cmpi slt, %select_n3A_439, %lt3A_445 : i32
      %ne3A_447 = arith.xori %lt3A_444, %lt3A_446 : i1
      %and3A_448 = arith.andi %ne3A_447, %ne3A_442 : i1
      %add3A_449 = arith.addi %rem3A_440, %select_n3A_439 : i32
      %select_n3A_450 = arith.select %and3A_448, %add3A_449, %rem3A_440 : i32
      %dma_start3A_451 = arith.constant 0 : i32
      %dma_start3A_452 = arith.constant 0 : i32
      %dma_start3A_453 = arith.constant 0 : i32
      %dma_start3A_454 = tpu.memref_slice %arg10[%dma_start3A_451, %dma_start3A_452, %dma_start3A_453] : memref<5x64x128xf32, #tpu.memory_space<vmem>> -> memref<1x64x128xf32, #tpu.memory_space<vmem>>
      %dma_start3A_455 = tpu.memref_squeeze %dma_start3A_454 : memref<1x64x128xf32, #tpu.memory_space<vmem>> -> memref<64x128xf32, #tpu.memory_space<vmem>>
      %dma_start3A_456 = arith.constant 0 : i32
      %dma_start3A_457 = tpu.memref_slice %arg8[%select_n3A_434, %select_n3A_450, %dma_start3A_456] : memref<2x8x64xi32, #tpu.memory_space<vmem>> -> memref<1x1x64xi32, #tpu.memory_space<vmem>>
      %dma_start3A_458 = tpu.memref_squeeze %dma_start3A_457 : memref<1x1x64xi32, #tpu.memory_space<vmem>> -> memref<64xi32, #tpu.memory_space<vmem>>
      %dma_start3A_459 = arith.constant 0 : i32
      %dma_start3A_460 = arith.constant 0 : i32
      %dma_start3A_461 = tpu.memref_slice %arg11[%dma_start3A_459, %dma_start3A_460] : memref<10000x128xf32, #tpu.memory_space<vmem_shared>> -> memref<10000x128xf32, #tpu.memory_space<vmem_shared>>
      tpu.enqueue_indirect_dma source(%dma_start3A_455 : memref<64x128xf32, #tpu.memory_space<vmem>>) target(%dma_start3A_461 : memref<10000x128xf32, #tpu.memory_space<vmem_shared>>) offsets(%dma_start3A_458 : memref<64xi32, #tpu.memory_space<vmem>>) semaphore(%arg17 : memref<!tpu.dma_semaphore, #tpu.memory_space<semaphore_mem>>) {add = true}
      %mul3A_462 = arith.constant 5 : i32
      %mul3A_463 = arith.muli %scan3A_177, %mul3A_462 : i32
      %add3A_464 = arith.constant 1 : i32
      %add3A_465 = arith.addi %mul3A_463, %add3A_464 : i32
      %gt3A_466 = arith.constant 0 : i32
      %gt3A_467 = arith.cmpi sgt, %scan3A_177, %gt3A_466 : i32
      %convert_element_type3A_468 = arith.extui %gt3A_467 : i1 to i32
      %cond3A_469 = arith.constant 0 : i32
      %cond3A_470 = arith.cmpi ne, %convert_element_type3A_468, %cond3A_469 : i32
      scf.if %cond3A_470 {
        %dma_wait3A_1415 = arith.constant 4 : i32
        %dma_wait3A_1416 = arith.constant 0 : i32
        %dma_wait3A_1417 = arith.constant 0 : i32
        %dma_wait3A_1418 = arith.constant 0 : i32
        %dma_wait3A_1419 = arith.constant 0 : i32
        %dma_wait3A_1420 = tpu.memref_slice %arg10[%dma_wait3A_1415, %dma_wait3A_1418, %dma_wait3A_1419] : memref<5x64x128xf32, #tpu.memory_space<vmem>> -> memref<1x64x128xf32, #tpu.memory_space<vmem>>
        %dma_wait3A_1421 = tpu.memref_squeeze %dma_wait3A_1420 : memref<1x64x128xf32, #tpu.memory_space<vmem>> -> memref<64x128xf32, #tpu.memory_space<vmem>>
        %dma_wait3A_1422 = arith.constant 0 : i32
        %dma_wait3A_1423 = tpu.memref_slice %arg8[%dma_wait3A_1416, %dma_wait3A_1417, %dma_wait3A_1422] : memref<2x8x64xi32, #tpu.memory_space<vmem>> -> memref<1x1x64xi32, #tpu.memory_space<vmem>>
        %dma_wait3A_1424 = tpu.memref_squeeze %dma_wait3A_1423 : memref<1x1x64xi32, #tpu.memory_space<vmem>> -> memref<64xi32, #tpu.memory_space<vmem>>
        %dma_wait3A_1425 = arith.constant 0 : i32
        %dma_wait3A_1426 = arith.constant 0 : i32
        %dma_wait3A_1427 = tpu.memref_slice %arg11[%dma_wait3A_1425, %dma_wait3A_1426] : memref<10000x128xf32, #tpu.memory_space<vmem_shared>> -> memref<10000x128xf32, #tpu.memory_space<vmem_shared>>
        tpu.wait_indirect_dma semaphore(%arg21 : memref<!tpu.dma_semaphore, #tpu.memory_space<semaphore_mem>>) src(%dma_wait3A_1421 : memref<64x128xf32, #tpu.memory_space<vmem>>) dst(%dma_wait3A_1427 : memref<10000x128xf32, #tpu.memory_space<vmem_shared>>)
      } else {
      }
      %jit3A_471 = arith.constant 8 : i32
      %eq3A_472 = arith.constant 0 : i32
      %eq3A_473 = arith.cmpi eq, %jit3A_471, %eq3A_472 : i32
      %jit3A_474 = arith.constant 1 : i32
      %select_n3A_475 = arith.select %eq3A_473, %jit3A_474, %jit3A_471 : i32
      %rem3A_476 = arith.remsi %scan3A_177, %select_n3A_475 : i32
      %ne3A_477 = arith.constant 0 : i32
      %ne3A_478 = arith.cmpi ne, %rem3A_476, %ne3A_477 : i32
      %lt3A_479 = arith.constant 0 : i32
      %lt3A_480 = arith.cmpi slt, %rem3A_476, %lt3A_479 : i32
      %lt3A_481 = arith.constant 0 : i32
      %lt3A_482 = arith.cmpi slt, %select_n3A_475, %lt3A_481 : i32
      %ne3A_483 = arith.xori %lt3A_480, %lt3A_482 : i1
      %and3A_484 = arith.andi %ne3A_483, %ne3A_478 : i1
      %add3A_485 = arith.addi %rem3A_476, %select_n3A_475 : i32
      %select_n3A_486 = arith.select %and3A_484, %add3A_485, %rem3A_476 : i32
      %eq3A_487 = arith.constant 4 : i32
      %eq3A_488 = arith.cmpi eq, %select_n3A_486, %eq3A_487 : i32
      %convert_element_type3A_489 = arith.extui %eq3A_488 : i1 to i32
      %cond3A_490 = arith.constant 0 : i32
      %cond3A_491 = arith.cmpi ne, %convert_element_type3A_489, %cond3A_490 : i32
      scf.if %cond3A_491 {
        %dma_wait3A_1415 = arith.constant 0 : i32
        %dma_wait3A_1416 = arith.constant 0 : i32
        %dma_wait3A_1417 = arith.constant 0 : i32
        %dma_wait3A_1418 = arith.constant 0 : i32
        %dma_wait3A_1419 = tpu.memref_slice %arg7[%dma_wait3A_1416, %dma_wait3A_1417, %dma_wait3A_1418] : memref<2x8x64xi32, #tpu.memory_space<vmem>> -> memref<1x8x64xi32, #tpu.memory_space<vmem>>
        %dma_wait3A_1420 = tpu.memref_squeeze %dma_wait3A_1419 : memref<1x8x64xi32, #tpu.memory_space<vmem>> -> memref<8x64xi32, #tpu.memory_space<vmem>>
        %dma_wait3A_1421 = arith.constant 0 : i32
        %dma_wait3A_1422 = tpu.memref_slice %arg3[%dma_wait3A_1415, %mul3A_2, %dma_wait3A_1421] : memref<2x5120x64xi32, #tpu.memory_space<hbm>> -> memref<1x8x64xi32, #tpu.memory_space<hbm>>
        %dma_wait3A_1423 = tpu.memref_squeeze %dma_wait3A_1422 : memref<1x8x64xi32, #tpu.memory_space<hbm>> -> memref<8x64xi32, #tpu.memory_space<hbm>>
        %dma_wait3A_1424 = arith.constant 0 : i32
        %dma_wait3A_1425 = arith.constant 0 : i32
        %dma_wait3A_1426 = tpu.memref_slice %arg7[%dma_wait3A_1416, %dma_wait3A_1424, %dma_wait3A_1425] : memref<2x8x64xi32, #tpu.memory_space<vmem>> -> memref<1x8x64xi32, #tpu.memory_space<vmem>>
        %dma_wait3A_1427 = tpu.memref_squeeze %dma_wait3A_1426 : memref<1x8x64xi32, #tpu.memory_space<vmem>> -> memref<8x64xi32, #tpu.memory_space<vmem>>
        %dma_wait3A_1428 = arith.constant 0 : i32
        %dma_wait3A_1429 = tpu.memref_slice %arg3[%dma_wait3A_1415, %mul3A_2, %dma_wait3A_1428] : memref<2x5120x64xi32, #tpu.memory_space<hbm>> -> memref<1x8x64xi32, #tpu.memory_space<hbm>>
        %dma_wait3A_1430 = tpu.memref_squeeze %dma_wait3A_1429 : memref<1x8x64xi32, #tpu.memory_space<hbm>> -> memref<8x64xi32, #tpu.memory_space<hbm>>
        tpu.wait_dma2 semaphore(%arg22 : memref<!tpu.dma_semaphore, #tpu.memory_space<semaphore_mem>>) src(%dma_wait3A_1430 : memref<8x64xi32, #tpu.memory_space<hbm>>) dst(%dma_wait3A_1427 : memref<8x64xi32, #tpu.memory_space<vmem>>)
        %dma_wait3A_1431 = arith.constant 0 : i32
        %dma_wait3A_1432 = arith.constant 0 : i32
        %dma_wait3A_1433 = arith.constant 0 : i32
        %dma_wait3A_1434 = arith.constant 0 : i32
        %dma_wait3A_1435 = tpu.memref_slice %arg8[%dma_wait3A_1432, %dma_wait3A_1433, %dma_wait3A_1434] : memref<2x8x64xi32, #tpu.memory_space<vmem>> -> memref<1x8x64xi32, #tpu.memory_space<vmem>>
        %dma_wait3A_1436 = tpu.memref_squeeze %dma_wait3A_1435 : memref<1x8x64xi32, #tpu.memory_space<vmem>> -> memref<8x64xi32, #tpu.memory_space<vmem>>
        %dma_wait3A_1437 = arith.constant 0 : i32
        %dma_wait3A_1438 = tpu.memref_slice %arg3[%dma_wait3A_1431, %mul3A_2, %dma_wait3A_1437] : memref<2x5120x64xi32, #tpu.memory_space<hbm>> -> memref<1x8x64xi32, #tpu.memory_space<hbm>>
        %dma_wait3A_1439 = tpu.memref_squeeze %dma_wait3A_1438 : memref<1x8x64xi32, #tpu.memory_space<hbm>> -> memref<8x64xi32, #tpu.memory_space<hbm>>
        %dma_wait3A_1440 = arith.constant 0 : i32
        %dma_wait3A_1441 = arith.constant 0 : i32
        %dma_wait3A_1442 = tpu.memref_slice %arg8[%dma_wait3A_1432, %dma_wait3A_1440, %dma_wait3A_1441] : memref<2x8x64xi32, #tpu.memory_space<vmem>> -> memref<1x8x64xi32, #tpu.memory_space<vmem>>
        %dma_wait3A_1443 = tpu.memref_squeeze %dma_wait3A_1442 : memref<1x8x64xi32, #tpu.memory_space<vmem>> -> memref<8x64xi32, #tpu.memory_space<vmem>>
        %dma_wait3A_1444 = arith.constant 0 : i32
        %dma_wait3A_1445 = tpu.memref_slice %arg3[%dma_wait3A_1431, %mul3A_2, %dma_wait3A_1444] : memref<2x5120x64xi32, #tpu.memory_space<hbm>> -> memref<1x8x64xi32, #tpu.memory_space<hbm>>
        %dma_wait3A_1446 = tpu.memref_squeeze %dma_wait3A_1445 : memref<1x8x64xi32, #tpu.memory_space<hbm>> -> memref<8x64xi32, #tpu.memory_space<hbm>>
        tpu.wait_dma2 semaphore(%arg22 : memref<!tpu.dma_semaphore, #tpu.memory_space<semaphore_mem>>) src(%dma_wait3A_1446 : memref<8x64xi32, #tpu.memory_space<hbm>>) dst(%dma_wait3A_1443 : memref<8x64xi32, #tpu.memory_space<vmem>>)
        %dma_wait3A_1447 = arith.constant 0 : i32
        %dma_wait3A_1448 = arith.constant 0 : i32
        %dma_wait3A_1449 = arith.constant 0 : i32
        %dma_wait3A_1450 = arith.constant 0 : i32
        %dma_wait3A_1451 = tpu.memref_slice %arg9[%dma_wait3A_1448, %dma_wait3A_1449, %dma_wait3A_1450] : memref<2x8x64xf32, #tpu.memory_space<vmem>> -> memref<1x8x64xf32, #tpu.memory_space<vmem>>
        %dma_wait3A_1452 = tpu.memref_squeeze %dma_wait3A_1451 : memref<1x8x64xf32, #tpu.memory_space<vmem>> -> memref<8x64xf32, #tpu.memory_space<vmem>>
        %dma_wait3A_1453 = arith.constant 0 : i32
        %dma_wait3A_1454 = tpu.memref_slice %arg3[%dma_wait3A_1447, %mul3A_2, %dma_wait3A_1453] : memref<2x5120x64xi32, #tpu.memory_space<hbm>> -> memref<1x8x64xi32, #tpu.memory_space<hbm>>
        %dma_wait3A_1455 = tpu.memref_squeeze %dma_wait3A_1454 : memref<1x8x64xi32, #tpu.memory_space<hbm>> -> memref<8x64xi32, #tpu.memory_space<hbm>>
        %dma_wait3A_1456 = arith.constant 0 : i32
        %dma_wait3A_1457 = arith.constant 0 : i32
        %dma_wait3A_1458 = tpu.memref_slice %arg9[%dma_wait3A_1448, %dma_wait3A_1456, %dma_wait3A_1457] : memref<2x8x64xf32, #tpu.memory_space<vmem>> -> memref<1x8x64xf32, #tpu.memory_space<vmem>>
        %dma_wait3A_1459 = tpu.memref_squeeze %dma_wait3A_1458 : memref<1x8x64xf32, #tpu.memory_space<vmem>> -> memref<8x64xf32, #tpu.memory_space<vmem>>
        %dma_wait3A_1460 = arith.constant 0 : i32
        %dma_wait3A_1461 = tpu.memref_slice %arg3[%dma_wait3A_1447, %mul3A_2, %dma_wait3A_1460] : memref<2x5120x64xi32, #tpu.memory_space<hbm>> -> memref<1x8x64xi32, #tpu.memory_space<hbm>>
        %dma_wait3A_1462 = tpu.memref_squeeze %dma_wait3A_1461 : memref<1x8x64xi32, #tpu.memory_space<hbm>> -> memref<8x64xi32, #tpu.memory_space<hbm>>
        tpu.wait_dma2 semaphore(%arg22 : memref<!tpu.dma_semaphore, #tpu.memory_space<semaphore_mem>>) src(%dma_wait3A_1462 : memref<8x64xi32, #tpu.memory_space<hbm>>) dst(%dma_wait3A_1459 : memref<8x64xf32, #tpu.memory_space<vmem>>)
      } else {
      }
      %add3A_492 = arith.constant 3 : i32
      %add3A_493 = arith.addi %add3A_465, %add3A_492 : i32
      %jit3A_494 = arith.constant 8 : i32
      %div3A_495 = arith.divsi %add3A_493, %jit3A_494 : i32
      %sign3A_496 = arith.constant 0 : i32
      %sign3A_497 = arith.cmpi sgt, %add3A_493, %sign3A_496 : i32
      %sign3A_498 = arith.extui %sign3A_497 : i1 to i32
      %sign3A_499 = arith.constant 0 : i32
      %sign3A_500 = arith.cmpi slt, %add3A_493, %sign3A_499 : i32
      %sign3A_501 = arith.extui %sign3A_500 : i1 to i32
      %sign3A_502 = arith.subi %sign3A_498, %sign3A_501 : i32
      %sign3A_503 = arith.constant 0 : i32
      %sign3A_504 = arith.cmpi sgt, %jit3A_494, %sign3A_503 : i32
      %sign3A_505 = arith.extui %sign3A_504 : i1 to i32
      %sign3A_506 = arith.constant 0 : i32
      %sign3A_507 = arith.cmpi slt, %jit3A_494, %sign3A_506 : i32
      %sign3A_508 = arith.extui %sign3A_507 : i1 to i32
      %sign3A_509 = arith.subi %sign3A_505, %sign3A_508 : i32
      %ne3A_510 = arith.cmpi ne, %sign3A_502, %sign3A_509 : i32
      %rem3A_511 = arith.remsi %add3A_493, %jit3A_494 : i32
      %ne3A_512 = arith.constant 0 : i32
      %ne3A_513 = arith.cmpi ne, %rem3A_511, %ne3A_512 : i32
      %and3A_514 = arith.andi %ne3A_510, %ne3A_513 : i1
      %sub3A_515 = arith.constant 1 : i32
      %sub3A_516 = arith.subi %div3A_495, %sub3A_515 : i32
      %select_n3A_517 = arith.select %and3A_514, %sub3A_516, %div3A_495 : i32
      %jit3A_518 = arith.constant 2 : i32
      %eq3A_519 = arith.constant 0 : i32
      %eq3A_520 = arith.cmpi eq, %jit3A_518, %eq3A_519 : i32
      %jit3A_521 = arith.constant 1 : i32
      %select_n3A_522 = arith.select %eq3A_520, %jit3A_521, %jit3A_518 : i32
      %rem3A_523 = arith.remsi %select_n3A_517, %select_n3A_522 : i32
      %ne3A_524 = arith.constant 0 : i32
      %ne3A_525 = arith.cmpi ne, %rem3A_523, %ne3A_524 : i32
      %lt3A_526 = arith.constant 0 : i32
      %lt3A_527 = arith.cmpi slt, %rem3A_523, %lt3A_526 : i32
      %lt3A_528 = arith.constant 0 : i32
      %lt3A_529 = arith.cmpi slt, %select_n3A_522, %lt3A_528 : i32
      %ne3A_530 = arith.xori %lt3A_527, %lt3A_529 : i1
      %and3A_531 = arith.andi %ne3A_530, %ne3A_525 : i1
      %add3A_532 = arith.addi %rem3A_523, %select_n3A_522 : i32
      %select_n3A_533 = arith.select %and3A_531, %add3A_532, %rem3A_523 : i32
      %jit3A_534 = arith.constant 8 : i32
      %eq3A_535 = arith.constant 0 : i32
      %eq3A_536 = arith.cmpi eq, %jit3A_534, %eq3A_535 : i32
      %jit3A_537 = arith.constant 1 : i32
      %select_n3A_538 = arith.select %eq3A_536, %jit3A_537, %jit3A_534 : i32
      %rem3A_539 = arith.remsi %add3A_493, %select_n3A_538 : i32
      %ne3A_540 = arith.constant 0 : i32
      %ne3A_541 = arith.cmpi ne, %rem3A_539, %ne3A_540 : i32
      %lt3A_542 = arith.constant 0 : i32
      %lt3A_543 = arith.cmpi slt, %rem3A_539, %lt3A_542 : i32
      %lt3A_544 = arith.constant 0 : i32
      %lt3A_545 = arith.cmpi slt, %select_n3A_538, %lt3A_544 : i32
      %ne3A_546 = arith.xori %lt3A_543, %lt3A_545 : i1
      %and3A_547 = arith.andi %ne3A_546, %ne3A_541 : i1
      %add3A_548 = arith.addi %rem3A_539, %select_n3A_538 : i32
      %select_n3A_549 = arith.select %and3A_547, %add3A_548, %rem3A_539 : i32
      %dma_start3A_550 = arith.constant 4 : i32
      %dma_start3A_551 = arith.constant 0 : i32
      %dma_start3A_552 = arith.constant 0 : i32
      %dma_start3A_553 = tpu.memref_slice %arg10[%dma_start3A_550, %dma_start3A_551, %dma_start3A_552] : memref<5x64x128xf32, #tpu.memory_space<vmem>> -> memref<1x64x128xf32, #tpu.memory_space<vmem>>
      %dma_start3A_554 = tpu.memref_squeeze %dma_start3A_553 : memref<1x64x128xf32, #tpu.memory_space<vmem>> -> memref<64x128xf32, #tpu.memory_space<vmem>>
      %dma_start3A_555 = arith.constant 0 : i32
      %dma_start3A_556 = tpu.memref_slice %arg7[%select_n3A_533, %select_n3A_549, %dma_start3A_555] : memref<2x8x64xi32, #tpu.memory_space<vmem>> -> memref<1x1x64xi32, #tpu.memory_space<vmem>>
      %dma_start3A_557 = tpu.memref_squeeze %dma_start3A_556 : memref<1x1x64xi32, #tpu.memory_space<vmem>> -> memref<64xi32, #tpu.memory_space<vmem>>
      %dma_start3A_558 = arith.constant 0 : i32
      %dma_start3A_559 = arith.constant 0 : i32
      %dma_start3A_560 = tpu.memref_slice %arg2[%dma_start3A_558, %dma_start3A_559] : memref<10000x128xf32, #tpu.memory_space<hbm>> -> memref<10000x128xf32, #tpu.memory_space<hbm>>
      tpu.enqueue_indirect_dma source(%dma_start3A_560 : memref<10000x128xf32, #tpu.memory_space<hbm>>) target(%dma_start3A_554 : memref<64x128xf32, #tpu.memory_space<vmem>>) offsets(%dma_start3A_557 : memref<64xi32, #tpu.memory_space<vmem>>) semaphore(%arg16 : memref<!tpu.dma_semaphore, #tpu.memory_space<semaphore_mem>>)
      %jit3A_561 = arith.constant 8 : i32
      %eq3A_562 = arith.constant 0 : i32
      %eq3A_563 = arith.cmpi eq, %jit3A_561, %eq3A_562 : i32
      %jit3A_564 = arith.constant 1 : i32
      %select_n3A_565 = arith.select %eq3A_563, %jit3A_564, %jit3A_561 : i32
      %rem3A_566 = arith.remsi %scan3A_177, %select_n3A_565 : i32
      %ne3A_567 = arith.constant 0 : i32
      %ne3A_568 = arith.cmpi ne, %rem3A_566, %ne3A_567 : i32
      %lt3A_569 = arith.constant 0 : i32
      %lt3A_570 = arith.cmpi slt, %rem3A_566, %lt3A_569 : i32
      %lt3A_571 = arith.constant 0 : i32
      %lt3A_572 = arith.cmpi slt, %select_n3A_565, %lt3A_571 : i32
      %ne3A_573 = arith.xori %lt3A_570, %lt3A_572 : i1
      %and3A_574 = arith.andi %ne3A_573, %ne3A_568 : i1
      %add3A_575 = arith.addi %rem3A_566, %select_n3A_565 : i32
      %select_n3A_576 = arith.select %and3A_574, %add3A_575, %rem3A_566 : i32
      %eq3A_577 = arith.constant 0 : i32
      %eq3A_578 = arith.cmpi eq, %select_n3A_576, %eq3A_577 : i32
      %mul3A_579 = arith.constant 5 : i32
      %mul3A_580 = arith.muli %scan3A_177, %mul3A_579 : i32
      %add3A_581 = arith.constant 1 : i32
      %add3A_582 = arith.addi %mul3A_580, %add3A_581 : i32
      %sub3A_583 = arith.constant 1 : i32
      %sub3A_584 = arith.subi %add3A_582, %sub3A_583 : i32
      %jit3A_585 = arith.constant 8 : i32
      %div3A_586 = arith.divsi %sub3A_584, %jit3A_585 : i32
      %sign3A_587 = arith.constant 0 : i32
      %sign3A_588 = arith.cmpi sgt, %sub3A_584, %sign3A_587 : i32
      %sign3A_589 = arith.extui %sign3A_588 : i1 to i32
      %sign3A_590 = arith.constant 0 : i32
      %sign3A_591 = arith.cmpi slt, %sub3A_584, %sign3A_590 : i32
      %sign3A_592 = arith.extui %sign3A_591 : i1 to i32
      %sign3A_593 = arith.subi %sign3A_589, %sign3A_592 : i32
      %sign3A_594 = arith.constant 0 : i32
      %sign3A_595 = arith.cmpi sgt, %jit3A_585, %sign3A_594 : i32
      %sign3A_596 = arith.extui %sign3A_595 : i1 to i32
      %sign3A_597 = arith.constant 0 : i32
      %sign3A_598 = arith.cmpi slt, %jit3A_585, %sign3A_597 : i32
      %sign3A_599 = arith.extui %sign3A_598 : i1 to i32
      %sign3A_600 = arith.subi %sign3A_596, %sign3A_599 : i32
      %ne3A_601 = arith.cmpi ne, %sign3A_593, %sign3A_600 : i32
      %rem3A_602 = arith.remsi %sub3A_584, %jit3A_585 : i32
      %ne3A_603 = arith.constant 0 : i32
      %ne3A_604 = arith.cmpi ne, %rem3A_602, %ne3A_603 : i32
      %and3A_605 = arith.andi %ne3A_601, %ne3A_604 : i1
      %sub3A_606 = arith.constant 1 : i32
      %sub3A_607 = arith.subi %div3A_586, %sub3A_606 : i32
      %select_n3A_608 = arith.select %and3A_605, %sub3A_607, %div3A_586 : i32
      %add3A_609 = arith.constant 1 : i32
      %add3A_610 = arith.addi %select_n3A_608, %add3A_609 : i32
      %lt3A_611 = arith.constant 20 : i32
      %lt3A_612 = arith.cmpi slt, %add3A_610, %lt3A_611 : i32
      %and3A_613 = arith.andi %eq3A_578, %lt3A_612 : i1
      %convert_element_type3A_614 = arith.extui %and3A_613 : i1 to i32
      %cond3A_615 = arith.constant 0 : i32
      %cond3A_616 = arith.cmpi ne, %convert_element_type3A_614, %cond3A_615 : i32
      scf.if %cond3A_616 {
        %mul3A_1415 = arith.constant 5 : i32
        %mul3A_1416 = arith.muli %scan3A_177, %mul3A_1415 : i32
        %add3A_1417 = arith.constant 1 : i32
        %add3A_1418 = arith.addi %mul3A_1416, %add3A_1417 : i32
        %sub3A_1419 = arith.constant 1 : i32
        %sub3A_1420 = arith.subi %add3A_1418, %sub3A_1419 : i32
        %jit3A_1421 = arith.constant 8 : i32
        %div3A_1422 = arith.divsi %sub3A_1420, %jit3A_1421 : i32
        %sign3A_1423 = arith.constant 0 : i32
        %sign3A_1424 = arith.cmpi sgt, %sub3A_1420, %sign3A_1423 : i32
        %sign3A_1425 = arith.extui %sign3A_1424 : i1 to i32
        %sign3A_1426 = arith.constant 0 : i32
        %sign3A_1427 = arith.cmpi slt, %sub3A_1420, %sign3A_1426 : i32
        %sign3A_1428 = arith.extui %sign3A_1427 : i1 to i32
        %sign3A_1429 = arith.subi %sign3A_1425, %sign3A_1428 : i32
        %sign3A_1430 = arith.constant 0 : i32
        %sign3A_1431 = arith.cmpi sgt, %jit3A_1421, %sign3A_1430 : i32
        %sign3A_1432 = arith.extui %sign3A_1431 : i1 to i32
        %sign3A_1433 = arith.constant 0 : i32
        %sign3A_1434 = arith.cmpi slt, %jit3A_1421, %sign3A_1433 : i32
        %sign3A_1435 = arith.extui %sign3A_1434 : i1 to i32
        %sign3A_1436 = arith.subi %sign3A_1432, %sign3A_1435 : i32
        %ne3A_1437 = arith.cmpi ne, %sign3A_1429, %sign3A_1436 : i32
        %rem3A_1438 = arith.remsi %sub3A_1420, %jit3A_1421 : i32
        %ne3A_1439 = arith.constant 0 : i32
        %ne3A_1440 = arith.cmpi ne, %rem3A_1438, %ne3A_1439 : i32
        %and3A_1441 = arith.andi %ne3A_1437, %ne3A_1440 : i1
        %sub3A_1442 = arith.constant 1 : i32
        %sub3A_1443 = arith.subi %div3A_1422, %sub3A_1442 : i32
        %select_n3A_1444 = arith.select %and3A_1441, %sub3A_1443, %div3A_1422 : i32
        %add3A_1445 = arith.constant 1 : i32
        %add3A_1446 = arith.addi %select_n3A_1444, %add3A_1445 : i32
        %mul3A_1447 = arith.constant 8 : i32
        %mul3A_1448 = arith.muli %add3A_1446, %mul3A_1447 : i32
        %add3A_1449 = arith.addi %mul3A_2, %mul3A_1448 : i32
        %multiple_of3A_1450 = tpu.assume_multiple %add3A_1449, 8 : i32
        %jit3A_1451 = arith.constant 2 : i32
        %eq3A_1452 = arith.constant 0 : i32
        %eq3A_1453 = arith.cmpi eq, %jit3A_1451, %eq3A_1452 : i32
        %jit3A_1454 = arith.constant 1 : i32
        %select_n3A_1455 = arith.select %eq3A_1453, %jit3A_1454, %jit3A_1451 : i32
        %rem3A_1456 = arith.remsi %add3A_1446, %select_n3A_1455 : i32
        %ne3A_1457 = arith.constant 0 : i32
        %ne3A_1458 = arith.cmpi ne, %rem3A_1456, %ne3A_1457 : i32
        %lt3A_1459 = arith.constant 0 : i32
        %lt3A_1460 = arith.cmpi slt, %rem3A_1456, %lt3A_1459 : i32
        %lt3A_1461 = arith.constant 0 : i32
        %lt3A_1462 = arith.cmpi slt, %select_n3A_1455, %lt3A_1461 : i32
        %ne3A_1463 = arith.xori %lt3A_1460, %lt3A_1462 : i1
        %and3A_1464 = arith.andi %ne3A_1463, %ne3A_1458 : i1
        %add3A_1465 = arith.addi %rem3A_1456, %select_n3A_1455 : i32
        %select_n3A_1466 = arith.select %and3A_1464, %add3A_1465, %rem3A_1456 : i32
        %dma_start3A_1467 = arith.constant 1 : i32
        %dma_start3A_1468 = arith.constant 0 : i32
        %dma_start3A_1469 = arith.constant 0 : i32
        %dma_start3A_1470 = tpu.memref_slice %arg7[%select_n3A_1466, %dma_start3A_1468, %dma_start3A_1469] : memref<2x8x64xi32, #tpu.memory_space<vmem>> -> memref<1x8x64xi32, #tpu.memory_space<vmem>>
        %dma_start3A_1471 = tpu.memref_squeeze %dma_start3A_1470 : memref<1x8x64xi32, #tpu.memory_space<vmem>> -> memref<8x64xi32, #tpu.memory_space<vmem>>
        %dma_start3A_1472 = arith.constant 0 : i32
        %dma_start3A_1473 = tpu.memref_slice %arg3[%dma_start3A_1467, %multiple_of3A_1450, %dma_start3A_1472] : memref<2x5120x64xi32, #tpu.memory_space<hbm>> -> memref<1x8x64xi32, #tpu.memory_space<hbm>>
        %dma_start3A_1474 = tpu.memref_squeeze %dma_start3A_1473 : memref<1x8x64xi32, #tpu.memory_space<hbm>> -> memref<8x64xi32, #tpu.memory_space<hbm>>
        %dma_start3A_1475 = arith.constant 0 : i32
        %dma_start3A_1476 = arith.constant 0 : i32
        %dma_start3A_1477 = tpu.memref_slice %arg7[%select_n3A_1466, %dma_start3A_1475, %dma_start3A_1476] : memref<2x8x64xi32, #tpu.memory_space<vmem>> -> memref<1x8x64xi32, #tpu.memory_space<vmem>>
        %dma_start3A_1478 = tpu.memref_squeeze %dma_start3A_1477 : memref<1x8x64xi32, #tpu.memory_space<vmem>> -> memref<8x64xi32, #tpu.memory_space<vmem>>
        %dma_start3A_1479 = arith.constant 0 : i32
        %dma_start3A_1480 = tpu.memref_slice %arg3[%dma_start3A_1467, %multiple_of3A_1450, %dma_start3A_1479] : memref<2x5120x64xi32, #tpu.memory_space<hbm>> -> memref<1x8x64xi32, #tpu.memory_space<hbm>>
        %dma_start3A_1481 = tpu.memref_squeeze %dma_start3A_1480 : memref<1x8x64xi32, #tpu.memory_space<hbm>> -> memref<8x64xi32, #tpu.memory_space<hbm>>
        tpu.enqueue_dma source(%dma_start3A_1481 : memref<8x64xi32, #tpu.memory_space<hbm>>) target(%dma_start3A_1478 : memref<8x64xi32, #tpu.memory_space<vmem>>) target_semaphore(%arg22 : memref<!tpu.dma_semaphore, #tpu.memory_space<semaphore_mem>>)
        %dma_start3A_1482 = arith.constant 0 : i32
        %dma_start3A_1483 = arith.constant 0 : i32
        %dma_start3A_1484 = arith.constant 0 : i32
        %dma_start3A_1485 = tpu.memref_slice %arg8[%select_n3A_1466, %dma_start3A_1483, %dma_start3A_1484] : memref<2x8x64xi32, #tpu.memory_space<vmem>> -> memref<1x8x64xi32, #tpu.memory_space<vmem>>
        %dma_start3A_1486 = tpu.memref_squeeze %dma_start3A_1485 : memref<1x8x64xi32, #tpu.memory_space<vmem>> -> memref<8x64xi32, #tpu.memory_space<vmem>>
        %dma_start3A_1487 = arith.constant 0 : i32
        %dma_start3A_1488 = tpu.memref_slice %arg3[%dma_start3A_1482, %multiple_of3A_1450, %dma_start3A_1487] : memref<2x5120x64xi32, #tpu.memory_space<hbm>> -> memref<1x8x64xi32, #tpu.memory_space<hbm>>
        %dma_start3A_1489 = tpu.memref_squeeze %dma_start3A_1488 : memref<1x8x64xi32, #tpu.memory_space<hbm>> -> memref<8x64xi32, #tpu.memory_space<hbm>>
        %dma_start3A_1490 = arith.constant 0 : i32
        %dma_start3A_1491 = arith.constant 0 : i32
        %dma_start3A_1492 = tpu.memref_slice %arg8[%select_n3A_1466, %dma_start3A_1490, %dma_start3A_1491] : memref<2x8x64xi32, #tpu.memory_space<vmem>> -> memref<1x8x64xi32, #tpu.memory_space<vmem>>
        %dma_start3A_1493 = tpu.memref_squeeze %dma_start3A_1492 : memref<1x8x64xi32, #tpu.memory_space<vmem>> -> memref<8x64xi32, #tpu.memory_space<vmem>>
        %dma_start3A_1494 = arith.constant 0 : i32
        %dma_start3A_1495 = tpu.memref_slice %arg3[%dma_start3A_1482, %multiple_of3A_1450, %dma_start3A_1494] : memref<2x5120x64xi32, #tpu.memory_space<hbm>> -> memref<1x8x64xi32, #tpu.memory_space<hbm>>
        %dma_start3A_1496 = tpu.memref_squeeze %dma_start3A_1495 : memref<1x8x64xi32, #tpu.memory_space<hbm>> -> memref<8x64xi32, #tpu.memory_space<hbm>>
        tpu.enqueue_dma source(%dma_start3A_1496 : memref<8x64xi32, #tpu.memory_space<hbm>>) target(%dma_start3A_1493 : memref<8x64xi32, #tpu.memory_space<vmem>>) target_semaphore(%arg22 : memref<!tpu.dma_semaphore, #tpu.memory_space<semaphore_mem>>)
        %dma_start3A_1497 = arith.constant 0 : i32
        %dma_start3A_1498 = arith.constant 0 : i32
        %dma_start3A_1499 = tpu.memref_slice %arg9[%select_n3A_1466, %dma_start3A_1497, %dma_start3A_1498] : memref<2x8x64xf32, #tpu.memory_space<vmem>> -> memref<1x8x64xf32, #tpu.memory_space<vmem>>
        %dma_start3A_1500 = tpu.memref_squeeze %dma_start3A_1499 : memref<1x8x64xf32, #tpu.memory_space<vmem>> -> memref<8x64xf32, #tpu.memory_space<vmem>>
        %dma_start3A_1501 = arith.constant 0 : i32
        %dma_start3A_1502 = tpu.memref_slice %arg4[%multiple_of3A_1450, %dma_start3A_1501] : memref<5120x64xf32, #tpu.memory_space<hbm>> -> memref<8x64xf32, #tpu.memory_space<hbm>>
        %dma_start3A_1503 = arith.constant 0 : i32
        %dma_start3A_1504 = arith.constant 0 : i32
        %dma_start3A_1505 = tpu.memref_slice %arg9[%select_n3A_1466, %dma_start3A_1503, %dma_start3A_1504] : memref<2x8x64xf32, #tpu.memory_space<vmem>> -> memref<1x8x64xf32, #tpu.memory_space<vmem>>
        %dma_start3A_1506 = tpu.memref_squeeze %dma_start3A_1505 : memref<1x8x64xf32, #tpu.memory_space<vmem>> -> memref<8x64xf32, #tpu.memory_space<vmem>>
        %dma_start3A_1507 = arith.constant 0 : i32
        %dma_start3A_1508 = tpu.memref_slice %arg4[%multiple_of3A_1450, %dma_start3A_1507] : memref<5120x64xf32, #tpu.memory_space<hbm>> -> memref<8x64xf32, #tpu.memory_space<hbm>>
        tpu.enqueue_dma source(%dma_start3A_1508 : memref<8x64xf32, #tpu.memory_space<hbm>>) target(%dma_start3A_1506 : memref<8x64xf32, #tpu.memory_space<vmem>>) target_semaphore(%arg22 : memref<!tpu.dma_semaphore, #tpu.memory_space<semaphore_mem>>)
      } else {
      }
      %dma_wait3A_617 = arith.constant 0 : i32
      %dma_wait3A_618 = arith.constant 0 : i32
      %dma_wait3A_619 = arith.constant 1 : i32
      %dma_wait3A_620 = arith.constant 0 : i32
      %dma_wait3A_621 = arith.constant 0 : i32
      %dma_wait3A_622 = tpu.memref_slice %arg10[%dma_wait3A_619, %dma_wait3A_620, %dma_wait3A_621] : memref<5x64x128xf32, #tpu.memory_space<vmem>> -> memref<1x64x128xf32, #tpu.memory_space<vmem>>
      %dma_wait3A_623 = tpu.memref_squeeze %dma_wait3A_622 : memref<1x64x128xf32, #tpu.memory_space<vmem>> -> memref<64x128xf32, #tpu.memory_space<vmem>>
      %dma_wait3A_624 = arith.constant 0 : i32
      %dma_wait3A_625 = tpu.memref_slice %arg7[%dma_wait3A_617, %dma_wait3A_618, %dma_wait3A_624] : memref<2x8x64xi32, #tpu.memory_space<vmem>> -> memref<1x1x64xi32, #tpu.memory_space<vmem>>
      %dma_wait3A_626 = tpu.memref_squeeze %dma_wait3A_625 : memref<1x1x64xi32, #tpu.memory_space<vmem>> -> memref<64xi32, #tpu.memory_space<vmem>>
      %dma_wait3A_627 = arith.constant 0 : i32
      %dma_wait3A_628 = arith.constant 0 : i32
      %dma_wait3A_629 = tpu.memref_slice %arg2[%dma_wait3A_627, %dma_wait3A_628] : memref<10000x128xf32, #tpu.memory_space<hbm>> -> memref<10000x128xf32, #tpu.memory_space<hbm>>
      tpu.wait_indirect_dma semaphore(%arg13 : memref<!tpu.dma_semaphore, #tpu.memory_space<semaphore_mem>>) src(%dma_wait3A_629 : memref<10000x128xf32, #tpu.memory_space<hbm>>) dst(%dma_wait3A_623 : memref<64x128xf32, #tpu.memory_space<vmem>>)
      %jit3A_630 = arith.constant 8 : i32
      %div3A_631 = arith.divsi %add3A_465, %jit3A_630 : i32
      %sign3A_632 = arith.constant 0 : i32
      %sign3A_633 = arith.cmpi sgt, %add3A_465, %sign3A_632 : i32
      %sign3A_634 = arith.extui %sign3A_633 : i1 to i32
      %sign3A_635 = arith.constant 0 : i32
      %sign3A_636 = arith.cmpi slt, %add3A_465, %sign3A_635 : i32
      %sign3A_637 = arith.extui %sign3A_636 : i1 to i32
      %sign3A_638 = arith.subi %sign3A_634, %sign3A_637 : i32
      %sign3A_639 = arith.constant 0 : i32
      %sign3A_640 = arith.cmpi sgt, %jit3A_630, %sign3A_639 : i32
      %sign3A_641 = arith.extui %sign3A_640 : i1 to i32
      %sign3A_642 = arith.constant 0 : i32
      %sign3A_643 = arith.cmpi slt, %jit3A_630, %sign3A_642 : i32
      %sign3A_644 = arith.extui %sign3A_643 : i1 to i32
      %sign3A_645 = arith.subi %sign3A_641, %sign3A_644 : i32
      %ne3A_646 = arith.cmpi ne, %sign3A_638, %sign3A_645 : i32
      %rem3A_647 = arith.remsi %add3A_465, %jit3A_630 : i32
      %ne3A_648 = arith.constant 0 : i32
      %ne3A_649 = arith.cmpi ne, %rem3A_647, %ne3A_648 : i32
      %and3A_650 = arith.andi %ne3A_646, %ne3A_649 : i1
      %sub3A_651 = arith.constant 1 : i32
      %sub3A_652 = arith.subi %div3A_631, %sub3A_651 : i32
      %select_n3A_653 = arith.select %and3A_650, %sub3A_652, %div3A_631 : i32
      %jit3A_654 = arith.constant 2 : i32
      %eq3A_655 = arith.constant 0 : i32
      %eq3A_656 = arith.cmpi eq, %jit3A_654, %eq3A_655 : i32
      %jit3A_657 = arith.constant 1 : i32
      %select_n3A_658 = arith.select %eq3A_656, %jit3A_657, %jit3A_654 : i32
      %rem3A_659 = arith.remsi %select_n3A_653, %select_n3A_658 : i32
      %ne3A_660 = arith.constant 0 : i32
      %ne3A_661 = arith.cmpi ne, %rem3A_659, %ne3A_660 : i32
      %lt3A_662 = arith.constant 0 : i32
      %lt3A_663 = arith.cmpi slt, %rem3A_659, %lt3A_662 : i32
      %lt3A_664 = arith.constant 0 : i32
      %lt3A_665 = arith.cmpi slt, %select_n3A_658, %lt3A_664 : i32
      %ne3A_666 = arith.xori %lt3A_663, %lt3A_665 : i1
      %and3A_667 = arith.andi %ne3A_666, %ne3A_661 : i1
      %add3A_668 = arith.addi %rem3A_659, %select_n3A_658 : i32
      %select_n3A_669 = arith.select %and3A_667, %add3A_668, %rem3A_659 : i32
      %broadcast_in_dim3A_670 = vector.broadcast %select_n3A_669 : i32 to vector<16xi32>
      %jit3A_671 = arith.constant 8 : i32
      %eq3A_672 = arith.constant 0 : i32
      %eq3A_673 = arith.cmpi eq, %jit3A_671, %eq3A_672 : i32
      %jit3A_674 = arith.constant 1 : i32
      %select_n3A_675 = arith.select %eq3A_673, %jit3A_674, %jit3A_671 : i32
      %rem3A_676 = arith.remsi %add3A_465, %select_n3A_675 : i32
      %ne3A_677 = arith.constant 0 : i32
      %ne3A_678 = arith.cmpi ne, %rem3A_676, %ne3A_677 : i32
      %lt3A_679 = arith.constant 0 : i32
      %lt3A_680 = arith.cmpi slt, %rem3A_676, %lt3A_679 : i32
      %lt3A_681 = arith.constant 0 : i32
      %lt3A_682 = arith.cmpi slt, %select_n3A_675, %lt3A_681 : i32
      %ne3A_683 = arith.xori %lt3A_680, %lt3A_682 : i1
      %and3A_684 = arith.andi %ne3A_683, %ne3A_678 : i1
      %add3A_685 = arith.addi %rem3A_676, %select_n3A_675 : i32
      %select_n3A_686 = arith.select %and3A_684, %add3A_685, %rem3A_676 : i32
      %broadcast_in_dim3A_687 = vector.broadcast %select_n3A_686 : i32 to vector<16xi32>
      %parallel_loop3A_688 = arith.constant 0 : i32
      %parallel_loop3A_689 = arith.constant 64 : i32
      %parallel_loop3A_690 = arith.constant 1 : i32
      scf.for %parallel_loop3A_1415 = %parallel_loop3A_688 to %parallel_loop3A_689 step %parallel_loop3A_690  : i32 {
        %parallel_loop3A_1416 = vector.broadcast %parallel_loop3A_1415 : i32 to vector<16xi32>
        %parallel_loop3A_1417 = tpu.vector_load_idx %arg9[%broadcast_in_dim3A_670, %broadcast_in_dim3A_687, %parallel_loop3A_1416] : memref<2x8x64xf32, #tpu.memory_space<vmem>>[vector<16xi32>, vector<16xi32>, vector<16xi32>], vector<16xf32>,
        %parallel_loop3A_1418 = arith.constant 1 : i32
        %parallel_loop3A_1419 = arith.index_cast %parallel_loop3A_1418 : i32 to index
        %parallel_loop3A_1420 = arith.index_cast %parallel_loop3A_1415 : i32 to index
        %parallel_loop3A_1421 = arith.constant 0 : index
        %parallel_loop3A_1422 = tpu.vector_load %arg10[%parallel_loop3A_1419, %parallel_loop3A_1420, %parallel_loop3A_1421] {strides = array<i32>} : memref<5x64x128xf32, #tpu.memory_space<vmem>>, vector<16xf32>,
        %parallel_loop3A_1423 = arith.mulf %parallel_loop3A_1422, %parallel_loop3A_1417 : vector<16xf32>
        %parallel_loop3A_1424 = arith.constant 1 : i32
        %parallel_loop3A_1425 = arith.index_cast %parallel_loop3A_1424 : i32 to index
        %parallel_loop3A_1426 = arith.index_cast %parallel_loop3A_1415 : i32 to index
        %parallel_loop3A_1427 = arith.constant 0 : index
        %parallel_loop3A_1428 = tpu.vector_load %arg10[%parallel_loop3A_1425, %parallel_loop3A_1426, %parallel_loop3A_1427] {strides = array<i32>} : memref<5x64x128xf32, #tpu.memory_space<vmem>>, vector<16xf32>,
        tpu.vector_store %arg10[%parallel_loop3A_1425, %parallel_loop3A_1426, %parallel_loop3A_1427], %parallel_loop3A_1423 {strides = array<i32>} : memref<5x64x128xf32, #tpu.memory_space<vmem>>, vector<16xf32>,
        %parallel_loop3A_1429 = arith.constant 1 : i32
        %parallel_loop3A_1430 = arith.index_cast %parallel_loop3A_1429 : i32 to index
        %parallel_loop3A_1431 = arith.index_cast %parallel_loop3A_1415 : i32 to index
        %parallel_loop3A_1432 = arith.constant 16 : index
        %parallel_loop3A_1433 = tpu.vector_load %arg10[%parallel_loop3A_1430, %parallel_loop3A_1431, %parallel_loop3A_1432] {strides = array<i32>} : memref<5x64x128xf32, #tpu.memory_space<vmem>>, vector<16xf32>,
        %parallel_loop3A_1434 = arith.mulf %parallel_loop3A_1433, %parallel_loop3A_1417 : vector<16xf32>
        %parallel_loop3A_1435 = arith.constant 1 : i32
        %parallel_loop3A_1436 = arith.index_cast %parallel_loop3A_1435 : i32 to index
        %parallel_loop3A_1437 = arith.index_cast %parallel_loop3A_1415 : i32 to index
        %parallel_loop3A_1438 = arith.constant 16 : index
        %parallel_loop3A_1439 = tpu.vector_load %arg10[%parallel_loop3A_1436, %parallel_loop3A_1437, %parallel_loop3A_1438] {strides = array<i32>} : memref<5x64x128xf32, #tpu.memory_space<vmem>>, vector<16xf32>,
        tpu.vector_store %arg10[%parallel_loop3A_1436, %parallel_loop3A_1437, %parallel_loop3A_1438], %parallel_loop3A_1434 {strides = array<i32>} : memref<5x64x128xf32, #tpu.memory_space<vmem>>, vector<16xf32>,
        %parallel_loop3A_1440 = arith.constant 1 : i32
        %parallel_loop3A_1441 = arith.index_cast %parallel_loop3A_1440 : i32 to index
        %parallel_loop3A_1442 = arith.index_cast %parallel_loop3A_1415 : i32 to index
        %parallel_loop3A_1443 = arith.constant 32 : index
        %parallel_loop3A_1444 = tpu.vector_load %arg10[%parallel_loop3A_1441, %parallel_loop3A_1442, %parallel_loop3A_1443] {strides = array<i32>} : memref<5x64x128xf32, #tpu.memory_space<vmem>>, vector<16xf32>,
        %parallel_loop3A_1445 = arith.mulf %parallel_loop3A_1444, %parallel_loop3A_1417 : vector<16xf32>
        %parallel_loop3A_1446 = arith.constant 1 : i32
        %parallel_loop3A_1447 = arith.index_cast %parallel_loop3A_1446 : i32 to index
        %parallel_loop3A_1448 = arith.index_cast %parallel_loop3A_1415 : i32 to index
        %parallel_loop3A_1449 = arith.constant 32 : index
        %parallel_loop3A_1450 = tpu.vector_load %arg10[%parallel_loop3A_1447, %parallel_loop3A_1448, %parallel_loop3A_1449] {strides = array<i32>} : memref<5x64x128xf32, #tpu.memory_space<vmem>>, vector<16xf32>,
        tpu.vector_store %arg10[%parallel_loop3A_1447, %parallel_loop3A_1448, %parallel_loop3A_1449], %parallel_loop3A_1445 {strides = array<i32>} : memref<5x64x128xf32, #tpu.memory_space<vmem>>, vector<16xf32>,
        %parallel_loop3A_1451 = arith.constant 1 : i32
        %parallel_loop3A_1452 = arith.index_cast %parallel_loop3A_1451 : i32 to index
        %parallel_loop3A_1453 = arith.index_cast %parallel_loop3A_1415 : i32 to index
        %parallel_loop3A_1454 = arith.constant 48 : index
        %parallel_loop3A_1455 = tpu.vector_load %arg10[%parallel_loop3A_1452, %parallel_loop3A_1453, %parallel_loop3A_1454] {strides = array<i32>} : memref<5x64x128xf32, #tpu.memory_space<vmem>>, vector<16xf32>,
        %parallel_loop3A_1456 = arith.mulf %parallel_loop3A_1455, %parallel_loop3A_1417 : vector<16xf32>
        %parallel_loop3A_1457 = arith.constant 1 : i32
        %parallel_loop3A_1458 = arith.index_cast %parallel_loop3A_1457 : i32 to index
        %parallel_loop3A_1459 = arith.index_cast %parallel_loop3A_1415 : i32 to index
        %parallel_loop3A_1460 = arith.constant 48 : index
        %parallel_loop3A_1461 = tpu.vector_load %arg10[%parallel_loop3A_1458, %parallel_loop3A_1459, %parallel_loop3A_1460] {strides = array<i32>} : memref<5x64x128xf32, #tpu.memory_space<vmem>>, vector<16xf32>,
        tpu.vector_store %arg10[%parallel_loop3A_1458, %parallel_loop3A_1459, %parallel_loop3A_1460], %parallel_loop3A_1456 {strides = array<i32>} : memref<5x64x128xf32, #tpu.memory_space<vmem>>, vector<16xf32>,
        %parallel_loop3A_1462 = arith.constant 1 : i32
        %parallel_loop3A_1463 = arith.index_cast %parallel_loop3A_1462 : i32 to index
        %parallel_loop3A_1464 = arith.index_cast %parallel_loop3A_1415 : i32 to index
        %parallel_loop3A_1465 = arith.constant 64 : index
        %parallel_loop3A_1466 = tpu.vector_load %arg10[%parallel_loop3A_1463, %parallel_loop3A_1464, %parallel_loop3A_1465] {strides = array<i32>} : memref<5x64x128xf32, #tpu.memory_space<vmem>>, vector<16xf32>,
        %parallel_loop3A_1467 = arith.mulf %parallel_loop3A_1466, %parallel_loop3A_1417 : vector<16xf32>
        %parallel_loop3A_1468 = arith.constant 1 : i32
        %parallel_loop3A_1469 = arith.index_cast %parallel_loop3A_1468 : i32 to index
        %parallel_loop3A_1470 = arith.index_cast %parallel_loop3A_1415 : i32 to index
        %parallel_loop3A_1471 = arith.constant 64 : index
        %parallel_loop3A_1472 = tpu.vector_load %arg10[%parallel_loop3A_1469, %parallel_loop3A_1470, %parallel_loop3A_1471] {strides = array<i32>} : memref<5x64x128xf32, #tpu.memory_space<vmem>>, vector<16xf32>,
        tpu.vector_store %arg10[%parallel_loop3A_1469, %parallel_loop3A_1470, %parallel_loop3A_1471], %parallel_loop3A_1467 {strides = array<i32>} : memref<5x64x128xf32, #tpu.memory_space<vmem>>, vector<16xf32>,
        %parallel_loop3A_1473 = arith.constant 1 : i32
        %parallel_loop3A_1474 = arith.index_cast %parallel_loop3A_1473 : i32 to index
        %parallel_loop3A_1475 = arith.index_cast %parallel_loop3A_1415 : i32 to index
        %parallel_loop3A_1476 = arith.constant 80 : index
        %parallel_loop3A_1477 = tpu.vector_load %arg10[%parallel_loop3A_1474, %parallel_loop3A_1475, %parallel_loop3A_1476] {strides = array<i32>} : memref<5x64x128xf32, #tpu.memory_space<vmem>>, vector<16xf32>,
        %parallel_loop3A_1478 = arith.mulf %parallel_loop3A_1477, %parallel_loop3A_1417 : vector<16xf32>
        %parallel_loop3A_1479 = arith.constant 1 : i32
        %parallel_loop3A_1480 = arith.index_cast %parallel_loop3A_1479 : i32 to index
        %parallel_loop3A_1481 = arith.index_cast %parallel_loop3A_1415 : i32 to index
        %parallel_loop3A_1482 = arith.constant 80 : index
        %parallel_loop3A_1483 = tpu.vector_load %arg10[%parallel_loop3A_1480, %parallel_loop3A_1481, %parallel_loop3A_1482] {strides = array<i32>} : memref<5x64x128xf32, #tpu.memory_space<vmem>>, vector<16xf32>,
        tpu.vector_store %arg10[%parallel_loop3A_1480, %parallel_loop3A_1481, %parallel_loop3A_1482], %parallel_loop3A_1478 {strides = array<i32>} : memref<5x64x128xf32, #tpu.memory_space<vmem>>, vector<16xf32>,
        %parallel_loop3A_1484 = arith.constant 1 : i32
        %parallel_loop3A_1485 = arith.index_cast %parallel_loop3A_1484 : i32 to index
        %parallel_loop3A_1486 = arith.index_cast %parallel_loop3A_1415 : i32 to index
        %parallel_loop3A_1487 = arith.constant 96 : index
        %parallel_loop3A_1488 = tpu.vector_load %arg10[%parallel_loop3A_1485, %parallel_loop3A_1486, %parallel_loop3A_1487] {strides = array<i32>} : memref<5x64x128xf32, #tpu.memory_space<vmem>>, vector<16xf32>,
        %parallel_loop3A_1489 = arith.mulf %parallel_loop3A_1488, %parallel_loop3A_1417 : vector<16xf32>
        %parallel_loop3A_1490 = arith.constant 1 : i32
        %parallel_loop3A_1491 = arith.index_cast %parallel_loop3A_1490 : i32 to index
        %parallel_loop3A_1492 = arith.index_cast %parallel_loop3A_1415 : i32 to index
        %parallel_loop3A_1493 = arith.constant 96 : index
        %parallel_loop3A_1494 = tpu.vector_load %arg10[%parallel_loop3A_1491, %parallel_loop3A_1492, %parallel_loop3A_1493] {strides = array<i32>} : memref<5x64x128xf32, #tpu.memory_space<vmem>>, vector<16xf32>,
        tpu.vector_store %arg10[%parallel_loop3A_1491, %parallel_loop3A_1492, %parallel_loop3A_1493], %parallel_loop3A_1489 {strides = array<i32>} : memref<5x64x128xf32, #tpu.memory_space<vmem>>, vector<16xf32>,
        %parallel_loop3A_1495 = arith.constant 1 : i32
        %parallel_loop3A_1496 = arith.index_cast %parallel_loop3A_1495 : i32 to index
        %parallel_loop3A_1497 = arith.index_cast %parallel_loop3A_1415 : i32 to index
        %parallel_loop3A_1498 = arith.constant 112 : index
        %parallel_loop3A_1499 = tpu.vector_load %arg10[%parallel_loop3A_1496, %parallel_loop3A_1497, %parallel_loop3A_1498] {strides = array<i32>} : memref<5x64x128xf32, #tpu.memory_space<vmem>>, vector<16xf32>,
        %parallel_loop3A_1500 = arith.mulf %parallel_loop3A_1499, %parallel_loop3A_1417 : vector<16xf32>
        %parallel_loop3A_1501 = arith.constant 1 : i32
        %parallel_loop3A_1502 = arith.index_cast %parallel_loop3A_1501 : i32 to index
        %parallel_loop3A_1503 = arith.index_cast %parallel_loop3A_1415 : i32 to index
        %parallel_loop3A_1504 = arith.constant 112 : index
        %parallel_loop3A_1505 = tpu.vector_load %arg10[%parallel_loop3A_1502, %parallel_loop3A_1503, %parallel_loop3A_1504] {strides = array<i32>} : memref<5x64x128xf32, #tpu.memory_space<vmem>>, vector<16xf32>,
        tpu.vector_store %arg10[%parallel_loop3A_1502, %parallel_loop3A_1503, %parallel_loop3A_1504], %parallel_loop3A_1500 {strides = array<i32>} : memref<5x64x128xf32, #tpu.memory_space<vmem>>, vector<16xf32>,
      } {sc.loop_unroll_factor = 4 : i64, sc.parallel_access}
      %jit3A_691 = arith.constant 8 : i32
      %div3A_692 = arith.divsi %add3A_465, %jit3A_691 : i32
      %sign3A_693 = arith.constant 0 : i32
      %sign3A_694 = arith.cmpi sgt, %add3A_465, %sign3A_693 : i32
      %sign3A_695 = arith.extui %sign3A_694 : i1 to i32
      %sign3A_696 = arith.constant 0 : i32
      %sign3A_697 = arith.cmpi slt, %add3A_465, %sign3A_696 : i32
      %sign3A_698 = arith.extui %sign3A_697 : i1 to i32
      %sign3A_699 = arith.subi %sign3A_695, %sign3A_698 : i32
      %sign3A_700 = arith.constant 0 : i32
      %sign3A_701 = arith.cmpi sgt, %jit3A_691, %sign3A_700 : i32
      %sign3A_702 = arith.extui %sign3A_701 : i1 to i32
      %sign3A_703 = arith.constant 0 : i32
      %sign3A_704 = arith.cmpi slt, %jit3A_691, %sign3A_703 : i32
      %sign3A_705 = arith.extui %sign3A_704 : i1 to i32
      %sign3A_706 = arith.subi %sign3A_702, %sign3A_705 : i32
      %ne3A_707 = arith.cmpi ne, %sign3A_699, %sign3A_706 : i32
      %rem3A_708 = arith.remsi %add3A_465, %jit3A_691 : i32
      %ne3A_709 = arith.constant 0 : i32
      %ne3A_710 = arith.cmpi ne, %rem3A_708, %ne3A_709 : i32
      %and3A_711 = arith.andi %ne3A_707, %ne3A_710 : i1
      %sub3A_712 = arith.constant 1 : i32
      %sub3A_713 = arith.subi %div3A_692, %sub3A_712 : i32
      %select_n3A_714 = arith.select %and3A_711, %sub3A_713, %div3A_692 : i32
      %jit3A_715 = arith.constant 2 : i32
      %eq3A_716 = arith.constant 0 : i32
      %eq3A_717 = arith.cmpi eq, %jit3A_715, %eq3A_716 : i32
      %jit3A_718 = arith.constant 1 : i32
      %select_n3A_719 = arith.select %eq3A_717, %jit3A_718, %jit3A_715 : i32
      %rem3A_720 = arith.remsi %select_n3A_714, %select_n3A_719 : i32
      %ne3A_721 = arith.constant 0 : i32
      %ne3A_722 = arith.cmpi ne, %rem3A_720, %ne3A_721 : i32
      %lt3A_723 = arith.constant 0 : i32
      %lt3A_724 = arith.cmpi slt, %rem3A_720, %lt3A_723 : i32
      %lt3A_725 = arith.constant 0 : i32
      %lt3A_726 = arith.cmpi slt, %select_n3A_719, %lt3A_725 : i32
      %ne3A_727 = arith.xori %lt3A_724, %lt3A_726 : i1
      %and3A_728 = arith.andi %ne3A_727, %ne3A_722 : i1
      %add3A_729 = arith.addi %rem3A_720, %select_n3A_719 : i32
      %select_n3A_730 = arith.select %and3A_728, %add3A_729, %rem3A_720 : i32
      %jit3A_731 = arith.constant 8 : i32
      %eq3A_732 = arith.constant 0 : i32
      %eq3A_733 = arith.cmpi eq, %jit3A_731, %eq3A_732 : i32
      %jit3A_734 = arith.constant 1 : i32
      %select_n3A_735 = arith.select %eq3A_733, %jit3A_734, %jit3A_731 : i32
      %rem3A_736 = arith.remsi %add3A_465, %select_n3A_735 : i32
      %ne3A_737 = arith.constant 0 : i32
      %ne3A_738 = arith.cmpi ne, %rem3A_736, %ne3A_737 : i32
      %lt3A_739 = arith.constant 0 : i32
      %lt3A_740 = arith.cmpi slt, %rem3A_736, %lt3A_739 : i32
      %lt3A_741 = arith.constant 0 : i32
      %lt3A_742 = arith.cmpi slt, %select_n3A_735, %lt3A_741 : i32
      %ne3A_743 = arith.xori %lt3A_740, %lt3A_742 : i1
      %and3A_744 = arith.andi %ne3A_743, %ne3A_738 : i1
      %add3A_745 = arith.addi %rem3A_736, %select_n3A_735 : i32
      %select_n3A_746 = arith.select %and3A_744, %add3A_745, %rem3A_736 : i32
      %dma_start3A_747 = arith.constant 1 : i32
      %dma_start3A_748 = arith.constant 0 : i32
      %dma_start3A_749 = arith.constant 0 : i32
      %dma_start3A_750 = tpu.memref_slice %arg10[%dma_start3A_747, %dma_start3A_748, %dma_start3A_749] : memref<5x64x128xf32, #tpu.memory_space<vmem>> -> memref<1x64x128xf32, #tpu.memory_space<vmem>>
      %dma_start3A_751 = tpu.memref_squeeze %dma_start3A_750 : memref<1x64x128xf32, #tpu.memory_space<vmem>> -> memref<64x128xf32, #tpu.memory_space<vmem>>
      %dma_start3A_752 = arith.constant 0 : i32
      %dma_start3A_753 = tpu.memref_slice %arg8[%select_n3A_730, %select_n3A_746, %dma_start3A_752] : memref<2x8x64xi32, #tpu.memory_space<vmem>> -> memref<1x1x64xi32, #tpu.memory_space<vmem>>
      %dma_start3A_754 = tpu.memref_squeeze %dma_start3A_753 : memref<1x1x64xi32, #tpu.memory_space<vmem>> -> memref<64xi32, #tpu.memory_space<vmem>>
      %dma_start3A_755 = arith.constant 0 : i32
      %dma_start3A_756 = arith.constant 0 : i32
      %dma_start3A_757 = tpu.memref_slice %arg11[%dma_start3A_755, %dma_start3A_756] : memref<10000x128xf32, #tpu.memory_space<vmem_shared>> -> memref<10000x128xf32, #tpu.memory_space<vmem_shared>>
      tpu.enqueue_indirect_dma source(%dma_start3A_751 : memref<64x128xf32, #tpu.memory_space<vmem>>) target(%dma_start3A_757 : memref<10000x128xf32, #tpu.memory_space<vmem_shared>>) offsets(%dma_start3A_754 : memref<64xi32, #tpu.memory_space<vmem>>) semaphore(%arg18 : memref<!tpu.dma_semaphore, #tpu.memory_space<semaphore_mem>>) {add = true}
      %mul3A_758 = arith.constant 5 : i32
      %mul3A_759 = arith.muli %scan3A_177, %mul3A_758 : i32
      %add3A_760 = arith.constant 2 : i32
      %add3A_761 = arith.addi %mul3A_759, %add3A_760 : i32
      %dma_wait3A_762 = arith.constant 0 : i32
      %dma_wait3A_763 = arith.constant 0 : i32
      %dma_wait3A_764 = arith.constant 0 : i32
      %dma_wait3A_765 = arith.constant 0 : i32
      %dma_wait3A_766 = arith.constant 0 : i32
      %dma_wait3A_767 = tpu.memref_slice %arg10[%dma_wait3A_762, %dma_wait3A_765, %dma_wait3A_766] : memref<5x64x128xf32, #tpu.memory_space<vmem>> -> memref<1x64x128xf32, #tpu.memory_space<vmem>>
      %dma_wait3A_768 = tpu.memref_squeeze %dma_wait3A_767 : memref<1x64x128xf32, #tpu.memory_space<vmem>> -> memref<64x128xf32, #tpu.memory_space<vmem>>
      %dma_wait3A_769 = arith.constant 0 : i32
      %dma_wait3A_770 = tpu.memref_slice %arg8[%dma_wait3A_763, %dma_wait3A_764, %dma_wait3A_769] : memref<2x8x64xi32, #tpu.memory_space<vmem>> -> memref<1x1x64xi32, #tpu.memory_space<vmem>>
      %dma_wait3A_771 = tpu.memref_squeeze %dma_wait3A_770 : memref<1x1x64xi32, #tpu.memory_space<vmem>> -> memref<64xi32, #tpu.memory_space<vmem>>
      %dma_wait3A_772 = arith.constant 0 : i32
      %dma_wait3A_773 = arith.constant 0 : i32
      %dma_wait3A_774 = tpu.memref_slice %arg11[%dma_wait3A_772, %dma_wait3A_773] : memref<10000x128xf32, #tpu.memory_space<vmem_shared>> -> memref<10000x128xf32, #tpu.memory_space<vmem_shared>>
      tpu.wait_indirect_dma semaphore(%arg17 : memref<!tpu.dma_semaphore, #tpu.memory_space<semaphore_mem>>) src(%dma_wait3A_768 : memref<64x128xf32, #tpu.memory_space<vmem>>) dst(%dma_wait3A_774 : memref<10000x128xf32, #tpu.memory_space<vmem_shared>>)
      %lt3A_775 = arith.constant 31 : i32
      %lt3A_776 = arith.cmpi slt, %scan3A_177, %lt3A_775 : i32
      %convert_element_type3A_777 = arith.extui %lt3A_776 : i1 to i32
      %cond3A_778 = arith.constant 0 : i32
      %cond3A_779 = arith.cmpi ne, %convert_element_type3A_777, %cond3A_778 : i32
      scf.if %cond3A_779 {
        %jit3A_1415 = arith.constant 8 : i32
        %eq3A_1416 = arith.constant 0 : i32
        %eq3A_1417 = arith.cmpi eq, %jit3A_1415, %eq3A_1416 : i32
        %jit3A_1418 = arith.constant 1 : i32
        %select_n3A_1419 = arith.select %eq3A_1417, %jit3A_1418, %jit3A_1415 : i32
        %rem3A_1420 = arith.remsi %scan3A_177, %select_n3A_1419 : i32
        %ne3A_1421 = arith.constant 0 : i32
        %ne3A_1422 = arith.cmpi ne, %rem3A_1420, %ne3A_1421 : i32
        %lt3A_1423 = arith.constant 0 : i32
        %lt3A_1424 = arith.cmpi slt, %rem3A_1420, %lt3A_1423 : i32
        %lt3A_1425 = arith.constant 0 : i32
        %lt3A_1426 = arith.cmpi slt, %select_n3A_1419, %lt3A_1425 : i32
        %ne3A_1427 = arith.xori %lt3A_1424, %lt3A_1426 : i1
        %and3A_1428 = arith.andi %ne3A_1427, %ne3A_1422 : i1
        %add3A_1429 = arith.addi %rem3A_1420, %select_n3A_1419 : i32
        %select_n3A_1430 = arith.select %and3A_1428, %add3A_1429, %rem3A_1420 : i32
        %eq3A_1431 = arith.constant 7 : i32
        %eq3A_1432 = arith.cmpi eq, %select_n3A_1430, %eq3A_1431 : i32
        %convert_element_type3A_1433 = arith.extui %eq3A_1432 : i1 to i32
        %cond3A_1434 = arith.constant 0 : i32
        %cond3A_1435 = arith.cmpi ne, %convert_element_type3A_1433, %cond3A_1434 : i32
        scf.if %cond3A_1435 {
          %dma_wait3A_1505 = arith.constant 0 : i32
          %dma_wait3A_1506 = arith.constant 0 : i32
          %dma_wait3A_1507 = arith.constant 0 : i32
          %dma_wait3A_1508 = arith.constant 0 : i32
          %dma_wait3A_1509 = tpu.memref_slice %arg7[%dma_wait3A_1506, %dma_wait3A_1507, %dma_wait3A_1508] : memref<2x8x64xi32, #tpu.memory_space<vmem>> -> memref<1x8x64xi32, #tpu.memory_space<vmem>>
          %dma_wait3A_1510 = tpu.memref_squeeze %dma_wait3A_1509 : memref<1x8x64xi32, #tpu.memory_space<vmem>> -> memref<8x64xi32, #tpu.memory_space<vmem>>
          %dma_wait3A_1511 = arith.constant 0 : i32
          %dma_wait3A_1512 = tpu.memref_slice %arg3[%dma_wait3A_1505, %mul3A_2, %dma_wait3A_1511] : memref<2x5120x64xi32, #tpu.memory_space<hbm>> -> memref<1x8x64xi32, #tpu.memory_space<hbm>>
          %dma_wait3A_1513 = tpu.memref_squeeze %dma_wait3A_1512 : memref<1x8x64xi32, #tpu.memory_space<hbm>> -> memref<8x64xi32, #tpu.memory_space<hbm>>
          %dma_wait3A_1514 = arith.constant 0 : i32
          %dma_wait3A_1515 = arith.constant 0 : i32
          %dma_wait3A_1516 = tpu.memref_slice %arg7[%dma_wait3A_1506, %dma_wait3A_1514, %dma_wait3A_1515] : memref<2x8x64xi32, #tpu.memory_space<vmem>> -> memref<1x8x64xi32, #tpu.memory_space<vmem>>
          %dma_wait3A_1517 = tpu.memref_squeeze %dma_wait3A_1516 : memref<1x8x64xi32, #tpu.memory_space<vmem>> -> memref<8x64xi32, #tpu.memory_space<vmem>>
          %dma_wait3A_1518 = arith.constant 0 : i32
          %dma_wait3A_1519 = tpu.memref_slice %arg3[%dma_wait3A_1505, %mul3A_2, %dma_wait3A_1518] : memref<2x5120x64xi32, #tpu.memory_space<hbm>> -> memref<1x8x64xi32, #tpu.memory_space<hbm>>
          %dma_wait3A_1520 = tpu.memref_squeeze %dma_wait3A_1519 : memref<1x8x64xi32, #tpu.memory_space<hbm>> -> memref<8x64xi32, #tpu.memory_space<hbm>>
          tpu.wait_dma2 semaphore(%arg22 : memref<!tpu.dma_semaphore, #tpu.memory_space<semaphore_mem>>) src(%dma_wait3A_1520 : memref<8x64xi32, #tpu.memory_space<hbm>>) dst(%dma_wait3A_1517 : memref<8x64xi32, #tpu.memory_space<vmem>>)
          %dma_wait3A_1521 = arith.constant 0 : i32
          %dma_wait3A_1522 = arith.constant 0 : i32
          %dma_wait3A_1523 = arith.constant 0 : i32
          %dma_wait3A_1524 = arith.constant 0 : i32
          %dma_wait3A_1525 = tpu.memref_slice %arg8[%dma_wait3A_1522, %dma_wait3A_1523, %dma_wait3A_1524] : memref<2x8x64xi32, #tpu.memory_space<vmem>> -> memref<1x8x64xi32, #tpu.memory_space<vmem>>
          %dma_wait3A_1526 = tpu.memref_squeeze %dma_wait3A_1525 : memref<1x8x64xi32, #tpu.memory_space<vmem>> -> memref<8x64xi32, #tpu.memory_space<vmem>>
          %dma_wait3A_1527 = arith.constant 0 : i32
          %dma_wait3A_1528 = tpu.memref_slice %arg3[%dma_wait3A_1521, %mul3A_2, %dma_wait3A_1527] : memref<2x5120x64xi32, #tpu.memory_space<hbm>> -> memref<1x8x64xi32, #tpu.memory_space<hbm>>
          %dma_wait3A_1529 = tpu.memref_squeeze %dma_wait3A_1528 : memref<1x8x64xi32, #tpu.memory_space<hbm>> -> memref<8x64xi32, #tpu.memory_space<hbm>>
          %dma_wait3A_1530 = arith.constant 0 : i32
          %dma_wait3A_1531 = arith.constant 0 : i32
          %dma_wait3A_1532 = tpu.memref_slice %arg8[%dma_wait3A_1522, %dma_wait3A_1530, %dma_wait3A_1531] : memref<2x8x64xi32, #tpu.memory_space<vmem>> -> memref<1x8x64xi32, #tpu.memory_space<vmem>>
          %dma_wait3A_1533 = tpu.memref_squeeze %dma_wait3A_1532 : memref<1x8x64xi32, #tpu.memory_space<vmem>> -> memref<8x64xi32, #tpu.memory_space<vmem>>
          %dma_wait3A_1534 = arith.constant 0 : i32
          %dma_wait3A_1535 = tpu.memref_slice %arg3[%dma_wait3A_1521, %mul3A_2, %dma_wait3A_1534] : memref<2x5120x64xi32, #tpu.memory_space<hbm>> -> memref<1x8x64xi32, #tpu.memory_space<hbm>>
          %dma_wait3A_1536 = tpu.memref_squeeze %dma_wait3A_1535 : memref<1x8x64xi32, #tpu.memory_space<hbm>> -> memref<8x64xi32, #tpu.memory_space<hbm>>
          tpu.wait_dma2 semaphore(%arg22 : memref<!tpu.dma_semaphore, #tpu.memory_space<semaphore_mem>>) src(%dma_wait3A_1536 : memref<8x64xi32, #tpu.memory_space<hbm>>) dst(%dma_wait3A_1533 : memref<8x64xi32, #tpu.memory_space<vmem>>)
          %dma_wait3A_1537 = arith.constant 0 : i32
          %dma_wait3A_1538 = arith.constant 0 : i32
          %dma_wait3A_1539 = arith.constant 0 : i32
          %dma_wait3A_1540 = arith.constant 0 : i32
          %dma_wait3A_1541 = tpu.memref_slice %arg9[%dma_wait3A_1538, %dma_wait3A_1539, %dma_wait3A_1540] : memref<2x8x64xf32, #tpu.memory_space<vmem>> -> memref<1x8x64xf32, #tpu.memory_space<vmem>>
          %dma_wait3A_1542 = tpu.memref_squeeze %dma_wait3A_1541 : memref<1x8x64xf32, #tpu.memory_space<vmem>> -> memref<8x64xf32, #tpu.memory_space<vmem>>
          %dma_wait3A_1543 = arith.constant 0 : i32
          %dma_wait3A_1544 = tpu.memref_slice %arg3[%dma_wait3A_1537, %mul3A_2, %dma_wait3A_1543] : memref<2x5120x64xi32, #tpu.memory_space<hbm>> -> memref<1x8x64xi32, #tpu.memory_space<hbm>>
          %dma_wait3A_1545 = tpu.memref_squeeze %dma_wait3A_1544 : memref<1x8x64xi32, #tpu.memory_space<hbm>> -> memref<8x64xi32, #tpu.memory_space<hbm>>
          %dma_wait3A_1546 = arith.constant 0 : i32
          %dma_wait3A_1547 = arith.constant 0 : i32
          %dma_wait3A_1548 = tpu.memref_slice %arg9[%dma_wait3A_1538, %dma_wait3A_1546, %dma_wait3A_1547] : memref<2x8x64xf32, #tpu.memory_space<vmem>> -> memref<1x8x64xf32, #tpu.memory_space<vmem>>
          %dma_wait3A_1549 = tpu.memref_squeeze %dma_wait3A_1548 : memref<1x8x64xf32, #tpu.memory_space<vmem>> -> memref<8x64xf32, #tpu.memory_space<vmem>>
          %dma_wait3A_1550 = arith.constant 0 : i32
          %dma_wait3A_1551 = tpu.memref_slice %arg3[%dma_wait3A_1537, %mul3A_2, %dma_wait3A_1550] : memref<2x5120x64xi32, #tpu.memory_space<hbm>> -> memref<1x8x64xi32, #tpu.memory_space<hbm>>
          %dma_wait3A_1552 = tpu.memref_squeeze %dma_wait3A_1551 : memref<1x8x64xi32, #tpu.memory_space<hbm>> -> memref<8x64xi32, #tpu.memory_space<hbm>>
          tpu.wait_dma2 semaphore(%arg22 : memref<!tpu.dma_semaphore, #tpu.memory_space<semaphore_mem>>) src(%dma_wait3A_1552 : memref<8x64xi32, #tpu.memory_space<hbm>>) dst(%dma_wait3A_1549 : memref<8x64xf32, #tpu.memory_space<vmem>>)
        } else {
        }
        %add3A_1436 = arith.constant 3 : i32
        %add3A_1437 = arith.addi %add3A_761, %add3A_1436 : i32
        %jit3A_1438 = arith.constant 8 : i32
        %div3A_1439 = arith.divsi %add3A_1437, %jit3A_1438 : i32
        %sign3A_1440 = arith.constant 0 : i32
        %sign3A_1441 = arith.cmpi sgt, %add3A_1437, %sign3A_1440 : i32
        %sign3A_1442 = arith.extui %sign3A_1441 : i1 to i32
        %sign3A_1443 = arith.constant 0 : i32
        %sign3A_1444 = arith.cmpi slt, %add3A_1437, %sign3A_1443 : i32
        %sign3A_1445 = arith.extui %sign3A_1444 : i1 to i32
        %sign3A_1446 = arith.subi %sign3A_1442, %sign3A_1445 : i32
        %sign3A_1447 = arith.constant 0 : i32
        %sign3A_1448 = arith.cmpi sgt, %jit3A_1438, %sign3A_1447 : i32
        %sign3A_1449 = arith.extui %sign3A_1448 : i1 to i32
        %sign3A_1450 = arith.constant 0 : i32
        %sign3A_1451 = arith.cmpi slt, %jit3A_1438, %sign3A_1450 : i32
        %sign3A_1452 = arith.extui %sign3A_1451 : i1 to i32
        %sign3A_1453 = arith.subi %sign3A_1449, %sign3A_1452 : i32
        %ne3A_1454 = arith.cmpi ne, %sign3A_1446, %sign3A_1453 : i32
        %rem3A_1455 = arith.remsi %add3A_1437, %jit3A_1438 : i32
        %ne3A_1456 = arith.constant 0 : i32
        %ne3A_1457 = arith.cmpi ne, %rem3A_1455, %ne3A_1456 : i32
        %and3A_1458 = arith.andi %ne3A_1454, %ne3A_1457 : i1
        %sub3A_1459 = arith.constant 1 : i32
        %sub3A_1460 = arith.subi %div3A_1439, %sub3A_1459 : i32
        %select_n3A_1461 = arith.select %and3A_1458, %sub3A_1460, %div3A_1439 : i32
        %jit3A_1462 = arith.constant 2 : i32
        %eq3A_1463 = arith.constant 0 : i32
        %eq3A_1464 = arith.cmpi eq, %jit3A_1462, %eq3A_1463 : i32
        %jit3A_1465 = arith.constant 1 : i32
        %select_n3A_1466 = arith.select %eq3A_1464, %jit3A_1465, %jit3A_1462 : i32
        %rem3A_1467 = arith.remsi %select_n3A_1461, %select_n3A_1466 : i32
        %ne3A_1468 = arith.constant 0 : i32
        %ne3A_1469 = arith.cmpi ne, %rem3A_1467, %ne3A_1468 : i32
        %lt3A_1470 = arith.constant 0 : i32
        %lt3A_1471 = arith.cmpi slt, %rem3A_1467, %lt3A_1470 : i32
        %lt3A_1472 = arith.constant 0 : i32
        %lt3A_1473 = arith.cmpi slt, %select_n3A_1466, %lt3A_1472 : i32
        %ne3A_1474 = arith.xori %lt3A_1471, %lt3A_1473 : i1
        %and3A_1475 = arith.andi %ne3A_1474, %ne3A_1469 : i1
        %add3A_1476 = arith.addi %rem3A_1467, %select_n3A_1466 : i32
        %select_n3A_1477 = arith.select %and3A_1475, %add3A_1476, %rem3A_1467 : i32
        %jit3A_1478 = arith.constant 8 : i32
        %eq3A_1479 = arith.constant 0 : i32
        %eq3A_1480 = arith.cmpi eq, %jit3A_1478, %eq3A_1479 : i32
        %jit3A_1481 = arith.constant 1 : i32
        %select_n3A_1482 = arith.select %eq3A_1480, %jit3A_1481, %jit3A_1478 : i32
        %rem3A_1483 = arith.remsi %add3A_1437, %select_n3A_1482 : i32
        %ne3A_1484 = arith.constant 0 : i32
        %ne3A_1485 = arith.cmpi ne, %rem3A_1483, %ne3A_1484 : i32
        %lt3A_1486 = arith.constant 0 : i32
        %lt3A_1487 = arith.cmpi slt, %rem3A_1483, %lt3A_1486 : i32
        %lt3A_1488 = arith.constant 0 : i32
        %lt3A_1489 = arith.cmpi slt, %select_n3A_1482, %lt3A_1488 : i32
        %ne3A_1490 = arith.xori %lt3A_1487, %lt3A_1489 : i1
        %and3A_1491 = arith.andi %ne3A_1490, %ne3A_1485 : i1
        %add3A_1492 = arith.addi %rem3A_1483, %select_n3A_1482 : i32
        %select_n3A_1493 = arith.select %and3A_1491, %add3A_1492, %rem3A_1483 : i32
        %dma_start3A_1494 = arith.constant 0 : i32
        %dma_start3A_1495 = arith.constant 0 : i32
        %dma_start3A_1496 = arith.constant 0 : i32
        %dma_start3A_1497 = tpu.memref_slice %arg10[%dma_start3A_1494, %dma_start3A_1495, %dma_start3A_1496] : memref<5x64x128xf32, #tpu.memory_space<vmem>> -> memref<1x64x128xf32, #tpu.memory_space<vmem>>
        %dma_start3A_1498 = tpu.memref_squeeze %dma_start3A_1497 : memref<1x64x128xf32, #tpu.memory_space<vmem>> -> memref<64x128xf32, #tpu.memory_space<vmem>>
        %dma_start3A_1499 = arith.constant 0 : i32
        %dma_start3A_1500 = tpu.memref_slice %arg7[%select_n3A_1477, %select_n3A_1493, %dma_start3A_1499] : memref<2x8x64xi32, #tpu.memory_space<vmem>> -> memref<1x1x64xi32, #tpu.memory_space<vmem>>
        %dma_start3A_1501 = tpu.memref_squeeze %dma_start3A_1500 : memref<1x1x64xi32, #tpu.memory_space<vmem>> -> memref<64xi32, #tpu.memory_space<vmem>>
        %dma_start3A_1502 = arith.constant 0 : i32
        %dma_start3A_1503 = arith.constant 0 : i32
        %dma_start3A_1504 = tpu.memref_slice %arg2[%dma_start3A_1502, %dma_start3A_1503] : memref<10000x128xf32, #tpu.memory_space<hbm>> -> memref<10000x128xf32, #tpu.memory_space<hbm>>
        tpu.enqueue_indirect_dma source(%dma_start3A_1504 : memref<10000x128xf32, #tpu.memory_space<hbm>>) target(%dma_start3A_1498 : memref<64x128xf32, #tpu.memory_space<vmem>>) offsets(%dma_start3A_1501 : memref<64xi32, #tpu.memory_space<vmem>>) semaphore(%arg12 : memref<!tpu.dma_semaphore, #tpu.memory_space<semaphore_mem>>)
      } else {
      }
      %jit3A_780 = arith.constant 8 : i32
      %eq3A_781 = arith.constant 0 : i32
      %eq3A_782 = arith.cmpi eq, %jit3A_780, %eq3A_781 : i32
      %jit3A_783 = arith.constant 1 : i32
      %select_n3A_784 = arith.select %eq3A_782, %jit3A_783, %jit3A_780 : i32
      %rem3A_785 = arith.remsi %scan3A_177, %select_n3A_784 : i32
      %ne3A_786 = arith.constant 0 : i32
      %ne3A_787 = arith.cmpi ne, %rem3A_785, %ne3A_786 : i32
      %lt3A_788 = arith.constant 0 : i32
      %lt3A_789 = arith.cmpi slt, %rem3A_785, %lt3A_788 : i32
      %lt3A_790 = arith.constant 0 : i32
      %lt3A_791 = arith.cmpi slt, %select_n3A_784, %lt3A_790 : i32
      %ne3A_792 = arith.xori %lt3A_789, %lt3A_791 : i1
      %and3A_793 = arith.andi %ne3A_792, %ne3A_787 : i1
      %add3A_794 = arith.addi %rem3A_785, %select_n3A_784 : i32
      %select_n3A_795 = arith.select %and3A_793, %add3A_794, %rem3A_785 : i32
      %eq3A_796 = arith.constant 3 : i32
      %eq3A_797 = arith.cmpi eq, %select_n3A_795, %eq3A_796 : i32
      %mul3A_798 = arith.constant 5 : i32
      %mul3A_799 = arith.muli %scan3A_177, %mul3A_798 : i32
      %add3A_800 = arith.constant 2 : i32
      %add3A_801 = arith.addi %mul3A_799, %add3A_800 : i32
      %sub3A_802 = arith.constant 1 : i32
      %sub3A_803 = arith.subi %add3A_801, %sub3A_802 : i32
      %jit3A_804 = arith.constant 8 : i32
      %div3A_805 = arith.divsi %sub3A_803, %jit3A_804 : i32
      %sign3A_806 = arith.constant 0 : i32
      %sign3A_807 = arith.cmpi sgt, %sub3A_803, %sign3A_806 : i32
      %sign3A_808 = arith.extui %sign3A_807 : i1 to i32
      %sign3A_809 = arith.constant 0 : i32
      %sign3A_810 = arith.cmpi slt, %sub3A_803, %sign3A_809 : i32
      %sign3A_811 = arith.extui %sign3A_810 : i1 to i32
      %sign3A_812 = arith.subi %sign3A_808, %sign3A_811 : i32
      %sign3A_813 = arith.constant 0 : i32
      %sign3A_814 = arith.cmpi sgt, %jit3A_804, %sign3A_813 : i32
      %sign3A_815 = arith.extui %sign3A_814 : i1 to i32
      %sign3A_816 = arith.constant 0 : i32
      %sign3A_817 = arith.cmpi slt, %jit3A_804, %sign3A_816 : i32
      %sign3A_818 = arith.extui %sign3A_817 : i1 to i32
      %sign3A_819 = arith.subi %sign3A_815, %sign3A_818 : i32
      %ne3A_820 = arith.cmpi ne, %sign3A_812, %sign3A_819 : i32
      %rem3A_821 = arith.remsi %sub3A_803, %jit3A_804 : i32
      %ne3A_822 = arith.constant 0 : i32
      %ne3A_823 = arith.cmpi ne, %rem3A_821, %ne3A_822 : i32
      %and3A_824 = arith.andi %ne3A_820, %ne3A_823 : i1
      %sub3A_825 = arith.constant 1 : i32
      %sub3A_826 = arith.subi %div3A_805, %sub3A_825 : i32
      %select_n3A_827 = arith.select %and3A_824, %sub3A_826, %div3A_805 : i32
      %add3A_828 = arith.constant 1 : i32
      %add3A_829 = arith.addi %select_n3A_827, %add3A_828 : i32
      %lt3A_830 = arith.constant 20 : i32
      %lt3A_831 = arith.cmpi slt, %add3A_829, %lt3A_830 : i32
      %and3A_832 = arith.andi %eq3A_797, %lt3A_831 : i1
      %convert_element_type3A_833 = arith.extui %and3A_832 : i1 to i32
      %cond3A_834 = arith.constant 0 : i32
      %cond3A_835 = arith.cmpi ne, %convert_element_type3A_833, %cond3A_834 : i32
      scf.if %cond3A_835 {
        %mul3A_1415 = arith.constant 5 : i32
        %mul3A_1416 = arith.muli %scan3A_177, %mul3A_1415 : i32
        %add3A_1417 = arith.constant 2 : i32
        %add3A_1418 = arith.addi %mul3A_1416, %add3A_1417 : i32
        %sub3A_1419 = arith.constant 1 : i32
        %sub3A_1420 = arith.subi %add3A_1418, %sub3A_1419 : i32
        %jit3A_1421 = arith.constant 8 : i32
        %div3A_1422 = arith.divsi %sub3A_1420, %jit3A_1421 : i32
        %sign3A_1423 = arith.constant 0 : i32
        %sign3A_1424 = arith.cmpi sgt, %sub3A_1420, %sign3A_1423 : i32
        %sign3A_1425 = arith.extui %sign3A_1424 : i1 to i32
        %sign3A_1426 = arith.constant 0 : i32
        %sign3A_1427 = arith.cmpi slt, %sub3A_1420, %sign3A_1426 : i32
        %sign3A_1428 = arith.extui %sign3A_1427 : i1 to i32
        %sign3A_1429 = arith.subi %sign3A_1425, %sign3A_1428 : i32
        %sign3A_1430 = arith.constant 0 : i32
        %sign3A_1431 = arith.cmpi sgt, %jit3A_1421, %sign3A_1430 : i32
        %sign3A_1432 = arith.extui %sign3A_1431 : i1 to i32
        %sign3A_1433 = arith.constant 0 : i32
        %sign3A_1434 = arith.cmpi slt, %jit3A_1421, %sign3A_1433 : i32
        %sign3A_1435 = arith.extui %sign3A_1434 : i1 to i32
        %sign3A_1436 = arith.subi %sign3A_1432, %sign3A_1435 : i32
        %ne3A_1437 = arith.cmpi ne, %sign3A_1429, %sign3A_1436 : i32
        %rem3A_1438 = arith.remsi %sub3A_1420, %jit3A_1421 : i32
        %ne3A_1439 = arith.constant 0 : i32
        %ne3A_1440 = arith.cmpi ne, %rem3A_1438, %ne3A_1439 : i32
        %and3A_1441 = arith.andi %ne3A_1437, %ne3A_1440 : i1
        %sub3A_1442 = arith.constant 1 : i32
        %sub3A_1443 = arith.subi %div3A_1422, %sub3A_1442 : i32
        %select_n3A_1444 = arith.select %and3A_1441, %sub3A_1443, %div3A_1422 : i32
        %add3A_1445 = arith.constant 1 : i32
        %add3A_1446 = arith.addi %select_n3A_1444, %add3A_1445 : i32
        %mul3A_1447 = arith.constant 8 : i32
        %mul3A_1448 = arith.muli %add3A_1446, %mul3A_1447 : i32
        %add3A_1449 = arith.addi %mul3A_2, %mul3A_1448 : i32
        %multiple_of3A_1450 = tpu.assume_multiple %add3A_1449, 8 : i32
        %jit3A_1451 = arith.constant 2 : i32
        %eq3A_1452 = arith.constant 0 : i32
        %eq3A_1453 = arith.cmpi eq, %jit3A_1451, %eq3A_1452 : i32
        %jit3A_1454 = arith.constant 1 : i32
        %select_n3A_1455 = arith.select %eq3A_1453, %jit3A_1454, %jit3A_1451 : i32
        %rem3A_1456 = arith.remsi %add3A_1446, %select_n3A_1455 : i32
        %ne3A_1457 = arith.constant 0 : i32
        %ne3A_1458 = arith.cmpi ne, %rem3A_1456, %ne3A_1457 : i32
        %lt3A_1459 = arith.constant 0 : i32
        %lt3A_1460 = arith.cmpi slt, %rem3A_1456, %lt3A_1459 : i32
        %lt3A_1461 = arith.constant 0 : i32
        %lt3A_1462 = arith.cmpi slt, %select_n3A_1455, %lt3A_1461 : i32
        %ne3A_1463 = arith.xori %lt3A_1460, %lt3A_1462 : i1
        %and3A_1464 = arith.andi %ne3A_1463, %ne3A_1458 : i1
        %add3A_1465 = arith.addi %rem3A_1456, %select_n3A_1455 : i32
        %select_n3A_1466 = arith.select %and3A_1464, %add3A_1465, %rem3A_1456 : i32
        %dma_start3A_1467 = arith.constant 1 : i32
        %dma_start3A_1468 = arith.constant 0 : i32
        %dma_start3A_1469 = arith.constant 0 : i32
        %dma_start3A_1470 = tpu.memref_slice %arg7[%select_n3A_1466, %dma_start3A_1468, %dma_start3A_1469] : memref<2x8x64xi32, #tpu.memory_space<vmem>> -> memref<1x8x64xi32, #tpu.memory_space<vmem>>
        %dma_start3A_1471 = tpu.memref_squeeze %dma_start3A_1470 : memref<1x8x64xi32, #tpu.memory_space<vmem>> -> memref<8x64xi32, #tpu.memory_space<vmem>>
        %dma_start3A_1472 = arith.constant 0 : i32
        %dma_start3A_1473 = tpu.memref_slice %arg3[%dma_start3A_1467, %multiple_of3A_1450, %dma_start3A_1472] : memref<2x5120x64xi32, #tpu.memory_space<hbm>> -> memref<1x8x64xi32, #tpu.memory_space<hbm>>
        %dma_start3A_1474 = tpu.memref_squeeze %dma_start3A_1473 : memref<1x8x64xi32, #tpu.memory_space<hbm>> -> memref<8x64xi32, #tpu.memory_space<hbm>>
        %dma_start3A_1475 = arith.constant 0 : i32
        %dma_start3A_1476 = arith.constant 0 : i32
        %dma_start3A_1477 = tpu.memref_slice %arg7[%select_n3A_1466, %dma_start3A_1475, %dma_start3A_1476] : memref<2x8x64xi32, #tpu.memory_space<vmem>> -> memref<1x8x64xi32, #tpu.memory_space<vmem>>
        %dma_start3A_1478 = tpu.memref_squeeze %dma_start3A_1477 : memref<1x8x64xi32, #tpu.memory_space<vmem>> -> memref<8x64xi32, #tpu.memory_space<vmem>>
        %dma_start3A_1479 = arith.constant 0 : i32
        %dma_start3A_1480 = tpu.memref_slice %arg3[%dma_start3A_1467, %multiple_of3A_1450, %dma_start3A_1479] : memref<2x5120x64xi32, #tpu.memory_space<hbm>> -> memref<1x8x64xi32, #tpu.memory_space<hbm>>
        %dma_start3A_1481 = tpu.memref_squeeze %dma_start3A_1480 : memref<1x8x64xi32, #tpu.memory_space<hbm>> -> memref<8x64xi32, #tpu.memory_space<hbm>>
        tpu.enqueue_dma source(%dma_start3A_1481 : memref<8x64xi32, #tpu.memory_space<hbm>>) target(%dma_start3A_1478 : memref<8x64xi32, #tpu.memory_space<vmem>>) target_semaphore(%arg22 : memref<!tpu.dma_semaphore, #tpu.memory_space<semaphore_mem>>)
        %dma_start3A_1482 = arith.constant 0 : i32
        %dma_start3A_1483 = arith.constant 0 : i32
        %dma_start3A_1484 = arith.constant 0 : i32
        %dma_start3A_1485 = tpu.memref_slice %arg8[%select_n3A_1466, %dma_start3A_1483, %dma_start3A_1484] : memref<2x8x64xi32, #tpu.memory_space<vmem>> -> memref<1x8x64xi32, #tpu.memory_space<vmem>>
        %dma_start3A_1486 = tpu.memref_squeeze %dma_start3A_1485 : memref<1x8x64xi32, #tpu.memory_space<vmem>> -> memref<8x64xi32, #tpu.memory_space<vmem>>
        %dma_start3A_1487 = arith.constant 0 : i32
        %dma_start3A_1488 = tpu.memref_slice %arg3[%dma_start3A_1482, %multiple_of3A_1450, %dma_start3A_1487] : memref<2x5120x64xi32, #tpu.memory_space<hbm>> -> memref<1x8x64xi32, #tpu.memory_space<hbm>>
        %dma_start3A_1489 = tpu.memref_squeeze %dma_start3A_1488 : memref<1x8x64xi32, #tpu.memory_space<hbm>> -> memref<8x64xi32, #tpu.memory_space<hbm>>
        %dma_start3A_1490 = arith.constant 0 : i32
        %dma_start3A_1491 = arith.constant 0 : i32
        %dma_start3A_1492 = tpu.memref_slice %arg8[%select_n3A_1466, %dma_start3A_1490, %dma_start3A_1491] : memref<2x8x64xi32, #tpu.memory_space<vmem>> -> memref<1x8x64xi32, #tpu.memory_space<vmem>>
        %dma_start3A_1493 = tpu.memref_squeeze %dma_start3A_1492 : memref<1x8x64xi32, #tpu.memory_space<vmem>> -> memref<8x64xi32, #tpu.memory_space<vmem>>
        %dma_start3A_1494 = arith.constant 0 : i32
        %dma_start3A_1495 = tpu.memref_slice %arg3[%dma_start3A_1482, %multiple_of3A_1450, %dma_start3A_1494] : memref<2x5120x64xi32, #tpu.memory_space<hbm>> -> memref<1x8x64xi32, #tpu.memory_space<hbm>>
        %dma_start3A_1496 = tpu.memref_squeeze %dma_start3A_1495 : memref<1x8x64xi32, #tpu.memory_space<hbm>> -> memref<8x64xi32, #tpu.memory_space<hbm>>
        tpu.enqueue_dma source(%dma_start3A_1496 : memref<8x64xi32, #tpu.memory_space<hbm>>) target(%dma_start3A_1493 : memref<8x64xi32, #tpu.memory_space<vmem>>) target_semaphore(%arg22 : memref<!tpu.dma_semaphore, #tpu.memory_space<semaphore_mem>>)
        %dma_start3A_1497 = arith.constant 0 : i32
        %dma_start3A_1498 = arith.constant 0 : i32
        %dma_start3A_1499 = tpu.memref_slice %arg9[%select_n3A_1466, %dma_start3A_1497, %dma_start3A_1498] : memref<2x8x64xf32, #tpu.memory_space<vmem>> -> memref<1x8x64xf32, #tpu.memory_space<vmem>>
        %dma_start3A_1500 = tpu.memref_squeeze %dma_start3A_1499 : memref<1x8x64xf32, #tpu.memory_space<vmem>> -> memref<8x64xf32, #tpu.memory_space<vmem>>
        %dma_start3A_1501 = arith.constant 0 : i32
        %dma_start3A_1502 = tpu.memref_slice %arg4[%multiple_of3A_1450, %dma_start3A_1501] : memref<5120x64xf32, #tpu.memory_space<hbm>> -> memref<8x64xf32, #tpu.memory_space<hbm>>
        %dma_start3A_1503 = arith.constant 0 : i32
        %dma_start3A_1504 = arith.constant 0 : i32
        %dma_start3A_1505 = tpu.memref_slice %arg9[%select_n3A_1466, %dma_start3A_1503, %dma_start3A_1504] : memref<2x8x64xf32, #tpu.memory_space<vmem>> -> memref<1x8x64xf32, #tpu.memory_space<vmem>>
        %dma_start3A_1506 = tpu.memref_squeeze %dma_start3A_1505 : memref<1x8x64xf32, #tpu.memory_space<vmem>> -> memref<8x64xf32, #tpu.memory_space<vmem>>
        %dma_start3A_1507 = arith.constant 0 : i32
        %dma_start3A_1508 = tpu.memref_slice %arg4[%multiple_of3A_1450, %dma_start3A_1507] : memref<5120x64xf32, #tpu.memory_space<hbm>> -> memref<8x64xf32, #tpu.memory_space<hbm>>
        tpu.enqueue_dma source(%dma_start3A_1508 : memref<8x64xf32, #tpu.memory_space<hbm>>) target(%dma_start3A_1506 : memref<8x64xf32, #tpu.memory_space<vmem>>) target_semaphore(%arg22 : memref<!tpu.dma_semaphore, #tpu.memory_space<semaphore_mem>>)
      } else {
      }
      %dma_wait3A_836 = arith.constant 0 : i32
      %dma_wait3A_837 = arith.constant 0 : i32
      %dma_wait3A_838 = arith.constant 2 : i32
      %dma_wait3A_839 = arith.constant 0 : i32
      %dma_wait3A_840 = arith.constant 0 : i32
      %dma_wait3A_841 = tpu.memref_slice %arg10[%dma_wait3A_838, %dma_wait3A_839, %dma_wait3A_840] : memref<5x64x128xf32, #tpu.memory_space<vmem>> -> memref<1x64x128xf32, #tpu.memory_space<vmem>>
      %dma_wait3A_842 = tpu.memref_squeeze %dma_wait3A_841 : memref<1x64x128xf32, #tpu.memory_space<vmem>> -> memref<64x128xf32, #tpu.memory_space<vmem>>
      %dma_wait3A_843 = arith.constant 0 : i32
      %dma_wait3A_844 = tpu.memref_slice %arg7[%dma_wait3A_836, %dma_wait3A_837, %dma_wait3A_843] : memref<2x8x64xi32, #tpu.memory_space<vmem>> -> memref<1x1x64xi32, #tpu.memory_space<vmem>>
      %dma_wait3A_845 = tpu.memref_squeeze %dma_wait3A_844 : memref<1x1x64xi32, #tpu.memory_space<vmem>> -> memref<64xi32, #tpu.memory_space<vmem>>
      %dma_wait3A_846 = arith.constant 0 : i32
      %dma_wait3A_847 = arith.constant 0 : i32
      %dma_wait3A_848 = tpu.memref_slice %arg2[%dma_wait3A_846, %dma_wait3A_847] : memref<10000x128xf32, #tpu.memory_space<hbm>> -> memref<10000x128xf32, #tpu.memory_space<hbm>>
      tpu.wait_indirect_dma semaphore(%arg14 : memref<!tpu.dma_semaphore, #tpu.memory_space<semaphore_mem>>) src(%dma_wait3A_848 : memref<10000x128xf32, #tpu.memory_space<hbm>>) dst(%dma_wait3A_842 : memref<64x128xf32, #tpu.memory_space<vmem>>)
      %jit3A_849 = arith.constant 8 : i32
      %div3A_850 = arith.divsi %add3A_761, %jit3A_849 : i32
      %sign3A_851 = arith.constant 0 : i32
      %sign3A_852 = arith.cmpi sgt, %add3A_761, %sign3A_851 : i32
      %sign3A_853 = arith.extui %sign3A_852 : i1 to i32
      %sign3A_854 = arith.constant 0 : i32
      %sign3A_855 = arith.cmpi slt, %add3A_761, %sign3A_854 : i32
      %sign3A_856 = arith.extui %sign3A_855 : i1 to i32
      %sign3A_857 = arith.subi %sign3A_853, %sign3A_856 : i32
      %sign3A_858 = arith.constant 0 : i32
      %sign3A_859 = arith.cmpi sgt, %jit3A_849, %sign3A_858 : i32
      %sign3A_860 = arith.extui %sign3A_859 : i1 to i32
      %sign3A_861 = arith.constant 0 : i32
      %sign3A_862 = arith.cmpi slt, %jit3A_849, %sign3A_861 : i32
      %sign3A_863 = arith.extui %sign3A_862 : i1 to i32
      %sign3A_864 = arith.subi %sign3A_860, %sign3A_863 : i32
      %ne3A_865 = arith.cmpi ne, %sign3A_857, %sign3A_864 : i32
      %rem3A_866 = arith.remsi %add3A_761, %jit3A_849 : i32
      %ne3A_867 = arith.constant 0 : i32
      %ne3A_868 = arith.cmpi ne, %rem3A_866, %ne3A_867 : i32
      %and3A_869 = arith.andi %ne3A_865, %ne3A_868 : i1
      %sub3A_870 = arith.constant 1 : i32
      %sub3A_871 = arith.subi %div3A_850, %sub3A_870 : i32
      %select_n3A_872 = arith.select %and3A_869, %sub3A_871, %div3A_850 : i32
      %jit3A_873 = arith.constant 2 : i32
      %eq3A_874 = arith.constant 0 : i32
      %eq3A_875 = arith.cmpi eq, %jit3A_873, %eq3A_874 : i32
      %jit3A_876 = arith.constant 1 : i32
      %select_n3A_877 = arith.select %eq3A_875, %jit3A_876, %jit3A_873 : i32
      %rem3A_878 = arith.remsi %select_n3A_872, %select_n3A_877 : i32
      %ne3A_879 = arith.constant 0 : i32
      %ne3A_880 = arith.cmpi ne, %rem3A_878, %ne3A_879 : i32
      %lt3A_881 = arith.constant 0 : i32
      %lt3A_882 = arith.cmpi slt, %rem3A_878, %lt3A_881 : i32
      %lt3A_883 = arith.constant 0 : i32
      %lt3A_884 = arith.cmpi slt, %select_n3A_877, %lt3A_883 : i32
      %ne3A_885 = arith.xori %lt3A_882, %lt3A_884 : i1
      %and3A_886 = arith.andi %ne3A_885, %ne3A_880 : i1
      %add3A_887 = arith.addi %rem3A_878, %select_n3A_877 : i32
      %select_n3A_888 = arith.select %and3A_886, %add3A_887, %rem3A_878 : i32
      %broadcast_in_dim3A_889 = vector.broadcast %select_n3A_888 : i32 to vector<16xi32>
      %jit3A_890 = arith.constant 8 : i32
      %eq3A_891 = arith.constant 0 : i32
      %eq3A_892 = arith.cmpi eq, %jit3A_890, %eq3A_891 : i32
      %jit3A_893 = arith.constant 1 : i32
      %select_n3A_894 = arith.select %eq3A_892, %jit3A_893, %jit3A_890 : i32
      %rem3A_895 = arith.remsi %add3A_761, %select_n3A_894 : i32
      %ne3A_896 = arith.constant 0 : i32
      %ne3A_897 = arith.cmpi ne, %rem3A_895, %ne3A_896 : i32
      %lt3A_898 = arith.constant 0 : i32
      %lt3A_899 = arith.cmpi slt, %rem3A_895, %lt3A_898 : i32
      %lt3A_900 = arith.constant 0 : i32
      %lt3A_901 = arith.cmpi slt, %select_n3A_894, %lt3A_900 : i32
      %ne3A_902 = arith.xori %lt3A_899, %lt3A_901 : i1
      %and3A_903 = arith.andi %ne3A_902, %ne3A_897 : i1
      %add3A_904 = arith.addi %rem3A_895, %select_n3A_894 : i32
      %select_n3A_905 = arith.select %and3A_903, %add3A_904, %rem3A_895 : i32
      %broadcast_in_dim3A_906 = vector.broadcast %select_n3A_905 : i32 to vector<16xi32>
      %parallel_loop3A_907 = arith.constant 0 : i32
      %parallel_loop3A_908 = arith.constant 64 : i32
      %parallel_loop3A_909 = arith.constant 1 : i32
      scf.for %parallel_loop3A_1415 = %parallel_loop3A_907 to %parallel_loop3A_908 step %parallel_loop3A_909  : i32 {
        %parallel_loop3A_1416 = vector.broadcast %parallel_loop3A_1415 : i32 to vector<16xi32>
        %parallel_loop3A_1417 = tpu.vector_load_idx %arg9[%broadcast_in_dim3A_889, %broadcast_in_dim3A_906, %parallel_loop3A_1416] : memref<2x8x64xf32, #tpu.memory_space<vmem>>[vector<16xi32>, vector<16xi32>, vector<16xi32>], vector<16xf32>,
        %parallel_loop3A_1418 = arith.constant 2 : i32
        %parallel_loop3A_1419 = arith.index_cast %parallel_loop3A_1418 : i32 to index
        %parallel_loop3A_1420 = arith.index_cast %parallel_loop3A_1415 : i32 to index
        %parallel_loop3A_1421 = arith.constant 0 : index
        %parallel_loop3A_1422 = tpu.vector_load %arg10[%parallel_loop3A_1419, %parallel_loop3A_1420, %parallel_loop3A_1421] {strides = array<i32>} : memref<5x64x128xf32, #tpu.memory_space<vmem>>, vector<16xf32>,
        %parallel_loop3A_1423 = arith.mulf %parallel_loop3A_1422, %parallel_loop3A_1417 : vector<16xf32>
        %parallel_loop3A_1424 = arith.constant 2 : i32
        %parallel_loop3A_1425 = arith.index_cast %parallel_loop3A_1424 : i32 to index
        %parallel_loop3A_1426 = arith.index_cast %parallel_loop3A_1415 : i32 to index
        %parallel_loop3A_1427 = arith.constant 0 : index
        %parallel_loop3A_1428 = tpu.vector_load %arg10[%parallel_loop3A_1425, %parallel_loop3A_1426, %parallel_loop3A_1427] {strides = array<i32>} : memref<5x64x128xf32, #tpu.memory_space<vmem>>, vector<16xf32>,
        tpu.vector_store %arg10[%parallel_loop3A_1425, %parallel_loop3A_1426, %parallel_loop3A_1427], %parallel_loop3A_1423 {strides = array<i32>} : memref<5x64x128xf32, #tpu.memory_space<vmem>>, vector<16xf32>,
        %parallel_loop3A_1429 = arith.constant 2 : i32
        %parallel_loop3A_1430 = arith.index_cast %parallel_loop3A_1429 : i32 to index
        %parallel_loop3A_1431 = arith.index_cast %parallel_loop3A_1415 : i32 to index
        %parallel_loop3A_1432 = arith.constant 16 : index
        %parallel_loop3A_1433 = tpu.vector_load %arg10[%parallel_loop3A_1430, %parallel_loop3A_1431, %parallel_loop3A_1432] {strides = array<i32>} : memref<5x64x128xf32, #tpu.memory_space<vmem>>, vector<16xf32>,
        %parallel_loop3A_1434 = arith.mulf %parallel_loop3A_1433, %parallel_loop3A_1417 : vector<16xf32>
        %parallel_loop3A_1435 = arith.constant 2 : i32
        %parallel_loop3A_1436 = arith.index_cast %parallel_loop3A_1435 : i32 to index
        %parallel_loop3A_1437 = arith.index_cast %parallel_loop3A_1415 : i32 to index
        %parallel_loop3A_1438 = arith.constant 16 : index
        %parallel_loop3A_1439 = tpu.vector_load %arg10[%parallel_loop3A_1436, %parallel_loop3A_1437, %parallel_loop3A_1438] {strides = array<i32>} : memref<5x64x128xf32, #tpu.memory_space<vmem>>, vector<16xf32>,
        tpu.vector_store %arg10[%parallel_loop3A_1436, %parallel_loop3A_1437, %parallel_loop3A_1438], %parallel_loop3A_1434 {strides = array<i32>} : memref<5x64x128xf32, #tpu.memory_space<vmem>>, vector<16xf32>,
        %parallel_loop3A_1440 = arith.constant 2 : i32
        %parallel_loop3A_1441 = arith.index_cast %parallel_loop3A_1440 : i32 to index
        %parallel_loop3A_1442 = arith.index_cast %parallel_loop3A_1415 : i32 to index
        %parallel_loop3A_1443 = arith.constant 32 : index
        %parallel_loop3A_1444 = tpu.vector_load %arg10[%parallel_loop3A_1441, %parallel_loop3A_1442, %parallel_loop3A_1443] {strides = array<i32>} : memref<5x64x128xf32, #tpu.memory_space<vmem>>, vector<16xf32>,
        %parallel_loop3A_1445 = arith.mulf %parallel_loop3A_1444, %parallel_loop3A_1417 : vector<16xf32>
        %parallel_loop3A_1446 = arith.constant 2 : i32
        %parallel_loop3A_1447 = arith.index_cast %parallel_loop3A_1446 : i32 to index
        %parallel_loop3A_1448 = arith.index_cast %parallel_loop3A_1415 : i32 to index
        %parallel_loop3A_1449 = arith.constant 32 : index
        %parallel_loop3A_1450 = tpu.vector_load %arg10[%parallel_loop3A_1447, %parallel_loop3A_1448, %parallel_loop3A_1449] {strides = array<i32>} : memref<5x64x128xf32, #tpu.memory_space<vmem>>, vector<16xf32>,
        tpu.vector_store %arg10[%parallel_loop3A_1447, %parallel_loop3A_1448, %parallel_loop3A_1449], %parallel_loop3A_1445 {strides = array<i32>} : memref<5x64x128xf32, #tpu.memory_space<vmem>>, vector<16xf32>,
        %parallel_loop3A_1451 = arith.constant 2 : i32
        %parallel_loop3A_1452 = arith.index_cast %parallel_loop3A_1451 : i32 to index
        %parallel_loop3A_1453 = arith.index_cast %parallel_loop3A_1415 : i32 to index
        %parallel_loop3A_1454 = arith.constant 48 : index
        %parallel_loop3A_1455 = tpu.vector_load %arg10[%parallel_loop3A_1452, %parallel_loop3A_1453, %parallel_loop3A_1454] {strides = array<i32>} : memref<5x64x128xf32, #tpu.memory_space<vmem>>, vector<16xf32>,
        %parallel_loop3A_1456 = arith.mulf %parallel_loop3A_1455, %parallel_loop3A_1417 : vector<16xf32>
        %parallel_loop3A_1457 = arith.constant 2 : i32
        %parallel_loop3A_1458 = arith.index_cast %parallel_loop3A_1457 : i32 to index
        %parallel_loop3A_1459 = arith.index_cast %parallel_loop3A_1415 : i32 to index
        %parallel_loop3A_1460 = arith.constant 48 : index
        %parallel_loop3A_1461 = tpu.vector_load %arg10[%parallel_loop3A_1458, %parallel_loop3A_1459, %parallel_loop3A_1460] {strides = array<i32>} : memref<5x64x128xf32, #tpu.memory_space<vmem>>, vector<16xf32>,
        tpu.vector_store %arg10[%parallel_loop3A_1458, %parallel_loop3A_1459, %parallel_loop3A_1460], %parallel_loop3A_1456 {strides = array<i32>} : memref<5x64x128xf32, #tpu.memory_space<vmem>>, vector<16xf32>,
        %parallel_loop3A_1462 = arith.constant 2 : i32
        %parallel_loop3A_1463 = arith.index_cast %parallel_loop3A_1462 : i32 to index
        %parallel_loop3A_1464 = arith.index_cast %parallel_loop3A_1415 : i32 to index
        %parallel_loop3A_1465 = arith.constant 64 : index
        %parallel_loop3A_1466 = tpu.vector_load %arg10[%parallel_loop3A_1463, %parallel_loop3A_1464, %parallel_loop3A_1465] {strides = array<i32>} : memref<5x64x128xf32, #tpu.memory_space<vmem>>, vector<16xf32>,
        %parallel_loop3A_1467 = arith.mulf %parallel_loop3A_1466, %parallel_loop3A_1417 : vector<16xf32>
        %parallel_loop3A_1468 = arith.constant 2 : i32
        %parallel_loop3A_1469 = arith.index_cast %parallel_loop3A_1468 : i32 to index
        %parallel_loop3A_1470 = arith.index_cast %parallel_loop3A_1415 : i32 to index
        %parallel_loop3A_1471 = arith.constant 64 : index
        %parallel_loop3A_1472 = tpu.vector_load %arg10[%parallel_loop3A_1469, %parallel_loop3A_1470, %parallel_loop3A_1471] {strides = array<i32>} : memref<5x64x128xf32, #tpu.memory_space<vmem>>, vector<16xf32>,
        tpu.vector_store %arg10[%parallel_loop3A_1469, %parallel_loop3A_1470, %parallel_loop3A_1471], %parallel_loop3A_1467 {strides = array<i32>} : memref<5x64x128xf32, #tpu.memory_space<vmem>>, vector<16xf32>,
        %parallel_loop3A_1473 = arith.constant 2 : i32
        %parallel_loop3A_1474 = arith.index_cast %parallel_loop3A_1473 : i32 to index
        %parallel_loop3A_1475 = arith.index_cast %parallel_loop3A_1415 : i32 to index
        %parallel_loop3A_1476 = arith.constant 80 : index
        %parallel_loop3A_1477 = tpu.vector_load %arg10[%parallel_loop3A_1474, %parallel_loop3A_1475, %parallel_loop3A_1476] {strides = array<i32>} : memref<5x64x128xf32, #tpu.memory_space<vmem>>, vector<16xf32>,
        %parallel_loop3A_1478 = arith.mulf %parallel_loop3A_1477, %parallel_loop3A_1417 : vector<16xf32>
        %parallel_loop3A_1479 = arith.constant 2 : i32
        %parallel_loop3A_1480 = arith.index_cast %parallel_loop3A_1479 : i32 to index
        %parallel_loop3A_1481 = arith.index_cast %parallel_loop3A_1415 : i32 to index
        %parallel_loop3A_1482 = arith.constant 80 : index
        %parallel_loop3A_1483 = tpu.vector_load %arg10[%parallel_loop3A_1480, %parallel_loop3A_1481, %parallel_loop3A_1482] {strides = array<i32>} : memref<5x64x128xf32, #tpu.memory_space<vmem>>, vector<16xf32>,
        tpu.vector_store %arg10[%parallel_loop3A_1480, %parallel_loop3A_1481, %parallel_loop3A_1482], %parallel_loop3A_1478 {strides = array<i32>} : memref<5x64x128xf32, #tpu.memory_space<vmem>>, vector<16xf32>,
        %parallel_loop3A_1484 = arith.constant 2 : i32
        %parallel_loop3A_1485 = arith.index_cast %parallel_loop3A_1484 : i32 to index
        %parallel_loop3A_1486 = arith.index_cast %parallel_loop3A_1415 : i32 to index
        %parallel_loop3A_1487 = arith.constant 96 : index
        %parallel_loop3A_1488 = tpu.vector_load %arg10[%parallel_loop3A_1485, %parallel_loop3A_1486, %parallel_loop3A_1487] {strides = array<i32>} : memref<5x64x128xf32, #tpu.memory_space<vmem>>, vector<16xf32>,
        %parallel_loop3A_1489 = arith.mulf %parallel_loop3A_1488, %parallel_loop3A_1417 : vector<16xf32>
        %parallel_loop3A_1490 = arith.constant 2 : i32
        %parallel_loop3A_1491 = arith.index_cast %parallel_loop3A_1490 : i32 to index
        %parallel_loop3A_1492 = arith.index_cast %parallel_loop3A_1415 : i32 to index
        %parallel_loop3A_1493 = arith.constant 96 : index
        %parallel_loop3A_1494 = tpu.vector_load %arg10[%parallel_loop3A_1491, %parallel_loop3A_1492, %parallel_loop3A_1493] {strides = array<i32>} : memref<5x64x128xf32, #tpu.memory_space<vmem>>, vector<16xf32>,
        tpu.vector_store %arg10[%parallel_loop3A_1491, %parallel_loop3A_1492, %parallel_loop3A_1493], %parallel_loop3A_1489 {strides = array<i32>} : memref<5x64x128xf32, #tpu.memory_space<vmem>>, vector<16xf32>,
        %parallel_loop3A_1495 = arith.constant 2 : i32
        %parallel_loop3A_1496 = arith.index_cast %parallel_loop3A_1495 : i32 to index
        %parallel_loop3A_1497 = arith.index_cast %parallel_loop3A_1415 : i32 to index
        %parallel_loop3A_1498 = arith.constant 112 : index
        %parallel_loop3A_1499 = tpu.vector_load %arg10[%parallel_loop3A_1496, %parallel_loop3A_1497, %parallel_loop3A_1498] {strides = array<i32>} : memref<5x64x128xf32, #tpu.memory_space<vmem>>, vector<16xf32>,
        %parallel_loop3A_1500 = arith.mulf %parallel_loop3A_1499, %parallel_loop3A_1417 : vector<16xf32>
        %parallel_loop3A_1501 = arith.constant 2 : i32
        %parallel_loop3A_1502 = arith.index_cast %parallel_loop3A_1501 : i32 to index
        %parallel_loop3A_1503 = arith.index_cast %parallel_loop3A_1415 : i32 to index
        %parallel_loop3A_1504 = arith.constant 112 : index
        %parallel_loop3A_1505 = tpu.vector_load %arg10[%parallel_loop3A_1502, %parallel_loop3A_1503, %parallel_loop3A_1504] {strides = array<i32>} : memref<5x64x128xf32, #tpu.memory_space<vmem>>, vector<16xf32>,
        tpu.vector_store %arg10[%parallel_loop3A_1502, %parallel_loop3A_1503, %parallel_loop3A_1504], %parallel_loop3A_1500 {strides = array<i32>} : memref<5x64x128xf32, #tpu.memory_space<vmem>>, vector<16xf32>,
      } {sc.loop_unroll_factor = 4 : i64, sc.parallel_access}
      %jit3A_910 = arith.constant 8 : i32
      %div3A_911 = arith.divsi %add3A_761, %jit3A_910 : i32
      %sign3A_912 = arith.constant 0 : i32
      %sign3A_913 = arith.cmpi sgt, %add3A_761, %sign3A_912 : i32
      %sign3A_914 = arith.extui %sign3A_913 : i1 to i32
      %sign3A_915 = arith.constant 0 : i32
      %sign3A_916 = arith.cmpi slt, %add3A_761, %sign3A_915 : i32
      %sign3A_917 = arith.extui %sign3A_916 : i1 to i32
      %sign3A_918 = arith.subi %sign3A_914, %sign3A_917 : i32
      %sign3A_919 = arith.constant 0 : i32
      %sign3A_920 = arith.cmpi sgt, %jit3A_910, %sign3A_919 : i32
      %sign3A_921 = arith.extui %sign3A_920 : i1 to i32
      %sign3A_922 = arith.constant 0 : i32
      %sign3A_923 = arith.cmpi slt, %jit3A_910, %sign3A_922 : i32
      %sign3A_924 = arith.extui %sign3A_923 : i1 to i32
      %sign3A_925 = arith.subi %sign3A_921, %sign3A_924 : i32
      %ne3A_926 = arith.cmpi ne, %sign3A_918, %sign3A_925 : i32
      %rem3A_927 = arith.remsi %add3A_761, %jit3A_910 : i32
      %ne3A_928 = arith.constant 0 : i32
      %ne3A_929 = arith.cmpi ne, %rem3A_927, %ne3A_928 : i32
      %and3A_930 = arith.andi %ne3A_926, %ne3A_929 : i1
      %sub3A_931 = arith.constant 1 : i32
      %sub3A_932 = arith.subi %div3A_911, %sub3A_931 : i32
      %select_n3A_933 = arith.select %and3A_930, %sub3A_932, %div3A_911 : i32
      %jit3A_934 = arith.constant 2 : i32
      %eq3A_935 = arith.constant 0 : i32
      %eq3A_936 = arith.cmpi eq, %jit3A_934, %eq3A_935 : i32
      %jit3A_937 = arith.constant 1 : i32
      %select_n3A_938 = arith.select %eq3A_936, %jit3A_937, %jit3A_934 : i32
      %rem3A_939 = arith.remsi %select_n3A_933, %select_n3A_938 : i32
      %ne3A_940 = arith.constant 0 : i32
      %ne3A_941 = arith.cmpi ne, %rem3A_939, %ne3A_940 : i32
      %lt3A_942 = arith.constant 0 : i32
      %lt3A_943 = arith.cmpi slt, %rem3A_939, %lt3A_942 : i32
      %lt3A_944 = arith.constant 0 : i32
      %lt3A_945 = arith.cmpi slt, %select_n3A_938, %lt3A_944 : i32
      %ne3A_946 = arith.xori %lt3A_943, %lt3A_945 : i1
      %and3A_947 = arith.andi %ne3A_946, %ne3A_941 : i1
      %add3A_948 = arith.addi %rem3A_939, %select_n3A_938 : i32
      %select_n3A_949 = arith.select %and3A_947, %add3A_948, %rem3A_939 : i32
      %jit3A_950 = arith.constant 8 : i32
      %eq3A_951 = arith.constant 0 : i32
      %eq3A_952 = arith.cmpi eq, %jit3A_950, %eq3A_951 : i32
      %jit3A_953 = arith.constant 1 : i32
      %select_n3A_954 = arith.select %eq3A_952, %jit3A_953, %jit3A_950 : i32
      %rem3A_955 = arith.remsi %add3A_761, %select_n3A_954 : i32
      %ne3A_956 = arith.constant 0 : i32
      %ne3A_957 = arith.cmpi ne, %rem3A_955, %ne3A_956 : i32
      %lt3A_958 = arith.constant 0 : i32
      %lt3A_959 = arith.cmpi slt, %rem3A_955, %lt3A_958 : i32
      %lt3A_960 = arith.constant 0 : i32
      %lt3A_961 = arith.cmpi slt, %select_n3A_954, %lt3A_960 : i32
      %ne3A_962 = arith.xori %lt3A_959, %lt3A_961 : i1
      %and3A_963 = arith.andi %ne3A_962, %ne3A_957 : i1
      %add3A_964 = arith.addi %rem3A_955, %select_n3A_954 : i32
      %select_n3A_965 = arith.select %and3A_963, %add3A_964, %rem3A_955 : i32
      %dma_start3A_966 = arith.constant 2 : i32
      %dma_start3A_967 = arith.constant 0 : i32
      %dma_start3A_968 = arith.constant 0 : i32
      %dma_start3A_969 = tpu.memref_slice %arg10[%dma_start3A_966, %dma_start3A_967, %dma_start3A_968] : memref<5x64x128xf32, #tpu.memory_space<vmem>> -> memref<1x64x128xf32, #tpu.memory_space<vmem>>
      %dma_start3A_970 = tpu.memref_squeeze %dma_start3A_969 : memref<1x64x128xf32, #tpu.memory_space<vmem>> -> memref<64x128xf32, #tpu.memory_space<vmem>>
      %dma_start3A_971 = arith.constant 0 : i32
      %dma_start3A_972 = tpu.memref_slice %arg8[%select_n3A_949, %select_n3A_965, %dma_start3A_971] : memref<2x8x64xi32, #tpu.memory_space<vmem>> -> memref<1x1x64xi32, #tpu.memory_space<vmem>>
      %dma_start3A_973 = tpu.memref_squeeze %dma_start3A_972 : memref<1x1x64xi32, #tpu.memory_space<vmem>> -> memref<64xi32, #tpu.memory_space<vmem>>
      %dma_start3A_974 = arith.constant 0 : i32
      %dma_start3A_975 = arith.constant 0 : i32
      %dma_start3A_976 = tpu.memref_slice %arg11[%dma_start3A_974, %dma_start3A_975] : memref<10000x128xf32, #tpu.memory_space<vmem_shared>> -> memref<10000x128xf32, #tpu.memory_space<vmem_shared>>
      tpu.enqueue_indirect_dma source(%dma_start3A_970 : memref<64x128xf32, #tpu.memory_space<vmem>>) target(%dma_start3A_976 : memref<10000x128xf32, #tpu.memory_space<vmem_shared>>) offsets(%dma_start3A_973 : memref<64xi32, #tpu.memory_space<vmem>>) semaphore(%arg19 : memref<!tpu.dma_semaphore, #tpu.memory_space<semaphore_mem>>) {add = true}
      %mul3A_977 = arith.constant 5 : i32
      %mul3A_978 = arith.muli %scan3A_177, %mul3A_977 : i32
      %add3A_979 = arith.constant 3 : i32
      %add3A_980 = arith.addi %mul3A_978, %add3A_979 : i32
      %dma_wait3A_981 = arith.constant 1 : i32
      %dma_wait3A_982 = arith.constant 0 : i32
      %dma_wait3A_983 = arith.constant 0 : i32
      %dma_wait3A_984 = arith.constant 0 : i32
      %dma_wait3A_985 = arith.constant 0 : i32
      %dma_wait3A_986 = tpu.memref_slice %arg10[%dma_wait3A_981, %dma_wait3A_984, %dma_wait3A_985] : memref<5x64x128xf32, #tpu.memory_space<vmem>> -> memref<1x64x128xf32, #tpu.memory_space<vmem>>
      %dma_wait3A_987 = tpu.memref_squeeze %dma_wait3A_986 : memref<1x64x128xf32, #tpu.memory_space<vmem>> -> memref<64x128xf32, #tpu.memory_space<vmem>>
      %dma_wait3A_988 = arith.constant 0 : i32
      %dma_wait3A_989 = tpu.memref_slice %arg8[%dma_wait3A_982, %dma_wait3A_983, %dma_wait3A_988] : memref<2x8x64xi32, #tpu.memory_space<vmem>> -> memref<1x1x64xi32, #tpu.memory_space<vmem>>
      %dma_wait3A_990 = tpu.memref_squeeze %dma_wait3A_989 : memref<1x1x64xi32, #tpu.memory_space<vmem>> -> memref<64xi32, #tpu.memory_space<vmem>>
      %dma_wait3A_991 = arith.constant 0 : i32
      %dma_wait3A_992 = arith.constant 0 : i32
      %dma_wait3A_993 = tpu.memref_slice %arg11[%dma_wait3A_991, %dma_wait3A_992] : memref<10000x128xf32, #tpu.memory_space<vmem_shared>> -> memref<10000x128xf32, #tpu.memory_space<vmem_shared>>
      tpu.wait_indirect_dma semaphore(%arg18 : memref<!tpu.dma_semaphore, #tpu.memory_space<semaphore_mem>>) src(%dma_wait3A_987 : memref<64x128xf32, #tpu.memory_space<vmem>>) dst(%dma_wait3A_993 : memref<10000x128xf32, #tpu.memory_space<vmem_shared>>)
      %lt3A_994 = arith.constant 31 : i32
      %lt3A_995 = arith.cmpi slt, %scan3A_177, %lt3A_994 : i32
      %convert_element_type3A_996 = arith.extui %lt3A_995 : i1 to i32
      %cond3A_997 = arith.constant 0 : i32
      %cond3A_998 = arith.cmpi ne, %convert_element_type3A_996, %cond3A_997 : i32
      scf.if %cond3A_998 {
        %jit3A_1415 = arith.constant 8 : i32
        %eq3A_1416 = arith.constant 0 : i32
        %eq3A_1417 = arith.cmpi eq, %jit3A_1415, %eq3A_1416 : i32
        %jit3A_1418 = arith.constant 1 : i32
        %select_n3A_1419 = arith.select %eq3A_1417, %jit3A_1418, %jit3A_1415 : i32
        %rem3A_1420 = arith.remsi %scan3A_177, %select_n3A_1419 : i32
        %ne3A_1421 = arith.constant 0 : i32
        %ne3A_1422 = arith.cmpi ne, %rem3A_1420, %ne3A_1421 : i32
        %lt3A_1423 = arith.constant 0 : i32
        %lt3A_1424 = arith.cmpi slt, %rem3A_1420, %lt3A_1423 : i32
        %lt3A_1425 = arith.constant 0 : i32
        %lt3A_1426 = arith.cmpi slt, %select_n3A_1419, %lt3A_1425 : i32
        %ne3A_1427 = arith.xori %lt3A_1424, %lt3A_1426 : i1
        %and3A_1428 = arith.andi %ne3A_1427, %ne3A_1422 : i1
        %add3A_1429 = arith.addi %rem3A_1420, %select_n3A_1419 : i32
        %select_n3A_1430 = arith.select %and3A_1428, %add3A_1429, %rem3A_1420 : i32
        %eq3A_1431 = arith.constant 2 : i32
        %eq3A_1432 = arith.cmpi eq, %select_n3A_1430, %eq3A_1431 : i32
        %convert_element_type3A_1433 = arith.extui %eq3A_1432 : i1 to i32
        %cond3A_1434 = arith.constant 0 : i32
        %cond3A_1435 = arith.cmpi ne, %convert_element_type3A_1433, %cond3A_1434 : i32
        scf.if %cond3A_1435 {
          %dma_wait3A_1505 = arith.constant 0 : i32
          %dma_wait3A_1506 = arith.constant 0 : i32
          %dma_wait3A_1507 = arith.constant 0 : i32
          %dma_wait3A_1508 = arith.constant 0 : i32
          %dma_wait3A_1509 = tpu.memref_slice %arg7[%dma_wait3A_1506, %dma_wait3A_1507, %dma_wait3A_1508] : memref<2x8x64xi32, #tpu.memory_space<vmem>> -> memref<1x8x64xi32, #tpu.memory_space<vmem>>
          %dma_wait3A_1510 = tpu.memref_squeeze %dma_wait3A_1509 : memref<1x8x64xi32, #tpu.memory_space<vmem>> -> memref<8x64xi32, #tpu.memory_space<vmem>>
          %dma_wait3A_1511 = arith.constant 0 : i32
          %dma_wait3A_1512 = tpu.memref_slice %arg3[%dma_wait3A_1505, %mul3A_2, %dma_wait3A_1511] : memref<2x5120x64xi32, #tpu.memory_space<hbm>> -> memref<1x8x64xi32, #tpu.memory_space<hbm>>
          %dma_wait3A_1513 = tpu.memref_squeeze %dma_wait3A_1512 : memref<1x8x64xi32, #tpu.memory_space<hbm>> -> memref<8x64xi32, #tpu.memory_space<hbm>>
          %dma_wait3A_1514 = arith.constant 0 : i32
          %dma_wait3A_1515 = arith.constant 0 : i32
          %dma_wait3A_1516 = tpu.memref_slice %arg7[%dma_wait3A_1506, %dma_wait3A_1514, %dma_wait3A_1515] : memref<2x8x64xi32, #tpu.memory_space<vmem>> -> memref<1x8x64xi32, #tpu.memory_space<vmem>>
          %dma_wait3A_1517 = tpu.memref_squeeze %dma_wait3A_1516 : memref<1x8x64xi32, #tpu.memory_space<vmem>> -> memref<8x64xi32, #tpu.memory_space<vmem>>
          %dma_wait3A_1518 = arith.constant 0 : i32
          %dma_wait3A_1519 = tpu.memref_slice %arg3[%dma_wait3A_1505, %mul3A_2, %dma_wait3A_1518] : memref<2x5120x64xi32, #tpu.memory_space<hbm>> -> memref<1x8x64xi32, #tpu.memory_space<hbm>>
          %dma_wait3A_1520 = tpu.memref_squeeze %dma_wait3A_1519 : memref<1x8x64xi32, #tpu.memory_space<hbm>> -> memref<8x64xi32, #tpu.memory_space<hbm>>
          tpu.wait_dma2 semaphore(%arg22 : memref<!tpu.dma_semaphore, #tpu.memory_space<semaphore_mem>>) src(%dma_wait3A_1520 : memref<8x64xi32, #tpu.memory_space<hbm>>) dst(%dma_wait3A_1517 : memref<8x64xi32, #tpu.memory_space<vmem>>)
          %dma_wait3A_1521 = arith.constant 0 : i32
          %dma_wait3A_1522 = arith.constant 0 : i32
          %dma_wait3A_1523 = arith.constant 0 : i32
          %dma_wait3A_1524 = arith.constant 0 : i32
          %dma_wait3A_1525 = tpu.memref_slice %arg8[%dma_wait3A_1522, %dma_wait3A_1523, %dma_wait3A_1524] : memref<2x8x64xi32, #tpu.memory_space<vmem>> -> memref<1x8x64xi32, #tpu.memory_space<vmem>>
          %dma_wait3A_1526 = tpu.memref_squeeze %dma_wait3A_1525 : memref<1x8x64xi32, #tpu.memory_space<vmem>> -> memref<8x64xi32, #tpu.memory_space<vmem>>
          %dma_wait3A_1527 = arith.constant 0 : i32
          %dma_wait3A_1528 = tpu.memref_slice %arg3[%dma_wait3A_1521, %mul3A_2, %dma_wait3A_1527] : memref<2x5120x64xi32, #tpu.memory_space<hbm>> -> memref<1x8x64xi32, #tpu.memory_space<hbm>>
          %dma_wait3A_1529 = tpu.memref_squeeze %dma_wait3A_1528 : memref<1x8x64xi32, #tpu.memory_space<hbm>> -> memref<8x64xi32, #tpu.memory_space<hbm>>
          %dma_wait3A_1530 = arith.constant 0 : i32
          %dma_wait3A_1531 = arith.constant 0 : i32
          %dma_wait3A_1532 = tpu.memref_slice %arg8[%dma_wait3A_1522, %dma_wait3A_1530, %dma_wait3A_1531] : memref<2x8x64xi32, #tpu.memory_space<vmem>> -> memref<1x8x64xi32, #tpu.memory_space<vmem>>
          %dma_wait3A_1533 = tpu.memref_squeeze %dma_wait3A_1532 : memref<1x8x64xi32, #tpu.memory_space<vmem>> -> memref<8x64xi32, #tpu.memory_space<vmem>>
          %dma_wait3A_1534 = arith.constant 0 : i32
          %dma_wait3A_1535 = tpu.memref_slice %arg3[%dma_wait3A_1521, %mul3A_2, %dma_wait3A_1534] : memref<2x5120x64xi32, #tpu.memory_space<hbm>> -> memref<1x8x64xi32, #tpu.memory_space<hbm>>
          %dma_wait3A_1536 = tpu.memref_squeeze %dma_wait3A_1535 : memref<1x8x64xi32, #tpu.memory_space<hbm>> -> memref<8x64xi32, #tpu.memory_space<hbm>>
          tpu.wait_dma2 semaphore(%arg22 : memref<!tpu.dma_semaphore, #tpu.memory_space<semaphore_mem>>) src(%dma_wait3A_1536 : memref<8x64xi32, #tpu.memory_space<hbm>>) dst(%dma_wait3A_1533 : memref<8x64xi32, #tpu.memory_space<vmem>>)
          %dma_wait3A_1537 = arith.constant 0 : i32
          %dma_wait3A_1538 = arith.constant 0 : i32
          %dma_wait3A_1539 = arith.constant 0 : i32
          %dma_wait3A_1540 = arith.constant 0 : i32
          %dma_wait3A_1541 = tpu.memref_slice %arg9[%dma_wait3A_1538, %dma_wait3A_1539, %dma_wait3A_1540] : memref<2x8x64xf32, #tpu.memory_space<vmem>> -> memref<1x8x64xf32, #tpu.memory_space<vmem>>
          %dma_wait3A_1542 = tpu.memref_squeeze %dma_wait3A_1541 : memref<1x8x64xf32, #tpu.memory_space<vmem>> -> memref<8x64xf32, #tpu.memory_space<vmem>>
          %dma_wait3A_1543 = arith.constant 0 : i32
          %dma_wait3A_1544 = tpu.memref_slice %arg3[%dma_wait3A_1537, %mul3A_2, %dma_wait3A_1543] : memref<2x5120x64xi32, #tpu.memory_space<hbm>> -> memref<1x8x64xi32, #tpu.memory_space<hbm>>
          %dma_wait3A_1545 = tpu.memref_squeeze %dma_wait3A_1544 : memref<1x8x64xi32, #tpu.memory_space<hbm>> -> memref<8x64xi32, #tpu.memory_space<hbm>>
          %dma_wait3A_1546 = arith.constant 0 : i32
          %dma_wait3A_1547 = arith.constant 0 : i32
          %dma_wait3A_1548 = tpu.memref_slice %arg9[%dma_wait3A_1538, %dma_wait3A_1546, %dma_wait3A_1547] : memref<2x8x64xf32, #tpu.memory_space<vmem>> -> memref<1x8x64xf32, #tpu.memory_space<vmem>>
          %dma_wait3A_1549 = tpu.memref_squeeze %dma_wait3A_1548 : memref<1x8x64xf32, #tpu.memory_space<vmem>> -> memref<8x64xf32, #tpu.memory_space<vmem>>
          %dma_wait3A_1550 = arith.constant 0 : i32
          %dma_wait3A_1551 = tpu.memref_slice %arg3[%dma_wait3A_1537, %mul3A_2, %dma_wait3A_1550] : memref<2x5120x64xi32, #tpu.memory_space<hbm>> -> memref<1x8x64xi32, #tpu.memory_space<hbm>>
          %dma_wait3A_1552 = tpu.memref_squeeze %dma_wait3A_1551 : memref<1x8x64xi32, #tpu.memory_space<hbm>> -> memref<8x64xi32, #tpu.memory_space<hbm>>
          tpu.wait_dma2 semaphore(%arg22 : memref<!tpu.dma_semaphore, #tpu.memory_space<semaphore_mem>>) src(%dma_wait3A_1552 : memref<8x64xi32, #tpu.memory_space<hbm>>) dst(%dma_wait3A_1549 : memref<8x64xf32, #tpu.memory_space<vmem>>)
        } else {
        }
        %add3A_1436 = arith.constant 3 : i32
        %add3A_1437 = arith.addi %add3A_980, %add3A_1436 : i32
        %jit3A_1438 = arith.constant 8 : i32
        %div3A_1439 = arith.divsi %add3A_1437, %jit3A_1438 : i32
        %sign3A_1440 = arith.constant 0 : i32
        %sign3A_1441 = arith.cmpi sgt, %add3A_1437, %sign3A_1440 : i32
        %sign3A_1442 = arith.extui %sign3A_1441 : i1 to i32
        %sign3A_1443 = arith.constant 0 : i32
        %sign3A_1444 = arith.cmpi slt, %add3A_1437, %sign3A_1443 : i32
        %sign3A_1445 = arith.extui %sign3A_1444 : i1 to i32
        %sign3A_1446 = arith.subi %sign3A_1442, %sign3A_1445 : i32
        %sign3A_1447 = arith.constant 0 : i32
        %sign3A_1448 = arith.cmpi sgt, %jit3A_1438, %sign3A_1447 : i32
        %sign3A_1449 = arith.extui %sign3A_1448 : i1 to i32
        %sign3A_1450 = arith.constant 0 : i32
        %sign3A_1451 = arith.cmpi slt, %jit3A_1438, %sign3A_1450 : i32
        %sign3A_1452 = arith.extui %sign3A_1451 : i1 to i32
        %sign3A_1453 = arith.subi %sign3A_1449, %sign3A_1452 : i32
        %ne3A_1454 = arith.cmpi ne, %sign3A_1446, %sign3A_1453 : i32
        %rem3A_1455 = arith.remsi %add3A_1437, %jit3A_1438 : i32
        %ne3A_1456 = arith.constant 0 : i32
        %ne3A_1457 = arith.cmpi ne, %rem3A_1455, %ne3A_1456 : i32
        %and3A_1458 = arith.andi %ne3A_1454, %ne3A_1457 : i1
        %sub3A_1459 = arith.constant 1 : i32
        %sub3A_1460 = arith.subi %div3A_1439, %sub3A_1459 : i32
        %select_n3A_1461 = arith.select %and3A_1458, %sub3A_1460, %div3A_1439 : i32
        %jit3A_1462 = arith.constant 2 : i32
        %eq3A_1463 = arith.constant 0 : i32
        %eq3A_1464 = arith.cmpi eq, %jit3A_1462, %eq3A_1463 : i32
        %jit3A_1465 = arith.constant 1 : i32
        %select_n3A_1466 = arith.select %eq3A_1464, %jit3A_1465, %jit3A_1462 : i32
        %rem3A_1467 = arith.remsi %select_n3A_1461, %select_n3A_1466 : i32
        %ne3A_1468 = arith.constant 0 : i32
        %ne3A_1469 = arith.cmpi ne, %rem3A_1467, %ne3A_1468 : i32
        %lt3A_1470 = arith.constant 0 : i32
        %lt3A_1471 = arith.cmpi slt, %rem3A_1467, %lt3A_1470 : i32
        %lt3A_1472 = arith.constant 0 : i32
        %lt3A_1473 = arith.cmpi slt, %select_n3A_1466, %lt3A_1472 : i32
        %ne3A_1474 = arith.xori %lt3A_1471, %lt3A_1473 : i1
        %and3A_1475 = arith.andi %ne3A_1474, %ne3A_1469 : i1
        %add3A_1476 = arith.addi %rem3A_1467, %select_n3A_1466 : i32
        %select_n3A_1477 = arith.select %and3A_1475, %add3A_1476, %rem3A_1467 : i32
        %jit3A_1478 = arith.constant 8 : i32
        %eq3A_1479 = arith.constant 0 : i32
        %eq3A_1480 = arith.cmpi eq, %jit3A_1478, %eq3A_1479 : i32
        %jit3A_1481 = arith.constant 1 : i32
        %select_n3A_1482 = arith.select %eq3A_1480, %jit3A_1481, %jit3A_1478 : i32
        %rem3A_1483 = arith.remsi %add3A_1437, %select_n3A_1482 : i32
        %ne3A_1484 = arith.constant 0 : i32
        %ne3A_1485 = arith.cmpi ne, %rem3A_1483, %ne3A_1484 : i32
        %lt3A_1486 = arith.constant 0 : i32
        %lt3A_1487 = arith.cmpi slt, %rem3A_1483, %lt3A_1486 : i32
        %lt3A_1488 = arith.constant 0 : i32
        %lt3A_1489 = arith.cmpi slt, %select_n3A_1482, %lt3A_1488 : i32
        %ne3A_1490 = arith.xori %lt3A_1487, %lt3A_1489 : i1
        %and3A_1491 = arith.andi %ne3A_1490, %ne3A_1485 : i1
        %add3A_1492 = arith.addi %rem3A_1483, %select_n3A_1482 : i32
        %select_n3A_1493 = arith.select %and3A_1491, %add3A_1492, %rem3A_1483 : i32
        %dma_start3A_1494 = arith.constant 1 : i32
        %dma_start3A_1495 = arith.constant 0 : i32
        %dma_start3A_1496 = arith.constant 0 : i32
        %dma_start3A_1497 = tpu.memref_slice %arg10[%dma_start3A_1494, %dma_start3A_1495, %dma_start3A_1496] : memref<5x64x128xf32, #tpu.memory_space<vmem>> -> memref<1x64x128xf32, #tpu.memory_space<vmem>>
        %dma_start3A_1498 = tpu.memref_squeeze %dma_start3A_1497 : memref<1x64x128xf32, #tpu.memory_space<vmem>> -> memref<64x128xf32, #tpu.memory_space<vmem>>
        %dma_start3A_1499 = arith.constant 0 : i32
        %dma_start3A_1500 = tpu.memref_slice %arg7[%select_n3A_1477, %select_n3A_1493, %dma_start3A_1499] : memref<2x8x64xi32, #tpu.memory_space<vmem>> -> memref<1x1x64xi32, #tpu.memory_space<vmem>>
        %dma_start3A_1501 = tpu.memref_squeeze %dma_start3A_1500 : memref<1x1x64xi32, #tpu.memory_space<vmem>> -> memref<64xi32, #tpu.memory_space<vmem>>
        %dma_start3A_1502 = arith.constant 0 : i32
        %dma_start3A_1503 = arith.constant 0 : i32
        %dma_start3A_1504 = tpu.memref_slice %arg2[%dma_start3A_1502, %dma_start3A_1503] : memref<10000x128xf32, #tpu.memory_space<hbm>> -> memref<10000x128xf32, #tpu.memory_space<hbm>>
        tpu.enqueue_indirect_dma source(%dma_start3A_1504 : memref<10000x128xf32, #tpu.memory_space<hbm>>) target(%dma_start3A_1498 : memref<64x128xf32, #tpu.memory_space<vmem>>) offsets(%dma_start3A_1501 : memref<64xi32, #tpu.memory_space<vmem>>) semaphore(%arg13 : memref<!tpu.dma_semaphore, #tpu.memory_space<semaphore_mem>>)
      } else {
      }
      %jit3A_999 = arith.constant 8 : i32
      %eq3A_1000 = arith.constant 0 : i32
      %eq3A_1001 = arith.cmpi eq, %jit3A_999, %eq3A_1000 : i32
      %jit3A_1002 = arith.constant 1 : i32
      %select_n3A_1003 = arith.select %eq3A_1001, %jit3A_1002, %jit3A_999 : i32
      %rem3A_1004 = arith.remsi %scan3A_177, %select_n3A_1003 : i32
      %ne3A_1005 = arith.constant 0 : i32
      %ne3A_1006 = arith.cmpi ne, %rem3A_1004, %ne3A_1005 : i32
      %lt3A_1007 = arith.constant 0 : i32
      %lt3A_1008 = arith.cmpi slt, %rem3A_1004, %lt3A_1007 : i32
      %lt3A_1009 = arith.constant 0 : i32
      %lt3A_1010 = arith.cmpi slt, %select_n3A_1003, %lt3A_1009 : i32
      %ne3A_1011 = arith.xori %lt3A_1008, %lt3A_1010 : i1
      %and3A_1012 = arith.andi %ne3A_1011, %ne3A_1006 : i1
      %add3A_1013 = arith.addi %rem3A_1004, %select_n3A_1003 : i32
      %select_n3A_1014 = arith.select %and3A_1012, %add3A_1013, %rem3A_1004 : i32
      %eq3A_1015 = arith.constant 6 : i32
      %eq3A_1016 = arith.cmpi eq, %select_n3A_1014, %eq3A_1015 : i32
      %mul3A_1017 = arith.constant 5 : i32
      %mul3A_1018 = arith.muli %scan3A_177, %mul3A_1017 : i32
      %add3A_1019 = arith.constant 3 : i32
      %add3A_1020 = arith.addi %mul3A_1018, %add3A_1019 : i32
      %sub3A_1021 = arith.constant 1 : i32
      %sub3A_1022 = arith.subi %add3A_1020, %sub3A_1021 : i32
      %jit3A_1023 = arith.constant 8 : i32
      %div3A_1024 = arith.divsi %sub3A_1022, %jit3A_1023 : i32
      %sign3A_1025 = arith.constant 0 : i32
      %sign3A_1026 = arith.cmpi sgt, %sub3A_1022, %sign3A_1025 : i32
      %sign3A_1027 = arith.extui %sign3A_1026 : i1 to i32
      %sign3A_1028 = arith.constant 0 : i32
      %sign3A_1029 = arith.cmpi slt, %sub3A_1022, %sign3A_1028 : i32
      %sign3A_1030 = arith.extui %sign3A_1029 : i1 to i32
      %sign3A_1031 = arith.subi %sign3A_1027, %sign3A_1030 : i32
      %sign3A_1032 = arith.constant 0 : i32
      %sign3A_1033 = arith.cmpi sgt, %jit3A_1023, %sign3A_1032 : i32
      %sign3A_1034 = arith.extui %sign3A_1033 : i1 to i32
      %sign3A_1035 = arith.constant 0 : i32
      %sign3A_1036 = arith.cmpi slt, %jit3A_1023, %sign3A_1035 : i32
      %sign3A_1037 = arith.extui %sign3A_1036 : i1 to i32
      %sign3A_1038 = arith.subi %sign3A_1034, %sign3A_1037 : i32
      %ne3A_1039 = arith.cmpi ne, %sign3A_1031, %sign3A_1038 : i32
      %rem3A_1040 = arith.remsi %sub3A_1022, %jit3A_1023 : i32
      %ne3A_1041 = arith.constant 0 : i32
      %ne3A_1042 = arith.cmpi ne, %rem3A_1040, %ne3A_1041 : i32
      %and3A_1043 = arith.andi %ne3A_1039, %ne3A_1042 : i1
      %sub3A_1044 = arith.constant 1 : i32
      %sub3A_1045 = arith.subi %div3A_1024, %sub3A_1044 : i32
      %select_n3A_1046 = arith.select %and3A_1043, %sub3A_1045, %div3A_1024 : i32
      %add3A_1047 = arith.constant 1 : i32
      %add3A_1048 = arith.addi %select_n3A_1046, %add3A_1047 : i32
      %lt3A_1049 = arith.constant 20 : i32
      %lt3A_1050 = arith.cmpi slt, %add3A_1048, %lt3A_1049 : i32
      %and3A_1051 = arith.andi %eq3A_1016, %lt3A_1050 : i1
      %convert_element_type3A_1052 = arith.extui %and3A_1051 : i1 to i32
      %cond3A_1053 = arith.constant 0 : i32
      %cond3A_1054 = arith.cmpi ne, %convert_element_type3A_1052, %cond3A_1053 : i32
      scf.if %cond3A_1054 {
        %mul3A_1415 = arith.constant 5 : i32
        %mul3A_1416 = arith.muli %scan3A_177, %mul3A_1415 : i32
        %add3A_1417 = arith.constant 3 : i32
        %add3A_1418 = arith.addi %mul3A_1416, %add3A_1417 : i32
        %sub3A_1419 = arith.constant 1 : i32
        %sub3A_1420 = arith.subi %add3A_1418, %sub3A_1419 : i32
        %jit3A_1421 = arith.constant 8 : i32
        %div3A_1422 = arith.divsi %sub3A_1420, %jit3A_1421 : i32
        %sign3A_1423 = arith.constant 0 : i32
        %sign3A_1424 = arith.cmpi sgt, %sub3A_1420, %sign3A_1423 : i32
        %sign3A_1425 = arith.extui %sign3A_1424 : i1 to i32
        %sign3A_1426 = arith.constant 0 : i32
        %sign3A_1427 = arith.cmpi slt, %sub3A_1420, %sign3A_1426 : i32
        %sign3A_1428 = arith.extui %sign3A_1427 : i1 to i32
        %sign3A_1429 = arith.subi %sign3A_1425, %sign3A_1428 : i32
        %sign3A_1430 = arith.constant 0 : i32
        %sign3A_1431 = arith.cmpi sgt, %jit3A_1421, %sign3A_1430 : i32
        %sign3A_1432 = arith.extui %sign3A_1431 : i1 to i32
        %sign3A_1433 = arith.constant 0 : i32
        %sign3A_1434 = arith.cmpi slt, %jit3A_1421, %sign3A_1433 : i32
        %sign3A_1435 = arith.extui %sign3A_1434 : i1 to i32
        %sign3A_1436 = arith.subi %sign3A_1432, %sign3A_1435 : i32
        %ne3A_1437 = arith.cmpi ne, %sign3A_1429, %sign3A_1436 : i32
        %rem3A_1438 = arith.remsi %sub3A_1420, %jit3A_1421 : i32
        %ne3A_1439 = arith.constant 0 : i32
        %ne3A_1440 = arith.cmpi ne, %rem3A_1438, %ne3A_1439 : i32
        %and3A_1441 = arith.andi %ne3A_1437, %ne3A_1440 : i1
        %sub3A_1442 = arith.constant 1 : i32
        %sub3A_1443 = arith.subi %div3A_1422, %sub3A_1442 : i32
        %select_n3A_1444 = arith.select %and3A_1441, %sub3A_1443, %div3A_1422 : i32
        %add3A_1445 = arith.constant 1 : i32
        %add3A_1446 = arith.addi %select_n3A_1444, %add3A_1445 : i32
        %mul3A_1447 = arith.constant 8 : i32
        %mul3A_1448 = arith.muli %add3A_1446, %mul3A_1447 : i32
        %add3A_1449 = arith.addi %mul3A_2, %mul3A_1448 : i32
        %multiple_of3A_1450 = tpu.assume_multiple %add3A_1449, 8 : i32
        %jit3A_1451 = arith.constant 2 : i32
        %eq3A_1452 = arith.constant 0 : i32
        %eq3A_1453 = arith.cmpi eq, %jit3A_1451, %eq3A_1452 : i32
        %jit3A_1454 = arith.constant 1 : i32
        %select_n3A_1455 = arith.select %eq3A_1453, %jit3A_1454, %jit3A_1451 : i32
        %rem3A_1456 = arith.remsi %add3A_1446, %select_n3A_1455 : i32
        %ne3A_1457 = arith.constant 0 : i32
        %ne3A_1458 = arith.cmpi ne, %rem3A_1456, %ne3A_1457 : i32
        %lt3A_1459 = arith.constant 0 : i32
        %lt3A_1460 = arith.cmpi slt, %rem3A_1456, %lt3A_1459 : i32
        %lt3A_1461 = arith.constant 0 : i32
        %lt3A_1462 = arith.cmpi slt, %select_n3A_1455, %lt3A_1461 : i32
        %ne3A_1463 = arith.xori %lt3A_1460, %lt3A_1462 : i1
        %and3A_1464 = arith.andi %ne3A_1463, %ne3A_1458 : i1
        %add3A_1465 = arith.addi %rem3A_1456, %select_n3A_1455 : i32
        %select_n3A_1466 = arith.select %and3A_1464, %add3A_1465, %rem3A_1456 : i32
        %dma_start3A_1467 = arith.constant 1 : i32
        %dma_start3A_1468 = arith.constant 0 : i32
        %dma_start3A_1469 = arith.constant 0 : i32
        %dma_start3A_1470 = tpu.memref_slice %arg7[%select_n3A_1466, %dma_start3A_1468, %dma_start3A_1469] : memref<2x8x64xi32, #tpu.memory_space<vmem>> -> memref<1x8x64xi32, #tpu.memory_space<vmem>>
        %dma_start3A_1471 = tpu.memref_squeeze %dma_start3A_1470 : memref<1x8x64xi32, #tpu.memory_space<vmem>> -> memref<8x64xi32, #tpu.memory_space<vmem>>
        %dma_start3A_1472 = arith.constant 0 : i32
        %dma_start3A_1473 = tpu.memref_slice %arg3[%dma_start3A_1467, %multiple_of3A_1450, %dma_start3A_1472] : memref<2x5120x64xi32, #tpu.memory_space<hbm>> -> memref<1x8x64xi32, #tpu.memory_space<hbm>>
        %dma_start3A_1474 = tpu.memref_squeeze %dma_start3A_1473 : memref<1x8x64xi32, #tpu.memory_space<hbm>> -> memref<8x64xi32, #tpu.memory_space<hbm>>
        %dma_start3A_1475 = arith.constant 0 : i32
        %dma_start3A_1476 = arith.constant 0 : i32
        %dma_start3A_1477 = tpu.memref_slice %arg7[%select_n3A_1466, %dma_start3A_1475, %dma_start3A_1476] : memref<2x8x64xi32, #tpu.memory_space<vmem>> -> memref<1x8x64xi32, #tpu.memory_space<vmem>>
        %dma_start3A_1478 = tpu.memref_squeeze %dma_start3A_1477 : memref<1x8x64xi32, #tpu.memory_space<vmem>> -> memref<8x64xi32, #tpu.memory_space<vmem>>
        %dma_start3A_1479 = arith.constant 0 : i32
        %dma_start3A_1480 = tpu.memref_slice %arg3[%dma_start3A_1467, %multiple_of3A_1450, %dma_start3A_1479] : memref<2x5120x64xi32, #tpu.memory_space<hbm>> -> memref<1x8x64xi32, #tpu.memory_space<hbm>>
        %dma_start3A_1481 = tpu.memref_squeeze %dma_start3A_1480 : memref<1x8x64xi32, #tpu.memory_space<hbm>> -> memref<8x64xi32, #tpu.memory_space<hbm>>
        tpu.enqueue_dma source(%dma_start3A_1481 : memref<8x64xi32, #tpu.memory_space<hbm>>) target(%dma_start3A_1478 : memref<8x64xi32, #tpu.memory_space<vmem>>) target_semaphore(%arg22 : memref<!tpu.dma_semaphore, #tpu.memory_space<semaphore_mem>>)
        %dma_start3A_1482 = arith.constant 0 : i32
        %dma_start3A_1483 = arith.constant 0 : i32
        %dma_start3A_1484 = arith.constant 0 : i32
        %dma_start3A_1485 = tpu.memref_slice %arg8[%select_n3A_1466, %dma_start3A_1483, %dma_start3A_1484] : memref<2x8x64xi32, #tpu.memory_space<vmem>> -> memref<1x8x64xi32, #tpu.memory_space<vmem>>
        %dma_start3A_1486 = tpu.memref_squeeze %dma_start3A_1485 : memref<1x8x64xi32, #tpu.memory_space<vmem>> -> memref<8x64xi32, #tpu.memory_space<vmem>>
        %dma_start3A_1487 = arith.constant 0 : i32
        %dma_start3A_1488 = tpu.memref_slice %arg3[%dma_start3A_1482, %multiple_of3A_1450, %dma_start3A_1487] : memref<2x5120x64xi32, #tpu.memory_space<hbm>> -> memref<1x8x64xi32, #tpu.memory_space<hbm>>
        %dma_start3A_1489 = tpu.memref_squeeze %dma_start3A_1488 : memref<1x8x64xi32, #tpu.memory_space<hbm>> -> memref<8x64xi32, #tpu.memory_space<hbm>>
        %dma_start3A_1490 = arith.constant 0 : i32
        %dma_start3A_1491 = arith.constant 0 : i32
        %dma_start3A_1492 = tpu.memref_slice %arg8[%select_n3A_1466, %dma_start3A_1490, %dma_start3A_1491] : memref<2x8x64xi32, #tpu.memory_space<vmem>> -> memref<1x8x64xi32, #tpu.memory_space<vmem>>
        %dma_start3A_1493 = tpu.memref_squeeze %dma_start3A_1492 : memref<1x8x64xi32, #tpu.memory_space<vmem>> -> memref<8x64xi32, #tpu.memory_space<vmem>>
        %dma_start3A_1494 = arith.constant 0 : i32
        %dma_start3A_1495 = tpu.memref_slice %arg3[%dma_start3A_1482, %multiple_of3A_1450, %dma_start3A_1494] : memref<2x5120x64xi32, #tpu.memory_space<hbm>> -> memref<1x8x64xi32, #tpu.memory_space<hbm>>
        %dma_start3A_1496 = tpu.memref_squeeze %dma_start3A_1495 : memref<1x8x64xi32, #tpu.memory_space<hbm>> -> memref<8x64xi32, #tpu.memory_space<hbm>>
        tpu.enqueue_dma source(%dma_start3A_1496 : memref<8x64xi32, #tpu.memory_space<hbm>>) target(%dma_start3A_1493 : memref<8x64xi32, #tpu.memory_space<vmem>>) target_semaphore(%arg22 : memref<!tpu.dma_semaphore, #tpu.memory_space<semaphore_mem>>)
        %dma_start3A_1497 = arith.constant 0 : i32
        %dma_start3A_1498 = arith.constant 0 : i32
        %dma_start3A_1499 = tpu.memref_slice %arg9[%select_n3A_1466, %dma_start3A_1497, %dma_start3A_1498] : memref<2x8x64xf32, #tpu.memory_space<vmem>> -> memref<1x8x64xf32, #tpu.memory_space<vmem>>
        %dma_start3A_1500 = tpu.memref_squeeze %dma_start3A_1499 : memref<1x8x64xf32, #tpu.memory_space<vmem>> -> memref<8x64xf32, #tpu.memory_space<vmem>>
        %dma_start3A_1501 = arith.constant 0 : i32
        %dma_start3A_1502 = tpu.memref_slice %arg4[%multiple_of3A_1450, %dma_start3A_1501] : memref<5120x64xf32, #tpu.memory_space<hbm>> -> memref<8x64xf32, #tpu.memory_space<hbm>>
        %dma_start3A_1503 = arith.constant 0 : i32
        %dma_start3A_1504 = arith.constant 0 : i32
        %dma_start3A_1505 = tpu.memref_slice %arg9[%select_n3A_1466, %dma_start3A_1503, %dma_start3A_1504] : memref<2x8x64xf32, #tpu.memory_space<vmem>> -> memref<1x8x64xf32, #tpu.memory_space<vmem>>
        %dma_start3A_1506 = tpu.memref_squeeze %dma_start3A_1505 : memref<1x8x64xf32, #tpu.memory_space<vmem>> -> memref<8x64xf32, #tpu.memory_space<vmem>>
        %dma_start3A_1507 = arith.constant 0 : i32
        %dma_start3A_1508 = tpu.memref_slice %arg4[%multiple_of3A_1450, %dma_start3A_1507] : memref<5120x64xf32, #tpu.memory_space<hbm>> -> memref<8x64xf32, #tpu.memory_space<hbm>>
        tpu.enqueue_dma source(%dma_start3A_1508 : memref<8x64xf32, #tpu.memory_space<hbm>>) target(%dma_start3A_1506 : memref<8x64xf32, #tpu.memory_space<vmem>>) target_semaphore(%arg22 : memref<!tpu.dma_semaphore, #tpu.memory_space<semaphore_mem>>)
      } else {
      }
      %dma_wait3A_1055 = arith.constant 0 : i32
      %dma_wait3A_1056 = arith.constant 0 : i32
      %dma_wait3A_1057 = arith.constant 3 : i32
      %dma_wait3A_1058 = arith.constant 0 : i32
      %dma_wait3A_1059 = arith.constant 0 : i32
      %dma_wait3A_1060 = tpu.memref_slice %arg10[%dma_wait3A_1057, %dma_wait3A_1058, %dma_wait3A_1059] : memref<5x64x128xf32, #tpu.memory_space<vmem>> -> memref<1x64x128xf32, #tpu.memory_space<vmem>>
      %dma_wait3A_1061 = tpu.memref_squeeze %dma_wait3A_1060 : memref<1x64x128xf32, #tpu.memory_space<vmem>> -> memref<64x128xf32, #tpu.memory_space<vmem>>
      %dma_wait3A_1062 = arith.constant 0 : i32
      %dma_wait3A_1063 = tpu.memref_slice %arg7[%dma_wait3A_1055, %dma_wait3A_1056, %dma_wait3A_1062] : memref<2x8x64xi32, #tpu.memory_space<vmem>> -> memref<1x1x64xi32, #tpu.memory_space<vmem>>
      %dma_wait3A_1064 = tpu.memref_squeeze %dma_wait3A_1063 : memref<1x1x64xi32, #tpu.memory_space<vmem>> -> memref<64xi32, #tpu.memory_space<vmem>>
      %dma_wait3A_1065 = arith.constant 0 : i32
      %dma_wait3A_1066 = arith.constant 0 : i32
      %dma_wait3A_1067 = tpu.memref_slice %arg2[%dma_wait3A_1065, %dma_wait3A_1066] : memref<10000x128xf32, #tpu.memory_space<hbm>> -> memref<10000x128xf32, #tpu.memory_space<hbm>>
      tpu.wait_indirect_dma semaphore(%arg15 : memref<!tpu.dma_semaphore, #tpu.memory_space<semaphore_mem>>) src(%dma_wait3A_1067 : memref<10000x128xf32, #tpu.memory_space<hbm>>) dst(%dma_wait3A_1061 : memref<64x128xf32, #tpu.memory_space<vmem>>)
      %jit3A_1068 = arith.constant 8 : i32
      %div3A_1069 = arith.divsi %add3A_980, %jit3A_1068 : i32
      %sign3A_1070 = arith.constant 0 : i32
      %sign3A_1071 = arith.cmpi sgt, %add3A_980, %sign3A_1070 : i32
      %sign3A_1072 = arith.extui %sign3A_1071 : i1 to i32
      %sign3A_1073 = arith.constant 0 : i32
      %sign3A_1074 = arith.cmpi slt, %add3A_980, %sign3A_1073 : i32
      %sign3A_1075 = arith.extui %sign3A_1074 : i1 to i32
      %sign3A_1076 = arith.subi %sign3A_1072, %sign3A_1075 : i32
      %sign3A_1077 = arith.constant 0 : i32
      %sign3A_1078 = arith.cmpi sgt, %jit3A_1068, %sign3A_1077 : i32
      %sign3A_1079 = arith.extui %sign3A_1078 : i1 to i32
      %sign3A_1080 = arith.constant 0 : i32
      %sign3A_1081 = arith.cmpi slt, %jit3A_1068, %sign3A_1080 : i32
      %sign3A_1082 = arith.extui %sign3A_1081 : i1 to i32
      %sign3A_1083 = arith.subi %sign3A_1079, %sign3A_1082 : i32
      %ne3A_1084 = arith.cmpi ne, %sign3A_1076, %sign3A_1083 : i32
      %rem3A_1085 = arith.remsi %add3A_980, %jit3A_1068 : i32
      %ne3A_1086 = arith.constant 0 : i32
      %ne3A_1087 = arith.cmpi ne, %rem3A_1085, %ne3A_1086 : i32
      %and3A_1088 = arith.andi %ne3A_1084, %ne3A_1087 : i1
      %sub3A_1089 = arith.constant 1 : i32
      %sub3A_1090 = arith.subi %div3A_1069, %sub3A_1089 : i32
      %select_n3A_1091 = arith.select %and3A_1088, %sub3A_1090, %div3A_1069 : i32
      %jit3A_1092 = arith.constant 2 : i32
      %eq3A_1093 = arith.constant 0 : i32
      %eq3A_1094 = arith.cmpi eq, %jit3A_1092, %eq3A_1093 : i32
      %jit3A_1095 = arith.constant 1 : i32
      %select_n3A_1096 = arith.select %eq3A_1094, %jit3A_1095, %jit3A_1092 : i32
      %rem3A_1097 = arith.remsi %select_n3A_1091, %select_n3A_1096 : i32
      %ne3A_1098 = arith.constant 0 : i32
      %ne3A_1099 = arith.cmpi ne, %rem3A_1097, %ne3A_1098 : i32
      %lt3A_1100 = arith.constant 0 : i32
      %lt3A_1101 = arith.cmpi slt, %rem3A_1097, %lt3A_1100 : i32
      %lt3A_1102 = arith.constant 0 : i32
      %lt3A_1103 = arith.cmpi slt, %select_n3A_1096, %lt3A_1102 : i32
      %ne3A_1104 = arith.xori %lt3A_1101, %lt3A_1103 : i1
      %and3A_1105 = arith.andi %ne3A_1104, %ne3A_1099 : i1
      %add3A_1106 = arith.addi %rem3A_1097, %select_n3A_1096 : i32
      %select_n3A_1107 = arith.select %and3A_1105, %add3A_1106, %rem3A_1097 : i32
      %broadcast_in_dim3A_1108 = vector.broadcast %select_n3A_1107 : i32 to vector<16xi32>
      %jit3A_1109 = arith.constant 8 : i32
      %eq3A_1110 = arith.constant 0 : i32
      %eq3A_1111 = arith.cmpi eq, %jit3A_1109, %eq3A_1110 : i32
      %jit3A_1112 = arith.constant 1 : i32
      %select_n3A_1113 = arith.select %eq3A_1111, %jit3A_1112, %jit3A_1109 : i32
      %rem3A_1114 = arith.remsi %add3A_980, %select_n3A_1113 : i32
      %ne3A_1115 = arith.constant 0 : i32
      %ne3A_1116 = arith.cmpi ne, %rem3A_1114, %ne3A_1115 : i32
      %lt3A_1117 = arith.constant 0 : i32
      %lt3A_1118 = arith.cmpi slt, %rem3A_1114, %lt3A_1117 : i32
      %lt3A_1119 = arith.constant 0 : i32
      %lt3A_1120 = arith.cmpi slt, %select_n3A_1113, %lt3A_1119 : i32
      %ne3A_1121 = arith.xori %lt3A_1118, %lt3A_1120 : i1
      %and3A_1122 = arith.andi %ne3A_1121, %ne3A_1116 : i1
      %add3A_1123 = arith.addi %rem3A_1114, %select_n3A_1113 : i32
      %select_n3A_1124 = arith.select %and3A_1122, %add3A_1123, %rem3A_1114 : i32
      %broadcast_in_dim3A_1125 = vector.broadcast %select_n3A_1124 : i32 to vector<16xi32>
      %parallel_loop3A_1126 = arith.constant 0 : i32
      %parallel_loop3A_1127 = arith.constant 64 : i32
      %parallel_loop3A_1128 = arith.constant 1 : i32
      scf.for %parallel_loop3A_1415 = %parallel_loop3A_1126 to %parallel_loop3A_1127 step %parallel_loop3A_1128  : i32 {
        %parallel_loop3A_1416 = vector.broadcast %parallel_loop3A_1415 : i32 to vector<16xi32>
        %parallel_loop3A_1417 = tpu.vector_load_idx %arg9[%broadcast_in_dim3A_1108, %broadcast_in_dim3A_1125, %parallel_loop3A_1416] : memref<2x8x64xf32, #tpu.memory_space<vmem>>[vector<16xi32>, vector<16xi32>, vector<16xi32>], vector<16xf32>,
        %parallel_loop3A_1418 = arith.constant 3 : i32
        %parallel_loop3A_1419 = arith.index_cast %parallel_loop3A_1418 : i32 to index
        %parallel_loop3A_1420 = arith.index_cast %parallel_loop3A_1415 : i32 to index
        %parallel_loop3A_1421 = arith.constant 0 : index
        %parallel_loop3A_1422 = tpu.vector_load %arg10[%parallel_loop3A_1419, %parallel_loop3A_1420, %parallel_loop3A_1421] {strides = array<i32>} : memref<5x64x128xf32, #tpu.memory_space<vmem>>, vector<16xf32>,
        %parallel_loop3A_1423 = arith.mulf %parallel_loop3A_1422, %parallel_loop3A_1417 : vector<16xf32>
        %parallel_loop3A_1424 = arith.constant 3 : i32
        %parallel_loop3A_1425 = arith.index_cast %parallel_loop3A_1424 : i32 to index
        %parallel_loop3A_1426 = arith.index_cast %parallel_loop3A_1415 : i32 to index
        %parallel_loop3A_1427 = arith.constant 0 : index
        %parallel_loop3A_1428 = tpu.vector_load %arg10[%parallel_loop3A_1425, %parallel_loop3A_1426, %parallel_loop3A_1427] {strides = array<i32>} : memref<5x64x128xf32, #tpu.memory_space<vmem>>, vector<16xf32>,
        tpu.vector_store %arg10[%parallel_loop3A_1425, %parallel_loop3A_1426, %parallel_loop3A_1427], %parallel_loop3A_1423 {strides = array<i32>} : memref<5x64x128xf32, #tpu.memory_space<vmem>>, vector<16xf32>,
        %parallel_loop3A_1429 = arith.constant 3 : i32
        %parallel_loop3A_1430 = arith.index_cast %parallel_loop3A_1429 : i32 to index
        %parallel_loop3A_1431 = arith.index_cast %parallel_loop3A_1415 : i32 to index
        %parallel_loop3A_1432 = arith.constant 16 : index
        %parallel_loop3A_1433 = tpu.vector_load %arg10[%parallel_loop3A_1430, %parallel_loop3A_1431, %parallel_loop3A_1432] {strides = array<i32>} : memref<5x64x128xf32, #tpu.memory_space<vmem>>, vector<16xf32>,
        %parallel_loop3A_1434 = arith.mulf %parallel_loop3A_1433, %parallel_loop3A_1417 : vector<16xf32>
        %parallel_loop3A_1435 = arith.constant 3 : i32
        %parallel_loop3A_1436 = arith.index_cast %parallel_loop3A_1435 : i32 to index
        %parallel_loop3A_1437 = arith.index_cast %parallel_loop3A_1415 : i32 to index
        %parallel_loop3A_1438 = arith.constant 16 : index
        %parallel_loop3A_1439 = tpu.vector_load %arg10[%parallel_loop3A_1436, %parallel_loop3A_1437, %parallel_loop3A_1438] {strides = array<i32>} : memref<5x64x128xf32, #tpu.memory_space<vmem>>, vector<16xf32>,
        tpu.vector_store %arg10[%parallel_loop3A_1436, %parallel_loop3A_1437, %parallel_loop3A_1438], %parallel_loop3A_1434 {strides = array<i32>} : memref<5x64x128xf32, #tpu.memory_space<vmem>>, vector<16xf32>,
        %parallel_loop3A_1440 = arith.constant 3 : i32
        %parallel_loop3A_1441 = arith.index_cast %parallel_loop3A_1440 : i32 to index
        %parallel_loop3A_1442 = arith.index_cast %parallel_loop3A_1415 : i32 to index
        %parallel_loop3A_1443 = arith.constant 32 : index
        %parallel_loop3A_1444 = tpu.vector_load %arg10[%parallel_loop3A_1441, %parallel_loop3A_1442, %parallel_loop3A_1443] {strides = array<i32>} : memref<5x64x128xf32, #tpu.memory_space<vmem>>, vector<16xf32>,
        %parallel_loop3A_1445 = arith.mulf %parallel_loop3A_1444, %parallel_loop3A_1417 : vector<16xf32>
        %parallel_loop3A_1446 = arith.constant 3 : i32
        %parallel_loop3A_1447 = arith.index_cast %parallel_loop3A_1446 : i32 to index
        %parallel_loop3A_1448 = arith.index_cast %parallel_loop3A_1415 : i32 to index
        %parallel_loop3A_1449 = arith.constant 32 : index
        %parallel_loop3A_1450 = tpu.vector_load %arg10[%parallel_loop3A_1447, %parallel_loop3A_1448, %parallel_loop3A_1449] {strides = array<i32>} : memref<5x64x128xf32, #tpu.memory_space<vmem>>, vector<16xf32>,
        tpu.vector_store %arg10[%parallel_loop3A_1447, %parallel_loop3A_1448, %parallel_loop3A_1449], %parallel_loop3A_1445 {strides = array<i32>} : memref<5x64x128xf32, #tpu.memory_space<vmem>>, vector<16xf32>,
        %parallel_loop3A_1451 = arith.constant 3 : i32
        %parallel_loop3A_1452 = arith.index_cast %parallel_loop3A_1451 : i32 to index
        %parallel_loop3A_1453 = arith.index_cast %parallel_loop3A_1415 : i32 to index
        %parallel_loop3A_1454 = arith.constant 48 : index
        %parallel_loop3A_1455 = tpu.vector_load %arg10[%parallel_loop3A_1452, %parallel_loop3A_1453, %parallel_loop3A_1454] {strides = array<i32>} : memref<5x64x128xf32, #tpu.memory_space<vmem>>, vector<16xf32>,
        %parallel_loop3A_1456 = arith.mulf %parallel_loop3A_1455, %parallel_loop3A_1417 : vector<16xf32>
        %parallel_loop3A_1457 = arith.constant 3 : i32
        %parallel_loop3A_1458 = arith.index_cast %parallel_loop3A_1457 : i32 to index
        %parallel_loop3A_1459 = arith.index_cast %parallel_loop3A_1415 : i32 to index
        %parallel_loop3A_1460 = arith.constant 48 : index
        %parallel_loop3A_1461 = tpu.vector_load %arg10[%parallel_loop3A_1458, %parallel_loop3A_1459, %parallel_loop3A_1460] {strides = array<i32>} : memref<5x64x128xf32, #tpu.memory_space<vmem>>, vector<16xf32>,
        tpu.vector_store %arg10[%parallel_loop3A_1458, %parallel_loop3A_1459, %parallel_loop3A_1460], %parallel_loop3A_1456 {strides = array<i32>} : memref<5x64x128xf32, #tpu.memory_space<vmem>>, vector<16xf32>,
        %parallel_loop3A_1462 = arith.constant 3 : i32
        %parallel_loop3A_1463 = arith.index_cast %parallel_loop3A_1462 : i32 to index
        %parallel_loop3A_1464 = arith.index_cast %parallel_loop3A_1415 : i32 to index
        %parallel_loop3A_1465 = arith.constant 64 : index
        %parallel_loop3A_1466 = tpu.vector_load %arg10[%parallel_loop3A_1463, %parallel_loop3A_1464, %parallel_loop3A_1465] {strides = array<i32>} : memref<5x64x128xf32, #tpu.memory_space<vmem>>, vector<16xf32>,
        %parallel_loop3A_1467 = arith.mulf %parallel_loop3A_1466, %parallel_loop3A_1417 : vector<16xf32>
        %parallel_loop3A_1468 = arith.constant 3 : i32
        %parallel_loop3A_1469 = arith.index_cast %parallel_loop3A_1468 : i32 to index
        %parallel_loop3A_1470 = arith.index_cast %parallel_loop3A_1415 : i32 to index
        %parallel_loop3A_1471 = arith.constant 64 : index
        %parallel_loop3A_1472 = tpu.vector_load %arg10[%parallel_loop3A_1469, %parallel_loop3A_1470, %parallel_loop3A_1471] {strides = array<i32>} : memref<5x64x128xf32, #tpu.memory_space<vmem>>, vector<16xf32>,
        tpu.vector_store %arg10[%parallel_loop3A_1469, %parallel_loop3A_1470, %parallel_loop3A_1471], %parallel_loop3A_1467 {strides = array<i32>} : memref<5x64x128xf32, #tpu.memory_space<vmem>>, vector<16xf32>,
        %parallel_loop3A_1473 = arith.constant 3 : i32
        %parallel_loop3A_1474 = arith.index_cast %parallel_loop3A_1473 : i32 to index
        %parallel_loop3A_1475 = arith.index_cast %parallel_loop3A_1415 : i32 to index
        %parallel_loop3A_1476 = arith.constant 80 : index
        %parallel_loop3A_1477 = tpu.vector_load %arg10[%parallel_loop3A_1474, %parallel_loop3A_1475, %parallel_loop3A_1476] {strides = array<i32>} : memref<5x64x128xf32, #tpu.memory_space<vmem>>, vector<16xf32>,
        %parallel_loop3A_1478 = arith.mulf %parallel_loop3A_1477, %parallel_loop3A_1417 : vector<16xf32>
        %parallel_loop3A_1479 = arith.constant 3 : i32
        %parallel_loop3A_1480 = arith.index_cast %parallel_loop3A_1479 : i32 to index
        %parallel_loop3A_1481 = arith.index_cast %parallel_loop3A_1415 : i32 to index
        %parallel_loop3A_1482 = arith.constant 80 : index
        %parallel_loop3A_1483 = tpu.vector_load %arg10[%parallel_loop3A_1480, %parallel_loop3A_1481, %parallel_loop3A_1482] {strides = array<i32>} : memref<5x64x128xf32, #tpu.memory_space<vmem>>, vector<16xf32>,
        tpu.vector_store %arg10[%parallel_loop3A_1480, %parallel_loop3A_1481, %parallel_loop3A_1482], %parallel_loop3A_1478 {strides = array<i32>} : memref<5x64x128xf32, #tpu.memory_space<vmem>>, vector<16xf32>,
        %parallel_loop3A_1484 = arith.constant 3 : i32
        %parallel_loop3A_1485 = arith.index_cast %parallel_loop3A_1484 : i32 to index
        %parallel_loop3A_1486 = arith.index_cast %parallel_loop3A_1415 : i32 to index
        %parallel_loop3A_1487 = arith.constant 96 : index
        %parallel_loop3A_1488 = tpu.vector_load %arg10[%parallel_loop3A_1485, %parallel_loop3A_1486, %parallel_loop3A_1487] {strides = array<i32>} : memref<5x64x128xf32, #tpu.memory_space<vmem>>, vector<16xf32>,
        %parallel_loop3A_1489 = arith.mulf %parallel_loop3A_1488, %parallel_loop3A_1417 : vector<16xf32>
        %parallel_loop3A_1490 = arith.constant 3 : i32
        %parallel_loop3A_1491 = arith.index_cast %parallel_loop3A_1490 : i32 to index
        %parallel_loop3A_1492 = arith.index_cast %parallel_loop3A_1415 : i32 to index
        %parallel_loop3A_1493 = arith.constant 96 : index
        %parallel_loop3A_1494 = tpu.vector_load %arg10[%parallel_loop3A_1491, %parallel_loop3A_1492, %parallel_loop3A_1493] {strides = array<i32>} : memref<5x64x128xf32, #tpu.memory_space<vmem>>, vector<16xf32>,
        tpu.vector_store %arg10[%parallel_loop3A_1491, %parallel_loop3A_1492, %parallel_loop3A_1493], %parallel_loop3A_1489 {strides = array<i32>} : memref<5x64x128xf32, #tpu.memory_space<vmem>>, vector<16xf32>,
        %parallel_loop3A_1495 = arith.constant 3 : i32
        %parallel_loop3A_1496 = arith.index_cast %parallel_loop3A_1495 : i32 to index
        %parallel_loop3A_1497 = arith.index_cast %parallel_loop3A_1415 : i32 to index
        %parallel_loop3A_1498 = arith.constant 112 : index
        %parallel_loop3A_1499 = tpu.vector_load %arg10[%parallel_loop3A_1496, %parallel_loop3A_1497, %parallel_loop3A_1498] {strides = array<i32>} : memref<5x64x128xf32, #tpu.memory_space<vmem>>, vector<16xf32>,
        %parallel_loop3A_1500 = arith.mulf %parallel_loop3A_1499, %parallel_loop3A_1417 : vector<16xf32>
        %parallel_loop3A_1501 = arith.constant 3 : i32
        %parallel_loop3A_1502 = arith.index_cast %parallel_loop3A_1501 : i32 to index
        %parallel_loop3A_1503 = arith.index_cast %parallel_loop3A_1415 : i32 to index
        %parallel_loop3A_1504 = arith.constant 112 : index
        %parallel_loop3A_1505 = tpu.vector_load %arg10[%parallel_loop3A_1502, %parallel_loop3A_1503, %parallel_loop3A_1504] {strides = array<i32>} : memref<5x64x128xf32, #tpu.memory_space<vmem>>, vector<16xf32>,
        tpu.vector_store %arg10[%parallel_loop3A_1502, %parallel_loop3A_1503, %parallel_loop3A_1504], %parallel_loop3A_1500 {strides = array<i32>} : memref<5x64x128xf32, #tpu.memory_space<vmem>>, vector<16xf32>,
      } {sc.loop_unroll_factor = 4 : i64, sc.parallel_access}
      %jit3A_1129 = arith.constant 8 : i32
      %div3A_1130 = arith.divsi %add3A_980, %jit3A_1129 : i32
      %sign3A_1131 = arith.constant 0 : i32
      %sign3A_1132 = arith.cmpi sgt, %add3A_980, %sign3A_1131 : i32
      %sign3A_1133 = arith.extui %sign3A_1132 : i1 to i32
      %sign3A_1134 = arith.constant 0 : i32
      %sign3A_1135 = arith.cmpi slt, %add3A_980, %sign3A_1134 : i32
      %sign3A_1136 = arith.extui %sign3A_1135 : i1 to i32
      %sign3A_1137 = arith.subi %sign3A_1133, %sign3A_1136 : i32
      %sign3A_1138 = arith.constant 0 : i32
      %sign3A_1139 = arith.cmpi sgt, %jit3A_1129, %sign3A_1138 : i32
      %sign3A_1140 = arith.extui %sign3A_1139 : i1 to i32
      %sign3A_1141 = arith.constant 0 : i32
      %sign3A_1142 = arith.cmpi slt, %jit3A_1129, %sign3A_1141 : i32
      %sign3A_1143 = arith.extui %sign3A_1142 : i1 to i32
      %sign3A_1144 = arith.subi %sign3A_1140, %sign3A_1143 : i32
      %ne3A_1145 = arith.cmpi ne, %sign3A_1137, %sign3A_1144 : i32
      %rem3A_1146 = arith.remsi %add3A_980, %jit3A_1129 : i32
      %ne3A_1147 = arith.constant 0 : i32
      %ne3A_1148 = arith.cmpi ne, %rem3A_1146, %ne3A_1147 : i32
      %and3A_1149 = arith.andi %ne3A_1145, %ne3A_1148 : i1
      %sub3A_1150 = arith.constant 1 : i32
      %sub3A_1151 = arith.subi %div3A_1130, %sub3A_1150 : i32
      %select_n3A_1152 = arith.select %and3A_1149, %sub3A_1151, %div3A_1130 : i32
      %jit3A_1153 = arith.constant 2 : i32
      %eq3A_1154 = arith.constant 0 : i32
      %eq3A_1155 = arith.cmpi eq, %jit3A_1153, %eq3A_1154 : i32
      %jit3A_1156 = arith.constant 1 : i32
      %select_n3A_1157 = arith.select %eq3A_1155, %jit3A_1156, %jit3A_1153 : i32
      %rem3A_1158 = arith.remsi %select_n3A_1152, %select_n3A_1157 : i32
      %ne3A_1159 = arith.constant 0 : i32
      %ne3A_1160 = arith.cmpi ne, %rem3A_1158, %ne3A_1159 : i32
      %lt3A_1161 = arith.constant 0 : i32
      %lt3A_1162 = arith.cmpi slt, %rem3A_1158, %lt3A_1161 : i32
      %lt3A_1163 = arith.constant 0 : i32
      %lt3A_1164 = arith.cmpi slt, %select_n3A_1157, %lt3A_1163 : i32
      %ne3A_1165 = arith.xori %lt3A_1162, %lt3A_1164 : i1
      %and3A_1166 = arith.andi %ne3A_1165, %ne3A_1160 : i1
      %add3A_1167 = arith.addi %rem3A_1158, %select_n3A_1157 : i32
      %select_n3A_1168 = arith.select %and3A_1166, %add3A_1167, %rem3A_1158 : i32
      %jit3A_1169 = arith.constant 8 : i32
      %eq3A_1170 = arith.constant 0 : i32
      %eq3A_1171 = arith.cmpi eq, %jit3A_1169, %eq3A_1170 : i32
      %jit3A_1172 = arith.constant 1 : i32
      %select_n3A_1173 = arith.select %eq3A_1171, %jit3A_1172, %jit3A_1169 : i32
      %rem3A_1174 = arith.remsi %add3A_980, %select_n3A_1173 : i32
      %ne3A_1175 = arith.constant 0 : i32
      %ne3A_1176 = arith.cmpi ne, %rem3A_1174, %ne3A_1175 : i32
      %lt3A_1177 = arith.constant 0 : i32
      %lt3A_1178 = arith.cmpi slt, %rem3A_1174, %lt3A_1177 : i32
      %lt3A_1179 = arith.constant 0 : i32
      %lt3A_1180 = arith.cmpi slt, %select_n3A_1173, %lt3A_1179 : i32
      %ne3A_1181 = arith.xori %lt3A_1178, %lt3A_1180 : i1
      %and3A_1182 = arith.andi %ne3A_1181, %ne3A_1176 : i1
      %add3A_1183 = arith.addi %rem3A_1174, %select_n3A_1173 : i32
      %select_n3A_1184 = arith.select %and3A_1182, %add3A_1183, %rem3A_1174 : i32
      %dma_start3A_1185 = arith.constant 3 : i32
      %dma_start3A_1186 = arith.constant 0 : i32
      %dma_start3A_1187 = arith.constant 0 : i32
      %dma_start3A_1188 = tpu.memref_slice %arg10[%dma_start3A_1185, %dma_start3A_1186, %dma_start3A_1187] : memref<5x64x128xf32, #tpu.memory_space<vmem>> -> memref<1x64x128xf32, #tpu.memory_space<vmem>>
      %dma_start3A_1189 = tpu.memref_squeeze %dma_start3A_1188 : memref<1x64x128xf32, #tpu.memory_space<vmem>> -> memref<64x128xf32, #tpu.memory_space<vmem>>
      %dma_start3A_1190 = arith.constant 0 : i32
      %dma_start3A_1191 = tpu.memref_slice %arg8[%select_n3A_1168, %select_n3A_1184, %dma_start3A_1190] : memref<2x8x64xi32, #tpu.memory_space<vmem>> -> memref<1x1x64xi32, #tpu.memory_space<vmem>>
      %dma_start3A_1192 = tpu.memref_squeeze %dma_start3A_1191 : memref<1x1x64xi32, #tpu.memory_space<vmem>> -> memref<64xi32, #tpu.memory_space<vmem>>
      %dma_start3A_1193 = arith.constant 0 : i32
      %dma_start3A_1194 = arith.constant 0 : i32
      %dma_start3A_1195 = tpu.memref_slice %arg11[%dma_start3A_1193, %dma_start3A_1194] : memref<10000x128xf32, #tpu.memory_space<vmem_shared>> -> memref<10000x128xf32, #tpu.memory_space<vmem_shared>>
      tpu.enqueue_indirect_dma source(%dma_start3A_1189 : memref<64x128xf32, #tpu.memory_space<vmem>>) target(%dma_start3A_1195 : memref<10000x128xf32, #tpu.memory_space<vmem_shared>>) offsets(%dma_start3A_1192 : memref<64xi32, #tpu.memory_space<vmem>>) semaphore(%arg20 : memref<!tpu.dma_semaphore, #tpu.memory_space<semaphore_mem>>) {add = true}
      %mul3A_1196 = arith.constant 5 : i32
      %mul3A_1197 = arith.muli %scan3A_177, %mul3A_1196 : i32
      %add3A_1198 = arith.constant 4 : i32
      %add3A_1199 = arith.addi %mul3A_1197, %add3A_1198 : i32
      %dma_wait3A_1200 = arith.constant 2 : i32
      %dma_wait3A_1201 = arith.constant 0 : i32
      %dma_wait3A_1202 = arith.constant 0 : i32
      %dma_wait3A_1203 = arith.constant 0 : i32
      %dma_wait3A_1204 = arith.constant 0 : i32
      %dma_wait3A_1205 = tpu.memref_slice %arg10[%dma_wait3A_1200, %dma_wait3A_1203, %dma_wait3A_1204] : memref<5x64x128xf32, #tpu.memory_space<vmem>> -> memref<1x64x128xf32, #tpu.memory_space<vmem>>
      %dma_wait3A_1206 = tpu.memref_squeeze %dma_wait3A_1205 : memref<1x64x128xf32, #tpu.memory_space<vmem>> -> memref<64x128xf32, #tpu.memory_space<vmem>>
      %dma_wait3A_1207 = arith.constant 0 : i32
      %dma_wait3A_1208 = tpu.memref_slice %arg8[%dma_wait3A_1201, %dma_wait3A_1202, %dma_wait3A_1207] : memref<2x8x64xi32, #tpu.memory_space<vmem>> -> memref<1x1x64xi32, #tpu.memory_space<vmem>>
      %dma_wait3A_1209 = tpu.memref_squeeze %dma_wait3A_1208 : memref<1x1x64xi32, #tpu.memory_space<vmem>> -> memref<64xi32, #tpu.memory_space<vmem>>
      %dma_wait3A_1210 = arith.constant 0 : i32
      %dma_wait3A_1211 = arith.constant 0 : i32
      %dma_wait3A_1212 = tpu.memref_slice %arg11[%dma_wait3A_1210, %dma_wait3A_1211] : memref<10000x128xf32, #tpu.memory_space<vmem_shared>> -> memref<10000x128xf32, #tpu.memory_space<vmem_shared>>
      tpu.wait_indirect_dma semaphore(%arg19 : memref<!tpu.dma_semaphore, #tpu.memory_space<semaphore_mem>>) src(%dma_wait3A_1206 : memref<64x128xf32, #tpu.memory_space<vmem>>) dst(%dma_wait3A_1212 : memref<10000x128xf32, #tpu.memory_space<vmem_shared>>)
      %lt3A_1213 = arith.constant 31 : i32
      %lt3A_1214 = arith.cmpi slt, %scan3A_177, %lt3A_1213 : i32
      %convert_element_type3A_1215 = arith.extui %lt3A_1214 : i1 to i32
      %cond3A_1216 = arith.constant 0 : i32
      %cond3A_1217 = arith.cmpi ne, %convert_element_type3A_1215, %cond3A_1216 : i32
      scf.if %cond3A_1217 {
        %jit3A_1415 = arith.constant 8 : i32
        %eq3A_1416 = arith.constant 0 : i32
        %eq3A_1417 = arith.cmpi eq, %jit3A_1415, %eq3A_1416 : i32
        %jit3A_1418 = arith.constant 1 : i32
        %select_n3A_1419 = arith.select %eq3A_1417, %jit3A_1418, %jit3A_1415 : i32
        %rem3A_1420 = arith.remsi %scan3A_177, %select_n3A_1419 : i32
        %ne3A_1421 = arith.constant 0 : i32
        %ne3A_1422 = arith.cmpi ne, %rem3A_1420, %ne3A_1421 : i32
        %lt3A_1423 = arith.constant 0 : i32
        %lt3A_1424 = arith.cmpi slt, %rem3A_1420, %lt3A_1423 : i32
        %lt3A_1425 = arith.constant 0 : i32
        %lt3A_1426 = arith.cmpi slt, %select_n3A_1419, %lt3A_1425 : i32
        %ne3A_1427 = arith.xori %lt3A_1424, %lt3A_1426 : i1
        %and3A_1428 = arith.andi %ne3A_1427, %ne3A_1422 : i1
        %add3A_1429 = arith.addi %rem3A_1420, %select_n3A_1419 : i32
        %select_n3A_1430 = arith.select %and3A_1428, %add3A_1429, %rem3A_1420 : i32
        %eq3A_1431 = arith.constant 5 : i32
        %eq3A_1432 = arith.cmpi eq, %select_n3A_1430, %eq3A_1431 : i32
        %convert_element_type3A_1433 = arith.extui %eq3A_1432 : i1 to i32
        %cond3A_1434 = arith.constant 0 : i32
        %cond3A_1435 = arith.cmpi ne, %convert_element_type3A_1433, %cond3A_1434 : i32
        scf.if %cond3A_1435 {
          %dma_wait3A_1505 = arith.constant 0 : i32
          %dma_wait3A_1506 = arith.constant 0 : i32
          %dma_wait3A_1507 = arith.constant 0 : i32
          %dma_wait3A_1508 = arith.constant 0 : i32
          %dma_wait3A_1509 = tpu.memref_slice %arg7[%dma_wait3A_1506, %dma_wait3A_1507, %dma_wait3A_1508] : memref<2x8x64xi32, #tpu.memory_space<vmem>> -> memref<1x8x64xi32, #tpu.memory_space<vmem>>
          %dma_wait3A_1510 = tpu.memref_squeeze %dma_wait3A_1509 : memref<1x8x64xi32, #tpu.memory_space<vmem>> -> memref<8x64xi32, #tpu.memory_space<vmem>>
          %dma_wait3A_1511 = arith.constant 0 : i32
          %dma_wait3A_1512 = tpu.memref_slice %arg3[%dma_wait3A_1505, %mul3A_2, %dma_wait3A_1511] : memref<2x5120x64xi32, #tpu.memory_space<hbm>> -> memref<1x8x64xi32, #tpu.memory_space<hbm>>
          %dma_wait3A_1513 = tpu.memref_squeeze %dma_wait3A_1512 : memref<1x8x64xi32, #tpu.memory_space<hbm>> -> memref<8x64xi32, #tpu.memory_space<hbm>>
          %dma_wait3A_1514 = arith.constant 0 : i32
          %dma_wait3A_1515 = arith.constant 0 : i32
          %dma_wait3A_1516 = tpu.memref_slice %arg7[%dma_wait3A_1506, %dma_wait3A_1514, %dma_wait3A_1515] : memref<2x8x64xi32, #tpu.memory_space<vmem>> -> memref<1x8x64xi32, #tpu.memory_space<vmem>>
          %dma_wait3A_1517 = tpu.memref_squeeze %dma_wait3A_1516 : memref<1x8x64xi32, #tpu.memory_space<vmem>> -> memref<8x64xi32, #tpu.memory_space<vmem>>
          %dma_wait3A_1518 = arith.constant 0 : i32
          %dma_wait3A_1519 = tpu.memref_slice %arg3[%dma_wait3A_1505, %mul3A_2, %dma_wait3A_1518] : memref<2x5120x64xi32, #tpu.memory_space<hbm>> -> memref<1x8x64xi32, #tpu.memory_space<hbm>>
          %dma_wait3A_1520 = tpu.memref_squeeze %dma_wait3A_1519 : memref<1x8x64xi32, #tpu.memory_space<hbm>> -> memref<8x64xi32, #tpu.memory_space<hbm>>
          tpu.wait_dma2 semaphore(%arg22 : memref<!tpu.dma_semaphore, #tpu.memory_space<semaphore_mem>>) src(%dma_wait3A_1520 : memref<8x64xi32, #tpu.memory_space<hbm>>) dst(%dma_wait3A_1517 : memref<8x64xi32, #tpu.memory_space<vmem>>)
          %dma_wait3A_1521 = arith.constant 0 : i32
          %dma_wait3A_1522 = arith.constant 0 : i32
          %dma_wait3A_1523 = arith.constant 0 : i32
          %dma_wait3A_1524 = arith.constant 0 : i32
          %dma_wait3A_1525 = tpu.memref_slice %arg8[%dma_wait3A_1522, %dma_wait3A_1523, %dma_wait3A_1524] : memref<2x8x64xi32, #tpu.memory_space<vmem>> -> memref<1x8x64xi32, #tpu.memory_space<vmem>>
          %dma_wait3A_1526 = tpu.memref_squeeze %dma_wait3A_1525 : memref<1x8x64xi32, #tpu.memory_space<vmem>> -> memref<8x64xi32, #tpu.memory_space<vmem>>
          %dma_wait3A_1527 = arith.constant 0 : i32
          %dma_wait3A_1528 = tpu.memref_slice %arg3[%dma_wait3A_1521, %mul3A_2, %dma_wait3A_1527] : memref<2x5120x64xi32, #tpu.memory_space<hbm>> -> memref<1x8x64xi32, #tpu.memory_space<hbm>>
          %dma_wait3A_1529 = tpu.memref_squeeze %dma_wait3A_1528 : memref<1x8x64xi32, #tpu.memory_space<hbm>> -> memref<8x64xi32, #tpu.memory_space<hbm>>
          %dma_wait3A_1530 = arith.constant 0 : i32
          %dma_wait3A_1531 = arith.constant 0 : i32
          %dma_wait3A_1532 = tpu.memref_slice %arg8[%dma_wait3A_1522, %dma_wait3A_1530, %dma_wait3A_1531] : memref<2x8x64xi32, #tpu.memory_space<vmem>> -> memref<1x8x64xi32, #tpu.memory_space<vmem>>
          %dma_wait3A_1533 = tpu.memref_squeeze %dma_wait3A_1532 : memref<1x8x64xi32, #tpu.memory_space<vmem>> -> memref<8x64xi32, #tpu.memory_space<vmem>>
          %dma_wait3A_1534 = arith.constant 0 : i32
          %dma_wait3A_1535 = tpu.memref_slice %arg3[%dma_wait3A_1521, %mul3A_2, %dma_wait3A_1534] : memref<2x5120x64xi32, #tpu.memory_space<hbm>> -> memref<1x8x64xi32, #tpu.memory_space<hbm>>
          %dma_wait3A_1536 = tpu.memref_squeeze %dma_wait3A_1535 : memref<1x8x64xi32, #tpu.memory_space<hbm>> -> memref<8x64xi32, #tpu.memory_space<hbm>>
          tpu.wait_dma2 semaphore(%arg22 : memref<!tpu.dma_semaphore, #tpu.memory_space<semaphore_mem>>) src(%dma_wait3A_1536 : memref<8x64xi32, #tpu.memory_space<hbm>>) dst(%dma_wait3A_1533 : memref<8x64xi32, #tpu.memory_space<vmem>>)
          %dma_wait3A_1537 = arith.constant 0 : i32
          %dma_wait3A_1538 = arith.constant 0 : i32
          %dma_wait3A_1539 = arith.constant 0 : i32
          %dma_wait3A_1540 = arith.constant 0 : i32
          %dma_wait3A_1541 = tpu.memref_slice %arg9[%dma_wait3A_1538, %dma_wait3A_1539, %dma_wait3A_1540] : memref<2x8x64xf32, #tpu.memory_space<vmem>> -> memref<1x8x64xf32, #tpu.memory_space<vmem>>
          %dma_wait3A_1542 = tpu.memref_squeeze %dma_wait3A_1541 : memref<1x8x64xf32, #tpu.memory_space<vmem>> -> memref<8x64xf32, #tpu.memory_space<vmem>>
          %dma_wait3A_1543 = arith.constant 0 : i32
          %dma_wait3A_1544 = tpu.memref_slice %arg3[%dma_wait3A_1537, %mul3A_2, %dma_wait3A_1543] : memref<2x5120x64xi32, #tpu.memory_space<hbm>> -> memref<1x8x64xi32, #tpu.memory_space<hbm>>
          %dma_wait3A_1545 = tpu.memref_squeeze %dma_wait3A_1544 : memref<1x8x64xi32, #tpu.memory_space<hbm>> -> memref<8x64xi32, #tpu.memory_space<hbm>>
          %dma_wait3A_1546 = arith.constant 0 : i32
          %dma_wait3A_1547 = arith.constant 0 : i32
          %dma_wait3A_1548 = tpu.memref_slice %arg9[%dma_wait3A_1538, %dma_wait3A_1546, %dma_wait3A_1547] : memref<2x8x64xf32, #tpu.memory_space<vmem>> -> memref<1x8x64xf32, #tpu.memory_space<vmem>>
          %dma_wait3A_1549 = tpu.memref_squeeze %dma_wait3A_1548 : memref<1x8x64xf32, #tpu.memory_space<vmem>> -> memref<8x64xf32, #tpu.memory_space<vmem>>
          %dma_wait3A_1550 = arith.constant 0 : i32
          %dma_wait3A_1551 = tpu.memref_slice %arg3[%dma_wait3A_1537, %mul3A_2, %dma_wait3A_1550] : memref<2x5120x64xi32, #tpu.memory_space<hbm>> -> memref<1x8x64xi32, #tpu.memory_space<hbm>>
          %dma_wait3A_1552 = tpu.memref_squeeze %dma_wait3A_1551 : memref<1x8x64xi32, #tpu.memory_space<hbm>> -> memref<8x64xi32, #tpu.memory_space<hbm>>
          tpu.wait_dma2 semaphore(%arg22 : memref<!tpu.dma_semaphore, #tpu.memory_space<semaphore_mem>>) src(%dma_wait3A_1552 : memref<8x64xi32, #tpu.memory_space<hbm>>) dst(%dma_wait3A_1549 : memref<8x64xf32, #tpu.memory_space<vmem>>)
        } else {
        }
        %add3A_1436 = arith.constant 3 : i32
        %add3A_1437 = arith.addi %add3A_1199, %add3A_1436 : i32
        %jit3A_1438 = arith.constant 8 : i32
        %div3A_1439 = arith.divsi %add3A_1437, %jit3A_1438 : i32
        %sign3A_1440 = arith.constant 0 : i32
        %sign3A_1441 = arith.cmpi sgt, %add3A_1437, %sign3A_1440 : i32
        %sign3A_1442 = arith.extui %sign3A_1441 : i1 to i32
        %sign3A_1443 = arith.constant 0 : i32
        %sign3A_1444 = arith.cmpi slt, %add3A_1437, %sign3A_1443 : i32
        %sign3A_1445 = arith.extui %sign3A_1444 : i1 to i32
        %sign3A_1446 = arith.subi %sign3A_1442, %sign3A_1445 : i32
        %sign3A_1447 = arith.constant 0 : i32
        %sign3A_1448 = arith.cmpi sgt, %jit3A_1438, %sign3A_1447 : i32
        %sign3A_1449 = arith.extui %sign3A_1448 : i1 to i32
        %sign3A_1450 = arith.constant 0 : i32
        %sign3A_1451 = arith.cmpi slt, %jit3A_1438, %sign3A_1450 : i32
        %sign3A_1452 = arith.extui %sign3A_1451 : i1 to i32
        %sign3A_1453 = arith.subi %sign3A_1449, %sign3A_1452 : i32
        %ne3A_1454 = arith.cmpi ne, %sign3A_1446, %sign3A_1453 : i32
        %rem3A_1455 = arith.remsi %add3A_1437, %jit3A_1438 : i32
        %ne3A_1456 = arith.constant 0 : i32
        %ne3A_1457 = arith.cmpi ne, %rem3A_1455, %ne3A_1456 : i32
        %and3A_1458 = arith.andi %ne3A_1454, %ne3A_1457 : i1
        %sub3A_1459 = arith.constant 1 : i32
        %sub3A_1460 = arith.subi %div3A_1439, %sub3A_1459 : i32
        %select_n3A_1461 = arith.select %and3A_1458, %sub3A_1460, %div3A_1439 : i32
        %jit3A_1462 = arith.constant 2 : i32
        %eq3A_1463 = arith.constant 0 : i32
        %eq3A_1464 = arith.cmpi eq, %jit3A_1462, %eq3A_1463 : i32
        %jit3A_1465 = arith.constant 1 : i32
        %select_n3A_1466 = arith.select %eq3A_1464, %jit3A_1465, %jit3A_1462 : i32
        %rem3A_1467 = arith.remsi %select_n3A_1461, %select_n3A_1466 : i32
        %ne3A_1468 = arith.constant 0 : i32
        %ne3A_1469 = arith.cmpi ne, %rem3A_1467, %ne3A_1468 : i32
        %lt3A_1470 = arith.constant 0 : i32
        %lt3A_1471 = arith.cmpi slt, %rem3A_1467, %lt3A_1470 : i32
        %lt3A_1472 = arith.constant 0 : i32
        %lt3A_1473 = arith.cmpi slt, %select_n3A_1466, %lt3A_1472 : i32
        %ne3A_1474 = arith.xori %lt3A_1471, %lt3A_1473 : i1
        %and3A_1475 = arith.andi %ne3A_1474, %ne3A_1469 : i1
        %add3A_1476 = arith.addi %rem3A_1467, %select_n3A_1466 : i32
        %select_n3A_1477 = arith.select %and3A_1475, %add3A_1476, %rem3A_1467 : i32
        %jit3A_1478 = arith.constant 8 : i32
        %eq3A_1479 = arith.constant 0 : i32
        %eq3A_1480 = arith.cmpi eq, %jit3A_1478, %eq3A_1479 : i32
        %jit3A_1481 = arith.constant 1 : i32
        %select_n3A_1482 = arith.select %eq3A_1480, %jit3A_1481, %jit3A_1478 : i32
        %rem3A_1483 = arith.remsi %add3A_1437, %select_n3A_1482 : i32
        %ne3A_1484 = arith.constant 0 : i32
        %ne3A_1485 = arith.cmpi ne, %rem3A_1483, %ne3A_1484 : i32
        %lt3A_1486 = arith.constant 0 : i32
        %lt3A_1487 = arith.cmpi slt, %rem3A_1483, %lt3A_1486 : i32
        %lt3A_1488 = arith.constant 0 : i32
        %lt3A_1489 = arith.cmpi slt, %select_n3A_1482, %lt3A_1488 : i32
        %ne3A_1490 = arith.xori %lt3A_1487, %lt3A_1489 : i1
        %and3A_1491 = arith.andi %ne3A_1490, %ne3A_1485 : i1
        %add3A_1492 = arith.addi %rem3A_1483, %select_n3A_1482 : i32
        %select_n3A_1493 = arith.select %and3A_1491, %add3A_1492, %rem3A_1483 : i32
        %dma_start3A_1494 = arith.constant 2 : i32
        %dma_start3A_1495 = arith.constant 0 : i32
        %dma_start3A_1496 = arith.constant 0 : i32
        %dma_start3A_1497 = tpu.memref_slice %arg10[%dma_start3A_1494, %dma_start3A_1495, %dma_start3A_1496] : memref<5x64x128xf32, #tpu.memory_space<vmem>> -> memref<1x64x128xf32, #tpu.memory_space<vmem>>
        %dma_start3A_1498 = tpu.memref_squeeze %dma_start3A_1497 : memref<1x64x128xf32, #tpu.memory_space<vmem>> -> memref<64x128xf32, #tpu.memory_space<vmem>>
        %dma_start3A_1499 = arith.constant 0 : i32
        %dma_start3A_1500 = tpu.memref_slice %arg7[%select_n3A_1477, %select_n3A_1493, %dma_start3A_1499] : memref<2x8x64xi32, #tpu.memory_space<vmem>> -> memref<1x1x64xi32, #tpu.memory_space<vmem>>
        %dma_start3A_1501 = tpu.memref_squeeze %dma_start3A_1500 : memref<1x1x64xi32, #tpu.memory_space<vmem>> -> memref<64xi32, #tpu.memory_space<vmem>>
        %dma_start3A_1502 = arith.constant 0 : i32
        %dma_start3A_1503 = arith.constant 0 : i32
        %dma_start3A_1504 = tpu.memref_slice %arg2[%dma_start3A_1502, %dma_start3A_1503] : memref<10000x128xf32, #tpu.memory_space<hbm>> -> memref<10000x128xf32, #tpu.memory_space<hbm>>
        tpu.enqueue_indirect_dma source(%dma_start3A_1504 : memref<10000x128xf32, #tpu.memory_space<hbm>>) target(%dma_start3A_1498 : memref<64x128xf32, #tpu.memory_space<vmem>>) offsets(%dma_start3A_1501 : memref<64xi32, #tpu.memory_space<vmem>>) semaphore(%arg14 : memref<!tpu.dma_semaphore, #tpu.memory_space<semaphore_mem>>)
      } else {
      }
      %jit3A_1218 = arith.constant 8 : i32
      %eq3A_1219 = arith.constant 0 : i32
      %eq3A_1220 = arith.cmpi eq, %jit3A_1218, %eq3A_1219 : i32
      %jit3A_1221 = arith.constant 1 : i32
      %select_n3A_1222 = arith.select %eq3A_1220, %jit3A_1221, %jit3A_1218 : i32
      %rem3A_1223 = arith.remsi %scan3A_177, %select_n3A_1222 : i32
      %ne3A_1224 = arith.constant 0 : i32
      %ne3A_1225 = arith.cmpi ne, %rem3A_1223, %ne3A_1224 : i32
      %lt3A_1226 = arith.constant 0 : i32
      %lt3A_1227 = arith.cmpi slt, %rem3A_1223, %lt3A_1226 : i32
      %lt3A_1228 = arith.constant 0 : i32
      %lt3A_1229 = arith.cmpi slt, %select_n3A_1222, %lt3A_1228 : i32
      %ne3A_1230 = arith.xori %lt3A_1227, %lt3A_1229 : i1
      %and3A_1231 = arith.andi %ne3A_1230, %ne3A_1225 : i1
      %add3A_1232 = arith.addi %rem3A_1223, %select_n3A_1222 : i32
      %select_n3A_1233 = arith.select %and3A_1231, %add3A_1232, %rem3A_1223 : i32
      %eq3A_1234 = arith.constant 1 : i32
      %eq3A_1235 = arith.cmpi eq, %select_n3A_1233, %eq3A_1234 : i32
      %mul3A_1236 = arith.constant 5 : i32
      %mul3A_1237 = arith.muli %scan3A_177, %mul3A_1236 : i32
      %add3A_1238 = arith.constant 4 : i32
      %add3A_1239 = arith.addi %mul3A_1237, %add3A_1238 : i32
      %sub3A_1240 = arith.constant 1 : i32
      %sub3A_1241 = arith.subi %add3A_1239, %sub3A_1240 : i32
      %jit3A_1242 = arith.constant 8 : i32
      %div3A_1243 = arith.divsi %sub3A_1241, %jit3A_1242 : i32
      %sign3A_1244 = arith.constant 0 : i32
      %sign3A_1245 = arith.cmpi sgt, %sub3A_1241, %sign3A_1244 : i32
      %sign3A_1246 = arith.extui %sign3A_1245 : i1 to i32
      %sign3A_1247 = arith.constant 0 : i32
      %sign3A_1248 = arith.cmpi slt, %sub3A_1241, %sign3A_1247 : i32
      %sign3A_1249 = arith.extui %sign3A_1248 : i1 to i32
      %sign3A_1250 = arith.subi %sign3A_1246, %sign3A_1249 : i32
      %sign3A_1251 = arith.constant 0 : i32
      %sign3A_1252 = arith.cmpi sgt, %jit3A_1242, %sign3A_1251 : i32
      %sign3A_1253 = arith.extui %sign3A_1252 : i1 to i32
      %sign3A_1254 = arith.constant 0 : i32
      %sign3A_1255 = arith.cmpi slt, %jit3A_1242, %sign3A_1254 : i32
      %sign3A_1256 = arith.extui %sign3A_1255 : i1 to i32
      %sign3A_1257 = arith.subi %sign3A_1253, %sign3A_1256 : i32
      %ne3A_1258 = arith.cmpi ne, %sign3A_1250, %sign3A_1257 : i32
      %rem3A_1259 = arith.remsi %sub3A_1241, %jit3A_1242 : i32
      %ne3A_1260 = arith.constant 0 : i32
      %ne3A_1261 = arith.cmpi ne, %rem3A_1259, %ne3A_1260 : i32
      %and3A_1262 = arith.andi %ne3A_1258, %ne3A_1261 : i1
      %sub3A_1263 = arith.constant 1 : i32
      %sub3A_1264 = arith.subi %div3A_1243, %sub3A_1263 : i32
      %select_n3A_1265 = arith.select %and3A_1262, %sub3A_1264, %div3A_1243 : i32
      %add3A_1266 = arith.constant 1 : i32
      %add3A_1267 = arith.addi %select_n3A_1265, %add3A_1266 : i32
      %lt3A_1268 = arith.constant 20 : i32
      %lt3A_1269 = arith.cmpi slt, %add3A_1267, %lt3A_1268 : i32
      %and3A_1270 = arith.andi %eq3A_1235, %lt3A_1269 : i1
      %convert_element_type3A_1271 = arith.extui %and3A_1270 : i1 to i32
      %cond3A_1272 = arith.constant 0 : i32
      %cond3A_1273 = arith.cmpi ne, %convert_element_type3A_1271, %cond3A_1272 : i32
      scf.if %cond3A_1273 {
        %mul3A_1415 = arith.constant 5 : i32
        %mul3A_1416 = arith.muli %scan3A_177, %mul3A_1415 : i32
        %add3A_1417 = arith.constant 4 : i32
        %add3A_1418 = arith.addi %mul3A_1416, %add3A_1417 : i32
        %sub3A_1419 = arith.constant 1 : i32
        %sub3A_1420 = arith.subi %add3A_1418, %sub3A_1419 : i32
        %jit3A_1421 = arith.constant 8 : i32
        %div3A_1422 = arith.divsi %sub3A_1420, %jit3A_1421 : i32
        %sign3A_1423 = arith.constant 0 : i32
        %sign3A_1424 = arith.cmpi sgt, %sub3A_1420, %sign3A_1423 : i32
        %sign3A_1425 = arith.extui %sign3A_1424 : i1 to i32
        %sign3A_1426 = arith.constant 0 : i32
        %sign3A_1427 = arith.cmpi slt, %sub3A_1420, %sign3A_1426 : i32
        %sign3A_1428 = arith.extui %sign3A_1427 : i1 to i32
        %sign3A_1429 = arith.subi %sign3A_1425, %sign3A_1428 : i32
        %sign3A_1430 = arith.constant 0 : i32
        %sign3A_1431 = arith.cmpi sgt, %jit3A_1421, %sign3A_1430 : i32
        %sign3A_1432 = arith.extui %sign3A_1431 : i1 to i32
        %sign3A_1433 = arith.constant 0 : i32
        %sign3A_1434 = arith.cmpi slt, %jit3A_1421, %sign3A_1433 : i32
        %sign3A_1435 = arith.extui %sign3A_1434 : i1 to i32
        %sign3A_1436 = arith.subi %sign3A_1432, %sign3A_1435 : i32
        %ne3A_1437 = arith.cmpi ne, %sign3A_1429, %sign3A_1436 : i32
        %rem3A_1438 = arith.remsi %sub3A_1420, %jit3A_1421 : i32
        %ne3A_1439 = arith.constant 0 : i32
        %ne3A_1440 = arith.cmpi ne, %rem3A_1438, %ne3A_1439 : i32
        %and3A_1441 = arith.andi %ne3A_1437, %ne3A_1440 : i1
        %sub3A_1442 = arith.constant 1 : i32
        %sub3A_1443 = arith.subi %div3A_1422, %sub3A_1442 : i32
        %select_n3A_1444 = arith.select %and3A_1441, %sub3A_1443, %div3A_1422 : i32
        %add3A_1445 = arith.constant 1 : i32
        %add3A_1446 = arith.addi %select_n3A_1444, %add3A_1445 : i32
        %mul3A_1447 = arith.constant 8 : i32
        %mul3A_1448 = arith.muli %add3A_1446, %mul3A_1447 : i32
        %add3A_1449 = arith.addi %mul3A_2, %mul3A_1448 : i32
        %multiple_of3A_1450 = tpu.assume_multiple %add3A_1449, 8 : i32
        %jit3A_1451 = arith.constant 2 : i32
        %eq3A_1452 = arith.constant 0 : i32
        %eq3A_1453 = arith.cmpi eq, %jit3A_1451, %eq3A_1452 : i32
        %jit3A_1454 = arith.constant 1 : i32
        %select_n3A_1455 = arith.select %eq3A_1453, %jit3A_1454, %jit3A_1451 : i32
        %rem3A_1456 = arith.remsi %add3A_1446, %select_n3A_1455 : i32
        %ne3A_1457 = arith.constant 0 : i32
        %ne3A_1458 = arith.cmpi ne, %rem3A_1456, %ne3A_1457 : i32
        %lt3A_1459 = arith.constant 0 : i32
        %lt3A_1460 = arith.cmpi slt, %rem3A_1456, %lt3A_1459 : i32
        %lt3A_1461 = arith.constant 0 : i32
        %lt3A_1462 = arith.cmpi slt, %select_n3A_1455, %lt3A_1461 : i32
        %ne3A_1463 = arith.xori %lt3A_1460, %lt3A_1462 : i1
        %and3A_1464 = arith.andi %ne3A_1463, %ne3A_1458 : i1
        %add3A_1465 = arith.addi %rem3A_1456, %select_n3A_1455 : i32
        %select_n3A_1466 = arith.select %and3A_1464, %add3A_1465, %rem3A_1456 : i32
        %dma_start3A_1467 = arith.constant 1 : i32
        %dma_start3A_1468 = arith.constant 0 : i32
        %dma_start3A_1469 = arith.constant 0 : i32
        %dma_start3A_1470 = tpu.memref_slice %arg7[%select_n3A_1466, %dma_start3A_1468, %dma_start3A_1469] : memref<2x8x64xi32, #tpu.memory_space<vmem>> -> memref<1x8x64xi32, #tpu.memory_space<vmem>>
        %dma_start3A_1471 = tpu.memref_squeeze %dma_start3A_1470 : memref<1x8x64xi32, #tpu.memory_space<vmem>> -> memref<8x64xi32, #tpu.memory_space<vmem>>
        %dma_start3A_1472 = arith.constant 0 : i32
        %dma_start3A_1473 = tpu.memref_slice %arg3[%dma_start3A_1467, %multiple_of3A_1450, %dma_start3A_1472] : memref<2x5120x64xi32, #tpu.memory_space<hbm>> -> memref<1x8x64xi32, #tpu.memory_space<hbm>>
        %dma_start3A_1474 = tpu.memref_squeeze %dma_start3A_1473 : memref<1x8x64xi32, #tpu.memory_space<hbm>> -> memref<8x64xi32, #tpu.memory_space<hbm>>
        %dma_start3A_1475 = arith.constant 0 : i32
        %dma_start3A_1476 = arith.constant 0 : i32
        %dma_start3A_1477 = tpu.memref_slice %arg7[%select_n3A_1466, %dma_start3A_1475, %dma_start3A_1476] : memref<2x8x64xi32, #tpu.memory_space<vmem>> -> memref<1x8x64xi32, #tpu.memory_space<vmem>>
        %dma_start3A_1478 = tpu.memref_squeeze %dma_start3A_1477 : memref<1x8x64xi32, #tpu.memory_space<vmem>> -> memref<8x64xi32, #tpu.memory_space<vmem>>
        %dma_start3A_1479 = arith.constant 0 : i32
        %dma_start3A_1480 = tpu.memref_slice %arg3[%dma_start3A_1467, %multiple_of3A_1450, %dma_start3A_1479] : memref<2x5120x64xi32, #tpu.memory_space<hbm>> -> memref<1x8x64xi32, #tpu.memory_space<hbm>>
        %dma_start3A_1481 = tpu.memref_squeeze %dma_start3A_1480 : memref<1x8x64xi32, #tpu.memory_space<hbm>> -> memref<8x64xi32, #tpu.memory_space<hbm>>
        tpu.enqueue_dma source(%dma_start3A_1481 : memref<8x64xi32, #tpu.memory_space<hbm>>) target(%dma_start3A_1478 : memref<8x64xi32, #tpu.memory_space<vmem>>) target_semaphore(%arg22 : memref<!tpu.dma_semaphore, #tpu.memory_space<semaphore_mem>>)
        %dma_start3A_1482 = arith.constant 0 : i32
        %dma_start3A_1483 = arith.constant 0 : i32
        %dma_start3A_1484 = arith.constant 0 : i32
        %dma_start3A_1485 = tpu.memref_slice %arg8[%select_n3A_1466, %dma_start3A_1483, %dma_start3A_1484] : memref<2x8x64xi32, #tpu.memory_space<vmem>> -> memref<1x8x64xi32, #tpu.memory_space<vmem>>
        %dma_start3A_1486 = tpu.memref_squeeze %dma_start3A_1485 : memref<1x8x64xi32, #tpu.memory_space<vmem>> -> memref<8x64xi32, #tpu.memory_space<vmem>>
        %dma_start3A_1487 = arith.constant 0 : i32
        %dma_start3A_1488 = tpu.memref_slice %arg3[%dma_start3A_1482, %multiple_of3A_1450, %dma_start3A_1487] : memref<2x5120x64xi32, #tpu.memory_space<hbm>> -> memref<1x8x64xi32, #tpu.memory_space<hbm>>
        %dma_start3A_1489 = tpu.memref_squeeze %dma_start3A_1488 : memref<1x8x64xi32, #tpu.memory_space<hbm>> -> memref<8x64xi32, #tpu.memory_space<hbm>>
        %dma_start3A_1490 = arith.constant 0 : i32
        %dma_start3A_1491 = arith.constant 0 : i32
        %dma_start3A_1492 = tpu.memref_slice %arg8[%select_n3A_1466, %dma_start3A_1490, %dma_start3A_1491] : memref<2x8x64xi32, #tpu.memory_space<vmem>> -> memref<1x8x64xi32, #tpu.memory_space<vmem>>
        %dma_start3A_1493 = tpu.memref_squeeze %dma_start3A_1492 : memref<1x8x64xi32, #tpu.memory_space<vmem>> -> memref<8x64xi32, #tpu.memory_space<vmem>>
        %dma_start3A_1494 = arith.constant 0 : i32
        %dma_start3A_1495 = tpu.memref_slice %arg3[%dma_start3A_1482, %multiple_of3A_1450, %dma_start3A_1494] : memref<2x5120x64xi32, #tpu.memory_space<hbm>> -> memref<1x8x64xi32, #tpu.memory_space<hbm>>
        %dma_start3A_1496 = tpu.memref_squeeze %dma_start3A_1495 : memref<1x8x64xi32, #tpu.memory_space<hbm>> -> memref<8x64xi32, #tpu.memory_space<hbm>>
        tpu.enqueue_dma source(%dma_start3A_1496 : memref<8x64xi32, #tpu.memory_space<hbm>>) target(%dma_start3A_1493 : memref<8x64xi32, #tpu.memory_space<vmem>>) target_semaphore(%arg22 : memref<!tpu.dma_semaphore, #tpu.memory_space<semaphore_mem>>)
        %dma_start3A_1497 = arith.constant 0 : i32
        %dma_start3A_1498 = arith.constant 0 : i32
        %dma_start3A_1499 = tpu.memref_slice %arg9[%select_n3A_1466, %dma_start3A_1497, %dma_start3A_1498] : memref<2x8x64xf32, #tpu.memory_space<vmem>> -> memref<1x8x64xf32, #tpu.memory_space<vmem>>
        %dma_start3A_1500 = tpu.memref_squeeze %dma_start3A_1499 : memref<1x8x64xf32, #tpu.memory_space<vmem>> -> memref<8x64xf32, #tpu.memory_space<vmem>>
        %dma_start3A_1501 = arith.constant 0 : i32
        %dma_start3A_1502 = tpu.memref_slice %arg4[%multiple_of3A_1450, %dma_start3A_1501] : memref<5120x64xf32, #tpu.memory_space<hbm>> -> memref<8x64xf32, #tpu.memory_space<hbm>>
        %dma_start3A_1503 = arith.constant 0 : i32
        %dma_start3A_1504 = arith.constant 0 : i32
        %dma_start3A_1505 = tpu.memref_slice %arg9[%select_n3A_1466, %dma_start3A_1503, %dma_start3A_1504] : memref<2x8x64xf32, #tpu.memory_space<vmem>> -> memref<1x8x64xf32, #tpu.memory_space<vmem>>
        %dma_start3A_1506 = tpu.memref_squeeze %dma_start3A_1505 : memref<1x8x64xf32, #tpu.memory_space<vmem>> -> memref<8x64xf32, #tpu.memory_space<vmem>>
        %dma_start3A_1507 = arith.constant 0 : i32
        %dma_start3A_1508 = tpu.memref_slice %arg4[%multiple_of3A_1450, %dma_start3A_1507] : memref<5120x64xf32, #tpu.memory_space<hbm>> -> memref<8x64xf32, #tpu.memory_space<hbm>>
        tpu.enqueue_dma source(%dma_start3A_1508 : memref<8x64xf32, #tpu.memory_space<hbm>>) target(%dma_start3A_1506 : memref<8x64xf32, #tpu.memory_space<vmem>>) target_semaphore(%arg22 : memref<!tpu.dma_semaphore, #tpu.memory_space<semaphore_mem>>)
      } else {
      }
      %dma_wait3A_1274 = arith.constant 0 : i32
      %dma_wait3A_1275 = arith.constant 0 : i32
      %dma_wait3A_1276 = arith.constant 4 : i32
      %dma_wait3A_1277 = arith.constant 0 : i32
      %dma_wait3A_1278 = arith.constant 0 : i32
      %dma_wait3A_1279 = tpu.memref_slice %arg10[%dma_wait3A_1276, %dma_wait3A_1277, %dma_wait3A_1278] : memref<5x64x128xf32, #tpu.memory_space<vmem>> -> memref<1x64x128xf32, #tpu.memory_space<vmem>>
      %dma_wait3A_1280 = tpu.memref_squeeze %dma_wait3A_1279 : memref<1x64x128xf32, #tpu.memory_space<vmem>> -> memref<64x128xf32, #tpu.memory_space<vmem>>
      %dma_wait3A_1281 = arith.constant 0 : i32
      %dma_wait3A_1282 = tpu.memref_slice %arg7[%dma_wait3A_1274, %dma_wait3A_1275, %dma_wait3A_1281] : memref<2x8x64xi32, #tpu.memory_space<vmem>> -> memref<1x1x64xi32, #tpu.memory_space<vmem>>
      %dma_wait3A_1283 = tpu.memref_squeeze %dma_wait3A_1282 : memref<1x1x64xi32, #tpu.memory_space<vmem>> -> memref<64xi32, #tpu.memory_space<vmem>>
      %dma_wait3A_1284 = arith.constant 0 : i32
      %dma_wait3A_1285 = arith.constant 0 : i32
      %dma_wait3A_1286 = tpu.memref_slice %arg2[%dma_wait3A_1284, %dma_wait3A_1285] : memref<10000x128xf32, #tpu.memory_space<hbm>> -> memref<10000x128xf32, #tpu.memory_space<hbm>>
      tpu.wait_indirect_dma semaphore(%arg16 : memref<!tpu.dma_semaphore, #tpu.memory_space<semaphore_mem>>) src(%dma_wait3A_1286 : memref<10000x128xf32, #tpu.memory_space<hbm>>) dst(%dma_wait3A_1280 : memref<64x128xf32, #tpu.memory_space<vmem>>)
      %jit3A_1287 = arith.constant 8 : i32
      %div3A_1288 = arith.divsi %add3A_1199, %jit3A_1287 : i32
      %sign3A_1289 = arith.constant 0 : i32
      %sign3A_1290 = arith.cmpi sgt, %add3A_1199, %sign3A_1289 : i32
      %sign3A_1291 = arith.extui %sign3A_1290 : i1 to i32
      %sign3A_1292 = arith.constant 0 : i32
      %sign3A_1293 = arith.cmpi slt, %add3A_1199, %sign3A_1292 : i32
      %sign3A_1294 = arith.extui %sign3A_1293 : i1 to i32
      %sign3A_1295 = arith.subi %sign3A_1291, %sign3A_1294 : i32
      %sign3A_1296 = arith.constant 0 : i32
      %sign3A_1297 = arith.cmpi sgt, %jit3A_1287, %sign3A_1296 : i32
      %sign3A_1298 = arith.extui %sign3A_1297 : i1 to i32
      %sign3A_1299 = arith.constant 0 : i32
      %sign3A_1300 = arith.cmpi slt, %jit3A_1287, %sign3A_1299 : i32
      %sign3A_1301 = arith.extui %sign3A_1300 : i1 to i32
      %sign3A_1302 = arith.subi %sign3A_1298, %sign3A_1301 : i32
      %ne3A_1303 = arith.cmpi ne, %sign3A_1295, %sign3A_1302 : i32
      %rem3A_1304 = arith.remsi %add3A_1199, %jit3A_1287 : i32
      %ne3A_1305 = arith.constant 0 : i32
      %ne3A_1306 = arith.cmpi ne, %rem3A_1304, %ne3A_1305 : i32
      %and3A_1307 = arith.andi %ne3A_1303, %ne3A_1306 : i1
      %sub3A_1308 = arith.constant 1 : i32
      %sub3A_1309 = arith.subi %div3A_1288, %sub3A_1308 : i32
      %select_n3A_1310 = arith.select %and3A_1307, %sub3A_1309, %div3A_1288 : i32
      %jit3A_1311 = arith.constant 2 : i32
      %eq3A_1312 = arith.constant 0 : i32
      %eq3A_1313 = arith.cmpi eq, %jit3A_1311, %eq3A_1312 : i32
      %jit3A_1314 = arith.constant 1 : i32
      %select_n3A_1315 = arith.select %eq3A_1313, %jit3A_1314, %jit3A_1311 : i32
      %rem3A_1316 = arith.remsi %select_n3A_1310, %select_n3A_1315 : i32
      %ne3A_1317 = arith.constant 0 : i32
      %ne3A_1318 = arith.cmpi ne, %rem3A_1316, %ne3A_1317 : i32
      %lt3A_1319 = arith.constant 0 : i32
      %lt3A_1320 = arith.cmpi slt, %rem3A_1316, %lt3A_1319 : i32
      %lt3A_1321 = arith.constant 0 : i32
      %lt3A_1322 = arith.cmpi slt, %select_n3A_1315, %lt3A_1321 : i32
      %ne3A_1323 = arith.xori %lt3A_1320, %lt3A_1322 : i1
      %and3A_1324 = arith.andi %ne3A_1323, %ne3A_1318 : i1
      %add3A_1325 = arith.addi %rem3A_1316, %select_n3A_1315 : i32
      %select_n3A_1326 = arith.select %and3A_1324, %add3A_1325, %rem3A_1316 : i32
      %broadcast_in_dim3A_1327 = vector.broadcast %select_n3A_1326 : i32 to vector<16xi32>
      %jit3A_1328 = arith.constant 8 : i32
      %eq3A_1329 = arith.constant 0 : i32
      %eq3A_1330 = arith.cmpi eq, %jit3A_1328, %eq3A_1329 : i32
      %jit3A_1331 = arith.constant 1 : i32
      %select_n3A_1332 = arith.select %eq3A_1330, %jit3A_1331, %jit3A_1328 : i32
      %rem3A_1333 = arith.remsi %add3A_1199, %select_n3A_1332 : i32
      %ne3A_1334 = arith.constant 0 : i32
      %ne3A_1335 = arith.cmpi ne, %rem3A_1333, %ne3A_1334 : i32
      %lt3A_1336 = arith.constant 0 : i32
      %lt3A_1337 = arith.cmpi slt, %rem3A_1333, %lt3A_1336 : i32
      %lt3A_1338 = arith.constant 0 : i32
      %lt3A_1339 = arith.cmpi slt, %select_n3A_1332, %lt3A_1338 : i32
      %ne3A_1340 = arith.xori %lt3A_1337, %lt3A_1339 : i1
      %and3A_1341 = arith.andi %ne3A_1340, %ne3A_1335 : i1
      %add3A_1342 = arith.addi %rem3A_1333, %select_n3A_1332 : i32
      %select_n3A_1343 = arith.select %and3A_1341, %add3A_1342, %rem3A_1333 : i32
      %broadcast_in_dim3A_1344 = vector.broadcast %select_n3A_1343 : i32 to vector<16xi32>
      %parallel_loop3A_1345 = arith.constant 0 : i32
      %parallel_loop3A_1346 = arith.constant 64 : i32
      %parallel_loop3A_1347 = arith.constant 1 : i32
      scf.for %parallel_loop3A_1415 = %parallel_loop3A_1345 to %parallel_loop3A_1346 step %parallel_loop3A_1347  : i32 {
        %parallel_loop3A_1416 = vector.broadcast %parallel_loop3A_1415 : i32 to vector<16xi32>
        %parallel_loop3A_1417 = tpu.vector_load_idx %arg9[%broadcast_in_dim3A_1327, %broadcast_in_dim3A_1344, %parallel_loop3A_1416] : memref<2x8x64xf32, #tpu.memory_space<vmem>>[vector<16xi32>, vector<16xi32>, vector<16xi32>], vector<16xf32>,
        %parallel_loop3A_1418 = arith.constant 4 : i32
        %parallel_loop3A_1419 = arith.index_cast %parallel_loop3A_1418 : i32 to index
        %parallel_loop3A_1420 = arith.index_cast %parallel_loop3A_1415 : i32 to index
        %parallel_loop3A_1421 = arith.constant 0 : index
        %parallel_loop3A_1422 = tpu.vector_load %arg10[%parallel_loop3A_1419, %parallel_loop3A_1420, %parallel_loop3A_1421] {strides = array<i32>} : memref<5x64x128xf32, #tpu.memory_space<vmem>>, vector<16xf32>,
        %parallel_loop3A_1423 = arith.mulf %parallel_loop3A_1422, %parallel_loop3A_1417 : vector<16xf32>
        %parallel_loop3A_1424 = arith.constant 4 : i32
        %parallel_loop3A_1425 = arith.index_cast %parallel_loop3A_1424 : i32 to index
        %parallel_loop3A_1426 = arith.index_cast %parallel_loop3A_1415 : i32 to index
        %parallel_loop3A_1427 = arith.constant 0 : index
        %parallel_loop3A_1428 = tpu.vector_load %arg10[%parallel_loop3A_1425, %parallel_loop3A_1426, %parallel_loop3A_1427] {strides = array<i32>} : memref<5x64x128xf32, #tpu.memory_space<vmem>>, vector<16xf32>,
        tpu.vector_store %arg10[%parallel_loop3A_1425, %parallel_loop3A_1426, %parallel_loop3A_1427], %parallel_loop3A_1423 {strides = array<i32>} : memref<5x64x128xf32, #tpu.memory_space<vmem>>, vector<16xf32>,
        %parallel_loop3A_1429 = arith.constant 4 : i32
        %parallel_loop3A_1430 = arith.index_cast %parallel_loop3A_1429 : i32 to index
        %parallel_loop3A_1431 = arith.index_cast %parallel_loop3A_1415 : i32 to index
        %parallel_loop3A_1432 = arith.constant 16 : index
        %parallel_loop3A_1433 = tpu.vector_load %arg10[%parallel_loop3A_1430, %parallel_loop3A_1431, %parallel_loop3A_1432] {strides = array<i32>} : memref<5x64x128xf32, #tpu.memory_space<vmem>>, vector<16xf32>,
        %parallel_loop3A_1434 = arith.mulf %parallel_loop3A_1433, %parallel_loop3A_1417 : vector<16xf32>
        %parallel_loop3A_1435 = arith.constant 4 : i32
        %parallel_loop3A_1436 = arith.index_cast %parallel_loop3A_1435 : i32 to index
        %parallel_loop3A_1437 = arith.index_cast %parallel_loop3A_1415 : i32 to index
        %parallel_loop3A_1438 = arith.constant 16 : index
        %parallel_loop3A_1439 = tpu.vector_load %arg10[%parallel_loop3A_1436, %parallel_loop3A_1437, %parallel_loop3A_1438] {strides = array<i32>} : memref<5x64x128xf32, #tpu.memory_space<vmem>>, vector<16xf32>,
        tpu.vector_store %arg10[%parallel_loop3A_1436, %parallel_loop3A_1437, %parallel_loop3A_1438], %parallel_loop3A_1434 {strides = array<i32>} : memref<5x64x128xf32, #tpu.memory_space<vmem>>, vector<16xf32>,
        %parallel_loop3A_1440 = arith.constant 4 : i32
        %parallel_loop3A_1441 = arith.index_cast %parallel_loop3A_1440 : i32 to index
        %parallel_loop3A_1442 = arith.index_cast %parallel_loop3A_1415 : i32 to index
        %parallel_loop3A_1443 = arith.constant 32 : index
        %parallel_loop3A_1444 = tpu.vector_load %arg10[%parallel_loop3A_1441, %parallel_loop3A_1442, %parallel_loop3A_1443] {strides = array<i32>} : memref<5x64x128xf32, #tpu.memory_space<vmem>>, vector<16xf32>,
        %parallel_loop3A_1445 = arith.mulf %parallel_loop3A_1444, %parallel_loop3A_1417 : vector<16xf32>
        %parallel_loop3A_1446 = arith.constant 4 : i32
        %parallel_loop3A_1447 = arith.index_cast %parallel_loop3A_1446 : i32 to index
        %parallel_loop3A_1448 = arith.index_cast %parallel_loop3A_1415 : i32 to index
        %parallel_loop3A_1449 = arith.constant 32 : index
        %parallel_loop3A_1450 = tpu.vector_load %arg10[%parallel_loop3A_1447, %parallel_loop3A_1448, %parallel_loop3A_1449] {strides = array<i32>} : memref<5x64x128xf32, #tpu.memory_space<vmem>>, vector<16xf32>,
        tpu.vector_store %arg10[%parallel_loop3A_1447, %parallel_loop3A_1448, %parallel_loop3A_1449], %parallel_loop3A_1445 {strides = array<i32>} : memref<5x64x128xf32, #tpu.memory_space<vmem>>, vector<16xf32>,
        %parallel_loop3A_1451 = arith.constant 4 : i32
        %parallel_loop3A_1452 = arith.index_cast %parallel_loop3A_1451 : i32 to index
        %parallel_loop3A_1453 = arith.index_cast %parallel_loop3A_1415 : i32 to index
        %parallel_loop3A_1454 = arith.constant 48 : index
        %parallel_loop3A_1455 = tpu.vector_load %arg10[%parallel_loop3A_1452, %parallel_loop3A_1453, %parallel_loop3A_1454] {strides = array<i32>} : memref<5x64x128xf32, #tpu.memory_space<vmem>>, vector<16xf32>,
        %parallel_loop3A_1456 = arith.mulf %parallel_loop3A_1455, %parallel_loop3A_1417 : vector<16xf32>
        %parallel_loop3A_1457 = arith.constant 4 : i32
        %parallel_loop3A_1458 = arith.index_cast %parallel_loop3A_1457 : i32 to index
        %parallel_loop3A_1459 = arith.index_cast %parallel_loop3A_1415 : i32 to index
        %parallel_loop3A_1460 = arith.constant 48 : index
        %parallel_loop3A_1461 = tpu.vector_load %arg10[%parallel_loop3A_1458, %parallel_loop3A_1459, %parallel_loop3A_1460] {strides = array<i32>} : memref<5x64x128xf32, #tpu.memory_space<vmem>>, vector<16xf32>,
        tpu.vector_store %arg10[%parallel_loop3A_1458, %parallel_loop3A_1459, %parallel_loop3A_1460], %parallel_loop3A_1456 {strides = array<i32>} : memref<5x64x128xf32, #tpu.memory_space<vmem>>, vector<16xf32>,
        %parallel_loop3A_1462 = arith.constant 4 : i32
        %parallel_loop3A_1463 = arith.index_cast %parallel_loop3A_1462 : i32 to index
        %parallel_loop3A_1464 = arith.index_cast %parallel_loop3A_1415 : i32 to index
        %parallel_loop3A_1465 = arith.constant 64 : index
        %parallel_loop3A_1466 = tpu.vector_load %arg10[%parallel_loop3A_1463, %parallel_loop3A_1464, %parallel_loop3A_1465] {strides = array<i32>} : memref<5x64x128xf32, #tpu.memory_space<vmem>>, vector<16xf32>,
        %parallel_loop3A_1467 = arith.mulf %parallel_loop3A_1466, %parallel_loop3A_1417 : vector<16xf32>
        %parallel_loop3A_1468 = arith.constant 4 : i32
        %parallel_loop3A_1469 = arith.index_cast %parallel_loop3A_1468 : i32 to index
        %parallel_loop3A_1470 = arith.index_cast %parallel_loop3A_1415 : i32 to index
        %parallel_loop3A_1471 = arith.constant 64 : index
        %parallel_loop3A_1472 = tpu.vector_load %arg10[%parallel_loop3A_1469, %parallel_loop3A_1470, %parallel_loop3A_1471] {strides = array<i32>} : memref<5x64x128xf32, #tpu.memory_space<vmem>>, vector<16xf32>,
        tpu.vector_store %arg10[%parallel_loop3A_1469, %parallel_loop3A_1470, %parallel_loop3A_1471], %parallel_loop3A_1467 {strides = array<i32>} : memref<5x64x128xf32, #tpu.memory_space<vmem>>, vector<16xf32>,
        %parallel_loop3A_1473 = arith.constant 4 : i32
        %parallel_loop3A_1474 = arith.index_cast %parallel_loop3A_1473 : i32 to index
        %parallel_loop3A_1475 = arith.index_cast %parallel_loop3A_1415 : i32 to index
        %parallel_loop3A_1476 = arith.constant 80 : index
        %parallel_loop3A_1477 = tpu.vector_load %arg10[%parallel_loop3A_1474, %parallel_loop3A_1475, %parallel_loop3A_1476] {strides = array<i32>} : memref<5x64x128xf32, #tpu.memory_space<vmem>>, vector<16xf32>,
        %parallel_loop3A_1478 = arith.mulf %parallel_loop3A_1477, %parallel_loop3A_1417 : vector<16xf32>
        %parallel_loop3A_1479 = arith.constant 4 : i32
        %parallel_loop3A_1480 = arith.index_cast %parallel_loop3A_1479 : i32 to index
        %parallel_loop3A_1481 = arith.index_cast %parallel_loop3A_1415 : i32 to index
        %parallel_loop3A_1482 = arith.constant 80 : index
        %parallel_loop3A_1483 = tpu.vector_load %arg10[%parallel_loop3A_1480, %parallel_loop3A_1481, %parallel_loop3A_1482] {strides = array<i32>} : memref<5x64x128xf32, #tpu.memory_space<vmem>>, vector<16xf32>,
        tpu.vector_store %arg10[%parallel_loop3A_1480, %parallel_loop3A_1481, %parallel_loop3A_1482], %parallel_loop3A_1478 {strides = array<i32>} : memref<5x64x128xf32, #tpu.memory_space<vmem>>, vector<16xf32>,
        %parallel_loop3A_1484 = arith.constant 4 : i32
        %parallel_loop3A_1485 = arith.index_cast %parallel_loop3A_1484 : i32 to index
        %parallel_loop3A_1486 = arith.index_cast %parallel_loop3A_1415 : i32 to index
        %parallel_loop3A_1487 = arith.constant 96 : index
        %parallel_loop3A_1488 = tpu.vector_load %arg10[%parallel_loop3A_1485, %parallel_loop3A_1486, %parallel_loop3A_1487] {strides = array<i32>} : memref<5x64x128xf32, #tpu.memory_space<vmem>>, vector<16xf32>,
        %parallel_loop3A_1489 = arith.mulf %parallel_loop3A_1488, %parallel_loop3A_1417 : vector<16xf32>
        %parallel_loop3A_1490 = arith.constant 4 : i32
        %parallel_loop3A_1491 = arith.index_cast %parallel_loop3A_1490 : i32 to index
        %parallel_loop3A_1492 = arith.index_cast %parallel_loop3A_1415 : i32 to index
        %parallel_loop3A_1493 = arith.constant 96 : index
        %parallel_loop3A_1494 = tpu.vector_load %arg10[%parallel_loop3A_1491, %parallel_loop3A_1492, %parallel_loop3A_1493] {strides = array<i32>} : memref<5x64x128xf32, #tpu.memory_space<vmem>>, vector<16xf32>,
        tpu.vector_store %arg10[%parallel_loop3A_1491, %parallel_loop3A_1492, %parallel_loop3A_1493], %parallel_loop3A_1489 {strides = array<i32>} : memref<5x64x128xf32, #tpu.memory_space<vmem>>, vector<16xf32>,
        %parallel_loop3A_1495 = arith.constant 4 : i32
        %parallel_loop3A_1496 = arith.index_cast %parallel_loop3A_1495 : i32 to index
        %parallel_loop3A_1497 = arith.index_cast %parallel_loop3A_1415 : i32 to index
        %parallel_loop3A_1498 = arith.constant 112 : index
        %parallel_loop3A_1499 = tpu.vector_load %arg10[%parallel_loop3A_1496, %parallel_loop3A_1497, %parallel_loop3A_1498] {strides = array<i32>} : memref<5x64x128xf32, #tpu.memory_space<vmem>>, vector<16xf32>,
        %parallel_loop3A_1500 = arith.mulf %parallel_loop3A_1499, %parallel_loop3A_1417 : vector<16xf32>
        %parallel_loop3A_1501 = arith.constant 4 : i32
        %parallel_loop3A_1502 = arith.index_cast %parallel_loop3A_1501 : i32 to index
        %parallel_loop3A_1503 = arith.index_cast %parallel_loop3A_1415 : i32 to index
        %parallel_loop3A_1504 = arith.constant 112 : index
        %parallel_loop3A_1505 = tpu.vector_load %arg10[%parallel_loop3A_1502, %parallel_loop3A_1503, %parallel_loop3A_1504] {strides = array<i32>} : memref<5x64x128xf32, #tpu.memory_space<vmem>>, vector<16xf32>,
        tpu.vector_store %arg10[%parallel_loop3A_1502, %parallel_loop3A_1503, %parallel_loop3A_1504], %parallel_loop3A_1500 {strides = array<i32>} : memref<5x64x128xf32, #tpu.memory_space<vmem>>, vector<16xf32>,
      } {sc.loop_unroll_factor = 4 : i64, sc.parallel_access}
      %jit3A_1348 = arith.constant 8 : i32
      %div3A_1349 = arith.divsi %add3A_1199, %jit3A_1348 : i32
      %sign3A_1350 = arith.constant 0 : i32
      %sign3A_1351 = arith.cmpi sgt, %add3A_1199, %sign3A_1350 : i32
      %sign3A_1352 = arith.extui %sign3A_1351 : i1 to i32
      %sign3A_1353 = arith.constant 0 : i32
      %sign3A_1354 = arith.cmpi slt, %add3A_1199, %sign3A_1353 : i32
      %sign3A_1355 = arith.extui %sign3A_1354 : i1 to i32
      %sign3A_1356 = arith.subi %sign3A_1352, %sign3A_1355 : i32
      %sign3A_1357 = arith.constant 0 : i32
      %sign3A_1358 = arith.cmpi sgt, %jit3A_1348, %sign3A_1357 : i32
      %sign3A_1359 = arith.extui %sign3A_1358 : i1 to i32
      %sign3A_1360 = arith.constant 0 : i32
      %sign3A_1361 = arith.cmpi slt, %jit3A_1348, %sign3A_1360 : i32
      %sign3A_1362 = arith.extui %sign3A_1361 : i1 to i32
      %sign3A_1363 = arith.subi %sign3A_1359, %sign3A_1362 : i32
      %ne3A_1364 = arith.cmpi ne, %sign3A_1356, %sign3A_1363 : i32
      %rem3A_1365 = arith.remsi %add3A_1199, %jit3A_1348 : i32
      %ne3A_1366 = arith.constant 0 : i32
      %ne3A_1367 = arith.cmpi ne, %rem3A_1365, %ne3A_1366 : i32
      %and3A_1368 = arith.andi %ne3A_1364, %ne3A_1367 : i1
      %sub3A_1369 = arith.constant 1 : i32
      %sub3A_1370 = arith.subi %div3A_1349, %sub3A_1369 : i32
      %select_n3A_1371 = arith.select %and3A_1368, %sub3A_1370, %div3A_1349 : i32
      %jit3A_1372 = arith.constant 2 : i32
      %eq3A_1373 = arith.constant 0 : i32
      %eq3A_1374 = arith.cmpi eq, %jit3A_1372, %eq3A_1373 : i32
      %jit3A_1375 = arith.constant 1 : i32
      %select_n3A_1376 = arith.select %eq3A_1374, %jit3A_1375, %jit3A_1372 : i32
      %rem3A_1377 = arith.remsi %select_n3A_1371, %select_n3A_1376 : i32
      %ne3A_1378 = arith.constant 0 : i32
      %ne3A_1379 = arith.cmpi ne, %rem3A_1377, %ne3A_1378 : i32
      %lt3A_1380 = arith.constant 0 : i32
      %lt3A_1381 = arith.cmpi slt, %rem3A_1377, %lt3A_1380 : i32
      %lt3A_1382 = arith.constant 0 : i32
      %lt3A_1383 = arith.cmpi slt, %select_n3A_1376, %lt3A_1382 : i32
      %ne3A_1384 = arith.xori %lt3A_1381, %lt3A_1383 : i1
      %and3A_1385 = arith.andi %ne3A_1384, %ne3A_1379 : i1
      %add3A_1386 = arith.addi %rem3A_1377, %select_n3A_1376 : i32
      %select_n3A_1387 = arith.select %and3A_1385, %add3A_1386, %rem3A_1377 : i32
      %jit3A_1388 = arith.constant 8 : i32
      %eq3A_1389 = arith.constant 0 : i32
      %eq3A_1390 = arith.cmpi eq, %jit3A_1388, %eq3A_1389 : i32
      %jit3A_1391 = arith.constant 1 : i32
      %select_n3A_1392 = arith.select %eq3A_1390, %jit3A_1391, %jit3A_1388 : i32
      %rem3A_1393 = arith.remsi %add3A_1199, %select_n3A_1392 : i32
      %ne3A_1394 = arith.constant 0 : i32
      %ne3A_1395 = arith.cmpi ne, %rem3A_1393, %ne3A_1394 : i32
      %lt3A_1396 = arith.constant 0 : i32
      %lt3A_1397 = arith.cmpi slt, %rem3A_1393, %lt3A_1396 : i32
      %lt3A_1398 = arith.constant 0 : i32
      %lt3A_1399 = arith.cmpi slt, %select_n3A_1392, %lt3A_1398 : i32
      %ne3A_1400 = arith.xori %lt3A_1397, %lt3A_1399 : i1
      %and3A_1401 = arith.andi %ne3A_1400, %ne3A_1395 : i1
      %add3A_1402 = arith.addi %rem3A_1393, %select_n3A_1392 : i32
      %select_n3A_1403 = arith.select %and3A_1401, %add3A_1402, %rem3A_1393 : i32
      %dma_start3A_1404 = arith.constant 4 : i32
      %dma_start3A_1405 = arith.constant 0 : i32
      %dma_start3A_1406 = arith.constant 0 : i32
      %dma_start3A_1407 = tpu.memref_slice %arg10[%dma_start3A_1404, %dma_start3A_1405, %dma_start3A_1406] : memref<5x64x128xf32, #tpu.memory_space<vmem>> -> memref<1x64x128xf32, #tpu.memory_space<vmem>>
      %dma_start3A_1408 = tpu.memref_squeeze %dma_start3A_1407 : memref<1x64x128xf32, #tpu.memory_space<vmem>> -> memref<64x128xf32, #tpu.memory_space<vmem>>
      %dma_start3A_1409 = arith.constant 0 : i32
      %dma_start3A_1410 = tpu.memref_slice %arg8[%select_n3A_1387, %select_n3A_1403, %dma_start3A_1409] : memref<2x8x64xi32, #tpu.memory_space<vmem>> -> memref<1x1x64xi32, #tpu.memory_space<vmem>>
      %dma_start3A_1411 = tpu.memref_squeeze %dma_start3A_1410 : memref<1x1x64xi32, #tpu.memory_space<vmem>> -> memref<64xi32, #tpu.memory_space<vmem>>
      %dma_start3A_1412 = arith.constant 0 : i32
      %dma_start3A_1413 = arith.constant 0 : i32
      %dma_start3A_1414 = tpu.memref_slice %arg11[%dma_start3A_1412, %dma_start3A_1413] : memref<10000x128xf32, #tpu.memory_space<vmem_shared>> -> memref<10000x128xf32, #tpu.memory_space<vmem_shared>>
      tpu.enqueue_indirect_dma source(%dma_start3A_1408 : memref<64x128xf32, #tpu.memory_space<vmem>>) target(%dma_start3A_1414 : memref<10000x128xf32, #tpu.memory_space<vmem_shared>>) offsets(%dma_start3A_1411 : memref<64xi32, #tpu.memory_space<vmem>>) semaphore(%arg21 : memref<!tpu.dma_semaphore, #tpu.memory_space<semaphore_mem>>) {add = true}
    }
    %scan3A_144 = arith.constant 32 : i32
    %dma_wait3A_145 = arith.constant 3 : i32
    %dma_wait3A_146 = arith.constant 0 : i32
    %dma_wait3A_147 = arith.constant 0 : i32
    %dma_wait3A_148 = arith.constant 0 : i32
    %dma_wait3A_149 = arith.constant 0 : i32
    %dma_wait3A_150 = tpu.memref_slice %arg10[%dma_wait3A_145, %dma_wait3A_148, %dma_wait3A_149] : memref<5x64x128xf32, #tpu.memory_space<vmem>> -> memref<1x64x128xf32, #tpu.memory_space<vmem>>
    %dma_wait3A_151 = tpu.memref_squeeze %dma_wait3A_150 : memref<1x64x128xf32, #tpu.memory_space<vmem>> -> memref<64x128xf32, #tpu.memory_space<vmem>>
    %dma_wait3A_152 = arith.constant 0 : i32
    %dma_wait3A_153 = tpu.memref_slice %arg8[%dma_wait3A_146, %dma_wait3A_147, %dma_wait3A_152] : memref<2x8x64xi32, #tpu.memory_space<vmem>> -> memref<1x1x64xi32, #tpu.memory_space<vmem>>
    %dma_wait3A_154 = tpu.memref_squeeze %dma_wait3A_153 : memref<1x1x64xi32, #tpu.memory_space<vmem>> -> memref<64xi32, #tpu.memory_space<vmem>>
    %dma_wait3A_155 = arith.constant 0 : i32
    %dma_wait3A_156 = arith.constant 0 : i32
    %dma_wait3A_157 = tpu.memref_slice %arg11[%dma_wait3A_155, %dma_wait3A_156] : memref<10000x128xf32, #tpu.memory_space<vmem_shared>> -> memref<10000x128xf32, #tpu.memory_space<vmem_shared>>
    tpu.wait_indirect_dma semaphore(%arg20 : memref<!tpu.dma_semaphore, #tpu.memory_space<semaphore_mem>>) src(%dma_wait3A_151 : memref<64x128xf32, #tpu.memory_space<vmem>>) dst(%dma_wait3A_157 : memref<10000x128xf32, #tpu.memory_space<vmem_shared>>)
    %dma_wait3A_158 = arith.constant 4 : i32
    %dma_wait3A_159 = arith.constant 0 : i32
    %dma_wait3A_160 = arith.constant 0 : i32
    %dma_wait3A_161 = arith.constant 0 : i32
    %dma_wait3A_162 = arith.constant 0 : i32
    %dma_wait3A_163 = tpu.memref_slice %arg10[%dma_wait3A_158, %dma_wait3A_161, %dma_wait3A_162] : memref<5x64x128xf32, #tpu.memory_space<vmem>> -> memref<1x64x128xf32, #tpu.memory_space<vmem>>
    %dma_wait3A_164 = tpu.memref_squeeze %dma_wait3A_163 : memref<1x64x128xf32, #tpu.memory_space<vmem>> -> memref<64x128xf32, #tpu.memory_space<vmem>>
    %dma_wait3A_165 = arith.constant 0 : i32
    %dma_wait3A_166 = tpu.memref_slice %arg8[%dma_wait3A_159, %dma_wait3A_160, %dma_wait3A_165] : memref<2x8x64xi32, #tpu.memory_space<vmem>> -> memref<1x1x64xi32, #tpu.memory_space<vmem>>
    %dma_wait3A_167 = tpu.memref_squeeze %dma_wait3A_166 : memref<1x1x64xi32, #tpu.memory_space<vmem>> -> memref<64xi32, #tpu.memory_space<vmem>>
    %dma_wait3A_168 = arith.constant 0 : i32
    %dma_wait3A_169 = arith.constant 0 : i32
    %dma_wait3A_170 = tpu.memref_slice %arg11[%dma_wait3A_168, %dma_wait3A_169] : memref<10000x128xf32, #tpu.memory_space<vmem_shared>> -> memref<10000x128xf32, #tpu.memory_space<vmem_shared>>
    tpu.wait_indirect_dma semaphore(%arg21 : memref<!tpu.dma_semaphore, #tpu.memory_space<semaphore_mem>>) src(%dma_wait3A_164 : memref<64x128xf32, #tpu.memory_space<vmem>>) dst(%dma_wait3A_170 : memref<10000x128xf32, #tpu.memory_space<vmem_shared>>)
    %barrier3A_171 = arith.constant 0 : index
    tpu.barrier barrier_id(%barrier3A_171)
    "tpu.region"() ({
      %run_scoped3A = tpu.sem_alloc : memref<!tpu.dma_semaphore, #tpu.memory_space<semaphore_mem>>
      %dma_start3A_177 = arith.constant 0 : i32
      %dma_start3A_178 = tpu.memref_slice %arg6[%arg0, %multiple_of3A_111, %dma_start3A_177] : memref<2x10000x128xf32, #tpu.memory_space<hbm>> -> memref<1x624x128xf32, #tpu.memory_space<hbm>>
      %dma_start3A_179 = tpu.memref_squeeze %dma_start3A_178 : memref<1x624x128xf32, #tpu.memory_space<hbm>> -> memref<624x128xf32, #tpu.memory_space<hbm>>
      %dma_start3A_180 = arith.constant 0 : i32
      %dma_start3A_181 = tpu.memref_slice %arg11[%multiple_of3A_111, %dma_start3A_180] : memref<10000x128xf32, #tpu.memory_space<vmem_shared>> -> memref<624x128xf32, #tpu.memory_space<vmem_shared>>
      tpu.enqueue_dma source(%dma_start3A_181 : memref<624x128xf32, #tpu.memory_space<vmem_shared>>) target(%dma_start3A_179 : memref<624x128xf32, #tpu.memory_space<hbm>>) target_semaphore(%run_scoped3A : memref<!tpu.dma_semaphore, #tpu.memory_space<semaphore_mem>>)
      %dma_wait3A_182 = arith.constant 0 : i32
      %dma_wait3A_183 = tpu.memref_slice %arg6[%arg0, %multiple_of3A_111, %dma_wait3A_182] : memref<2x10000x128xf32, #tpu.memory_space<hbm>> -> memref<1x624x128xf32, #tpu.memory_space<hbm>>
      %dma_wait3A_184 = tpu.memref_squeeze %dma_wait3A_183 : memref<1x624x128xf32, #tpu.memory_space<hbm>> -> memref<624x128xf32, #tpu.memory_space<hbm>>
      %dma_wait3A_185 = arith.constant 0 : i32
      %dma_wait3A_186 = tpu.memref_slice %arg11[%multiple_of3A_111, %dma_wait3A_185] : memref<10000x128xf32, #tpu.memory_space<vmem_shared>> -> memref<624x128xf32, #tpu.memory_space<vmem_shared>>
      tpu.wait_dma2 semaphore(%run_scoped3A : memref<!tpu.dma_semaphore, #tpu.memory_space<semaphore_mem>>) src(%dma_wait3A_186 : memref<624x128xf32, #tpu.memory_space<vmem_shared>>) dst(%dma_wait3A_184 : memref<624x128xf32, #tpu.memory_space<hbm>>)
      tpu.yield
    }) : () -> ()
    %eq3A_172 = arith.constant 0 : i32
    %eq3A_173 = arith.cmpi eq, %arg1, %eq3A_172 : i32
    %convert_element_type3A_174 = arith.extui %eq3A_173 : i1 to i32
    %cond3A_175 = arith.constant 0 : i32
    %cond3A_176 = arith.cmpi ne, %convert_element_type3A_174, %cond3A_175 : i32
    scf.if %cond3A_176 {
      "tpu.region"() ({
        %run_scoped3A = tpu.sem_alloc : memref<!tpu.dma_semaphore, #tpu.memory_space<semaphore_mem>>
        %dma_start3A_177 = arith.constant 9984 : i32
        %dma_start3A_178 = arith.constant 0 : i32
        %dma_start3A_179 = tpu.memref_slice %arg6[%arg0, %dma_start3A_177, %dma_start3A_178] : memref<2x10000x128xf32, #tpu.memory_space<hbm>> -> memref<1x16x128xf32, #tpu.memory_space<hbm>>
        %dma_start3A_180 = tpu.memref_squeeze %dma_start3A_179 : memref<1x16x128xf32, #tpu.memory_space<hbm>> -> memref<16x128xf32, #tpu.memory_space<hbm>>
        %dma_start3A_181 = arith.constant 9984 : i32
        %dma_start3A_182 = arith.constant 0 : i32
        %dma_start3A_183 = tpu.memref_slice %arg11[%dma_start3A_181, %dma_start3A_182] : memref<10000x128xf32, #tpu.memory_space<vmem_shared>> -> memref<16x128xf32, #tpu.memory_space<vmem_shared>>
        tpu.enqueue_dma source(%dma_start3A_183 : memref<16x128xf32, #tpu.memory_space<vmem_shared>>) target(%dma_start3A_180 : memref<16x128xf32, #tpu.memory_space<hbm>>) target_semaphore(%run_scoped3A : memref<!tpu.dma_semaphore, #tpu.memory_space<semaphore_mem>>)
        %dma_wait3A_184 = arith.constant 9984 : i32
        %dma_wait3A_185 = arith.constant 0 : i32
        %dma_wait3A_186 = tpu.memref_slice %arg6[%arg0, %dma_wait3A_184, %dma_wait3A_185] : memref<2x10000x128xf32, #tpu.memory_space<hbm>> -> memref<1x16x128xf32, #tpu.memory_space<hbm>>
        %dma_wait3A_187 = tpu.memref_squeeze %dma_wait3A_186 : memref<1x16x128xf32, #tpu.memory_space<hbm>> -> memref<16x128xf32, #tpu.memory_space<hbm>>
        %dma_wait3A_188 = arith.constant 9984 : i32
        %dma_wait3A_189 = arith.constant 0 : i32
        %dma_wait3A_190 = tpu.memref_slice %arg11[%dma_wait3A_188, %dma_wait3A_189] : memref<10000x128xf32, #tpu.memory_space<vmem_shared>> -> memref<16x128xf32, #tpu.memory_space<vmem_shared>>
        tpu.wait_dma2 semaphore(%run_scoped3A : memref<!tpu.dma_semaphore, #tpu.memory_space<semaphore_mem>>) src(%dma_wait3A_190 : memref<16x128xf32, #tpu.memory_space<vmem_shared>>) dst(%dma_wait3A_187 : memref<16x128xf32, #tpu.memory_space<hbm>>)
        tpu.yield
      }) : () -> ()
    } else {
    }
    return
  }
}

module attributes {stable_mosaic.version = 14 : i64} {
  func.func @body(%arg0: i32, %arg1: memref<2x2000x128xf32, #tpu.memory_space<vmem>>, %arg2: memref<2000x128xf32, #tpu.memory_space<vmem>>, %arg3: memref<128x128xf32, #tpu.memory_space<vmem>>, %arg4: memref<128x128xf32, #tpu.memory_space<vmem>>, %arg5: memref<2000x128xf32, #tpu.memory_space<vmem>>) attributes {dimension_semantics = [#tpu.dimension_semantics<arbitrary>], iteration_bounds = array<i64: 5>, scalar_prefetch = 0 : i64, scratch_operands = 0 : i64, tpu.core_type = #tpu.core_type<tc>, window_params = [{transform_indices = @transform_0, window_bounds = array<i64: 2, 2000, 128>}, {transform_indices = @transform_1, window_bounds = array<i64: 2000, 128>}, {pipeline_mode = #tpu.pipeline_mode<synchronous>, transform_indices = @transform_2, window_bounds = array<i64: 128, 128>}, {pipeline_mode = #tpu.pipeline_mode<synchronous>, transform_indices = @transform_3, window_bounds = array<i64: 128, 128>}, {transform_indices = @transform_4, window_bounds = array<i64: 2000, 128>}]} {
    %get3A = arith.constant 0 : index
    %get3A_0 = arith.constant 0 : index
    %get3A_1 = arith.constant 0 : index
    %get3A_2 = vector.load %arg1[%get3A, %get3A_0, %get3A_1] : memref<2x2000x128xf32, #tpu.memory_space<vmem>>, vector<1x2000x128xf32>
    %get3A_3 = vector.shape_cast %get3A_2 : vector<1x2000x128xf32> to vector<2000x128xf32>
    %get3A_4 = arith.constant 1 : index
    %get3A_5 = arith.constant 0 : index
    %get3A_6 = arith.constant 0 : index
    %get3A_7 = vector.load %arg1[%get3A_4, %get3A_5, %get3A_6] : memref<2x2000x128xf32, #tpu.memory_space<vmem>>, vector<1x2000x128xf32>
    %get3A_8 = vector.shape_cast %get3A_7 : vector<1x2000x128xf32> to vector<2000x128xf32>
    %add3A = arith.addf %get3A_3, %get3A_8 : vector<2000x128xf32>
    %get3A_9 = arith.constant 0 : index
    %get3A_10 = arith.constant 0 : index
    %get3A_11 = vector.load %arg3[%get3A_9, %get3A_10] : memref<128x128xf32, #tpu.memory_space<vmem>>, vector<128x128xf32>
    %dot_general3A = arith.constant dense<0.000000e+00> : vector<2000x128xf32>
    %dot_general3A_12 = tpu.matmul %add3A, %get3A_11, %dot_general3A {dimension_numbers = #tpu.dot_dimension_numbers<[1], [0], [0], [1], [0, 0, 1, 1], [], []>, transpose_lhs_hint = false} : vector<2000x128xf32>, vector<128x128xf32>, vector<2000x128xf32> -> vector<2000x128xf32>
    %get3A_13 = arith.constant 0 : index
    %get3A_14 = arith.constant 0 : index
    %get3A_15 = vector.load %arg2[%get3A_13, %get3A_14] : memref<2000x128xf32, #tpu.memory_space<vmem>>, vector<2000x128xf32>
    %mul3A = arith.mulf %add3A, %get3A_15 : vector<2000x128xf32>
    %get3A_16 = arith.constant 0 : index
    %get3A_17 = arith.constant 0 : index
    %get3A_18 = vector.load %arg4[%get3A_16, %get3A_17] : memref<128x128xf32, #tpu.memory_space<vmem>>, vector<128x128xf32>
    %dot_general3A_19 = arith.constant dense<0.000000e+00> : vector<2000x128xf32>
    %dot_general3A_20 = tpu.matmul %mul3A, %get3A_18, %dot_general3A_19 {dimension_numbers = #tpu.dot_dimension_numbers<[1], [0], [0], [1], [0, 0, 1, 1], [], []>, transpose_lhs_hint = false} : vector<2000x128xf32>, vector<128x128xf32>, vector<2000x128xf32> -> vector<2000x128xf32>
    %add3A_21 = arith.addf %dot_general3A_12, %dot_general3A_20 : vector<2000x128xf32>
    %swap3A = arith.constant 0 : index
    %swap3A_22 = arith.constant 0 : index
    %swap3A_23 = vector.load %arg5[%swap3A, %swap3A_22] : memref<2000x128xf32, #tpu.memory_space<vmem>>, vector<2000x128xf32>
    tpu.vector_store %arg5[%swap3A, %swap3A_22], %add3A_21 {strides = array<i32>} : memref<2000x128xf32, #tpu.memory_space<vmem>>, vector<2000x128xf32>,
    return
  }
  func.func @transform_0(%arg0: i32) -> (i32, i32, i32) {
    %c0_i32 = arith.constant 0 : i32
    %c0_i32_0 = arith.constant 0 : i32
    %c0_i32_1 = arith.constant 0 : i32
    return %c0_i32, %arg0, %c0_i32_0 : i32, i32, i32
  }
  func.func @transform_1(%arg0: i32) -> (i32, i32) {
    %c0_i32 = arith.constant 0 : i32
    %c0_i32_0 = arith.constant 0 : i32
    return %arg0, %c0_i32 : i32, i32
  }
  func.func @transform_2(%arg0: i32) -> (i32, i32) {
    %c0_i32 = arith.constant 0 : i32
    %c0_i32_0 = arith.constant 0 : i32
    %c0_i32_1 = arith.constant 0 : i32
    return %c0_i32, %c0_i32_0 : i32, i32
  }
  func.func @transform_3(%arg0: i32) -> (i32, i32) {
    %c0_i32 = arith.constant 0 : i32
    %c0_i32_0 = arith.constant 0 : i32
    %c0_i32_1 = arith.constant 0 : i32
    return %c0_i32, %c0_i32_0 : i32, i32
  }
  func.func @transform_4(%arg0: i32) -> (i32, i32) {
    %c0_i32 = arith.constant 0 : i32
    %c0_i32_0 = arith.constant 0 : i32
    return %arg0, %c0_i32 : i32, i32
  }
}

</mosaic_0001>

<sc_bundles>
// kernel: kernel.4.cloned.1.call-start
scs
__scs_entry_jumppad:
0x0: {  	(pc) =	sbr.rel $0x88, $3  }
0x1: {  	(tag) =	ssettag $0x0;
	lr =	simm.s32 $0x1  }
0x2: {  	[smem:$0x3F9C] =	sst lr;
	_ =	strace $0xD0000000  }
0x3: {  	_ = 	snop  }
0x4: {  	_ = 	snop  }
0x5: {  	_ = 	snop  }
0x6: {  	_ = 	snop  }
0x7: {  	_ = 	snop  }
__scs_overlays_trampoline_lowered:
0x8: {  	[smem:$0x3FAB] =	sst s0  }
0x9: {  	[smem:$0x3FAC] =	sst s1  }
0xa: {  	[smem:$0x3FAD] =	sst s2  }
0xb: {  	[smem:$0x3FAE] =	sst s3  }
0xc: {  	[smem:$0x3FAF] =	sst s4  }
0xd: {  	[smem:$0x3FB0] =	sst s5  }
0xe: {  	[smem:$0x3FB1] =	sst s6  }
0xf: {  	[smem:$0x3FB2] =	sst s7  }
0x10: {  	[smem:$0x3FB3] =	sst s8  }
0x11: {  	[smem:$0x3FB4] =	sst s9;
	s0 =	simm.s32 @!p0 $0x0  }
0x12: {  	s1 =	sld [smem:$0x3F9A];
	s0 =	simm.s32 @p0 $0x1  }
0x13: {  	[smem:$0x3FB5] =	sst s0;
	s0 =	simm.s32 @!p1 $0x0  }
0x14: {  	s2 =	sld [smem:$0x3F99];
	s0 =	simm.s32 @p1 $0x1  }
0x15: {  	[smem:$0x3FB6] =	sst s0;
	s0 =	simm.s32 @!p2 $0x0  }
0x16: {  	s3 =	sld [smem:$0x3FDB];
	s0 =	simm.s32 @p2 $0x1  }
0x17: {  	s4 =	simm.s32 $0x1BF5;
	[smem:$0x3FB8] =	sst s0  }
0x18: {  	s0 =	sld [smem:$0x3F9B];
	_ =	swait.ge [sflag:s4], $0x0  }
0x19: {  	s7 =	sld [smem:$0x3F9C]  }
0x1a: {  	s8 =	sadd.s32 $0xFFFFE003, lr  }
0x1b: {  	s9 =	sadd.s32 $0xFFFFFEF7, lr;
	s5 =	simm.s32 $0xFFFFFFFF;
	p2 =	slt.u32 s8, $0xFFFFF086  }
0x1c: {  	p1 =	slt.u32 s9, $0xF7A;
	s5 =	simm.s32 @!p2 $0x0  }
0x1d: {  	s5 =	simm.s32 @p1 $0x1;
	p0 =	seq.s32 s7, s2  }
0x1e: {  	s7 =	smul.u32 @!p0 $0xF7A, s2;
	p2 =	seq.s32 @!p0 s5, $0x0  }
0x1f: {  	s9 =	smul.u32 $0xF7A, s1;
	s8 =	simm.s32 @!p0 $0x1BF5;
	p2 =	por !p2, p0  }
0x20: {  	[sflag:s8] =	ssyncset.s32 @!p0 $0xFFFFF086;
	s6 =	sadd.s32 @!p0 s3, s7;
	s7 =	simm.s32 @!p0 $0x108  }
0x21: {  	s3 =	sadd.s32 s3, s9;
	s6 =	sadd.s32 @!p0 $0x88, s6;
	s7 =	simm.s32 @p2 $0x1082  }
0x22: {  	[simem:s7], [sflag:s8] =	dma.local @!p0 [hbm:s6], $0xF7A  }
0x23: {  	s9 =	sor.u32 $0xD0000000, s2;
	s6 =	simm.s32 $0x108;
	_ =	swait.ge @!p0 [sflag:s8], $0x0  }
0x24: {  	s3 =	sadd.s32 $0x88, s3;
	s6 =	simm.s32 @!p1 $0x1082;
	[sflag:s4] =	ssyncset.s32 $0xFFFFF086  }
0x25: {  	[simem:s6], [sflag:s4] =	dma.local [hbm:s3], $0xF7A  }
0x26: {  	[smem:$0x3F9C] =	sst s1;
	(tag) =	ssettag s2;
	_ =	strace s9  }
0x27: {  	s1 =	sld [smem:$0x3FAC]  }
0x28: {  	s2 =	sld [smem:$0x3FAD]  }
0x29: {  	s4 =	sld [smem:$0x3FAF]  }
0x2a: {  	p0 =	seq.s32 s5, $0x0;
	s5 =	sld [smem:$0x3FB0]  }
0x2b: {  	s6 =	sld [smem:$0x3FB1]  }
0x2c: {  	s7 =	sld [smem:$0x3FB2]  }
0x2d: {  	s3 =	simm.s32 $0x108;
	s8 =	sld [smem:$0x3FB3]  }
0x2e: {  	s3 =	simm.s32 @!p0 $0x1082;
	s9 =	sld [smem:$0x3FB4]  }
0x2f: {  	lr =	sadd.s32 s0, s3;
	s0 =	sld [smem:$0x3FAB]  }
0x30: {  	s3 =	sld [smem:$0x3FAE]  }
0x31: {  	[smem:$0x3FB7] =	sst s10  }
0x32: {  	s10 =	sld [smem:$0x3FB5];
	_ =	sdelay $0x3  }
0x33: {  	p0 =	seq.s32 s10, $0x1;
	s10 =	sld [smem:$0x3FB7];
	_ =	sdelay $0x3  }
0x34: {  	[smem:$0x3FB7] =	sst s10  }
0x35: {  	s10 =	sld [smem:$0x3FB6];
	_ =	sdelay $0x3  }
0x36: {  	p1 =	seq.s32 s10, $0x1;
	s10 =	sld [smem:$0x3FB7];
	_ =	sdelay $0x3  }
0x37: {  	[smem:$0x3FB7] =	sst s10  }
0x38: {  	s10 =	sld [smem:$0x3FB8]  }
0x39: {  	_ = 	snop;
	(pc) =	sbr.ind lr, $3  }
0x3a: {  	_ = 	snop  }
0x3b: {  	_ = 	snop  }
0x3c: {  	p2 =	seq.s32 s10, $0x1;
	s10 =	sld [smem:$0x3FB7]  }
0x3d: {  	_ =	shalt  }
0x3e: {  	_ =	shalt  }
0x3f: {  	_ =	shalt  }
0x40: {  	_ =	shalt  }
0x41: {  	_ =	shalt  }
0x42: {  	_ =	shalt  }
0x43: {  	_ =	shalt  }
0x44: {  	_ =	shalt  }
0x45: {  	_ =	shalt  }
0x46: {  	_ =	shalt  }
0x47: {  	_ =	shalt  }
0x48: {  	_ =	shalt  }
0x49: {  	_ =	shalt  }
0x4a: {  	_ =	shalt  }
0x4b: {  	_ =	shalt  }
0x4c: {  	_ =	shalt  }
0x4d: {  	_ =	shalt  }
0x4e: {  	_ =	shalt  }
0x4f: {  	_ =	shalt  }
0x50: {  	_ =	shalt  }
0x51: {  	_ =	shalt  }
0x52: {  	_ =	shalt  }
0x53: {  	_ =	shalt  }
0x54: {  	_ =	shalt  }
0x55: {  	_ =	shalt  }
0x56: {  	_ =	shalt  }
0x57: {  	_ =	shalt  }
0x58: {  	_ =	shalt  }
0x59: {  	_ =	shalt  }
0x5a: {  	_ =	shalt  }
0x5b: {  	_ =	shalt  }
0x5c: {  	_ =	shalt  }
0x5d: {  	_ =	shalt  }
0x5e: {  	_ =	shalt  }
0x5f: {  	_ =	shalt  }
0x60: {  	_ =	shalt  }
0x61: {  	_ =	shalt  }
0x62: {  	_ =	shalt  }
0x63: {  	_ =	shalt  }
0x64: {  	_ =	shalt  }
0x65: {  	_ =	shalt  }
0x66: {  	_ =	shalt  }
0x67: {  	_ =	shalt  }
0x68: {  	_ =	shalt  }
0x69: {  	_ =	shalt  }
0x6a: {  	_ =	shalt  }
0x6b: {  	_ =	shalt  }
0x6c: {  	_ =	shalt  }
0x6d: {  	_ =	shalt  }
0x6e: {  	_ =	shalt  }
0x6f: {  	_ =	shalt  }
0x70: {  	_ =	shalt  }
0x71: {  	_ =	shalt  }
0x72: {  	_ =	shalt  }
0x73: {  	_ =	shalt  }
0x74: {  	_ =	shalt  }
0x75: {  	_ =	shalt  }
0x76: {  	_ =	shalt  }
0x77: {  	_ =	shalt  }
0x78: {  	_ =	shalt  }
0x79: {  	_ =	shalt  }
0x7a: {  	_ =	shalt  }
0x7b: {  	_ =	shalt  }
0x7c: {  	_ =	shalt  }
0x7d: {  	_ =	shalt  }
0x7e: {  	_ =	shalt  }
0x7f: {  	_ =	shalt  }
0x80: {  	_ =	shalt  }
0x81: {  	_ =	shalt  }
0x82: {  	_ =	shalt  }
0x83: {  	_ =	shalt  }
0x84: {  	_ =	shalt  }
0x85: {  	_ =	shalt  }
0x86: {  	_ =	shalt  }
0x87: {  	_ =	shalt  }
.Lfunc_end0:
.L_simem_size_0:
called_computation_lowered:
.L_overlay_start_0:
0x88: {  	s2 =	sld [smem:$0x3FD9]  }
0x89: {  	s3 =	sld [smem:$0x3FFE];
	_ =	sdelay $0x1  }
0x8a: {  	s1 =	srdreg.scid  }
0x8b: {  	s0 =	sand.u32 $0x1, s1  }
0x8c: {  	s17 =	sshll.u32 s0, $0xA;
	s2 =	sadd.s32 s3, s2  }
0x8d: {  	s2 =	sadd.s32 s2, s17  }
0x8e: {  	[smem:$0x3FC3] =	sst s2  }
0x8f: {  	_ = 	snop  }
0x90: {  	s2 =	sld [smem:$0x3FC9]  }
0x91: {  	s18 =	sld [smem:$0x3FD0];
	(tm) =	ssettm $0x1  }
0x92: {  	s4 =	sld [smem:$0x3FFB];
	_ =	sdelay $0x3  }
0x93: {  	_ =	strace s4  }
0x94: {  	s4 =	sld [smem:$0x3FFC];
	_ =	sdelay $0x3  }
0x95: {  	_ =	strace s4  }
0x96: {  	s4 =	sld [smem:$0x3FFD];
	_ =	sdelay $0x3  }
0x97: {  	_ =	strace s4  }
0x98: {  	_ =	strace $0x8FFFFFFF  }
0x99: {  	s19 =	sld [smem:$0x3FDB];
	_ =	sdelay $0x1  }
0x9a: {  	s5 =	simm.s32 $_scs_section_size  }
0x9b: {  	s6 =	simm.s32 $_size__tile_overlayer_lowered;
	s7 =	simm.s32 $_tile_overlayer_lowered  }
0x9c: {  	s22 =	simm.s32 $0x1BFF;
	s21 =	sshll.u32 s7, $0x1;
	s4 =	sadd.s32 s5, s19  }
0x9d: {  	s8 =	simm.s32 $0x0;
	s20 =	sshll.u32 s6, $0x1;
	s6 =	sadd.s32 s21, s4  }
0x9e: {  	[timem:s8], [sflag:s22] =	dma.local [hbm:s6], s20  }
0x9f: {  	_ =	swait.ge [sflag:s22], s20  }
0xa0: {  	s5 =	ssub.s32 $0x0, s20;
	[sflag:s22] =	ssyncset.done $0x0  }
0xa1: {  	[sflag:s22] =	ssyncadd.s32 s5;
	_ =	sdelay $0x1  }
0xa2: {  	s23 =	simm.s32 $0x1B8B  }
0xa3: {  	_ =	swait.ge [sflag:s23], $0x1  }
0xa4: {  	[sflag:s23] =	ssyncset.done $0x0  }
0xa5: {  	s25 =	simm.s32 $0x1B8E;
	s24 =	sld [smem:$0x3FFE];
	[sflag:s23] =	ssyncadd.s32 $0xFFFFFFFF  }
0xa6: {  	s26 =	simm.s32 $execute0_lowered;
	[smem:$0x3FD2] =	sst s25  }
0xa7: {  	s6 =	sshll.u32 s26, $0x1;
	_ =	strace $0x80000046;
	[dreg:$0x1] =	wrdreg $0xFFFFFFFF  }
0xa8: {  	s28 =	simm.s32 $_size_execute0_lowered;
	s4 =	sadd.s32 s4, s6;
	[dreg:$0x0] =	wrdreg $0x0  }
0xa9: {  	s6 =	sshll.u32 s28, $0x1;
	[dreg:$0x2] =	wrdreg s4  }
0xaa: {  	[dreg:$0x3] =	wrdreg s6  }
0xab: {  	[dreg:$0x4] =	wrdreg $0xC0  }
0xac: {  	_ =	task [dreg:s8], $0x5FFFF  }
0xad: {  	[dreg:$0x1] =	wrdreg $0xFFFFFFFF  }
0xae: {  	[dreg:$0x0] =	wrdreg $0x60  }
0xaf: {  	[dreg:$0x2] =	wrdreg s2  }
0xb0: {  	[dreg:$0x3] =	wrdreg s24  }
0xb1: {  	[dreg:$0x4] =	wrdreg s18  }
0xb2: {  	[dreg:$0x5] =	wrdreg $0xB8000  }
0xb3: {  	[dreg:$0x6] =	wrdreg $0x9  }
0xb4: {  	_ =	task.clear_ibuf [dreg:s8], $0x7FFFF;
	_ =	strace $0x90000046  }
0xb5: {  	s29 =	simm.s32 $0x9;
	_ =	strace $0x80000048  }
0xb6: {  	_ =	swait.ge [sflag:s29], $0x1  }
0xb7: {  	[sflag:s29] =	ssyncadd.s32 $0xFFFFFFFF  }
0xb8: {  	_ =	strace $0x90000048  }
0xb9: {  	_ =	sfence  }
0xba: {  	s30 =	sld [smem:$0x0];
	_ =	sdelay $0x2  }
0xbb: {  	s31 =	sshll.u32 s1, $0xD;
	s1 =	sshrl.u32 s1, $0x2  }
0xbc: {  	s3 =	sand.u32 $0x4000, s31;
	s1 =	sadd.s32 s1, s30  }
0xbd: {  	s0 =	sor.u32 s3, s0;
	s1 =	sshll.u32 s1, $0x11  }
0xbe: {  	s0 =	sor.u32 s1, s0  }
0xbf: {  	s0 =	sadd.s32 $0x8F2B, s0  }
0xc0: {  	[sflag:s0] =	ssyncadd.remote.s32 $0x1  }
0xc1: {  	_ =	sfence.sel $0xFFFF  }
0xc2: {  	[dreg:$0x0] =	wrdreg $0xFFFFFFFF;
	(pc) =	sbr.abs _section_cstart, $3  }
0xc3: {  	[dreg:$0x1] =	wrdreg $0xFFFFFFFF  }
0xc4: {  	_ =	task.clear_ibuf [dreg:s8], $0x2FFFF;
	_ =	strace $0x9FFFFFFF  }
0xc5: {  	(tm) =	ssettm $0x7FFFFFFF  }
tec
execute0_lowered:
.L_overlay_start_1:
0x0: {  	(tag) =	ssettag $0x1  }
0x1: {  	s1 =	rddreg [dreg:$0x0]  }
0x2: {  	s0 =	rddreg [dreg:$0x1]  }
0x3: {  	s3 =	rddreg [dreg:$0x2]  }
0x4: {  	s2 =	rddreg [dreg:$0x3];
	s4 =	srdreg.scid;
	s6 =	simm.s32 $0x0  }
0x5: {  	s13 =	stileid.u32;
	s31 =	simm.s32 $0x1;
	s29 =	simm.s32 $0x9800  }
0x6: {  	s28 =	simm.s32 $0x3;
	s4 =	sand.u32 $0x1, s4;
	[smem:$0x7FF] =	sst s6  }
0x7: {  	s6 =	sadd.s32 $0x1400, s0;
	s9 =	sadd.s32 $0x3D400, s0;
	s12 =	smul.u32 $0x4E000, s13  }
0x8: {  	s19 =	smul.u32 $0x13800, s13;
	s22 =	sadd.s32 $0x138000, s2;
	s15 =	sadd.s32 $0x29400, s0  }
0x9: {  	p1 =	sne.s32 s13, $0x0;
	s5 =	sshll.u32 s4, $0x4;
	_ =	strace $0x80000047  }
0xa: {  	s10 =	ssub.s32 $0x2, s4;
	s4 =	smul.u32 $0x138800, s4;
	[dreg:$0xa] =	wrdreg s22  }
0xb: {  	s22 =	simm.s32 $0x40;
	s7 =	sor.u32 s13, s5;
	s5 =	sadd.s32 $0x15400, s0  }
0xc: {  	s11 =	sshrl.u32 s10, $0x1;
	s20 =	sshrl.u32 s12, $0x2;
	s21 =	sshrl.u32 s19, $0x3  }
0xd: {  	s8 =	smul.u32 $0x5000, s7;
	s10 =	ssub.s32 s10, s11;
	s23 =	sadd.s32 s19, s4  }
0xe: {  	s4 =	sshrl.u32 s4, $0x3;
	s11 =	simm.s32 $0xC;
	s19 =	simm.s32 $0x2  }
0xf: {  	s24 =	sshrl.u32 s23, $0x3;
	s25 =	sadd.s32 s9, s4;
	s30 =	smax.u32 s10, $0x1  }
0x10: {  	s23 =	simm.s32 $0x7800;
	s0 =	sadd.s32 s9, s24;
	[dreg:$0xe] =	wrdreg s30  }
0x11: {  	s8 =	sshrl.u32 s8, $0x3;
	s26 =	sadd.s32 $0x27000, s25;
	[dreg:$0xc] =	wrdreg s0  }
0x12: {  	s4 =	simm.s32 $0x7;
	s14 =	sadd.s32 s5, s8;
	[dreg:$0xd] =	wrdreg s26  }
0x13: {  	s10 =	simm.s32 $0x5;
	s8 =	sadd.s32 s6, s8;
	[dreg:$0x5] =	wrdreg s14  }
0x14: {  	s25 =	simm.s32 $0x6;
	s14 =	sadd.s32 $0x14000, s14;
	[dreg:$0x7] =	wrdreg s8  }
0x15: {  	s0 =	simm.s32 @!p1 $0x0;
	s8 =	sadd.s32 s20, s2;
	[dreg:$0x6] =	wrdreg s14  }
0x16: {  	s9 =	simm.s32 $0x8;
	s0 =	simm.s32 @p1 $0x1;
	[dreg:$0x8] =	wrdreg s8  }
0x17: {  	s20 =	simm.s32 $0x1000;
	s8 =	sadd.s32 s3, s21;
	[smem:$0x7FD] =	sst s0  }
0x18: {  	s3 =	sadd.s32 $0x27000, s3;
	s14 =	smul.u32 $0x14, s7;
	[dreg:$0x9] =	wrdreg s8  }
0x19: {  	s7 =	simm.s32 $0x0;
	[dreg:$0xb] =	wrdreg s3;
	s8 =	simm.s32 $0x4  }
.LBB2_1:
0x1a: {  	[dreg:$0xf] =	wrdreg s7  }
0x1b: {  	s0 =	simm.s32 $0x0;
	s3 =	rddreg [dreg:$0x6]  }
0x1c: {  	[tilespmem:s0], [sflag:$0xB] =	stream.linear.gather [hbm4b:s3+s0], $0x400, $0x38;
	[tilespmem:$0x1F080] =	vst v63  }
0x1d: {  	s21 =	rddreg [dreg:$0x5];
	s24 =	simm.s32 $0x800  }
0x1e: {  	[tilespmem:s24], [sflag:$0xB] =	stream.linear.gather [hbm4b:s21+s0], $0x400, $0x38;
	[tilespmem:$0x1F080] =	vst v63  }
0x1f: {  	s26 =	rddreg [dreg:$0x7];
	s30 =	simm.s32 $0xB  }
0x20: {  	[tilespmem:s20], [sflag:$0xB] =	stream.linear.gather [hbm4b:s26+s0], $0x400, $0x38;
	[tilespmem:$0x1F080] =	vst v63  }
0x21: {  	_ =	swait.ge [sflag:s30], $0x400  }
0x22: {  	[sflag:s30] =	ssyncset.done $0x0  }
0x23: {  	[sflag:s30] =	ssyncadd.s32 $0xFFFFFC00  }
0x24: {  	_ =	swait.ge [sflag:s30], $0x400  }
0x25: {  	[sflag:s30] =	ssyncset.done $0x0  }
0x26: {  	[sflag:s30] =	ssyncadd.s32 $0xFFFFFC00  }
0x27: {  	s7 =	simm.s32 $0x1800;
	s12 =	stileid.u32;
	_ =	swait.ge [sflag:s30], $0x400  }
0x28: {  	s13 =	sshll.u32 s12, $0x6;
	[sflag:s30] =	ssyncset.done $0x0;
	s16 =	rddreg [dreg:$0x8]  }
0x29: {  	s18 =	rddreg [dreg:$0x9];
	[sflag:s30] =	ssyncadd.s32 $0xFFFFFC00;
	s17 =	sshrl.u32 s16, $0x3  }
0x2a: {  	[tilespmem:s7], [sflag:$0x1] =	stream.indirect.gather [hbm4b:s1+s22], $0x80, s0, s22, $0xb8;
	[tilespmem:$0x1F080] =	vst v63  }
0x2b: {  	s3 =	sor.u32 $0x1C0C, s13;
	[dreg:$0x11] =	wrdreg s17  }
0x2c: {  	[spmem:s17], [sflag:s3] =	dma.local [hbm:s18], $0x2700  }
0x2d: {  	_ =	swait.ge [sflag:s11], $0x2700;
	[dreg:$0x10] =	wrdreg s3  }
0x2e: {  	s0 =	rddreg [dreg:$0xa]  }
0x2f: {  	[sflag:s11] =	ssyncset.done $0x0;
	s7 =	sshrl.u32 @!p1 s0, $0x3;
	s0 =	rddreg [dreg:$0xb]  }
0x30: {  	[sflag:s11] =	ssyncadd.s32 $0xFFFFD900;
	[dreg:$0x12] =	wrdreg s7  }
0x31: {  	[spmem:s7], [sflag:s3] =	dma.local @!p1 [hbm:s0], $0x100  }
0x32: {  	s3 =	simm.s32 @!p1 $0xC  }
0x33: {  	_ =	swait.ge @!p1 [sflag:s3], $0x100  }
0x34: {  	[sflag:s3] =	ssyncset.done @!p1 $0x0  }
0x35: {  	[sflag:s3] =	ssyncadd.s32 @!p1 $0xFFFFFF00  }
0x36: {  	s21 =	simm.s32 $0x80;
	s24 =	simm.s32 $0x3800;
	[bflag:$0x0] =	sbarrier.arrive $0xFFFF  }
0x37: {  	[tilespmem:s24], [sflag:$0x2] =	stream.indirect.gather [hbm4b:s1+s22], $0x80, s21, s22, $0xb8;
	[tilespmem:$0x1F080] =	vst v63  }
0x38: {  	s26 =	simm.s32 $0x100;
	s30 =	simm.s32 $0x5800;
	s7 =	simm.s32 $0x0  }
0x39: {  	[tilespmem:s30], [sflag:$0x3] =	stream.indirect.gather [hbm4b:s1+s22], $0x80, s26, s22, $0xb8;
	[tilespmem:$0x1F080] =	vst v63  }
.LBB2_2:
0x3a: {  	p2 =	seq.s32 s7, $0x0  }
0x3b: {  	s21 =	smul.u32 $0x5, s7;
	s3 =	simm.s32 @!p2 $0x9  }
0x3c: {  	s11 =	sand.u32 @!p2 $0x7, s7;
	_ =	swait.ge @!p2 [sflag:s3], $0x2000  }
0x3d: {  	p3 =	sne.s32 @!p2 s11, $0x1;
	s12 =	sadd.s32 $0xFFFFFFFF, s21;
	s18 =	sadd.s32 $0x3, s21  }
0x3e: {  	[sflag:s3] =	ssyncset.done @!p2 $0x0;
	p1 =	por p3, p2;
	s13 =	sshll.u32 s12, $0x10  }
0x3f: {  	s16 =	sand.u32 $0x7, s12;
	p3 =	por !p3, p2;
	[sflag:s3] =	ssyncadd.s32 @!p2 $0xFFFFE000  }
0x40: {  	s3 =	simm.s32 @!p1 $0xB;
	s13 =	sshra.s32 s13, $0x1F;
	p4 =	sne.s32 s16, $0x0  }
0x41: {  	s11 =	simm.s32 @p3 $0x1;
	s16 =	sand.u32 $0x7, s18;
	_ =	swait.ge @!p1 [sflag:s3], $0x400  }
0x42: {  	s13 =	sand.u32 $0x7, s13;
	p4 =	por !p2, !p4;
	s11 =	simm.s32 @p2 $0x0  }
0x43: {  	[sflag:s3] =	ssyncset.done @!p1 $0x0;
	s12 =	sadd.s32 s13, s12;
	p4 =	por !p4, !p4  }
0x44: {  	s13 =	simm.s32 $0x1;
	[sflag:s3] =	ssyncadd.s32 @!p1 $0xFFFFFC00;
	s12 =	sshll.u32 s12, $0x10  }
0x45: {  	s13 =	simm.s32 @!p4 $0x0;
	_ =	swait.ge @!p1 [sflag:s3], $0x400;
	s17 =	sshra.s32 s12, $0x13  }
0x46: {  	s16 =	sshll.u32 s16, $0x7;
	[sflag:s3] =	ssyncset.done @!p1 $0x0;
	s13 =	ssub.s32 s17, s13  }
0x47: {  	s12 =	sshrl.u32 s18, $0x3;
	[sflag:s3] =	ssyncadd.s32 @!p1 $0xFFFFFC00;
	p4 =	sgt.s32 s13, $0x12  }
0x48: {  	s24 =	sand.u32 $0x1, s12;
	_ =	swait.ge @!p1 [sflag:s3], $0x400;
	p5 =	sne.s32 @!p4 s11, $0x5  }
0x49: {  	s17 =	sshll.u32 s24, $0xA;
	[sflag:s3] =	ssyncset.done @!p1 $0x0;
	p4 =	por p5, p4  }
0x4a: {  	[sflag:s3] =	ssyncadd.s32 @!p1 $0xFFFFFC00;
	s3 =	sor.u32 s16, s17;
	s13 =	sadd.s32 @!p4 $0x1, s13  }
0x4b: {  	[tilespmem:s23], [sflag:$0x4] =	stream.indirect.gather [hbm4b:s1+s22], $0x80, s3, s22, $0xb8;
	[tilespmem:$0x1F080] =	vst v63  }
0x4c: {  	s16 =	sadd.s32 @!p4 s14, s13  }
0x4d: {  	s17 =	sshll.u32 @!p4 s16, $0xA  }
0x4e: {  	s16 =	sadd.s32 @!p4 $0xA0000, s17  }
0x4f: {  	s13 =	sshll.u32 @!p4 s13, $0xA;
	s16 =	sshrl.u32 @!p4 s16, $0x3  }
0x50: {  	s23 =	simm.s32 @!p4 $0x0;
	s18 =	sand.u32 @!p4 $0x400, s13;
	s13 =	sadd.s32 @!p4 s5, s16  }
0x51: {  	[tilespmem:s18], [sflag:$0xB] =	stream.linear.gather @!p4 [hbm4b:s13+s23], $0x400, $0x38;
	[tilespmem:$0x1F080] =	vst v63  }
0x52: {  	s30 =	simm.s32 $0x3;
	s13 =	sshrl.u32 s21, $0x3  }
0x53: {  	s26 =	sand.u32 $0x7, s21;
	s17 =	sshrl.u32 @!p4 s17, $0x3;
	s24 =	sand.u32 $0x1, s13  }
0x54: {  	s16 =	sshll.u32 s26, $0x7;
	s26 =	simm.s32 $0x0;
	s24 =	sshll.u32 s24, $0xA  }
0x55: {  	v0 =	vmov s26;
	s26 =	sadd.s32 @!p4 s5, s17;
	s16 =	sor.u32 s16, s24;
	s24 =	sor.u32 @!p4 $0x800, s18  }
0x56: {  	v2 =	vmov s30;
	v0 =	vand.u32 $0x7C, v0;
	v1 =	vmov s16;
	[tilespmem:s24], [sflag:$0xB] =	stream.linear.gather @!p4 [hbm4b:s26+s23], $0x400, $0x38;
	[tilespmem:$0x1F080] =	vst v63  }
0x57: {  	v2 =	vand.u32 $0x7F, v2;
	s17 =	sadd.s32 @!p4 s6, s17;
	s18 =	sor.u32 @!p4 $0x1000, s18;
	v0 =	vor.u32 v1, v0  }
0x58: {  	v2 =	vor.u32 v1, v2;
	v0 =	vbroadcast v0, $0x0;
	[tilespmem:s18], [sflag:$0xB] =	stream.linear.gather @!p4 [hbm4b:s17+s23], $0x400, $0x38;
	[tilespmem:$0x1F080] =	vst v63  }
0x59: {  	v2 =	vbroadcast v2, $0x0;
	_ =	swait.ge [sflag:s31], $0x2000  }
0x5a: {  	[sflag:s31] =	ssyncset.done $0x0  }
0x5b: {  	s17 =	simm.s32 $0x1900;
	[sflag:s31] =	ssyncadd.s32 $0xFFFFE000  }
0x5c: {  	v5 =	vld [tilespmem:s17+$0xFFFFFF00]  }
0x5d: {  	s0 =	simm.s32 $0x1;
	v6 =	vld [tilespmem:s17+$0xFFFFFF10]  }
0x5e: {  	v4 =	vmov s0;
	v3 =	vld.idx.msk [tilespmem:v0+s20+$0x0], $0xffff  }
0x5f: {  	v0 =	vld.idx.msk [tilespmem:v2+s20+$0x0], $0xffff;
	v2 =	vand.u32 $0x7D, v4  }
0x60: {  	v7 =	vld [tilespmem:s17+$0xFFFFFF20];
	v2 =	vor.u32 v1, v2  }
0x61: {  	v4 =	vld [tilespmem:s17+$0xF0];
	v2 =	vbroadcast v2, $0x0  }
0x62: {  	v8 =	vld [tilespmem:s17+$0xFFFFFF30]  }
0x63: {  	v9 =	vld [tilespmem:s17+$0xFFFFFF40]  }
0x64: {  	v10 =	vld [tilespmem:s17+$0xFFFFFF50];
	v5 =	vmul.f32 v5, v3  }
0x65: {  	v11 =	vld [tilespmem:s17+$0xFFFFFF60]  }
0x66: {  	s23 =	simm.s32 $0x2;
	v4 =	vmul.f32 v4, v0;
	[tilespmem:s17+$0xFFFFFF00] =	vst v5;
	v5 =	vld [tilespmem:s17+$0xFFFFFF70]  }
0x67: {  	v12 =	vmov s23;
	v6 =	vmul.f32 v6, v3;
	v13 =	vld.idx.msk [tilespmem:v2+s20+$0x0], $0xffff  }
0x68: {  	[tilespmem:s17+$0xF0] =	vst v4;
	v4 =	vmul.f32 v7, v3;
	v2 =	vand.u32 $0x7E, v12;
	v12 =	vld [tilespmem:s17+$0xFFFFFF80]  }
0x69: {  	v7 =	vld [tilespmem:s17+$0xFFFFFF90];
	[tilespmem:s17+$0xFFFFFF10] =	vst v6;
	v6 =	vmul.f32 v8, v3;
	v2 =	vor.u32 v1, v2  }
0x6a: {  	v8 =	vld [tilespmem:s17+$0xFFFFFFA0];
	[tilespmem:s17+$0xFFFFFF20] =	vst v4;
	v4 =	vmul.f32 v9, v3;
	v2 =	vbroadcast v2, $0x0  }
0x6b: {  	v9 =	vld [tilespmem:s17+$0xFFFFFFB0];
	[tilespmem:s17+$0xFFFFFF30] =	vst v6;
	v6 =	vmul.f32 v10, v3  }
0x6c: {  	v11 =	vmul.f32 v11, v3;
	v10 =	vld [tilespmem:s17+$0xFFFFFFC0];
	[tilespmem:s17+$0xFFFFFF40] =	vst v4;
	v3 =	vmul.f32 v5, v3  }
0x6d: {  	[tilespmem:s17+$0xFFFFFF50] =	vst v6;
	v6 =	vld [tilespmem:s17+$0xFFFFFFE0];
	v4 =	vmul.f32 v12, v13  }
0x6e: {  	v12 =	vld [tilespmem:s17+$0xFFFFFFD0];
	[tilespmem:s17+$0xFFFFFF70] =	vst v3  }
0x6f: {  	v3 =	vmul.f32 v8, v13;
	[tilespmem:s17+$0xFFFFFF80] =	vst v4;
	v4 =	vmul.f32 v7, v13;
	v7 =	vld [tilespmem:s17+$0x0]  }
0x70: {  	[tilespmem:s17+$0xFFFFFF60] =	vst v11;
	v2 =	vld.idx.msk [tilespmem:v2+s20+$0x0], $0xffff  }
0x71: {  	v5 =	vld [tilespmem:s17+$0xFFFFFFF0];
	[tilespmem:s17+$0xFFFFFFA0] =	vst v3;
	v3 =	vmul.f32 v10, v13  }
0x72: {  	v8 =	vld [tilespmem:s17+$0x10];
	[tilespmem:s17+$0xFFFFFF90] =	vst v4;
	v4 =	vmul.f32 v9, v13  }
0x73: {  	s24 =	simm.s32 $0x4;
	v6 =	vmul.f32 v6, v13;
	v9 =	vld [tilespmem:s17+$0x20];
	[tilespmem:s17+$0xFFFFFFC0] =	vst v3  }
0x74: {  	v11 =	vmov s24;
	v10 =	vld [tilespmem:s17+$0x30];
	[tilespmem:s17+$0xFFFFFFB0] =	vst v4;
	v4 =	vmul.f32 v12, v13  }
0x75: {  	v11 =	vand.u32 $0x7C, v11;
	v3 =	vld [tilespmem:s17+$0x40];
	[tilespmem:s17+$0xFFFFFFE0] =	vst v6;
	v7 =	vmul.f32 v7, v2  }
0x76: {  	s30 =	simm.s32 $0x6;
	s26 =	simm.s32 $0x5;
	v6 =	vor.u32 v1, v11;
	v12 =	vmul.f32 v5, v13;
	[tilespmem:s17+$0xFFFFFFD0] =	vst v4;
	v4 =	vld [tilespmem:s17+$0x50]  }
0x77: {  	p5 =	por @!p1 $0x1, $0x1;
	p4 =	por @!p2 $0x0, $0x0;
	v13 =	vmov s26;
	v5 =	vld [tilespmem:s17+$0x60];
	v8 =	vmul.f32 v8, v2;
	[tilespmem:s17+$0x0] =	vst v7;
	v7 =	vmov s30  }
0x78: {  	p1 =	por $0x0, $0x0;
	s18 =	simm.s32 $0x1900;
	p5 =	por @!p3 p4, p4;
	[tilespmem:s17+$0xFFFFFFF0] =	vst v12;
	v12 =	vand.u32 $0x7D, v13;
	v9 =	vmul.f32 v9, v2;
	v11 =	vand.u32 $0x7E, v7;
	v7 =	vld [tilespmem:s17+$0x70]  }
0x79: {  	s23 =	simm.s32 $0x8;
	p1 =	por @!p2 p5, p5;
	s24 =	simm.s32 $0x7;
	v6 =	vbroadcast v6, $0x0;
	v10 =	vmul.f32 v10, v2;
	v12 =	vor.u32 v1, v12;
	[tilespmem:s17+$0x10] =	vst v8;
	v8 =	vld [tilespmem:s17+$0x80]  }
.LBB2_3:
0x7a: {  	p3 =	slt.u32 s23, $0x3C;
	v11 =	vor.u32 v1, v11;
	v13 =	vmov s24;
	[tilespmem:s17+$0x20] =	vst v9;
	v3 =	vmul.f32 v3, v2;
	v9 =	vld [tilespmem:s17+$0x90]  }
0x7b: {  	v12 =	vbroadcast v12, $0x0;
	v13 =	vand.u32 $0x7F, v13;
	[tilespmem:s17+$0x30] =	vst v10;
	v4 =	vmul.f32 v4, v2;
	v10 =	vld [tilespmem:s17+$0xA0]  }
0x7c: {  	v11 =	vbroadcast v11, $0x0;
	v13 =	vor.u32 v1, v13;
	[tilespmem:s17+$0x40] =	vst v3;
	v3 =	vmul.f32 v5, v2;
	v5 =	vld [tilespmem:s17+$0xB0]  }
0x7d: {  	v13 =	vbroadcast v13, $0x0;
	[tilespmem:s17+$0x50] =	vst v4;
	v2 =	vmul.f32 v7, v2;
	v4 =	vld [tilespmem:s17+$0xC0]  }
0x7e: {  	[tilespmem:s17+$0x60] =	vst v3;
	v3 =	vmul.f32 v8, v0;
	v7 =	vld [tilespmem:s17+$0xD0]  }
0x7f: {  	[tilespmem:s17+$0x70] =	vst v2;
	v2 =	vmul.f32 v9, v0;
	v8 =	vld [tilespmem:s17+$0xE0]  }
0x80: {  	v6 =	vld.idx.msk [tilespmem:v6+s20+$0x0], $0xffff;
	[tilespmem:s17+$0x80] =	vst v3;
	v3 =	vmul.f32 v10, v0  }
0x81: {  	v9 =	vld.idx.msk [tilespmem:v12+s20+$0x0], $0xffff;
	[tilespmem:s17+$0x90] =	vst v2;
	v5 =	vmul.f32 v5, v0  }
0x82: {  	v2 =	vld.idx.msk [tilespmem:v11+s20+$0x0], $0xffff;
	[tilespmem:s17+$0xA0] =	vst v3;
	v3 =	vmul.f32 v4, v0  }
0x83: {  	s17 =	sadd.s32 $0x200, s17;
	v4 =	vld.idx.msk [tilespmem:v13+s20+$0x0], $0xffff;
	[tilespmem:s18+$0xB0] =	vst v5;
	v5 =	vmul.f32 v7, v0  }
0x84: {  	v7 =	vld [tilespmem:s17+$0xF0];
	[tilespmem:s18+$0xC0] =	vst v3;
	v0 =	vmul.f32 v8, v0  }
0x85: {  	v3 =	vld [tilespmem:s17+$0xFFFFFF00];
	[tilespmem:s18+$0xD0] =	vst v5  }
0x86: {  	v5 =	vld [tilespmem:s17+$0xFFFFFF10];
	[tilespmem:s18+$0xE0] =	vst v0;
	s18 =	smov.u32 s17  }
0x87: {  	v8 =	vld [tilespmem:s17+$0xFFFFFF20]  }
0x88: {  	v10 =	vld [tilespmem:s17+$0xFFFFFF30]  }
0x89: {  	v0 =	vmov v4;
	v11 =	vld [tilespmem:s17+$0xFFFFFF40];
	v7 =	vmul.f32 v7, v4  }
0x8a: {  	v3 =	vmul.f32 v3, v6;
	v4 =	vld [tilespmem:s17+$0xFFFFFF50]  }
0x8b: {  	v5 =	vmul.f32 v5, v6;
	v12 =	vld [tilespmem:s17+$0xFFFFFF60];
	[tilespmem:s17+$0xF0] =	vst v7  }
0x8c: {  	[tilespmem:s17+$0xFFFFFF00] =	vst v3;
	v3 =	vmul.f32 v8, v6;
	v7 =	vld [tilespmem:s17+$0xFFFFFF70]  }
0x8d: {  	[tilespmem:s17+$0xFFFFFF10] =	vst v5;
	v5 =	vmul.f32 v10, v6;
	v8 =	vld [tilespmem:s17+$0xFFFFFF80]  }
0x8e: {  	[tilespmem:s17+$0xFFFFFF20] =	vst v3;
	v3 =	vmul.f32 v11, v6;
	v10 =	vld [tilespmem:s17+$0xFFFFFF90]  }
0x8f: {  	[tilespmem:s17+$0xFFFFFF30] =	vst v5;
	v4 =	vmul.f32 v4, v6;
	v5 =	vld [tilespmem:s17+$0xFFFFFFA0]  }
0x90: {  	[tilespmem:s17+$0xFFFFFF40] =	vst v3;
	v3 =	vmul.f32 v12, v6;
	v11 =	vld [tilespmem:s17+$0xFFFFFFB0]  }
0x91: {  	[tilespmem:s17+$0xFFFFFF50] =	vst v4;
	v4 =	vmul.f32 v7, v6;
	v6 =	vld [tilespmem:s17+$0xFFFFFFC0]  }
0x92: {  	[tilespmem:s17+$0xFFFFFF60] =	vst v3;
	v3 =	vmul.f32 v8, v9;
	v7 =	vld [tilespmem:s17+$0xFFFFFFD0]  }
0x93: {  	[tilespmem:s17+$0xFFFFFF70] =	vst v4;
	v4 =	vmul.f32 v10, v9;
	v8 =	vld [tilespmem:s17+$0xFFFFFFE0]  }
0x94: {  	[tilespmem:s17+$0xFFFFFF80] =	vst v3;
	v3 =	vmul.f32 v5, v9;
	v5 =	vld [tilespmem:s17+$0xFFFFFFF0]  }
0x95: {  	[tilespmem:s17+$0xFFFFFF90] =	vst v4;
	v4 =	vmul.f32 v11, v9;
	v10 =	vld [tilespmem:s17+$0x0]  }
0x96: {  	[tilespmem:s17+$0xFFFFFFA0] =	vst v3;
	v3 =	vmul.f32 v6, v9;
	v6 =	vld [tilespmem:s17+$0x10]  }
0x97: {  	[tilespmem:s17+$0xFFFFFFB0] =	vst v4;
	v4 =	vmul.f32 v7, v9;
	v7 =	vld [tilespmem:s17+$0x20]  }
0x98: {  	[tilespmem:s17+$0xFFFFFFC0] =	vst v3;
	v8 =	vmul.f32 v8, v9;
	v13 =	vld [tilespmem:s17+$0x30]  }
.Ltmp0:
0x99: {  	s24 =	sadd.s32 $0x1, s23;
	v11 =	vmov s23;
	[tilespmem:s17+$0xFFFFFFD0] =	vst v4;
	v5 =	vmul.f32 v5, v9;
	v3 =	vld [tilespmem:s17+$0x40];
	(pc) =	sbr.rel @p3 .LBB2_3-.Ltmp0, $4  }
0x9a: {  	v9 =	vand.u32 $0x7C, v11;
	v11 =	vmov s24;
	s24 =	sadd.s32 $0x2, s23;
	[tilespmem:s17+$0xFFFFFFE0] =	vst v8;
	v8 =	vmul.f32 v10, v2;
	v4 =	vld [tilespmem:s17+$0x50]  }
0x9b: {  	v10 =	vor.u32 v1, v9;
	v9 =	vmov s24;
	[tilespmem:s17+$0xFFFFFFF0] =	vst v5;
	v14 =	vmul.f32 v6, v2;
	v5 =	vld [tilespmem:s17+$0x60]  }
0x9c: {  	v12 =	vand.u32 $0x7D, v11;
	v11 =	vand.u32 $0x7E, v9;
	[tilespmem:s17+$0x0] =	vst v8;
	v9 =	vmul.f32 v7, v2;
	v7 =	vld [tilespmem:s17+$0x70]  }
0x9d: {  	s24 =	sadd.s32 $0x3, s23;
	s23 =	sadd.s32 $0x4, s23;
	v6 =	vbroadcast v10, $0x0;
	v12 =	vor.u32 v1, v12;
	[tilespmem:s17+$0x10] =	vst v14;
	v10 =	vmul.f32 v13, v2;
	v8 =	vld [tilespmem:s17+$0x80]  }
0x9e: {  	v14 =	vld [tilespmem:s17+$0x90]  }
0x9f: {  	v15 =	vld [tilespmem:s17+$0xA0]  }
0xa0: {  	v13 =	vmov s24;
	v11 =	vor.u32 v1, v11;
	v16 =	vld [tilespmem:s17+$0xC0]  }
0xa1: {  	v12 =	vbroadcast v12, $0x0;
	[tilespmem:s17+$0x20] =	vst v9;
	v3 =	vmul.f32 v3, v2;
	v9 =	vld [tilespmem:s17+$0xD0];
	v13 =	vand.u32 $0x7F, v13  }
0xa2: {  	v11 =	vbroadcast v11, $0x0;
	[tilespmem:s17+$0x30] =	vst v10;
	v4 =	vmul.f32 v4, v2;
	v10 =	vld [tilespmem:s17+$0xE0];
	v1 =	vor.u32 v1, v13  }
0xa3: {  	v13 =	vld [tilespmem:s17+$0xB0];
	[tilespmem:s17+$0x40] =	vst v3;
	v3 =	vmul.f32 v5, v2;
	v1 =	vbroadcast v1, $0x0  }
0xa4: {  	s23 =	sadd.s32 $0x200, s17;
	v5 =	vld.idx.msk [tilespmem:v6+s20+$0x0], $0xffff;
	[tilespmem:s17+$0x50] =	vst v4;
	v2 =	vmul.f32 v7, v2  }
0xa5: {  	v7 =	vld [tilespmem:s23+$0xF0];
	[tilespmem:s17+$0x60] =	vst v3;
	v3 =	vmul.f32 v8, v0  }
0xa6: {  	v8 =	vld [tilespmem:s23+$0xFFFFFF00];
	[tilespmem:s17+$0x70] =	vst v2;
	v2 =	vmul.f32 v14, v0  }
0xa7: {  	v4 =	vld.idx.msk [tilespmem:v12+s20+$0x0], $0xffff;
	[tilespmem:s17+$0x80] =	vst v3;
	v3 =	vmul.f32 v15, v0  }
0xa8: {  	v6 =	vld.idx.msk [tilespmem:v11+s20+$0x0], $0xffff;
	[tilespmem:s17+$0x90] =	vst v2;
	v2 =	vmul.f32 v13, v0  }
0xa9: {  	[tilespmem:s17+$0xA0] =	vst v3;
	v3 =	vmul.f32 v16, v0;
	v1 =	vld.idx.msk [tilespmem:v1+s20+$0x0], $0xffff  }
0xaa: {  	v11 =	vld [tilespmem:s23+$0xFFFFFF10];
	[tilespmem:s18+$0xB0] =	vst v2;
	v2 =	vmul.f32 v9, v0  }
0xab: {  	v9 =	vld [tilespmem:s23+$0xFFFFFF20];
	v0 =	vmul.f32 v10, v0;
	[tilespmem:s18+$0xC0] =	vst v3  }
0xac: {  	v3 =	vld [tilespmem:s23+$0xFFFFFF30];
	[tilespmem:s18+$0xD0] =	vst v2  }
0xad: {  	v2 =	vld [tilespmem:s23+$0xFFFFFF40];
	[tilespmem:s18+$0xE0] =	vst v0;
	v0 =	vmul.f32 v8, v5  }
0xae: {  	v8 =	vld [tilespmem:s23+$0xFFFFFF50];
	v7 =	vmul.f32 v7, v1  }
0xaf: {  	v10 =	vmul.f32 v11, v5;
	v11 =	vld [tilespmem:s23+$0xFFFFFF60];
	[tilespmem:s23+$0xFFFFFF00] =	vst v0  }
0xb0: {  	v0 =	vmul.f32 v9, v5;
	[tilespmem:s23+$0xF0] =	vst v7;
	v7 =	vld [tilespmem:s23+$0xFFFFFF70]  }
0xb1: {  	[tilespmem:s23+$0xFFFFFF10] =	vst v10;
	v9 =	vld [tilespmem:s23+$0xFFFFFF80];
	v3 =	vmul.f32 v3, v5  }
0xb2: {  	[tilespmem:s23+$0xFFFFFF20] =	vst v0;
	v0 =	vmul.f32 v2, v5;
	v2 =	vld [tilespmem:s23+$0xFFFFFF90]  }
0xb3: {  	[tilespmem:s23+$0xFFFFFF30] =	vst v3;
	v3 =	vmul.f32 v8, v5;
	v8 =	vld [tilespmem:s23+$0xFFFFFFA0]  }
0xb4: {  	v10 =	vld [tilespmem:s23+$0xFFFFFFB0];
	[tilespmem:s23+$0xFFFFFF40] =	vst v0;
	v0 =	vmul.f32 v11, v5  }
0xb5: {  	[tilespmem:s23+$0xFFFFFF50] =	vst v3;
	v3 =	vmul.f32 v7, v5;
	v5 =	vld [tilespmem:s23+$0xFFFFFFC0]  }
0xb6: {  	[tilespmem:s23+$0xFFFFFF60] =	vst v0;
	v0 =	vmul.f32 v9, v4;
	v7 =	vld [tilespmem:s23+$0xFFFFFFD0]  }
0xb7: {  	v2 =	vmul.f32 v2, v4;
	[tilespmem:s23+$0xFFFFFF70] =	vst v3;
	v3 =	vld [tilespmem:s23+$0xFFFFFFE0]  }
0xb8: {  	[tilespmem:s23+$0xFFFFFF80] =	vst v0;
	v0 =	vmul.f32 v8, v4;
	v8 =	vld [tilespmem:s23+$0xFFFFFFF0]  }
0xb9: {  	v9 =	vld [tilespmem:s23+$0x0];
	[tilespmem:s23+$0xFFFFFF90] =	vst v2;
	v2 =	vmul.f32 v10, v4  }
0xba: {  	[tilespmem:s23+$0xFFFFFFA0] =	vst v0;
	v0 =	vmul.f32 v5, v4;
	v5 =	vld [tilespmem:s23+$0x10]  }
0xbb: {  	[tilespmem:s23+$0xFFFFFFB0] =	vst v2;
	v2 =	vmul.f32 v7, v4;
	v7 =	vld [tilespmem:s23+$0x20]  }
0xbc: {  	[tilespmem:s23+$0xFFFFFFC0] =	vst v0;
	v0 =	vmul.f32 v3, v4;
	v3 =	vld [tilespmem:s23+$0x30]  }
0xbd: {  	[tilespmem:s23+$0xFFFFFFD0] =	vst v2;
	v2 =	vmul.f32 v8, v4;
	v4 =	vld [tilespmem:s23+$0x40]  }
0xbe: {  	v8 =	vld [tilespmem:s23+$0x50];
	[tilespmem:s23+$0xFFFFFFE0] =	vst v0;
	v0 =	vmul.f32 v9, v6  }
0xbf: {  	[tilespmem:s23+$0xFFFFFFF0] =	vst v2;
	v2 =	vmul.f32 v5, v6;
	v5 =	vld [tilespmem:s23+$0x60]  }
0xc0: {  	[tilespmem:s23+$0x0] =	vst v0;
	v0 =	vmul.f32 v7, v6;
	v7 =	vld [tilespmem:s23+$0x70]  }
0xc1: {  	[tilespmem:s23+$0x10] =	vst v2;
	v2 =	vmul.f32 v3, v6;
	v3 =	vld [tilespmem:s23+$0x80]  }
0xc2: {  	[tilespmem:s23+$0x20] =	vst v0;
	v0 =	vmul.f32 v4, v6;
	v4 =	vld [tilespmem:s23+$0x90]  }
0xc3: {  	[tilespmem:s23+$0x30] =	vst v2;
	v2 =	vmul.f32 v8, v6;
	v8 =	vld [tilespmem:s23+$0xA0]  }
0xc4: {  	[tilespmem:s23+$0x40] =	vst v0;
	v0 =	vmul.f32 v5, v6;
	v5 =	vld [tilespmem:s23+$0xB0]  }
0xc5: {  	[tilespmem:s23+$0x50] =	vst v2;
	v2 =	vmul.f32 v7, v6;
	v6 =	vld [tilespmem:s23+$0xC0]  }
0xc6: {  	[tilespmem:s23+$0x60] =	vst v0;
	v0 =	vmul.f32 v3, v1;
	v3 =	vld [tilespmem:s23+$0xD0]  }
0xc7: {  	[tilespmem:s23+$0x70] =	vst v2;
	v2 =	vmul.f32 v4, v1;
	v4 =	vld [tilespmem:s23+$0xE0]  }
0xc8: {  	[tilespmem:s23+$0x80] =	vst v0;
	v0 =	vmul.f32 v8, v1  }
0xc9: {  	[tilespmem:s23+$0x90] =	vst v2;
	v2 =	vmul.f32 v5, v1  }
0xca: {  	[tilespmem:s23+$0xA0] =	vst v0;
	v0 =	vmul.f32 v6, v1  }
0xcb: {  	[tilespmem:s23+$0xB0] =	vst v2;
	v2 =	vmul.f32 v3, v1  }
0xcc: {  	[tilespmem:s23+$0xC0] =	vst v0;
	v0 =	vmul.f32 v4, v1  }
0xcd: {  	[tilespmem:s23+$0xD0] =	vst v2  }
0xce: {  	s16 =	sor.u32 $0x800, s16;
	s0 =	simm.s32 $0x1800;
	[tilespmem:s23+$0xE0] =	vst v0  }
0xcf: {  	[spmem:s2] =	stream.indirect.scatter.add.f32 [tilespmem:s0], [sflag:$0x6], $0x80, s16, s22, $0xb8;
	[tilespmem:$0x1F080] =	vst v63  }
0xd0: {  	s16 =	simm.s32 @!p2 $0xA  }
0xd1: {  	_ =	swait.ge @!p2 [sflag:s16], $0x2000  }
0xd2: {  	p3 =	sne.s32 s11, $0x4;
	[sflag:s16] =	ssyncset.done @!p2 $0x0  }
0xd3: {  	[sflag:s16] =	ssyncadd.s32 @!p2 $0xFFFFE000;
	s16 =	simm.s32 @!p3 $0xB  }
0xd4: {  	_ =	swait.ge @!p3 [sflag:s16], $0x400  }
0xd5: {  	[sflag:s16] =	ssyncset.done @!p3 $0x0  }
0xd6: {  	[sflag:s16] =	ssyncadd.s32 @!p3 $0xFFFFFC00  }
0xd7: {  	s17 =	sadd.s32 $0x4, s21;
	_ =	swait.ge @!p3 [sflag:s16], $0x400  }
0xd8: {  	s30 =	simm.s32 $0x0;
	s26 =	sshll.u32 s17, $0x7;
	[sflag:s16] =	ssyncset.done @!p3 $0x0  }
0xd9: {  	s24 =	sand.u32 $0x780, s26;
	p2 =	sne.s32 s11, $0x0;
	[sflag:s16] =	ssyncadd.s32 @!p3 $0xFFFFFC00  }
0xda: {  	s0 =	sadd.s32 $0x1, s21;
	s13 =	sadd.s32 @!p2 $0x1, s13;
	_ =	swait.ge @!p3 [sflag:s16], $0x400  }
0xdb: {  	s18 =	sshll.u32 @!p2 s13, $0xA;
	s13 =	sadd.s32 @!p2 s14, s13;
	[sflag:s16] =	ssyncset.done @!p3 $0x0  }
0xdc: {  	s23 =	sshll.u32 @!p2 s13, $0x7;
	s13 =	sshrl.u32 s0, $0x3;
	[sflag:s16] =	ssyncadd.s32 @!p3 $0xFFFFFC00  }
0xdd: {  	[tilespmem:s29], [sflag:$0x5] =	stream.indirect.gather [hbm4b:s1+s22], $0x80, s24, s22, $0xb8;
	[tilespmem:$0x1F080] =	vst v63  }
0xde: {  	v0 =	vmov s30;
	s30 =	simm.s32 $0x3;
	s16 =	sand.u32 $0x7, s0;
	s29 =	sand.u32 $0x1, s13  }
0xdf: {  	s18 =	sand.u32 @!p2 $0x400, s18;
	s16 =	sshll.u32 s16, $0x7;
	s29 =	sshll.u32 s29, $0xA  }
0xe0: {  	s26 =	sadd.s32 @!p2 s23, s15;
	s16 =	sor.u32 s16, s29;
	s29 =	simm.s32 @!p2 $0x0  }
0xe1: {  	v0 =	vand.u32 $0x7C, v0;
	v2 =	vmov s30;
	[tilespmem:s18], [sflag:$0xB] =	stream.linear.gather @!p2 [hbm4b:s26+s29], $0x400, $0x38;
	v1 =	vmov s16;
	[tilespmem:$0x1F080] =	vst v63  }
0xe2: {  	v2 =	vand.u32 $0x7F, v2;
	s30 =	sadd.s32 @!p2 s5, s23;
	s26 =	sor.u32 @!p2 $0x800, s18;
	v0 =	vor.u32 v1, v0  }
0xe3: {  	v2 =	vor.u32 v1, v2;
	[tilespmem:s26], [sflag:$0xB] =	stream.linear.gather @!p2 [hbm4b:s30+s29], $0x400, $0x38;
	v0 =	vbroadcast v0, $0x0;
	[tilespmem:$0x1F080] =	vst v63  }
0xe4: {  	s23 =	sadd.s32 @!p2 s6, s23;
	s18 =	sor.u32 @!p2 $0x1000, s18;
	v2 =	vbroadcast v2, $0x0  }
0xe5: {  	[tilespmem:s18], [sflag:$0xB] =	stream.linear.gather @!p2 [hbm4b:s23+s29], $0x400, $0x38;
	[tilespmem:$0x1F080] =	vst v63  }
0xe6: {  	_ =	swait.ge [sflag:s19], $0x2000  }
0xe7: {  	[sflag:s19] =	ssyncset.done $0x0  }
0xe8: {  	[sflag:s19] =	ssyncadd.s32 $0xFFFFE000  }
0xe9: {  	s26 =	simm.s32 $0x1;
	v3 =	vld.idx.msk [tilespmem:v0+s20+$0x0], $0xffff  }
0xea: {  	v4 =	vmov s26;
	s23 =	simm.s32 $0x39F0;
	v0 =	vld.idx.msk [tilespmem:v2+s20+$0x0], $0xffff  }
0xeb: {  	v2 =	vand.u32 $0x7D, v4;
	v4 =	vld [tilespmem:s23+$0x0]  }
0xec: {  	v5 =	vld [tilespmem:s23+$0xFFFFFE10]  }
0xed: {  	v6 =	vld [tilespmem:s23+$0xFFFFFE20]  }
0xee: {  	v7 =	vld [tilespmem:s23+$0xFFFFFE30];
	v2 =	vor.u32 v1, v2  }
0xef: {  	v8 =	vld [tilespmem:s23+$0xFFFFFE40];
	v2 =	vbroadcast v2, $0x0  }
0xf0: {  	v9 =	vld [tilespmem:s23+$0xFFFFFE50]  }
0xf1: {  	v10 =	vld [tilespmem:s23+$0xFFFFFE60];
	v5 =	vmul.f32 v5, v3  }
0xf2: {  	v11 =	vld [tilespmem:s23+$0xFFFFFE70];
	v4 =	vmul.f32 v4, v0  }
0xf3: {  	[tilespmem:s23+$0xFFFFFE10] =	vst v5;
	v5 =	vld [tilespmem:s23+$0xFFFFFE80]  }
0xf4: {  	s0 =	simm.s32 $0x2;
	v6 =	vmul.f32 v6, v3;
	[tilespmem:s23+$0x0] =	vst v4;
	v4 =	vmul.f32 v7, v3;
	v7 =	vld [tilespmem:s23+$0xFFFFFEA0]  }
0xf5: {  	v12 =	vmov s0;
	v13 =	vld.idx.msk [tilespmem:v2+s20+$0x0], $0xffff  }
0xf6: {  	[tilespmem:s23+$0xFFFFFE20] =	vst v6;
	v6 =	vmul.f32 v8, v3;
	v2 =	vand.u32 $0x7E, v12;
	v12 =	vld [tilespmem:s23+$0xFFFFFE90]  }
0xf7: {  	v11 =	vmul.f32 v11, v3;
	v8 =	vld [tilespmem:s23+$0xFFFFFEB0];
	v2 =	vor.u32 v1, v2;
	[tilespmem:s23+$0xFFFFFE30] =	vst v4;
	v4 =	vmul.f32 v9, v3  }
0xf8: {  	v9 =	vld [tilespmem:s23+$0xFFFFFEC0];
	[tilespmem:s23+$0xFFFFFE40] =	vst v6;
	v6 =	vmul.f32 v10, v3;
	v2 =	vbroadcast v2, $0x0  }
0xf9: {  	[tilespmem:s23+$0xFFFFFE70] =	vst v11;
	v10 =	vld [tilespmem:s23+$0xFFFFFED0]  }
0xfa: {  	[tilespmem:s23+$0xFFFFFE60] =	vst v6;
	v6 =	vld [tilespmem:s23+$0xFFFFFEF0];
	v3 =	vmul.f32 v5, v3  }
0xfb: {  	[tilespmem:s23+$0xFFFFFE50] =	vst v4;
	v5 =	vld [tilespmem:s23+$0xFFFFFF00];
	v4 =	vmul.f32 v12, v13  }
0xfc: {  	v12 =	vld [tilespmem:s23+$0xFFFFFEE0];
	[tilespmem:s23+$0xFFFFFE80] =	vst v3;
	v3 =	vmul.f32 v8, v13  }
0xfd: {  	[tilespmem:s23+$0xFFFFFE90] =	vst v4;
	v4 =	vmul.f32 v7, v13;
	v7 =	vld [tilespmem:s23+$0xFFFFFF10]  }
0xfe: {  	v2 =	vld.idx.msk [tilespmem:v2+s20+$0x0], $0xffff;
	[tilespmem:s23+$0xFFFFFEB0] =	vst v3;
	v3 =	vmul.f32 v10, v13  }
0xff: {  	v8 =	vld [tilespmem:s23+$0xFFFFFF20];
	[tilespmem:s23+$0xFFFFFEA0] =	vst v4;
	v4 =	vmul.f32 v9, v13  }
0x100: {  	s26 =	simm.s32 $0x4;
	v6 =	vmul.f32 v6, v13;
	v9 =	vld [tilespmem:s23+$0xFFFFFF30];
	[tilespmem:s23+$0xFFFFFED0] =	vst v3  }
0x101: {  	v11 =	vmov s26;
	v10 =	vld [tilespmem:s23+$0xFFFFFF40];
	[tilespmem:s23+$0xFFFFFEC0] =	vst v4;
	v4 =	vmul.f32 v12, v13  }
0x102: {  	v11 =	vand.u32 $0x7C, v11;
	v3 =	vld [tilespmem:s23+$0xFFFFFF50];
	[tilespmem:s23+$0xFFFFFEF0] =	vst v6;
	v12 =	vmul.f32 v5, v13  }
0x103: {  	s0 =	simm.s32 $0x5;
	s26 =	simm.s32 $0x6;
	v6 =	vor.u32 v1, v11;
	[tilespmem:s23+$0xFFFFFEE0] =	vst v4;
	v7 =	vmul.f32 v7, v2;
	v4 =	vld [tilespmem:s23+$0xFFFFFF60]  }
0x104: {  	v11 =	vmov s26;
	v13 =	vmov s0;
	v5 =	vld [tilespmem:s23+$0xFFFFFF70];
	v8 =	vmul.f32 v8, v2;
	[tilespmem:s23+$0xFFFFFF00] =	vst v12  }
0x105: {  	s30 =	simm.s32 $0x7;
	s29 =	simm.s32 $0x8;
	s0 =	sshrl.u32 s17, $0x3;
	v11 =	vand.u32 $0x7E, v11;
	v12 =	vand.u32 $0x7D, v13;
	v9 =	vmul.f32 v9, v2;
	[tilespmem:s23+$0xFFFFFF10] =	vst v7;
	v7 =	vld [tilespmem:s23+$0xFFFFFF80]  }
0x106: {  	s26 =	simm.s32 $0x39F0;
	s17 =	sand.u32 $0x7, s17;
	v6 =	vbroadcast v6, $0x0;
	s18 =	sand.u32 $0x1, s0;
	v10 =	vmul.f32 v10, v2;
	v12 =	vor.u32 v1, v12;
	[tilespmem:s23+$0xFFFFFF20] =	vst v8;
	v8 =	vld [tilespmem:s23+$0xFFFFFF90]  }
.LBB2_5:
0x107: {  	p2 =	slt.u32 s29, $0x3C;
	v11 =	vor.u32 v1, v11;
	v13 =	vmov s30;
	[tilespmem:s23+$0xFFFFFF30] =	vst v9;
	v3 =	vmul.f32 v3, v2;
	v9 =	vld [tilespmem:s23+$0xFFFFFFA0]  }
0x108: {  	v12 =	vbroadcast v12, $0x0;
	v13 =	vand.u32 $0x7F, v13;
	[tilespmem:s23+$0xFFFFFF40] =	vst v10;
	v4 =	vmul.f32 v4, v2;
	v10 =	vld [tilespmem:s23+$0xFFFFFFB0]  }
0x109: {  	v11 =	vbroadcast v11, $0x0;
	v13 =	vor.u32 v1, v13;
	[tilespmem:s23+$0xFFFFFF50] =	vst v3;
	v3 =	vmul.f32 v5, v2;
	v5 =	vld [tilespmem:s23+$0xFFFFFFC0]  }
0x10a: {  	v13 =	vbroadcast v13, $0x0;
	[tilespmem:s23+$0xFFFFFF60] =	vst v4;
	v2 =	vmul.f32 v7, v2;
	v4 =	vld [tilespmem:s23+$0xFFFFFFD0]  }
0x10b: {  	[tilespmem:s23+$0xFFFFFF70] =	vst v3;
	v3 =	vmul.f32 v8, v0;
	v7 =	vld [tilespmem:s23+$0xFFFFFFE0]  }
0x10c: {  	[tilespmem:s23+$0xFFFFFF80] =	vst v2;
	v2 =	vmul.f32 v9, v0;
	v8 =	vld [tilespmem:s23+$0xFFFFFFF0]  }
0x10d: {  	v6 =	vld.idx.msk [tilespmem:v6+s20+$0x0], $0xffff;
	[tilespmem:s23+$0xFFFFFF90] =	vst v3;
	v3 =	vmul.f32 v10, v0  }
0x10e: {  	v9 =	vld.idx.msk [tilespmem:v12+s20+$0x0], $0xffff;
	[tilespmem:s23+$0xFFFFFFA0] =	vst v2;
	v5 =	vmul.f32 v5, v0  }
0x10f: {  	v2 =	vld.idx.msk [tilespmem:v11+s20+$0x0], $0xffff;
	[tilespmem:s23+$0xFFFFFFB0] =	vst v3;
	v3 =	vmul.f32 v4, v0  }
0x110: {  	s23 =	sadd.s32 $0x200, s23;
	v4 =	vld.idx.msk [tilespmem:v13+s20+$0x0], $0xffff;
	[tilespmem:s26+$0xFFFFFFC0] =	vst v5;
	v5 =	vmul.f32 v7, v0  }
0x111: {  	v7 =	vld [tilespmem:s23+$0x0];
	[tilespmem:s26+$0xFFFFFFD0] =	vst v3;
	v0 =	vmul.f32 v8, v0  }
0x112: {  	v3 =	vld [tilespmem:s23+$0xFFFFFE10];
	[tilespmem:s26+$0xFFFFFFE0] =	vst v5  }
0x113: {  	v5 =	vld [tilespmem:s23+$0xFFFFFE20];
	[tilespmem:s26+$0xFFFFFFF0] =	vst v0;
	s26 =	smov.u32 s23  }
0x114: {  	v8 =	vld [tilespmem:s23+$0xFFFFFE30]  }
0x115: {  	v10 =	vld [tilespmem:s23+$0xFFFFFE40]  }
0x116: {  	v0 =	vmov v4;
	v11 =	vld [tilespmem:s23+$0xFFFFFE50];
	v7 =	vmul.f32 v7, v4  }
0x117: {  	v3 =	vmul.f32 v3, v6;
	v4 =	vld [tilespmem:s23+$0xFFFFFE60]  }
0x118: {  	v5 =	vmul.f32 v5, v6;
	v12 =	vld [tilespmem:s23+$0xFFFFFE70];
	[tilespmem:s23+$0x0] =	vst v7  }
0x119: {  	[tilespmem:s23+$0xFFFFFE10] =	vst v3;
	v3 =	vmul.f32 v8, v6;
	v7 =	vld [tilespmem:s23+$0xFFFFFE80]  }
0x11a: {  	[tilespmem:s23+$0xFFFFFE20] =	vst v5;
	v5 =	vmul.f32 v10, v6;
	v8 =	vld [tilespmem:s23+$0xFFFFFE90]  }
0x11b: {  	[tilespmem:s23+$0xFFFFFE30] =	vst v3;
	v3 =	vmul.f32 v11, v6;
	v10 =	vld [tilespmem:s23+$0xFFFFFEA0]  }
0x11c: {  	[tilespmem:s23+$0xFFFFFE40] =	vst v5;
	v4 =	vmul.f32 v4, v6;
	v5 =	vld [tilespmem:s23+$0xFFFFFEB0]  }
0x11d: {  	[tilespmem:s23+$0xFFFFFE50] =	vst v3;
	v3 =	vmul.f32 v12, v6;
	v11 =	vld [tilespmem:s23+$0xFFFFFEC0]  }
0x11e: {  	[tilespmem:s23+$0xFFFFFE60] =	vst v4;
	v4 =	vmul.f32 v7, v6;
	v6 =	vld [tilespmem:s23+$0xFFFFFED0]  }
0x11f: {  	[tilespmem:s23+$0xFFFFFE70] =	vst v3;
	v3 =	vmul.f32 v8, v9;
	v7 =	vld [tilespmem:s23+$0xFFFFFEE0]  }
0x120: {  	[tilespmem:s23+$0xFFFFFE80] =	vst v4;
	v4 =	vmul.f32 v10, v9;
	v8 =	vld [tilespmem:s23+$0xFFFFFEF0]  }
0x121: {  	[tilespmem:s23+$0xFFFFFE90] =	vst v3;
	v3 =	vmul.f32 v5, v9;
	v5 =	vld [tilespmem:s23+$0xFFFFFF00]  }
0x122: {  	[tilespmem:s23+$0xFFFFFEA0] =	vst v4;
	v4 =	vmul.f32 v11, v9;
	v10 =	vld [tilespmem:s23+$0xFFFFFF10]  }
0x123: {  	[tilespmem:s23+$0xFFFFFEB0] =	vst v3;
	v3 =	vmul.f32 v6, v9;
	v6 =	vld [tilespmem:s23+$0xFFFFFF20]  }
0x124: {  	[tilespmem:s23+$0xFFFFFEC0] =	vst v4;
	v4 =	vmul.f32 v7, v9;
	v7 =	vld [tilespmem:s23+$0xFFFFFF30]  }
0x125: {  	[tilespmem:s23+$0xFFFFFED0] =	vst v3;
	v8 =	vmul.f32 v8, v9;
	v13 =	vld [tilespmem:s23+$0xFFFFFF40]  }
.Ltmp1:
0x126: {  	s30 =	sadd.s32 $0x1, s29;
	v11 =	vmov s29;
	[tilespmem:s23+$0xFFFFFEE0] =	vst v4;
	v5 =	vmul.f32 v5, v9;
	v3 =	vld [tilespmem:s23+$0xFFFFFF50];
	(pc) =	sbr.rel @p2 .LBB2_5-.Ltmp1, $4  }
0x127: {  	v9 =	vand.u32 $0x7C, v11;
	v11 =	vmov s30;
	s30 =	sadd.s32 $0x2, s29;
	[tilespmem:s23+$0xFFFFFEF0] =	vst v8;
	v8 =	vmul.f32 v10, v2;
	v4 =	vld [tilespmem:s23+$0xFFFFFF60]  }
0x128: {  	v10 =	vor.u32 v1, v9;
	v9 =	vmov s30;
	[tilespmem:s23+$0xFFFFFF00] =	vst v5;
	v14 =	vmul.f32 v6, v2;
	v5 =	vld [tilespmem:s23+$0xFFFFFF70]  }
0x129: {  	v12 =	vand.u32 $0x7D, v11;
	v11 =	vand.u32 $0x7E, v9;
	[tilespmem:s23+$0xFFFFFF10] =	vst v8;
	v9 =	vmul.f32 v7, v2;
	v7 =	vld [tilespmem:s23+$0xFFFFFF80]  }
0x12a: {  	s30 =	sadd.s32 $0x3, s29;
	s29 =	sadd.s32 $0x4, s29;
	v6 =	vbroadcast v10, $0x0;
	v12 =	vor.u32 v1, v12;
	[tilespmem:s23+$0xFFFFFF20] =	vst v14;
	v10 =	vmul.f32 v13, v2;
	v8 =	vld [tilespmem:s23+$0xFFFFFF90]  }
0x12b: {  	v14 =	vld [tilespmem:s23+$0xFFFFFFA0]  }
0x12c: {  	v15 =	vld [tilespmem:s23+$0xFFFFFFB0]  }
0x12d: {  	v13 =	vmov s30;
	v11 =	vor.u32 v1, v11;
	v16 =	vld [tilespmem:s23+$0xFFFFFFD0]  }
0x12e: {  	v12 =	vbroadcast v12, $0x0;
	[tilespmem:s23+$0xFFFFFF30] =	vst v9;
	v3 =	vmul.f32 v3, v2;
	v9 =	vld [tilespmem:s23+$0xFFFFFFE0];
	v13 =	vand.u32 $0x7F, v13  }
0x12f: {  	v11 =	vbroadcast v11, $0x0;
	[tilespmem:s23+$0xFFFFFF40] =	vst v10;
	v4 =	vmul.f32 v4, v2;
	v10 =	vld [tilespmem:s23+$0xFFFFFFF0];
	v1 =	vor.u32 v1, v13  }
0x130: {  	v13 =	vld [tilespmem:s23+$0xFFFFFFC0];
	[tilespmem:s23+$0xFFFFFF50] =	vst v3;
	v3 =	vmul.f32 v5, v2;
	v1 =	vbroadcast v1, $0x0  }
0x131: {  	s29 =	sadd.s32 $0x200, s23;
	v5 =	vld.idx.msk [tilespmem:v6+s20+$0x0], $0xffff;
	[tilespmem:s23+$0xFFFFFF60] =	vst v4;
	v2 =	vmul.f32 v7, v2  }
0x132: {  	v7 =	vld [tilespmem:s29+$0x0];
	[tilespmem:s23+$0xFFFFFF70] =	vst v3;
	v3 =	vmul.f32 v8, v0  }
0x133: {  	v8 =	vld [tilespmem:s29+$0xFFFFFE10];
	[tilespmem:s23+$0xFFFFFF80] =	vst v2;
	v2 =	vmul.f32 v14, v0  }
0x134: {  	v4 =	vld.idx.msk [tilespmem:v12+s20+$0x0], $0xffff;
	[tilespmem:s23+$0xFFFFFF90] =	vst v3;
	v3 =	vmul.f32 v15, v0  }
0x135: {  	v6 =	vld.idx.msk [tilespmem:v11+s20+$0x0], $0xffff;
	[tilespmem:s23+$0xFFFFFFA0] =	vst v2;
	v2 =	vmul.f32 v13, v0  }
0x136: {  	[tilespmem:s23+$0xFFFFFFB0] =	vst v3;
	v3 =	vmul.f32 v16, v0;
	v1 =	vld.idx.msk [tilespmem:v1+s20+$0x0], $0xffff  }
0x137: {  	v11 =	vld [tilespmem:s29+$0xFFFFFE20];
	[tilespmem:s26+$0xFFFFFFC0] =	vst v2;
	v2 =	vmul.f32 v9, v0  }
0x138: {  	v9 =	vld [tilespmem:s29+$0xFFFFFE30];
	v0 =	vmul.f32 v10, v0;
	[tilespmem:s26+$0xFFFFFFD0] =	vst v3  }
0x139: {  	v3 =	vld [tilespmem:s29+$0xFFFFFE40];
	[tilespmem:s26+$0xFFFFFFE0] =	vst v2  }
0x13a: {  	v2 =	vld [tilespmem:s29+$0xFFFFFE50];
	[tilespmem:s26+$0xFFFFFFF0] =	vst v0;
	v0 =	vmul.f32 v8, v5  }
0x13b: {  	v8 =	vld [tilespmem:s29+$0xFFFFFE60];
	v7 =	vmul.f32 v7, v1  }
0x13c: {  	v10 =	vmul.f32 v11, v5;
	v11 =	vld [tilespmem:s29+$0xFFFFFE70];
	[tilespmem:s29+$0xFFFFFE10] =	vst v0  }
0x13d: {  	v0 =	vmul.f32 v9, v5;
	[tilespmem:s29+$0x0] =	vst v7;
	v7 =	vld [tilespmem:s29+$0xFFFFFE80]  }
0x13e: {  	[tilespmem:s29+$0xFFFFFE20] =	vst v10;
	v9 =	vld [tilespmem:s29+$0xFFFFFE90];
	v3 =	vmul.f32 v3, v5  }
0x13f: {  	[tilespmem:s29+$0xFFFFFE30] =	vst v0;
	v0 =	vmul.f32 v2, v5;
	v2 =	vld [tilespmem:s29+$0xFFFFFEA0]  }
0x140: {  	[tilespmem:s29+$0xFFFFFE40] =	vst v3;
	v3 =	vmul.f32 v8, v5;
	v8 =	vld [tilespmem:s29+$0xFFFFFEB0]  }
0x141: {  	v10 =	vld [tilespmem:s29+$0xFFFFFEC0];
	[tilespmem:s29+$0xFFFFFE50] =	vst v0;
	v0 =	vmul.f32 v11, v5  }
0x142: {  	[tilespmem:s29+$0xFFFFFE60] =	vst v3;
	v3 =	vmul.f32 v7, v5;
	v5 =	vld [tilespmem:s29+$0xFFFFFED0]  }
0x143: {  	[tilespmem:s29+$0xFFFFFE70] =	vst v0;
	v0 =	vmul.f32 v9, v4;
	v7 =	vld [tilespmem:s29+$0xFFFFFEE0]  }
0x144: {  	v2 =	vmul.f32 v2, v4;
	[tilespmem:s29+$0xFFFFFE80] =	vst v3;
	v3 =	vld [tilespmem:s29+$0xFFFFFEF0]  }
0x145: {  	[tilespmem:s29+$0xFFFFFE90] =	vst v0;
	v0 =	vmul.f32 v8, v4;
	v8 =	vld [tilespmem:s29+$0xFFFFFF00]  }
0x146: {  	v9 =	vld [tilespmem:s29+$0xFFFFFF10];
	[tilespmem:s29+$0xFFFFFEA0] =	vst v2;
	v2 =	vmul.f32 v10, v4  }
0x147: {  	[tilespmem:s29+$0xFFFFFEB0] =	vst v0;
	v0 =	vmul.f32 v5, v4;
	v5 =	vld [tilespmem:s29+$0xFFFFFF20]  }
0x148: {  	[tilespmem:s29+$0xFFFFFEC0] =	vst v2;
	v2 =	vmul.f32 v7, v4;
	v7 =	vld [tilespmem:s29+$0xFFFFFF30]  }
0x149: {  	[tilespmem:s29+$0xFFFFFED0] =	vst v0;
	v0 =	vmul.f32 v3, v4;
	v3 =	vld [tilespmem:s29+$0xFFFFFF40]  }
0x14a: {  	[tilespmem:s29+$0xFFFFFEE0] =	vst v2;
	v2 =	vmul.f32 v8, v4;
	v4 =	vld [tilespmem:s29+$0xFFFFFF50]  }
0x14b: {  	v8 =	vld [tilespmem:s29+$0xFFFFFF60];
	[tilespmem:s29+$0xFFFFFEF0] =	vst v0;
	v0 =	vmul.f32 v9, v6  }
0x14c: {  	[tilespmem:s29+$0xFFFFFF00] =	vst v2;
	v2 =	vmul.f32 v5, v6;
	v5 =	vld [tilespmem:s29+$0xFFFFFF70]  }
0x14d: {  	[tilespmem:s29+$0xFFFFFF10] =	vst v0;
	v0 =	vmul.f32 v7, v6;
	v7 =	vld [tilespmem:s29+$0xFFFFFF80]  }
0x14e: {  	[tilespmem:s29+$0xFFFFFF20] =	vst v2;
	v2 =	vmul.f32 v3, v6;
	v3 =	vld [tilespmem:s29+$0xFFFFFF90]  }
0x14f: {  	[tilespmem:s29+$0xFFFFFF30] =	vst v0;
	v0 =	vmul.f32 v4, v6;
	v4 =	vld [tilespmem:s29+$0xFFFFFFA0]  }
0x150: {  	[tilespmem:s29+$0xFFFFFF40] =	vst v2;
	v2 =	vmul.f32 v8, v6;
	v8 =	vld [tilespmem:s29+$0xFFFFFFB0]  }
0x151: {  	[tilespmem:s29+$0xFFFFFF50] =	vst v0;
	v0 =	vmul.f32 v5, v6;
	v5 =	vld [tilespmem:s29+$0xFFFFFFC0]  }
0x152: {  	[tilespmem:s29+$0xFFFFFF60] =	vst v2;
	v2 =	vmul.f32 v7, v6;
	v6 =	vld [tilespmem:s29+$0xFFFFFFD0]  }
0x153: {  	[tilespmem:s29+$0xFFFFFF70] =	vst v0;
	v0 =	vmul.f32 v3, v1;
	v3 =	vld [tilespmem:s29+$0xFFFFFFE0]  }
0x154: {  	[tilespmem:s29+$0xFFFFFF80] =	vst v2;
	v2 =	vmul.f32 v4, v1;
	v4 =	vld [tilespmem:s29+$0xFFFFFFF0]  }
0x155: {  	[tilespmem:s29+$0xFFFFFF90] =	vst v0;
	v0 =	vmul.f32 v8, v1  }
0x156: {  	[tilespmem:s29+$0xFFFFFFA0] =	vst v2;
	v2 =	vmul.f32 v5, v1  }
0x157: {  	[tilespmem:s29+$0xFFFFFFB0] =	vst v0;
	v0 =	vmul.f32 v6, v1  }
0x158: {  	[tilespmem:s29+$0xFFFFFFC0] =	vst v2;
	v2 =	vmul.f32 v3, v1  }
0x159: {  	[tilespmem:s29+$0xFFFFFFD0] =	vst v0;
	v0 =	vmul.f32 v4, v1  }
0x15a: {  	[tilespmem:s29+$0xFFFFFFE0] =	vst v2  }
0x15b: {  	s16 =	sor.u32 $0x800, s16;
	s0 =	simm.s32 $0x3800;
	p2 =	seq.s32 s7, $0x1F;
	[tilespmem:s29+$0xFFFFFFF0] =	vst v0  }
0x15c: {  	[spmem:s2] =	stream.indirect.scatter.add.f32 [tilespmem:s0], [sflag:$0x7], $0x80, s16, s22, $0xb8;
	[tilespmem:$0x1F080] =	vst v63  }
0x15d: {  	p3 =	sne.s32 @!p2 s11, $0x7;
	_ =	swait.ge [sflag:s25], $0x2000  }
0x15e: {  	p3 =	por p3, p2;
	[sflag:s25] =	ssyncset.done $0x0  }
0x15f: {  	s23 =	simm.s32 @!p3 $0xB;
	[sflag:s25] =	ssyncadd.s32 $0xFFFFE000  }
0x160: {  	_ =	swait.ge @!p3 [sflag:s23], $0x400  }
0x161: {  	[sflag:s23] =	ssyncset.done @!p3 $0x0  }
0x162: {  	[sflag:s23] =	ssyncadd.s32 @!p3 $0xFFFFFC00  }
0x163: {  	_ =	swait.ge @!p3 [sflag:s23], $0x400  }
0x164: {  	[sflag:s23] =	ssyncset.done @!p3 $0x0  }
0x165: {  	[sflag:s23] =	ssyncadd.s32 @!p3 $0xFFFFFC00  }
0x166: {  	s16 =	smul.u32 @!p2 $0x280, s7;
	_ =	swait.ge @!p3 [sflag:s23], $0x400  }
0x167: {  	s26 =	simm.s32 @!p2 $0x40;
	[sflag:s23] =	ssyncset.done @!p3 $0x0  }
0x168: {  	[sflag:s23] =	ssyncadd.s32 @!p3 $0xFFFFFC00;
	s23 =	sadd.s32 @!p2 $0x280, s16;
	p3 =	sne.s32 s11, $0x3  }
0x169: {  	s29 =	simm.s32 @!p2 $0x1800;
	s23 =	sand.u32 @!p2 $0x780, s23;
	s13 =	sadd.s32 @!p3 $0x1, s13  }
0x16a: {  	[tilespmem:s29], [sflag:$0x1] =	stream.indirect.gather @!p2 [hbm4b:s1+s26], $0x80, s23, s26, $0xb8;
	[tilespmem:$0x1F080] =	vst v63  }
0x16b: {  	s21 =	sadd.s32 $0x2, s21;
	s23 =	sshll.u32 @!p3 s13, $0xA;
	s13 =	sadd.s32 @!p3 s14, s13  }
0x16c: {  	s0 =	simm.s32 $0x0;
	s26 =	sshll.u32 @!p3 s13, $0x7;
	s13 =	sshrl.u32 s21, $0x3  }
0x16d: {  	v0 =	vmov s0;
	s0 =	simm.s32 $0x3;
	s21 =	sand.u32 $0x7, s21;
	s30 =	sand.u32 $0x1, s13  }
0x16e: {  	s23 =	sand.u32 @!p3 $0x400, s23;
	s21 =	sshll.u32 s21, $0x7;
	s30 =	sshll.u32 s30, $0xA  }
0x16f: {  	s29 =	sadd.s32 @!p3 s26, s15;
	s21 =	sor.u32 s21, s30;
	s30 =	simm.s32 @!p3 $0x0  }
0x170: {  	v0 =	vand.u32 $0x7C, v0;
	v2 =	vmov s0;
	[tilespmem:s23], [sflag:$0xB] =	stream.linear.gather @!p3 [hbm4b:s29+s30], $0x400, $0x38;
	v1 =	vmov s21;
	[tilespmem:$0x1F080] =	vst v63  }
0x171: {  	v2 =	vand.u32 $0x7F, v2;
	s0 =	sor.u32 @!p3 $0x800, s23;
	s29 =	sadd.s32 @!p3 s5, s26;
	v0 =	vor.u32 v1, v0  }
0x172: {  	v2 =	vor.u32 v1, v2;
	[tilespmem:s0], [sflag:$0xB] =	stream.linear.gather @!p3 [hbm4b:s29+s30], $0x400, $0x38;
	v0 =	vbroadcast v0, $0x0;
	[tilespmem:$0x1F080] =	vst v63  }
0x173: {  	s0 =	sor.u32 @!p3 $0x1000, s23;
	s23 =	sadd.s32 @!p3 s6, s26;
	v2 =	vbroadcast v2, $0x0  }
0x174: {  	[tilespmem:s0], [sflag:$0xB] =	stream.linear.gather @!p3 [hbm4b:s23+s30], $0x400, $0x38;
	[tilespmem:$0x1F080] =	vst v63  }
0x175: {  	_ =	swait.ge [sflag:s28], $0x2000  }
0x176: {  	[sflag:s28] =	ssyncset.done $0x0  }
0x177: {  	[sflag:s28] =	ssyncadd.s32 $0xFFFFE000  }
0x178: {  	s26 =	simm.s32 $0x1;
	v3 =	vld.idx.msk [tilespmem:v0+s20+$0x0], $0xffff  }
0x179: {  	v4 =	vmov s26;
	s23 =	simm.s32 $0x59F0;
	v0 =	vld.idx.msk [tilespmem:v2+s20+$0x0], $0xffff  }
0x17a: {  	v2 =	vand.u32 $0x7D, v4;
	v4 =	vld [tilespmem:s23+$0x0]  }
0x17b: {  	v5 =	vld [tilespmem:s23+$0xFFFFFE10]  }
0x17c: {  	v6 =	vld [tilespmem:s23+$0xFFFFFE20]  }
0x17d: {  	v7 =	vld [tilespmem:s23+$0xFFFFFE30];
	v2 =	vor.u32 v1, v2  }
0x17e: {  	v8 =	vld [tilespmem:s23+$0xFFFFFE40];
	v2 =	vbroadcast v2, $0x0  }
0x17f: {  	v9 =	vld [tilespmem:s23+$0xFFFFFE50]  }
0x180: {  	v10 =	vld [tilespmem:s23+$0xFFFFFE60];
	v5 =	vmul.f32 v5, v3  }
0x181: {  	v11 =	vld [tilespmem:s23+$0xFFFFFE70];
	v4 =	vmul.f32 v4, v0  }
0x182: {  	[tilespmem:s23+$0xFFFFFE10] =	vst v5;
	v5 =	vld [tilespmem:s23+$0xFFFFFE80]  }
0x183: {  	s26 =	simm.s32 $0x2;
	v6 =	vmul.f32 v6, v3;
	[tilespmem:s23+$0x0] =	vst v4;
	v4 =	vmul.f32 v7, v3;
	v7 =	vld [tilespmem:s23+$0xFFFFFEA0]  }
0x184: {  	v12 =	vmov s26;
	v13 =	vld.idx.msk [tilespmem:v2+s20+$0x0], $0xffff  }
0x185: {  	[tilespmem:s23+$0xFFFFFE20] =	vst v6;
	v6 =	vmul.f32 v8, v3;
	v2 =	vand.u32 $0x7E, v12;
	v12 =	vld [tilespmem:s23+$0xFFFFFE90]  }
0x186: {  	v11 =	vmul.f32 v11, v3;
	v8 =	vld [tilespmem:s23+$0xFFFFFEB0];
	v2 =	vor.u32 v1, v2;
	[tilespmem:s23+$0xFFFFFE30] =	vst v4;
	v4 =	vmul.f32 v9, v3  }
0x187: {  	v9 =	vld [tilespmem:s23+$0xFFFFFEC0];
	[tilespmem:s23+$0xFFFFFE40] =	vst v6;
	v6 =	vmul.f32 v10, v3;
	v2 =	vbroadcast v2, $0x0  }
0x188: {  	[tilespmem:s23+$0xFFFFFE70] =	vst v11;
	v10 =	vld [tilespmem:s23+$0xFFFFFED0]  }
0x189: {  	[tilespmem:s23+$0xFFFFFE60] =	vst v6;
	v6 =	vld [tilespmem:s23+$0xFFFFFEF0];
	v3 =	vmul.f32 v5, v3  }
0x18a: {  	[tilespmem:s23+$0xFFFFFE50] =	vst v4;
	v5 =	vld [tilespmem:s23+$0xFFFFFF00];
	v4 =	vmul.f32 v12, v13  }
0x18b: {  	v12 =	vld [tilespmem:s23+$0xFFFFFEE0];
	[tilespmem:s23+$0xFFFFFE80] =	vst v3;
	v3 =	vmul.f32 v8, v13  }
0x18c: {  	[tilespmem:s23+$0xFFFFFE90] =	vst v4;
	v4 =	vmul.f32 v7, v13;
	v7 =	vld [tilespmem:s23+$0xFFFFFF10]  }
0x18d: {  	v2 =	vld.idx.msk [tilespmem:v2+s20+$0x0], $0xffff;
	[tilespmem:s23+$0xFFFFFEB0] =	vst v3;
	v3 =	vmul.f32 v10, v13  }
0x18e: {  	v8 =	vld [tilespmem:s23+$0xFFFFFF20];
	[tilespmem:s23+$0xFFFFFEA0] =	vst v4;
	v4 =	vmul.f32 v9, v13  }
0x18f: {  	s26 =	simm.s32 $0x4;
	v6 =	vmul.f32 v6, v13;
	v9 =	vld [tilespmem:s23+$0xFFFFFF30];
	[tilespmem:s23+$0xFFFFFED0] =	vst v3  }
0x190: {  	v11 =	vmov s26;
	v10 =	vld [tilespmem:s23+$0xFFFFFF40];
	[tilespmem:s23+$0xFFFFFEC0] =	vst v4;
	v4 =	vmul.f32 v12, v13  }
0x191: {  	v11 =	vand.u32 $0x7C, v11;
	v3 =	vld [tilespmem:s23+$0xFFFFFF50];
	[tilespmem:s23+$0xFFFFFEF0] =	vst v6;
	v12 =	vmul.f32 v5, v13  }
0x192: {  	s26 =	simm.s32 $0x5;
	v6 =	vor.u32 v1, v11;
	[tilespmem:s23+$0xFFFFFEE0] =	vst v4;
	v7 =	vmul.f32 v7, v2;
	v4 =	vld [tilespmem:s23+$0xFFFFFF60]  }
0x193: {  	v13 =	vmov s26;
	s26 =	simm.s32 $0x6;
	v5 =	vld [tilespmem:s23+$0xFFFFFF70];
	v6 =	vbroadcast v6, $0x0;
	v8 =	vmul.f32 v8, v2;
	[tilespmem:s23+$0xFFFFFF00] =	vst v12  }
0x194: {  	v11 =	vmov s26;
	v12 =	vand.u32 $0x7D, v13;
	v9 =	vmul.f32 v9, v2;
	[tilespmem:s23+$0xFFFFFF10] =	vst v7;
	v7 =	vld [tilespmem:s23+$0xFFFFFF80]  }
0x195: {  	s29 =	simm.s32 $0x8;
	s30 =	simm.s32 $0x7;
	s26 =	simm.s32 $0x59F0;
	v11 =	vand.u32 $0x7E, v11;
	v10 =	vmul.f32 v10, v2;
	v12 =	vor.u32 v1, v12;
	[tilespmem:s23+$0xFFFFFF20] =	vst v8;
	v8 =	vld [tilespmem:s23+$0xFFFFFF90]  }
.LBB2_7:
0x196: {  	p3 =	slt.u32 s29, $0x3C;
	v11 =	vor.u32 v1, v11;
	v13 =	vmov s30;
	[tilespmem:s23+$0xFFFFFF30] =	vst v9;
	v3 =	vmul.f32 v3, v2;
	v9 =	vld [tilespmem:s23+$0xFFFFFFA0]  }
0x197: {  	v12 =	vbroadcast v12, $0x0;
	v13 =	vand.u32 $0x7F, v13;
	[tilespmem:s23+$0xFFFFFF40] =	vst v10;
	v4 =	vmul.f32 v4, v2;
	v10 =	vld [tilespmem:s23+$0xFFFFFFB0]  }
0x198: {  	v11 =	vbroadcast v11, $0x0;
	v13 =	vor.u32 v1, v13;
	[tilespmem:s23+$0xFFFFFF50] =	vst v3;
	v3 =	vmul.f32 v5, v2;
	v5 =	vld [tilespmem:s23+$0xFFFFFFC0]  }
0x199: {  	v13 =	vbroadcast v13, $0x0;
	[tilespmem:s23+$0xFFFFFF60] =	vst v4;
	v2 =	vmul.f32 v7, v2;
	v4 =	vld [tilespmem:s23+$0xFFFFFFD0]  }
0x19a: {  	[tilespmem:s23+$0xFFFFFF70] =	vst v3;
	v3 =	vmul.f32 v8, v0;
	v7 =	vld [tilespmem:s23+$0xFFFFFFE0]  }
0x19b: {  	[tilespmem:s23+$0xFFFFFF80] =	vst v2;
	v2 =	vmul.f32 v9, v0;
	v8 =	vld [tilespmem:s23+$0xFFFFFFF0]  }
0x19c: {  	v6 =	vld.idx.msk [tilespmem:v6+s20+$0x0], $0xffff;
	[tilespmem:s23+$0xFFFFFF90] =	vst v3;
	v3 =	vmul.f32 v10, v0  }
0x19d: {  	v9 =	vld.idx.msk [tilespmem:v12+s20+$0x0], $0xffff;
	[tilespmem:s23+$0xFFFFFFA0] =	vst v2;
	v5 =	vmul.f32 v5, v0  }
0x19e: {  	v2 =	vld.idx.msk [tilespmem:v11+s20+$0x0], $0xffff;
	[tilespmem:s23+$0xFFFFFFB0] =	vst v3;
	v3 =	vmul.f32 v4, v0  }
0x19f: {  	s23 =	sadd.s32 $0x200, s23;
	v4 =	vld.idx.msk [tilespmem:v13+s20+$0x0], $0xffff;
	[tilespmem:s26+$0xFFFFFFC0] =	vst v5;
	v5 =	vmul.f32 v7, v0  }
0x1a0: {  	v7 =	vld [tilespmem:s23+$0x0];
	[tilespmem:s26+$0xFFFFFFD0] =	vst v3;
	v0 =	vmul.f32 v8, v0  }
0x1a1: {  	v3 =	vld [tilespmem:s23+$0xFFFFFE10];
	[tilespmem:s26+$0xFFFFFFE0] =	vst v5  }
0x1a2: {  	v5 =	vld [tilespmem:s23+$0xFFFFFE20];
	[tilespmem:s26+$0xFFFFFFF0] =	vst v0;
	s26 =	smov.u32 s23  }
0x1a3: {  	v8 =	vld [tilespmem:s23+$0xFFFFFE30]  }
0x1a4: {  	v10 =	vld [tilespmem:s23+$0xFFFFFE40]  }
0x1a5: {  	v0 =	vmov v4;
	v11 =	vld [tilespmem:s23+$0xFFFFFE50];
	v7 =	vmul.f32 v7, v4  }
0x1a6: {  	v3 =	vmul.f32 v3, v6;
	v4 =	vld [tilespmem:s23+$0xFFFFFE60]  }
0x1a7: {  	v5 =	vmul.f32 v5, v6;
	v12 =	vld [tilespmem:s23+$0xFFFFFE70];
	[tilespmem:s23+$0x0] =	vst v7  }
0x1a8: {  	[tilespmem:s23+$0xFFFFFE10] =	vst v3;
	v3 =	vmul.f32 v8, v6;
	v7 =	vld [tilespmem:s23+$0xFFFFFE80]  }
0x1a9: {  	[tilespmem:s23+$0xFFFFFE20] =	vst v5;
	v5 =	vmul.f32 v10, v6;
	v8 =	vld [tilespmem:s23+$0xFFFFFE90]  }
0x1aa: {  	[tilespmem:s23+$0xFFFFFE30] =	vst v3;
	v3 =	vmul.f32 v11, v6;
	v10 =	vld [tilespmem:s23+$0xFFFFFEA0]  }
0x1ab: {  	[tilespmem:s23+$0xFFFFFE40] =	vst v5;
	v4 =	vmul.f32 v4, v6;
	v5 =	vld [tilespmem:s23+$0xFFFFFEB0]  }
0x1ac: {  	[tilespmem:s23+$0xFFFFFE50] =	vst v3;
	v3 =	vmul.f32 v12, v6;
	v11 =	vld [tilespmem:s23+$0xFFFFFEC0]  }
0x1ad: {  	[tilespmem:s23+$0xFFFFFE60] =	vst v4;
	v4 =	vmul.f32 v7, v6;
	v6 =	vld [tilespmem:s23+$0xFFFFFED0]  }
0x1ae: {  	[tilespmem:s23+$0xFFFFFE70] =	vst v3;
	v3 =	vmul.f32 v8, v9;
	v7 =	vld [tilespmem:s23+$0xFFFFFEE0]  }
0x1af: {  	[tilespmem:s23+$0xFFFFFE80] =	vst v4;
	v4 =	vmul.f32 v10, v9;
	v8 =	vld [tilespmem:s23+$0xFFFFFEF0]  }
0x1b0: {  	[tilespmem:s23+$0xFFFFFE90] =	vst v3;
	v3 =	vmul.f32 v5, v9;
	v5 =	vld [tilespmem:s23+$0xFFFFFF00]  }
0x1b1: {  	[tilespmem:s23+$0xFFFFFEA0] =	vst v4;
	v4 =	vmul.f32 v11, v9;
	v10 =	vld [tilespmem:s23+$0xFFFFFF10]  }
0x1b2: {  	[tilespmem:s23+$0xFFFFFEB0] =	vst v3;
	v3 =	vmul.f32 v6, v9;
	v6 =	vld [tilespmem:s23+$0xFFFFFF20]  }
0x1b3: {  	[tilespmem:s23+$0xFFFFFEC0] =	vst v4;
	v4 =	vmul.f32 v7, v9;
	v7 =	vld [tilespmem:s23+$0xFFFFFF30]  }
0x1b4: {  	[tilespmem:s23+$0xFFFFFED0] =	vst v3;
	v8 =	vmul.f32 v8, v9;
	v13 =	vld [tilespmem:s23+$0xFFFFFF40]  }
.Ltmp2:
0x1b5: {  	s0 =	sadd.s32 $0x1, s29;
	v11 =	vmov s29;
	[tilespmem:s23+$0xFFFFFEE0] =	vst v4;
	v5 =	vmul.f32 v5, v9;
	v3 =	vld [tilespmem:s23+$0xFFFFFF50];
	(pc) =	sbr.rel @p3 .LBB2_7-.Ltmp2, $4  }
0x1b6: {  	v9 =	vand.u32 $0x7C, v11;
	v11 =	vmov s0;
	s0 =	sadd.s32 $0x2, s29;
	[tilespmem:s23+$0xFFFFFEF0] =	vst v8;
	v8 =	vmul.f32 v10, v2;
	v4 =	vld [tilespmem:s23+$0xFFFFFF60]  }
0x1b7: {  	v10 =	vor.u32 v1, v9;
	v9 =	vmov s0;
	[tilespmem:s23+$0xFFFFFF00] =	vst v5;
	v14 =	vmul.f32 v6, v2;
	v5 =	vld [tilespmem:s23+$0xFFFFFF70]  }
0x1b8: {  	v12 =	vand.u32 $0x7D, v11;
	v11 =	vand.u32 $0x7E, v9;
	[tilespmem:s23+$0xFFFFFF10] =	vst v8;
	v9 =	vmul.f32 v7, v2;
	v7 =	vld [tilespmem:s23+$0xFFFFFF80]  }
0x1b9: {  	s30 =	sadd.s32 $0x3, s29;
	s29 =	sadd.s32 $0x4, s29;
	v6 =	vbroadcast v10, $0x0;
	v12 =	vor.u32 v1, v12;
	[tilespmem:s23+$0xFFFFFF20] =	vst v14;
	v10 =	vmul.f32 v13, v2;
	v8 =	vld [tilespmem:s23+$0xFFFFFF90]  }
0x1ba: {  	v14 =	vld [tilespmem:s23+$0xFFFFFFA0]  }
0x1bb: {  	v15 =	vld [tilespmem:s23+$0xFFFFFFB0]  }
0x1bc: {  	v13 =	vmov s30;
	v11 =	vor.u32 v1, v11;
	v16 =	vld [tilespmem:s23+$0xFFFFFFD0]  }
0x1bd: {  	v12 =	vbroadcast v12, $0x0;
	[tilespmem:s23+$0xFFFFFF30] =	vst v9;
	v3 =	vmul.f32 v3, v2;
	v9 =	vld [tilespmem:s23+$0xFFFFFFE0];
	v13 =	vand.u32 $0x7F, v13  }
0x1be: {  	v11 =	vbroadcast v11, $0x0;
	[tilespmem:s23+$0xFFFFFF40] =	vst v10;
	v4 =	vmul.f32 v4, v2;
	v10 =	vld [tilespmem:s23+$0xFFFFFFF0];
	v1 =	vor.u32 v1, v13  }
0x1bf: {  	v13 =	vld [tilespmem:s23+$0xFFFFFFC0];
	[tilespmem:s23+$0xFFFFFF50] =	vst v3;
	v3 =	vmul.f32 v5, v2;
	v1 =	vbroadcast v1, $0x0  }
0x1c0: {  	s29 =	sadd.s32 $0x200, s23;
	v5 =	vld.idx.msk [tilespmem:v6+s20+$0x0], $0xffff;
	[tilespmem:s23+$0xFFFFFF60] =	vst v4;
	v2 =	vmul.f32 v7, v2  }
0x1c1: {  	v7 =	vld [tilespmem:s29+$0x0];
	[tilespmem:s23+$0xFFFFFF70] =	vst v3;
	v3 =	vmul.f32 v8, v0  }
0x1c2: {  	v8 =	vld [tilespmem:s29+$0xFFFFFE10];
	[tilespmem:s23+$0xFFFFFF80] =	vst v2;
	v2 =	vmul.f32 v14, v0  }
0x1c3: {  	v4 =	vld.idx.msk [tilespmem:v12+s20+$0x0], $0xffff;
	[tilespmem:s23+$0xFFFFFF90] =	vst v3;
	v3 =	vmul.f32 v15, v0  }
0x1c4: {  	v6 =	vld.idx.msk [tilespmem:v11+s20+$0x0], $0xffff;
	[tilespmem:s23+$0xFFFFFFA0] =	vst v2;
	v2 =	vmul.f32 v13, v0  }
0x1c5: {  	[tilespmem:s23+$0xFFFFFFB0] =	vst v3;
	v3 =	vmul.f32 v16, v0;
	v1 =	vld.idx.msk [tilespmem:v1+s20+$0x0], $0xffff  }
0x1c6: {  	v11 =	vld [tilespmem:s29+$0xFFFFFE20];
	[tilespmem:s26+$0xFFFFFFC0] =	vst v2;
	v2 =	vmul.f32 v9, v0  }
0x1c7: {  	v9 =	vld [tilespmem:s29+$0xFFFFFE30];
	v0 =	vmul.f32 v10, v0;
	[tilespmem:s26+$0xFFFFFFD0] =	vst v3  }
0x1c8: {  	v3 =	vld [tilespmem:s29+$0xFFFFFE40];
	[tilespmem:s26+$0xFFFFFFE0] =	vst v2  }
0x1c9: {  	v2 =	vld [tilespmem:s29+$0xFFFFFE50];
	[tilespmem:s26+$0xFFFFFFF0] =	vst v0;
	v0 =	vmul.f32 v8, v5  }
0x1ca: {  	v8 =	vld [tilespmem:s29+$0xFFFFFE60];
	v7 =	vmul.f32 v7, v1  }
0x1cb: {  	v10 =	vmul.f32 v11, v5;
	v11 =	vld [tilespmem:s29+$0xFFFFFE70];
	[tilespmem:s29+$0xFFFFFE10] =	vst v0  }
0x1cc: {  	v0 =	vmul.f32 v9, v5;
	[tilespmem:s29+$0x0] =	vst v7;
	v7 =	vld [tilespmem:s29+$0xFFFFFE80]  }
0x1cd: {  	[tilespmem:s29+$0xFFFFFE20] =	vst v10;
	v9 =	vld [tilespmem:s29+$0xFFFFFE90];
	v3 =	vmul.f32 v3, v5  }
0x1ce: {  	[tilespmem:s29+$0xFFFFFE30] =	vst v0;
	v0 =	vmul.f32 v2, v5;
	v2 =	vld [tilespmem:s29+$0xFFFFFEA0]  }
0x1cf: {  	[tilespmem:s29+$0xFFFFFE40] =	vst v3;
	v3 =	vmul.f32 v8, v5;
	v8 =	vld [tilespmem:s29+$0xFFFFFEB0]  }
0x1d0: {  	v10 =	vld [tilespmem:s29+$0xFFFFFEC0];
	[tilespmem:s29+$0xFFFFFE50] =	vst v0;
	v0 =	vmul.f32 v11, v5  }
0x1d1: {  	[tilespmem:s29+$0xFFFFFE60] =	vst v3;
	v3 =	vmul.f32 v7, v5;
	v5 =	vld [tilespmem:s29+$0xFFFFFED0]  }
0x1d2: {  	[tilespmem:s29+$0xFFFFFE70] =	vst v0;
	v0 =	vmul.f32 v9, v4;
	v7 =	vld [tilespmem:s29+$0xFFFFFEE0]  }
0x1d3: {  	v2 =	vmul.f32 v2, v4;
	[tilespmem:s29+$0xFFFFFE80] =	vst v3;
	v3 =	vld [tilespmem:s29+$0xFFFFFEF0]  }
0x1d4: {  	[tilespmem:s29+$0xFFFFFE90] =	vst v0;
	v0 =	vmul.f32 v8, v4;
	v8 =	vld [tilespmem:s29+$0xFFFFFF00]  }
0x1d5: {  	v9 =	vld [tilespmem:s29+$0xFFFFFF10];
	[tilespmem:s29+$0xFFFFFEA0] =	vst v2;
	v2 =	vmul.f32 v10, v4  }
0x1d6: {  	[tilespmem:s29+$0xFFFFFEB0] =	vst v0;
	v0 =	vmul.f32 v5, v4;
	v5 =	vld [tilespmem:s29+$0xFFFFFF20]  }
0x1d7: {  	[tilespmem:s29+$0xFFFFFEC0] =	vst v2;
	v2 =	vmul.f32 v7, v4;
	v7 =	vld [tilespmem:s29+$0xFFFFFF30]  }
0x1d8: {  	[tilespmem:s29+$0xFFFFFED0] =	vst v0;
	v0 =	vmul.f32 v3, v4;
	v3 =	vld [tilespmem:s29+$0xFFFFFF40]  }
0x1d9: {  	[tilespmem:s29+$0xFFFFFEE0] =	vst v2;
	v2 =	vmul.f32 v8, v4;
	v4 =	vld [tilespmem:s29+$0xFFFFFF50]  }
0x1da: {  	v8 =	vld [tilespmem:s29+$0xFFFFFF60];
	[tilespmem:s29+$0xFFFFFEF0] =	vst v0;
	v0 =	vmul.f32 v9, v6  }
0x1db: {  	[tilespmem:s29+$0xFFFFFF00] =	vst v2;
	v2 =	vmul.f32 v5, v6;
	v5 =	vld [tilespmem:s29+$0xFFFFFF70]  }
0x1dc: {  	[tilespmem:s29+$0xFFFFFF10] =	vst v0;
	v0 =	vmul.f32 v7, v6;
	v7 =	vld [tilespmem:s29+$0xFFFFFF80]  }
0x1dd: {  	[tilespmem:s29+$0xFFFFFF20] =	vst v2;
	v2 =	vmul.f32 v3, v6;
	v3 =	vld [tilespmem:s29+$0xFFFFFF90]  }
0x1de: {  	[tilespmem:s29+$0xFFFFFF30] =	vst v0;
	v0 =	vmul.f32 v4, v6;
	v4 =	vld [tilespmem:s29+$0xFFFFFFA0]  }
0x1df: {  	[tilespmem:s29+$0xFFFFFF40] =	vst v2;
	v2 =	vmul.f32 v8, v6;
	v8 =	vld [tilespmem:s29+$0xFFFFFFB0]  }
0x1e0: {  	[tilespmem:s29+$0xFFFFFF50] =	vst v0;
	v0 =	vmul.f32 v5, v6;
	v5 =	vld [tilespmem:s29+$0xFFFFFFC0]  }
0x1e1: {  	[tilespmem:s29+$0xFFFFFF60] =	vst v2;
	v2 =	vmul.f32 v7, v6;
	v6 =	vld [tilespmem:s29+$0xFFFFFFD0]  }
0x1e2: {  	[tilespmem:s29+$0xFFFFFF70] =	vst v0;
	v0 =	vmul.f32 v3, v1;
	v3 =	vld [tilespmem:s29+$0xFFFFFFE0]  }
0x1e3: {  	[tilespmem:s29+$0xFFFFFF80] =	vst v2;
	v2 =	vmul.f32 v4, v1;
	v4 =	vld [tilespmem:s29+$0xFFFFFFF0]  }
0x1e4: {  	[tilespmem:s29+$0xFFFFFF90] =	vst v0;
	v0 =	vmul.f32 v8, v1  }
0x1e5: {  	[tilespmem:s29+$0xFFFFFFA0] =	vst v2;
	v2 =	vmul.f32 v5, v1  }
0x1e6: {  	[tilespmem:s29+$0xFFFFFFB0] =	vst v0;
	v0 =	vmul.f32 v6, v1  }
0x1e7: {  	[tilespmem:s29+$0xFFFFFFC0] =	vst v2;
	v2 =	vmul.f32 v3, v1  }
0x1e8: {  	[tilespmem:s29+$0xFFFFFFD0] =	vst v0;
	v0 =	vmul.f32 v4, v1  }
0x1e9: {  	[tilespmem:s29+$0xFFFFFFE0] =	vst v2  }
0x1ea: {  	s0 =	sor.u32 $0x800, s21;
	s26 =	simm.s32 $0x5800;
	[tilespmem:s29+$0xFFFFFFF0] =	vst v0  }
0x1eb: {  	[spmem:s2] =	stream.indirect.scatter.add.f32 [tilespmem:s26], [sflag:$0x8], $0x80, s0, s22, $0xb8;
	[tilespmem:$0x1F080] =	vst v63  }
0x1ec: {  	p3 =	sne.s32 @!p2 s11, $0x2;
	_ =	swait.ge [sflag:s4], $0x2000  }
0x1ed: {  	p3 =	por p3, p2;
	[sflag:s4] =	ssyncset.done $0x0  }
0x1ee: {  	s0 =	simm.s32 @!p3 $0xB;
	[sflag:s4] =	ssyncadd.s32 $0xFFFFE000  }
0x1ef: {  	_ =	swait.ge @!p3 [sflag:s0], $0x400  }
0x1f0: {  	[sflag:s0] =	ssyncset.done @!p3 $0x0  }
0x1f1: {  	[sflag:s0] =	ssyncadd.s32 @!p3 $0xFFFFFC00  }
0x1f2: {  	_ =	swait.ge @!p3 [sflag:s0], $0x400  }
0x1f3: {  	[sflag:s0] =	ssyncset.done @!p3 $0x0  }
0x1f4: {  	[sflag:s0] =	ssyncadd.s32 @!p3 $0xFFFFFC00  }
0x1f5: {  	_ =	swait.ge @!p3 [sflag:s0], $0x400  }
0x1f6: {  	s21 =	simm.s32 @!p2 $0x40;
	[sflag:s0] =	ssyncset.done @!p3 $0x0  }
0x1f7: {  	[sflag:s0] =	ssyncadd.s32 @!p3 $0xFFFFFC00;
	s0 =	sadd.s32 @!p2 $0x300, s16;
	p3 =	sgt.u32 @!p2 s7, $0x1D  }
0x1f8: {  	s23 =	simm.s32 @!p2 $0x3800;
	s0 =	sand.u32 @!p2 $0x780, s0;
	p4 =	por p3, p2  }
0x1f9: {  	[tilespmem:s23], [sflag:$0x2] =	stream.indirect.gather @!p2 [hbm4b:s1+s21], $0x80, s0, s21, $0xb8;
	[tilespmem:$0x1F080] =	vst v63  }
0x1fa: {  	p5 =	sne.s32 @!p4 s11, $0x6  }
0x1fb: {  	p4 =	por @!p2 p5, p3  }
0x1fc: {  	p4 =	por p4, p2  }
0x1fd: {  	s0 =	sadd.s32 @!p4 $0x1, s13  }
0x1fe: {  	s13 =	sshll.u32 @!p4 s0, $0xA;
	s0 =	sadd.s32 @!p4 s14, s0  }
0x1ff: {  	s30 =	simm.s32 $0x3;
	s29 =	simm.s32 $0x0;
	s0 =	sshll.u32 @!p4 s0, $0x7  }
0x200: {  	v0 =	vmov s29;
	s26 =	simm.s32 @!p4 $0x0;
	s13 =	sand.u32 @!p4 $0x400, s13;
	s23 =	sadd.s32 @!p4 s0, s15  }
0x201: {  	v1 =	vmov s3;
	v2 =	vmov s30;
	v0 =	vand.u32 $0x7C, v0;
	[tilespmem:s13], [sflag:$0xB] =	stream.linear.gather @!p4 [hbm4b:s23+s26], $0x400, $0x38;
	[tilespmem:$0x1F080] =	vst v63  }
0x202: {  	v2 =	vand.u32 $0x7F, v2;
	v0 =	vor.u32 v1, v0;
	s21 =	sor.u32 @!p4 $0x800, s13;
	s23 =	sadd.s32 @!p4 s5, s0  }
0x203: {  	v2 =	vor.u32 v1, v2;
	v0 =	vbroadcast v0, $0x0;
	[tilespmem:s21], [sflag:$0xB] =	stream.linear.gather @!p4 [hbm4b:s23+s26], $0x400, $0x38;
	[tilespmem:$0x1F080] =	vst v63  }
0x204: {  	v2 =	vbroadcast v2, $0x0;
	s13 =	sor.u32 @!p4 $0x1000, s13;
	s0 =	sadd.s32 @!p4 s6, s0  }
0x205: {  	[tilespmem:s13], [sflag:$0xB] =	stream.linear.gather @!p4 [hbm4b:s0+s26], $0x400, $0x38;
	[tilespmem:$0x1F080] =	vst v63  }
0x206: {  	_ =	swait.ge [sflag:s8], $0x2000  }
0x207: {  	[sflag:s8] =	ssyncset.done $0x0  }
0x208: {  	[sflag:s8] =	ssyncadd.s32 $0xFFFFE000  }
0x209: {  	s21 =	simm.s32 $0x1;
	v3 =	vld.idx.msk [tilespmem:v0+s20+$0x0], $0xffff  }
0x20a: {  	v4 =	vmov s21;
	s13 =	simm.s32 $0x79F0;
	v0 =	vld.idx.msk [tilespmem:v2+s20+$0x0], $0xffff  }
0x20b: {  	v2 =	vand.u32 $0x7D, v4;
	v4 =	vld [tilespmem:s13+$0x0]  }
0x20c: {  	v5 =	vld [tilespmem:s13+$0xFFFFFE10]  }
0x20d: {  	v6 =	vld [tilespmem:s13+$0xFFFFFE20]  }
0x20e: {  	v7 =	vld [tilespmem:s13+$0xFFFFFE30];
	v2 =	vor.u32 v1, v2  }
0x20f: {  	v8 =	vld [tilespmem:s13+$0xFFFFFE40];
	v2 =	vbroadcast v2, $0x0  }
0x210: {  	v9 =	vld [tilespmem:s13+$0xFFFFFE50]  }
0x211: {  	v10 =	vld [tilespmem:s13+$0xFFFFFE60];
	v5 =	vmul.f32 v5, v3  }
0x212: {  	v11 =	vld [tilespmem:s13+$0xFFFFFE70];
	v4 =	vmul.f32 v4, v0  }
0x213: {  	[tilespmem:s13+$0xFFFFFE10] =	vst v5;
	v5 =	vld [tilespmem:s13+$0xFFFFFE80]  }
0x214: {  	s23 =	simm.s32 $0x2;
	v6 =	vmul.f32 v6, v3;
	[tilespmem:s13+$0x0] =	vst v4;
	v4 =	vmul.f32 v7, v3;
	v7 =	vld [tilespmem:s13+$0xFFFFFEA0]  }
0x215: {  	v12 =	vmov s23;
	v13 =	vld.idx.msk [tilespmem:v2+s20+$0x0], $0xffff  }
0x216: {  	[tilespmem:s13+$0xFFFFFE20] =	vst v6;
	v6 =	vmul.f32 v8, v3;
	v2 =	vand.u32 $0x7E, v12;
	v12 =	vld [tilespmem:s13+$0xFFFFFE90]  }
0x217: {  	v11 =	vmul.f32 v11, v3;
	v8 =	vld [tilespmem:s13+$0xFFFFFEB0];
	v2 =	vor.u32 v1, v2;
	[tilespmem:s13+$0xFFFFFE30] =	vst v4;
	v4 =	vmul.f32 v9, v3  }
0x218: {  	v9 =	vld [tilespmem:s13+$0xFFFFFEC0];
	[tilespmem:s13+$0xFFFFFE40] =	vst v6;
	v6 =	vmul.f32 v10, v3;
	v2 =	vbroadcast v2, $0x0  }
0x219: {  	[tilespmem:s13+$0xFFFFFE70] =	vst v11;
	v10 =	vld [tilespmem:s13+$0xFFFFFED0]  }
0x21a: {  	[tilespmem:s13+$0xFFFFFE60] =	vst v6;
	v6 =	vld [tilespmem:s13+$0xFFFFFEF0];
	v3 =	vmul.f32 v5, v3  }
0x21b: {  	[tilespmem:s13+$0xFFFFFE50] =	vst v4;
	v5 =	vld [tilespmem:s13+$0xFFFFFF00];
	v4 =	vmul.f32 v12, v13  }
0x21c: {  	v12 =	vld [tilespmem:s13+$0xFFFFFEE0];
	[tilespmem:s13+$0xFFFFFE80] =	vst v3;
	v3 =	vmul.f32 v8, v13  }
0x21d: {  	[tilespmem:s13+$0xFFFFFE90] =	vst v4;
	v4 =	vmul.f32 v7, v13;
	v7 =	vld [tilespmem:s13+$0xFFFFFF10]  }
0x21e: {  	v2 =	vld.idx.msk [tilespmem:v2+s20+$0x0], $0xffff;
	[tilespmem:s13+$0xFFFFFEB0] =	vst v3;
	v3 =	vmul.f32 v10, v13  }
0x21f: {  	v8 =	vld [tilespmem:s13+$0xFFFFFF20];
	[tilespmem:s13+$0xFFFFFEA0] =	vst v4;
	v4 =	vmul.f32 v9, v13  }
0x220: {  	s26 =	simm.s32 $0x4;
	v6 =	vmul.f32 v6, v13;
	v9 =	vld [tilespmem:s13+$0xFFFFFF30];
	[tilespmem:s13+$0xFFFFFED0] =	vst v3  }
0x221: {  	p6 =	slt.u32 @!p2 s7, $0x1E;
	v11 =	vmov s26;
	v10 =	vld [tilespmem:s13+$0xFFFFFF40];
	[tilespmem:s13+$0xFFFFFEC0] =	vst v4;
	v4 =	vmul.f32 v12, v13  }
0x222: {  	s30 =	simm.s32 $0x6;
	s29 =	simm.s32 $0x5;
	p5 =	por @!p2 !p5, p3;
	v11 =	vand.u32 $0x7C, v11;
	v3 =	vld [tilespmem:s13+$0xFFFFFF50];
	[tilespmem:s13+$0xFFFFFEF0] =	vst v6;
	v12 =	vmul.f32 v5, v13  }
0x223: {  	p5 =	por !p5, p2;
	p0 =	por @!p4 $0x1, $0x1;
	p4 =	por p6, p6;
	v6 =	vor.u32 v1, v11;
	[tilespmem:s13+$0xFFFFFEE0] =	vst v4;
	v7 =	vmul.f32 v7, v2;
	v4 =	vld [tilespmem:s13+$0xFFFFFF60]  }
0x224: {  	p4 =	por @!p5 p0, p0;
	p0 =	por !p3, p2;
	v11 =	vmov s30;
	v13 =	vmov s29;
	v5 =	vld [tilespmem:s13+$0xFFFFFF70];
	v8 =	vmul.f32 v8, v2;
	[tilespmem:s13+$0xFFFFFF00] =	vst v12  }
0x225: {  	s23 =	simm.s32 $0x8;
	p3 =	por $0x0, $0x0;
	p4 =	por @!p0 p6, p6;
	v11 =	vand.u32 $0x7E, v11;
	v12 =	vand.u32 $0x7D, v13;
	v9 =	vmul.f32 v9, v2;
	[tilespmem:s13+$0xFFFFFF10] =	vst v7;
	v7 =	vld [tilespmem:s13+$0xFFFFFF80]  }
0x226: {  	s21 =	simm.s32 $0x79F0;
	p3 =	por @!p2 p4, p4;
	s26 =	simm.s32 $0x7;
	v6 =	vbroadcast v6, $0x0;
	v10 =	vmul.f32 v10, v2;
	v12 =	vor.u32 v1, v12;
	[tilespmem:s13+$0xFFFFFF20] =	vst v8;
	v8 =	vld [tilespmem:s13+$0xFFFFFF90]  }
.LBB2_9:
0x227: {  	p4 =	slt.u32 s23, $0x3C;
	v11 =	vor.u32 v1, v11;
	v13 =	vmov s26;
	[tilespmem:s13+$0xFFFFFF30] =	vst v9;
	v3 =	vmul.f32 v3, v2;
	v9 =	vld [tilespmem:s13+$0xFFFFFFA0]  }
0x228: {  	v12 =	vbroadcast v12, $0x0;
	v13 =	vand.u32 $0x7F, v13;
	[tilespmem:s13+$0xFFFFFF40] =	vst v10;
	v4 =	vmul.f32 v4, v2;
	v10 =	vld [tilespmem:s13+$0xFFFFFFB0]  }
0x229: {  	v11 =	vbroadcast v11, $0x0;
	v13 =	vor.u32 v1, v13;
	[tilespmem:s13+$0xFFFFFF50] =	vst v3;
	v3 =	vmul.f32 v5, v2;
	v5 =	vld [tilespmem:s13+$0xFFFFFFC0]  }
0x22a: {  	v13 =	vbroadcast v13, $0x0;
	[tilespmem:s13+$0xFFFFFF60] =	vst v4;
	v2 =	vmul.f32 v7, v2;
	v4 =	vld [tilespmem:s13+$0xFFFFFFD0]  }
0x22b: {  	[tilespmem:s13+$0xFFFFFF70] =	vst v3;
	v3 =	vmul.f32 v8, v0;
	v7 =	vld [tilespmem:s13+$0xFFFFFFE0]  }
0x22c: {  	[tilespmem:s13+$0xFFFFFF80] =	vst v2;
	v2 =	vmul.f32 v9, v0;
	v8 =	vld [tilespmem:s13+$0xFFFFFFF0]  }
0x22d: {  	v6 =	vld.idx.msk [tilespmem:v6+s20+$0x0], $0xffff;
	[tilespmem:s13+$0xFFFFFF90] =	vst v3;
	v3 =	vmul.f32 v10, v0  }
0x22e: {  	v9 =	vld.idx.msk [tilespmem:v12+s20+$0x0], $0xffff;
	[tilespmem:s13+$0xFFFFFFA0] =	vst v2;
	v5 =	vmul.f32 v5, v0  }
0x22f: {  	v2 =	vld.idx.msk [tilespmem:v11+s20+$0x0], $0xffff;
	[tilespmem:s13+$0xFFFFFFB0] =	vst v3;
	v3 =	vmul.f32 v4, v0  }
0x230: {  	s13 =	sadd.s32 $0x200, s13;
	v4 =	vld.idx.msk [tilespmem:v13+s20+$0x0], $0xffff;
	[tilespmem:s21+$0xFFFFFFC0] =	vst v5;
	v5 =	vmul.f32 v7, v0  }
0x231: {  	v7 =	vld [tilespmem:s13+$0x0];
	[tilespmem:s21+$0xFFFFFFD0] =	vst v3;
	v0 =	vmul.f32 v8, v0  }
0x232: {  	v3 =	vld [tilespmem:s13+$0xFFFFFE10];
	[tilespmem:s21+$0xFFFFFFE0] =	vst v5  }
0x233: {  	v5 =	vld [tilespmem:s13+$0xFFFFFE20];
	[tilespmem:s21+$0xFFFFFFF0] =	vst v0;
	s21 =	smov.u32 s13  }
0x234: {  	v8 =	vld [tilespmem:s13+$0xFFFFFE30]  }
0x235: {  	v10 =	vld [tilespmem:s13+$0xFFFFFE40]  }
0x236: {  	v0 =	vmov v4;
	v11 =	vld [tilespmem:s13+$0xFFFFFE50];
	v7 =	vmul.f32 v7, v4  }
0x237: {  	v3 =	vmul.f32 v3, v6;
	v4 =	vld [tilespmem:s13+$0xFFFFFE60]  }
0x238: {  	v5 =	vmul.f32 v5, v6;
	v12 =	vld [tilespmem:s13+$0xFFFFFE70];
	[tilespmem:s13+$0x0] =	vst v7  }
0x239: {  	[tilespmem:s13+$0xFFFFFE10] =	vst v3;
	v3 =	vmul.f32 v8, v6;
	v7 =	vld [tilespmem:s13+$0xFFFFFE80]  }
0x23a: {  	[tilespmem:s13+$0xFFFFFE20] =	vst v5;
	v5 =	vmul.f32 v10, v6;
	v8 =	vld [tilespmem:s13+$0xFFFFFE90]  }
0x23b: {  	[tilespmem:s13+$0xFFFFFE30] =	vst v3;
	v3 =	vmul.f32 v11, v6;
	v10 =	vld [tilespmem:s13+$0xFFFFFEA0]  }
0x23c: {  	[tilespmem:s13+$0xFFFFFE40] =	vst v5;
	v4 =	vmul.f32 v4, v6;
	v5 =	vld [tilespmem:s13+$0xFFFFFEB0]  }
0x23d: {  	[tilespmem:s13+$0xFFFFFE50] =	vst v3;
	v3 =	vmul.f32 v12, v6;
	v11 =	vld [tilespmem:s13+$0xFFFFFEC0]  }
0x23e: {  	[tilespmem:s13+$0xFFFFFE60] =	vst v4;
	v4 =	vmul.f32 v7, v6;
	v6 =	vld [tilespmem:s13+$0xFFFFFED0]  }
0x23f: {  	[tilespmem:s13+$0xFFFFFE70] =	vst v3;
	v3 =	vmul.f32 v8, v9;
	v7 =	vld [tilespmem:s13+$0xFFFFFEE0]  }
0x240: {  	[tilespmem:s13+$0xFFFFFE80] =	vst v4;
	v4 =	vmul.f32 v10, v9;
	v8 =	vld [tilespmem:s13+$0xFFFFFEF0]  }
0x241: {  	[tilespmem:s13+$0xFFFFFE90] =	vst v3;
	v3 =	vmul.f32 v5, v9;
	v5 =	vld [tilespmem:s13+$0xFFFFFF00]  }
0x242: {  	[tilespmem:s13+$0xFFFFFEA0] =	vst v4;
	v4 =	vmul.f32 v11, v9;
	v10 =	vld [tilespmem:s13+$0xFFFFFF10]  }
0x243: {  	[tilespmem:s13+$0xFFFFFEB0] =	vst v3;
	v3 =	vmul.f32 v6, v9;
	v6 =	vld [tilespmem:s13+$0xFFFFFF20]  }
0x244: {  	[tilespmem:s13+$0xFFFFFEC0] =	vst v4;
	v4 =	vmul.f32 v7, v9;
	v7 =	vld [tilespmem:s13+$0xFFFFFF30]  }
0x245: {  	[tilespmem:s13+$0xFFFFFED0] =	vst v3;
	v8 =	vmul.f32 v8, v9;
	v13 =	vld [tilespmem:s13+$0xFFFFFF40]  }
.Ltmp3:
0x246: {  	s0 =	sadd.s32 $0x1, s23;
	v11 =	vmov s23;
	[tilespmem:s13+$0xFFFFFEE0] =	vst v4;
	v5 =	vmul.f32 v5, v9;
	v3 =	vld [tilespmem:s13+$0xFFFFFF50];
	(pc) =	sbr.rel @p4 .LBB2_9-.Ltmp3, $4  }
0x247: {  	v9 =	vand.u32 $0x7C, v11;
	v11 =	vmov s0;
	s0 =	sadd.s32 $0x2, s23;
	[tilespmem:s13+$0xFFFFFEF0] =	vst v8;
	v8 =	vmul.f32 v10, v2;
	v4 =	vld [tilespmem:s13+$0xFFFFFF60]  }
0x248: {  	v10 =	vor.u32 v1, v9;
	v9 =	vmov s0;
	[tilespmem:s13+$0xFFFFFF00] =	vst v5;
	v14 =	vmul.f32 v6, v2;
	v5 =	vld [tilespmem:s13+$0xFFFFFF70]  }
0x249: {  	v12 =	vand.u32 $0x7D, v11;
	v11 =	vand.u32 $0x7E, v9;
	[tilespmem:s13+$0xFFFFFF10] =	vst v8;
	v9 =	vmul.f32 v7, v2;
	v7 =	vld [tilespmem:s13+$0xFFFFFF80]  }
0x24a: {  	s26 =	sadd.s32 $0x3, s23;
	s23 =	sadd.s32 $0x4, s23;
	v6 =	vbroadcast v10, $0x0;
	v12 =	vor.u32 v1, v12;
	[tilespmem:s13+$0xFFFFFF20] =	vst v14;
	v10 =	vmul.f32 v13, v2;
	v8 =	vld [tilespmem:s13+$0xFFFFFF90]  }
0x24b: {  	v14 =	vld [tilespmem:s13+$0xFFFFFFA0]  }
0x24c: {  	v15 =	vld [tilespmem:s13+$0xFFFFFFB0]  }
0x24d: {  	v13 =	vmov s26;
	v11 =	vor.u32 v1, v11;
	v16 =	vld [tilespmem:s13+$0xFFFFFFD0]  }
0x24e: {  	v12 =	vbroadcast v12, $0x0;
	[tilespmem:s13+$0xFFFFFF30] =	vst v9;
	v3 =	vmul.f32 v3, v2;
	v9 =	vld [tilespmem:s13+$0xFFFFFFE0];
	v13 =	vand.u32 $0x7F, v13  }
0x24f: {  	v11 =	vbroadcast v11, $0x0;
	[tilespmem:s13+$0xFFFFFF40] =	vst v10;
	v4 =	vmul.f32 v4, v2;
	v10 =	vld [tilespmem:s13+$0xFFFFFFF0];
	v1 =	vor.u32 v1, v13  }
0x250: {  	v13 =	vld [tilespmem:s13+$0xFFFFFFC0];
	[tilespmem:s13+$0xFFFFFF50] =	vst v3;
	v3 =	vmul.f32 v5, v2;
	v1 =	vbroadcast v1, $0x0  }
0x251: {  	s23 =	sadd.s32 $0x200, s13;
	v5 =	vld.idx.msk [tilespmem:v6+s20+$0x0], $0xffff;
	[tilespmem:s13+$0xFFFFFF60] =	vst v4;
	v2 =	vmul.f32 v7, v2  }
0x252: {  	v7 =	vld [tilespmem:s23+$0x0];
	[tilespmem:s13+$0xFFFFFF70] =	vst v3;
	v3 =	vmul.f32 v8, v0  }
0x253: {  	v8 =	vld [tilespmem:s23+$0xFFFFFE10];
	[tilespmem:s13+$0xFFFFFF80] =	vst v2;
	v2 =	vmul.f32 v14, v0  }
0x254: {  	v4 =	vld.idx.msk [tilespmem:v12+s20+$0x0], $0xffff;
	[tilespmem:s13+$0xFFFFFF90] =	vst v3;
	v3 =	vmul.f32 v15, v0  }
0x255: {  	v6 =	vld.idx.msk [tilespmem:v11+s20+$0x0], $0xffff;
	[tilespmem:s13+$0xFFFFFFA0] =	vst v2;
	v2 =	vmul.f32 v13, v0  }
0x256: {  	[tilespmem:s13+$0xFFFFFFB0] =	vst v3;
	v3 =	vmul.f32 v16, v0;
	v1 =	vld.idx.msk [tilespmem:v1+s20+$0x0], $0xffff  }
0x257: {  	v11 =	vld [tilespmem:s23+$0xFFFFFE20];
	[tilespmem:s21+$0xFFFFFFC0] =	vst v2;
	v2 =	vmul.f32 v9, v0  }
0x258: {  	v9 =	vld [tilespmem:s23+$0xFFFFFE30];
	v0 =	vmul.f32 v10, v0;
	[tilespmem:s21+$0xFFFFFFD0] =	vst v3  }
0x259: {  	v3 =	vld [tilespmem:s23+$0xFFFFFE40];
	[tilespmem:s21+$0xFFFFFFE0] =	vst v2  }
0x25a: {  	v2 =	vld [tilespmem:s23+$0xFFFFFE50];
	[tilespmem:s21+$0xFFFFFFF0] =	vst v0;
	v0 =	vmul.f32 v8, v5  }
0x25b: {  	v8 =	vld [tilespmem:s23+$0xFFFFFE60];
	v7 =	vmul.f32 v7, v1  }
0x25c: {  	v10 =	vmul.f32 v11, v5;
	v11 =	vld [tilespmem:s23+$0xFFFFFE70];
	[tilespmem:s23+$0xFFFFFE10] =	vst v0  }
0x25d: {  	v0 =	vmul.f32 v9, v5;
	[tilespmem:s23+$0x0] =	vst v7;
	v7 =	vld [tilespmem:s23+$0xFFFFFE80]  }
0x25e: {  	[tilespmem:s23+$0xFFFFFE20] =	vst v10;
	v9 =	vld [tilespmem:s23+$0xFFFFFE90];
	v3 =	vmul.f32 v3, v5  }
0x25f: {  	[tilespmem:s23+$0xFFFFFE30] =	vst v0;
	v0 =	vmul.f32 v2, v5;
	v2 =	vld [tilespmem:s23+$0xFFFFFEA0]  }
0x260: {  	[tilespmem:s23+$0xFFFFFE40] =	vst v3;
	v3 =	vmul.f32 v8, v5;
	v8 =	vld [tilespmem:s23+$0xFFFFFEB0]  }
0x261: {  	v10 =	vld [tilespmem:s23+$0xFFFFFEC0];
	[tilespmem:s23+$0xFFFFFE50] =	vst v0;
	v0 =	vmul.f32 v11, v5  }
0x262: {  	[tilespmem:s23+$0xFFFFFE60] =	vst v3;
	v3 =	vmul.f32 v7, v5;
	v5 =	vld [tilespmem:s23+$0xFFFFFED0]  }
0x263: {  	[tilespmem:s23+$0xFFFFFE70] =	vst v0;
	v0 =	vmul.f32 v9, v4;
	v7 =	vld [tilespmem:s23+$0xFFFFFEE0]  }
0x264: {  	v2 =	vmul.f32 v2, v4;
	[tilespmem:s23+$0xFFFFFE80] =	vst v3;
	v3 =	vld [tilespmem:s23+$0xFFFFFEF0]  }
0x265: {  	[tilespmem:s23+$0xFFFFFE90] =	vst v0;
	v0 =	vmul.f32 v8, v4;
	v8 =	vld [tilespmem:s23+$0xFFFFFF00]  }
0x266: {  	v9 =	vld [tilespmem:s23+$0xFFFFFF10];
	[tilespmem:s23+$0xFFFFFEA0] =	vst v2;
	v2 =	vmul.f32 v10, v4  }
0x267: {  	[tilespmem:s23+$0xFFFFFEB0] =	vst v0;
	v0 =	vmul.f32 v5, v4;
	v5 =	vld [tilespmem:s23+$0xFFFFFF20]  }
0x268: {  	[tilespmem:s23+$0xFFFFFEC0] =	vst v2;
	v2 =	vmul.f32 v7, v4;
	v7 =	vld [tilespmem:s23+$0xFFFFFF30]  }
0x269: {  	[tilespmem:s23+$0xFFFFFED0] =	vst v0;
	v0 =	vmul.f32 v3, v4;
	v3 =	vld [tilespmem:s23+$0xFFFFFF40]  }
0x26a: {  	[tilespmem:s23+$0xFFFFFEE0] =	vst v2;
	v2 =	vmul.f32 v8, v4;
	v4 =	vld [tilespmem:s23+$0xFFFFFF50]  }
0x26b: {  	v8 =	vld [tilespmem:s23+$0xFFFFFF60];
	[tilespmem:s23+$0xFFFFFEF0] =	vst v0;
	v0 =	vmul.f32 v9, v6  }
0x26c: {  	[tilespmem:s23+$0xFFFFFF00] =	vst v2;
	v2 =	vmul.f32 v5, v6;
	v5 =	vld [tilespmem:s23+$0xFFFFFF70]  }
0x26d: {  	[tilespmem:s23+$0xFFFFFF10] =	vst v0;
	v0 =	vmul.f32 v7, v6;
	v7 =	vld [tilespmem:s23+$0xFFFFFF80]  }
0x26e: {  	[tilespmem:s23+$0xFFFFFF20] =	vst v2;
	v2 =	vmul.f32 v3, v6;
	v3 =	vld [tilespmem:s23+$0xFFFFFF90]  }
0x26f: {  	[tilespmem:s23+$0xFFFFFF30] =	vst v0;
	v0 =	vmul.f32 v4, v6;
	v4 =	vld [tilespmem:s23+$0xFFFFFFA0]  }
0x270: {  	[tilespmem:s23+$0xFFFFFF40] =	vst v2;
	v2 =	vmul.f32 v8, v6;
	v8 =	vld [tilespmem:s23+$0xFFFFFFB0]  }
0x271: {  	[tilespmem:s23+$0xFFFFFF50] =	vst v0;
	v0 =	vmul.f32 v5, v6;
	v5 =	vld [tilespmem:s23+$0xFFFFFFC0]  }
0x272: {  	[tilespmem:s23+$0xFFFFFF60] =	vst v2;
	v2 =	vmul.f32 v7, v6;
	v6 =	vld [tilespmem:s23+$0xFFFFFFD0]  }
0x273: {  	[tilespmem:s23+$0xFFFFFF70] =	vst v0;
	v0 =	vmul.f32 v3, v1;
	v3 =	vld [tilespmem:s23+$0xFFFFFFE0]  }
0x274: {  	[tilespmem:s23+$0xFFFFFF80] =	vst v2;
	v2 =	vmul.f32 v4, v1;
	v4 =	vld [tilespmem:s23+$0xFFFFFFF0]  }
0x275: {  	[tilespmem:s23+$0xFFFFFF90] =	vst v0;
	v0 =	vmul.f32 v8, v1  }
0x276: {  	[tilespmem:s23+$0xFFFFFFA0] =	vst v2;
	v2 =	vmul.f32 v5, v1  }
0x277: {  	[tilespmem:s23+$0xFFFFFFB0] =	vst v0;
	v0 =	vmul.f32 v6, v1  }
0x278: {  	[tilespmem:s23+$0xFFFFFFC0] =	vst v2;
	v2 =	vmul.f32 v3, v1  }
0x279: {  	[tilespmem:s23+$0xFFFFFFD0] =	vst v0;
	v0 =	vmul.f32 v4, v1  }
0x27a: {  	[tilespmem:s23+$0xFFFFFFE0] =	vst v2  }
0x27b: {  	s0 =	sor.u32 $0x800, s3;
	[tilespmem:s23+$0xFFFFFFF0] =	vst v0;
	s23 =	simm.s32 $0x7800  }
0x27c: {  	[spmem:s2] =	stream.indirect.scatter.add.f32 [tilespmem:s23], [sflag:$0x9], $0x80, s0, s22, $0xb8;
	[tilespmem:$0x1F080] =	vst v63  }
0x27d: {  	p0 =	sne.s32 @!p2 s11, $0x5;
	_ =	swait.ge [sflag:s9], $0x2000  }
0x27e: {  	p0 =	por p0, p2;
	[sflag:s9] =	ssyncset.done $0x0  }
0x27f: {  	s0 =	simm.s32 @!p0 $0xB;
	[sflag:s9] =	ssyncadd.s32 $0xFFFFE000  }
0x280: {  	_ =	swait.ge @!p0 [sflag:s0], $0x400  }
0x281: {  	[sflag:s0] =	ssyncset.done @!p0 $0x0  }
0x282: {  	[sflag:s0] =	ssyncadd.s32 @!p0 $0xFFFFFC00  }
0x283: {  	_ =	swait.ge @!p0 [sflag:s0], $0x400  }
0x284: {  	[sflag:s0] =	ssyncset.done @!p0 $0x0  }
0x285: {  	[sflag:s0] =	ssyncadd.s32 @!p0 $0xFFFFFC00  }
0x286: {  	_ =	swait.ge @!p0 [sflag:s0], $0x400  }
0x287: {  	s3 =	simm.s32 @!p2 $0x40;
	[sflag:s0] =	ssyncset.done @!p0 $0x0  }
0x288: {  	p6 =	por !p1, !p3;
	[sflag:s0] =	ssyncadd.s32 @!p0 $0xFFFFFC00;
	s0 =	sadd.s32 @!p2 $0x380, s16  }
0x289: {  	s11 =	simm.s32 @!p2 $0x5800;
	p1 =	por !p6, !p6;
	s0 =	sand.u32 @!p2 $0x780, s0  }
0x28a: {  	[tilespmem:s11], [sflag:$0x3] =	stream.indirect.gather @!p2 [hbm4b:s1+s3], $0x80, s0, s3, $0xb8;
	[tilespmem:$0x1F080] =	vst v63  }
0x28b: {  	s26 =	sshll.u32 s17, $0x7;
	s30 =	simm.s32 $0x0;
	s0 =	sadd.s32 @p1 $0x1, s12  }
0x28c: {  	s17 =	simm.s32 @p1 $0x0;
	s21 =	sshll.u32 s18, $0xA;
	s3 =	sadd.s32 @p1 s14, s0  }
0x28d: {  	s16 =	simm.s32 $0x3;
	s0 =	sshll.u32 @p1 s0, $0xA;
	s3 =	sshll.u32 @p1 s3, $0x7  }
0x28e: {  	v0 =	vmov s30;
	s12 =	sor.u32 s26, s21;
	s0 =	sand.u32 @p1 $0x400, s0;
	s11 =	sadd.s32 @p1 s3, s15  }
0x28f: {  	v0 =	vand.u32 $0x7C, v0;
	v2 =	vmov s16;
	v1 =	vmov s12;
	[tilespmem:s0], [sflag:$0xB] =	stream.linear.gather @p1 [hbm4b:s11+s17], $0x400, $0x38;
	[tilespmem:$0x1F080] =	vst v63  }
0x290: {  	v2 =	vand.u32 $0x7F, v2;
	v0 =	vor.u32 v1, v0;
	s12 =	sadd.s32 @p1 s5, s3;
	s11 =	sor.u32 @p1 $0x800, s0  }
0x291: {  	v2 =	vor.u32 v1, v2;
	v0 =	vbroadcast v0, $0x0;
	[tilespmem:s11], [sflag:$0xB] =	stream.linear.gather @p1 [hbm4b:s12+s17], $0x400, $0x38;
	[tilespmem:$0x1F080] =	vst v63  }
0x292: {  	s3 =	sadd.s32 @p1 s6, s3;
	v2 =	vbroadcast v2, $0x0;
	s0 =	sor.u32 @p1 $0x1000, s0  }
0x293: {  	[tilespmem:s0], [sflag:$0xB] =	stream.linear.gather @p1 [hbm4b:s3+s17], $0x400, $0x38;
	[tilespmem:$0x1F080] =	vst v63  }
0x294: {  	_ =	swait.ge [sflag:s10], $0x2000  }
0x295: {  	[sflag:s10] =	ssyncset.done $0x0  }
0x296: {  	[sflag:s10] =	ssyncadd.s32 $0xFFFFE000  }
0x297: {  	s17 =	simm.s32 $0x1;
	v3 =	vld.idx.msk [tilespmem:v0+s20+$0x0], $0xffff  }
0x298: {  	s3 =	simm.s32 $0x99F0;
	v4 =	vmov s17;
	v0 =	vld.idx.msk [tilespmem:v2+s20+$0x0], $0xffff  }
0x299: {  	v2 =	vand.u32 $0x7D, v4;
	v4 =	vld [tilespmem:s3+$0x0]  }
0x29a: {  	v5 =	vld [tilespmem:s3+$0xFFFFFE10]  }
0x29b: {  	v6 =	vld [tilespmem:s3+$0xFFFFFE20]  }
0x29c: {  	v7 =	vld [tilespmem:s3+$0xFFFFFE30];
	v2 =	vor.u32 v1, v2  }
0x29d: {  	v8 =	vld [tilespmem:s3+$0xFFFFFE40];
	v2 =	vbroadcast v2, $0x0  }
0x29e: {  	v9 =	vld [tilespmem:s3+$0xFFFFFE50]  }
0x29f: {  	v10 =	vld [tilespmem:s3+$0xFFFFFE60];
	v5 =	vmul.f32 v5, v3  }
0x2a0: {  	v11 =	vld [tilespmem:s3+$0xFFFFFE70];
	v4 =	vmul.f32 v4, v0  }
0x2a1: {  	[tilespmem:s3+$0xFFFFFE10] =	vst v5;
	v5 =	vld [tilespmem:s3+$0xFFFFFE80]  }
0x2a2: {  	s18 =	simm.s32 $0x2;
	v6 =	vmul.f32 v6, v3;
	[tilespmem:s3+$0x0] =	vst v4;
	v4 =	vmul.f32 v7, v3;
	v7 =	vld [tilespmem:s3+$0xFFFFFEA0]  }
0x2a3: {  	v12 =	vmov s18;
	v13 =	vld.idx.msk [tilespmem:v2+s20+$0x0], $0xffff  }
0x2a4: {  	[tilespmem:s3+$0xFFFFFE20] =	vst v6;
	v6 =	vmul.f32 v8, v3;
	v2 =	vand.u32 $0x7E, v12;
	v12 =	vld [tilespmem:s3+$0xFFFFFE90]  }
0x2a5: {  	v11 =	vmul.f32 v11, v3;
	v8 =	vld [tilespmem:s3+$0xFFFFFEB0];
	v2 =	vor.u32 v1, v2;
	[tilespmem:s3+$0xFFFFFE30] =	vst v4;
	v4 =	vmul.f32 v9, v3  }
0x2a6: {  	v9 =	vld [tilespmem:s3+$0xFFFFFEC0];
	[tilespmem:s3+$0xFFFFFE40] =	vst v6;
	v6 =	vmul.f32 v10, v3;
	v2 =	vbroadcast v2, $0x0  }
0x2a7: {  	[tilespmem:s3+$0xFFFFFE70] =	vst v11;
	v10 =	vld [tilespmem:s3+$0xFFFFFED0]  }
0x2a8: {  	[tilespmem:s3+$0xFFFFFE60] =	vst v6;
	v6 =	vld [tilespmem:s3+$0xFFFFFEF0];
	v3 =	vmul.f32 v5, v3  }
0x2a9: {  	[tilespmem:s3+$0xFFFFFE50] =	vst v4;
	v5 =	vld [tilespmem:s3+$0xFFFFFF00];
	v4 =	vmul.f32 v12, v13  }
0x2aa: {  	v12 =	vld [tilespmem:s3+$0xFFFFFEE0];
	[tilespmem:s3+$0xFFFFFE80] =	vst v3;
	v3 =	vmul.f32 v8, v13  }
0x2ab: {  	[tilespmem:s3+$0xFFFFFE90] =	vst v4;
	v4 =	vmul.f32 v7, v13;
	v7 =	vld [tilespmem:s3+$0xFFFFFF10]  }
0x2ac: {  	v2 =	vld.idx.msk [tilespmem:v2+s20+$0x0], $0xffff;
	[tilespmem:s3+$0xFFFFFEB0] =	vst v3;
	v3 =	vmul.f32 v10, v13  }
0x2ad: {  	v8 =	vld [tilespmem:s3+$0xFFFFFF20];
	[tilespmem:s3+$0xFFFFFEA0] =	vst v4;
	v4 =	vmul.f32 v9, v13  }
0x2ae: {  	s21 =	simm.s32 $0x4;
	v6 =	vmul.f32 v6, v13;
	v9 =	vld [tilespmem:s3+$0xFFFFFF30];
	[tilespmem:s3+$0xFFFFFED0] =	vst v3  }
0x2af: {  	v11 =	vmov s21;
	v10 =	vld [tilespmem:s3+$0xFFFFFF40];
	[tilespmem:s3+$0xFFFFFEC0] =	vst v4;
	v4 =	vmul.f32 v12, v13  }
0x2b0: {  	v11 =	vand.u32 $0x7C, v11;
	v3 =	vld [tilespmem:s3+$0xFFFFFF50];
	[tilespmem:s3+$0xFFFFFEF0] =	vst v6;
	v12 =	vmul.f32 v5, v13  }
0x2b1: {  	s30 =	simm.s32 $0x6;
	s26 =	simm.s32 $0x5;
	v6 =	vor.u32 v1, v11;
	[tilespmem:s3+$0xFFFFFEE0] =	vst v4;
	v7 =	vmul.f32 v7, v2;
	v4 =	vld [tilespmem:s3+$0xFFFFFF60]  }
0x2b2: {  	v11 =	vmov s30;
	v13 =	vmov s26;
	v5 =	vld [tilespmem:s3+$0xFFFFFF70];
	v8 =	vmul.f32 v8, v2;
	[tilespmem:s3+$0xFFFFFF00] =	vst v12  }
0x2b3: {  	s29 =	simm.s32 $0x9800;
	v11 =	vand.u32 $0x7E, v11;
	v12 =	vand.u32 $0x7D, v13;
	v9 =	vmul.f32 v9, v2;
	[tilespmem:s3+$0xFFFFFF10] =	vst v7;
	v7 =	vld [tilespmem:s3+$0xFFFFFF80]  }
0x2b4: {  	s13 =	simm.s32 $0x7;
	s12 =	simm.s32 $0x8;
	s11 =	simm.s32 $0x99F0;
	v6 =	vbroadcast v6, $0x0;
	v10 =	vmul.f32 v10, v2;
	v12 =	vor.u32 v1, v12;
	[tilespmem:s3+$0xFFFFFF20] =	vst v8;
	v8 =	vld [tilespmem:s3+$0xFFFFFF90]  }
.LBB2_11:
0x2b5: {  	p1 =	slt.u32 s12, $0x3C;
	v11 =	vor.u32 v1, v11;
	v13 =	vmov s13;
	[tilespmem:s3+$0xFFFFFF30] =	vst v9;
	v3 =	vmul.f32 v3, v2;
	v9 =	vld [tilespmem:s3+$0xFFFFFFA0]  }
0x2b6: {  	v12 =	vbroadcast v12, $0x0;
	v13 =	vand.u32 $0x7F, v13;
	[tilespmem:s3+$0xFFFFFF40] =	vst v10;
	v4 =	vmul.f32 v4, v2;
	v10 =	vld [tilespmem:s3+$0xFFFFFFB0]  }
0x2b7: {  	v11 =	vbroadcast v11, $0x0;
	v13 =	vor.u32 v1, v13;
	[tilespmem:s3+$0xFFFFFF50] =	vst v3;
	v3 =	vmul.f32 v5, v2;
	v5 =	vld [tilespmem:s3+$0xFFFFFFC0]  }
0x2b8: {  	v13 =	vbroadcast v13, $0x0;
	[tilespmem:s3+$0xFFFFFF60] =	vst v4;
	v2 =	vmul.f32 v7, v2;
	v4 =	vld [tilespmem:s3+$0xFFFFFFD0]  }
0x2b9: {  	[tilespmem:s3+$0xFFFFFF70] =	vst v3;
	v3 =	vmul.f32 v8, v0;
	v7 =	vld [tilespmem:s3+$0xFFFFFFE0]  }
0x2ba: {  	[tilespmem:s3+$0xFFFFFF80] =	vst v2;
	v2 =	vmul.f32 v9, v0;
	v8 =	vld [tilespmem:s3+$0xFFFFFFF0]  }
0x2bb: {  	v6 =	vld.idx.msk [tilespmem:v6+s20+$0x0], $0xffff;
	[tilespmem:s3+$0xFFFFFF90] =	vst v3;
	v3 =	vmul.f32 v10, v0  }
0x2bc: {  	v9 =	vld.idx.msk [tilespmem:v12+s20+$0x0], $0xffff;
	[tilespmem:s3+$0xFFFFFFA0] =	vst v2;
	v5 =	vmul.f32 v5, v0  }
0x2bd: {  	v2 =	vld.idx.msk [tilespmem:v11+s20+$0x0], $0xffff;
	[tilespmem:s3+$0xFFFFFFB0] =	vst v3;
	v3 =	vmul.f32 v4, v0  }
0x2be: {  	s3 =	sadd.s32 $0x200, s3;
	v4 =	vld.idx.msk [tilespmem:v13+s20+$0x0], $0xffff;
	[tilespmem:s11+$0xFFFFFFC0] =	vst v5;
	v5 =	vmul.f32 v7, v0  }
0x2bf: {  	v7 =	vld [tilespmem:s3+$0x0];
	[tilespmem:s11+$0xFFFFFFD0] =	vst v3;
	v0 =	vmul.f32 v8, v0  }
0x2c0: {  	v3 =	vld [tilespmem:s3+$0xFFFFFE10];
	[tilespmem:s11+$0xFFFFFFE0] =	vst v5  }
0x2c1: {  	v5 =	vld [tilespmem:s3+$0xFFFFFE20];
	[tilespmem:s11+$0xFFFFFFF0] =	vst v0;
	s11 =	smov.u32 s3  }
0x2c2: {  	v8 =	vld [tilespmem:s3+$0xFFFFFE30]  }
0x2c3: {  	v10 =	vld [tilespmem:s3+$0xFFFFFE40]  }
0x2c4: {  	v0 =	vmov v4;
	v11 =	vld [tilespmem:s3+$0xFFFFFE50];
	v7 =	vmul.f32 v7, v4  }
0x2c5: {  	v3 =	vmul.f32 v3, v6;
	v4 =	vld [tilespmem:s3+$0xFFFFFE60]  }
0x2c6: {  	v5 =	vmul.f32 v5, v6;
	v12 =	vld [tilespmem:s3+$0xFFFFFE70];
	[tilespmem:s3+$0x0] =	vst v7  }
0x2c7: {  	[tilespmem:s3+$0xFFFFFE10] =	vst v3;
	v3 =	vmul.f32 v8, v6;
	v7 =	vld [tilespmem:s3+$0xFFFFFE80]  }
0x2c8: {  	[tilespmem:s3+$0xFFFFFE20] =	vst v5;
	v5 =	vmul.f32 v10, v6;
	v8 =	vld [tilespmem:s3+$0xFFFFFE90]  }
0x2c9: {  	[tilespmem:s3+$0xFFFFFE30] =	vst v3;
	v3 =	vmul.f32 v11, v6;
	v10 =	vld [tilespmem:s3+$0xFFFFFEA0]  }
0x2ca: {  	[tilespmem:s3+$0xFFFFFE40] =	vst v5;
	v4 =	vmul.f32 v4, v6;
	v5 =	vld [tilespmem:s3+$0xFFFFFEB0]  }
0x2cb: {  	[tilespmem:s3+$0xFFFFFE50] =	vst v3;
	v3 =	vmul.f32 v12, v6;
	v11 =	vld [tilespmem:s3+$0xFFFFFEC0]  }
0x2cc: {  	[tilespmem:s3+$0xFFFFFE60] =	vst v4;
	v4 =	vmul.f32 v7, v6;
	v6 =	vld [tilespmem:s3+$0xFFFFFED0]  }
0x2cd: {  	[tilespmem:s3+$0xFFFFFE70] =	vst v3;
	v3 =	vmul.f32 v8, v9;
	v7 =	vld [tilespmem:s3+$0xFFFFFEE0]  }
0x2ce: {  	[tilespmem:s3+$0xFFFFFE80] =	vst v4;
	v4 =	vmul.f32 v10, v9;
	v8 =	vld [tilespmem:s3+$0xFFFFFEF0]  }
0x2cf: {  	[tilespmem:s3+$0xFFFFFE90] =	vst v3;
	v3 =	vmul.f32 v5, v9;
	v5 =	vld [tilespmem:s3+$0xFFFFFF00]  }
0x2d0: {  	[tilespmem:s3+$0xFFFFFEA0] =	vst v4;
	v4 =	vmul.f32 v11, v9;
	v10 =	vld [tilespmem:s3+$0xFFFFFF10]  }
0x2d1: {  	[tilespmem:s3+$0xFFFFFEB0] =	vst v3;
	v3 =	vmul.f32 v6, v9;
	v6 =	vld [tilespmem:s3+$0xFFFFFF20]  }
0x2d2: {  	[tilespmem:s3+$0xFFFFFEC0] =	vst v4;
	v4 =	vmul.f32 v7, v9;
	v7 =	vld [tilespmem:s3+$0xFFFFFF30]  }
0x2d3: {  	[tilespmem:s3+$0xFFFFFED0] =	vst v3;
	v8 =	vmul.f32 v8, v9;
	v13 =	vld [tilespmem:s3+$0xFFFFFF40]  }
.Ltmp4:
0x2d4: {  	s0 =	sadd.s32 $0x1, s12;
	v11 =	vmov s12;
	[tilespmem:s3+$0xFFFFFEE0] =	vst v4;
	v5 =	vmul.f32 v5, v9;
	v3 =	vld [tilespmem:s3+$0xFFFFFF50];
	(pc) =	sbr.rel @p1 .LBB2_11-.Ltmp4, $4  }
0x2d5: {  	v9 =	vand.u32 $0x7C, v11;
	v11 =	vmov s0;
	s0 =	sadd.s32 $0x2, s12;
	[tilespmem:s3+$0xFFFFFEF0] =	vst v8;
	v8 =	vmul.f32 v10, v2;
	v4 =	vld [tilespmem:s3+$0xFFFFFF60]  }
0x2d6: {  	v10 =	vor.u32 v1, v9;
	v9 =	vmov s0;
	[tilespmem:s3+$0xFFFFFF00] =	vst v5;
	v14 =	vmul.f32 v6, v2;
	v5 =	vld [tilespmem:s3+$0xFFFFFF70]  }
0x2d7: {  	v12 =	vand.u32 $0x7D, v11;
	v11 =	vand.u32 $0x7E, v9;
	[tilespmem:s3+$0xFFFFFF10] =	vst v8;
	v9 =	vmul.f32 v7, v2;
	v7 =	vld [tilespmem:s3+$0xFFFFFF80]  }
0x2d8: {  	s13 =	sadd.s32 $0x3, s12;
	s12 =	sadd.s32 $0x4, s12;
	v6 =	vbroadcast v10, $0x0;
	v12 =	vor.u32 v1, v12;
	[tilespmem:s3+$0xFFFFFF20] =	vst v14;
	v10 =	vmul.f32 v13, v2;
	v8 =	vld [tilespmem:s3+$0xFFFFFF90]  }
0x2d9: {  	v14 =	vld [tilespmem:s3+$0xFFFFFFA0]  }
0x2da: {  	v15 =	vld [tilespmem:s3+$0xFFFFFFB0]  }
0x2db: {  	v41 =	vld [tilespmem:s3+$0xFFFFFFC0]  }
0x2dc: {  	v16 =	vld [tilespmem:s3+$0xFFFFFFD0]  }
0x2dd: {  	[tilespmem:s3+$0xFFFFFF30] =	vst v9;
	v3 =	vmul.f32 v3, v2;
	v42 =	vld [tilespmem:s3+$0xFFFFFFE0]  }
0x2de: {  	v43 =	vld [tilespmem:s3+$0xFFFFFFF0];
	[tilespmem:s3+$0xFFFFFF40] =	vst v10;
	v4 =	vmul.f32 v4, v2  }
0x2df: {  	s12 =	sadd.s32 $0x200, s3;
	v45 =	vld.idx.msk [tilespmem:v6+s20+$0x0], $0xffff;
	[tilespmem:s3+$0xFFFFFF50] =	vst v3;
	v44 =	vmul.f32 v5, v2  }
0x2e0: {  	v51 =	vld [tilespmem:s12+$0x0];
	[tilespmem:s3+$0xFFFFFF60] =	vst v4;
	v46 =	vmul.f32 v7, v2  }
0x2e1: {  	v53 =	vld [tilespmem:s12+$0xFFFFFE10];
	[tilespmem:s3+$0xFFFFFF70] =	vst v44;
	v48 =	vmul.f32 v8, v0  }
0x2e2: {  	v55 =	vld [tilespmem:s12+$0xFFFFFE20];
	[tilespmem:s3+$0xFFFFFF80] =	vst v46;
	v49 =	vmul.f32 v14, v0  }
0x2e3: {  	v12 =	vbroadcast v12, $0x0;
	v57 =	vld [tilespmem:s12+$0xFFFFFE30];
	v50 =	vmul.f32 v15, v0;
	[tilespmem:s3+$0xFFFFFF90] =	vst v48  }
0x2e4: {  	v59 =	vld [tilespmem:s12+$0xFFFFFE40];
	v52 =	vmul.f32 v41, v0;
	[tilespmem:s3+$0xFFFFFFA0] =	vst v49  }
0x2e5: {  	v60 =	vld [tilespmem:s12+$0xFFFFFE50];
	v54 =	vmul.f32 v16, v0;
	[tilespmem:s3+$0xFFFFFFB0] =	vst v50  }
0x2e6: {  	v62 =	vld [tilespmem:s12+$0xFFFFFE60];
	v56 =	vmul.f32 v42, v0;
	[tilespmem:s11+$0xFFFFFFC0] =	vst v52  }
0x2e7: {  	v17 =	vld [tilespmem:s12+$0xFFFFFEA0];
	v58 =	vmul.f32 v43, v0;
	[tilespmem:s11+$0xFFFFFFD0] =	vst v54  }
0x2e8: {  	v13 =	vmov s13;
	v14 =	vld [tilespmem:s12+$0xFFFFFE80];
	v61 =	vmul.f32 v53, v45;
	[tilespmem:s11+$0xFFFFFFE0] =	vst v56  }
0x2e9: {  	v13 =	vand.u32 $0x7F, v13;
	v47 =	vld.idx.msk [tilespmem:v12+s20+$0x0], $0xffff;
	v63 =	vmul.f32 v55, v45;
	[tilespmem:s11+$0xFFFFFFF0] =	vst v58  }
0x2ea: {  	v40 =	vor.u32 v1, v13;
	v12 =	vld [tilespmem:s12+$0xFFFFFE70];
	v13 =	vmul.f32 v57, v45;
	[tilespmem:s12+$0xFFFFFE10] =	vst v61  }
0x2eb: {  	v15 =	vld [tilespmem:s12+$0xFFFFFE90];
	v3 =	vmul.f32 v59, v45;
	[tilespmem:s12+$0xFFFFFE20] =	vst v63  }
0x2ec: {  	v11 =	vor.u32 v1, v11;
	v19 =	vld [tilespmem:s12+$0xFFFFFEB0];
	v16 =	vmul.f32 v60, v45;
	[tilespmem:s12+$0xFFFFFE30] =	vst v13  }
0x2ed: {  	v11 =	vbroadcast v11, $0x0;
	v21 =	vld [tilespmem:s12+$0xFFFFFEC0];
	v18 =	vmul.f32 v62, v45;
	[tilespmem:s12+$0xFFFFFE40] =	vst v3  }
0x2ee: {  	v23 =	vld [tilespmem:s12+$0xFFFFFED0];
	[tilespmem:s12+$0xFFFFFE50] =	vst v16;
	v22 =	vmul.f32 v14, v45  }
0x2ef: {  	v25 =	vld [tilespmem:s12+$0xFFFFFEE0];
	[tilespmem:s12+$0xFFFFFE60] =	vst v18;
	v20 =	vmul.f32 v12, v45  }
0x2f0: {  	v26 =	vld [tilespmem:s12+$0xFFFFFEF0];
	v24 =	vmul.f32 v15, v47;
	[tilespmem:s12+$0xFFFFFE80] =	vst v22  }
0x2f1: {  	v28 =	vld [tilespmem:s12+$0xFFFFFF00];
	v2 =	vmul.f32 v17, v47;
	[tilespmem:s12+$0xFFFFFE70] =	vst v20  }
0x2f2: {  	v30 =	vld [tilespmem:s12+$0xFFFFFF10];
	v27 =	vmul.f32 v19, v47;
	[tilespmem:s12+$0xFFFFFE90] =	vst v24  }
0x2f3: {  	v6 =	vld.idx.msk [tilespmem:v11+s20+$0x0], $0xffff;
	v29 =	vmul.f32 v21, v47;
	[tilespmem:s12+$0xFFFFFEA0] =	vst v2  }
0x2f4: {  	v32 =	vld [tilespmem:s12+$0xFFFFFF20];
	v1 =	vbroadcast v40, $0x0;
	v31 =	vmul.f32 v23, v47;
	[tilespmem:s12+$0xFFFFFEB0] =	vst v27  }
0x2f5: {  	v34 =	vld [tilespmem:s12+$0xFFFFFF30];
	v33 =	vmul.f32 v25, v47;
	[tilespmem:s12+$0xFFFFFEC0] =	vst v29  }
0x2f6: {  	v36 =	vld [tilespmem:s12+$0xFFFFFF40];
	v35 =	vmul.f32 v26, v47;
	[tilespmem:s12+$0xFFFFFED0] =	vst v31  }
0x2f7: {  	v38 =	vld [tilespmem:s12+$0xFFFFFF50];
	v37 =	vmul.f32 v28, v47;
	[tilespmem:s12+$0xFFFFFEE0] =	vst v33  }
0x2f8: {  	v40 =	vld [tilespmem:s12+$0xFFFFFF60];
	v39 =	vmul.f32 v30, v6;
	[tilespmem:s12+$0xFFFFFEF0] =	vst v35  }
0x2f9: {  	v44 =	vld [tilespmem:s12+$0xFFFFFF80];
	v41 =	vmul.f32 v32, v6;
	[tilespmem:s12+$0xFFFFFF00] =	vst v37  }
0x2fa: {  	v1 =	vld.idx.msk [tilespmem:v1+s20+$0x0], $0xffff;
	v43 =	vmul.f32 v34, v6;
	[tilespmem:s12+$0xFFFFFF10] =	vst v39  }
0x2fb: {  	v42 =	vld [tilespmem:s12+$0xFFFFFF70];
	v45 =	vmul.f32 v36, v6;
	[tilespmem:s12+$0xFFFFFF20] =	vst v41  }
0x2fc: {  	v46 =	vld [tilespmem:s12+$0xFFFFFF90];
	v47 =	vmul.f32 v38, v6;
	[tilespmem:s12+$0xFFFFFF30] =	vst v43  }
0x2fd: {  	v48 =	vld [tilespmem:s12+$0xFFFFFFA0];
	v49 =	vmul.f32 v40, v6;
	[tilespmem:s12+$0xFFFFFF40] =	vst v45  }
0x2fe: {  	v50 =	vld [tilespmem:s12+$0xFFFFFFB0];
	v53 =	vmul.f32 v44, v6;
	[tilespmem:s12+$0xFFFFFF50] =	vst v47  }
0x2ff: {  	v52 =	vld [tilespmem:s12+$0xFFFFFFC0];
	v7 =	vmul.f32 v51, v1;
	[tilespmem:s12+$0xFFFFFF60] =	vst v49  }
0x300: {  	v54 =	vld [tilespmem:s12+$0xFFFFFFD0];
	v51 =	vmul.f32 v42, v6;
	[tilespmem:s12+$0xFFFFFF80] =	vst v53  }
0x301: {  	v56 =	vld [tilespmem:s12+$0xFFFFFFE0];
	v55 =	vmul.f32 v46, v1;
	[tilespmem:s12+$0x0] =	vst v7  }
0x302: {  	v58 =	vld [tilespmem:s12+$0xFFFFFFF0];
	v57 =	vmul.f32 v48, v1;
	[tilespmem:s12+$0xFFFFFF70] =	vst v51  }
0x303: {  	v59 =	vmul.f32 v50, v1;
	[tilespmem:s12+$0xFFFFFF90] =	vst v55  }
0x304: {  	s7 =	sadd.s32 $0x1, s7;
	v60 =	vmul.f32 v52, v1;
	[tilespmem:s12+$0xFFFFFFA0] =	vst v57  }
0x305: {  	p0 =	sne.s32 s7, $0x20;
	v61 =	vmul.f32 v54, v1;
	[tilespmem:s12+$0xFFFFFFB0] =	vst v59  }
.Ltmp5:
0x306: {  	v62 =	vmul.f32 v56, v1;
	[tilespmem:s12+$0xFFFFFFC0] =	vst v60;
	(pc) =	sbr.rel @p0 .LBB2_2-.Ltmp5, $4  }
0x307: {  	v63 =	vmul.f32 v58, v1;
	[tilespmem:s12+$0xFFFFFFD0] =	vst v61  }
0x308: {  	[tilespmem:s12+$0xFFFFFFE0] =	vst v62  }
0x309: {  	s0 =	sor.u32 $0x800, s24;
	[tilespmem:s12+$0xFFFFFFF0] =	vst v63  }
0x30a: {  	[spmem:s2] =	stream.indirect.scatter.add.f32 [tilespmem:s29], [sflag:$0xA], $0x80, s0, s22, $0xb8;
	[tilespmem:$0x1F080] =	vst v63  }
0x30b: {  	s0 =	simm.s32 $0x9  }
0x30c: {  	_ =	swait.ge [sflag:s0], $0x2000  }
0x30d: {  	[sflag:s0] =	ssyncset.done $0x0  }
0x30e: {  	s18 =	simm.s32 $0xA;
	[sflag:s0] =	ssyncadd.s32 $0xFFFFE000  }
0x30f: {  	_ =	swait.ge [sflag:s18], $0x2000  }
0x310: {  	[sflag:s18] =	ssyncset.done $0x0  }
0x311: {  	[sflag:s18] =	ssyncadd.s32 $0xFFFFE000  }
0x312: {  	[bflag:$0x0] =	sbarrier.arrive $0xFFFF  }
0x313: {  	s21 =	rddreg [dreg:$0xc]  }
0x314: {  	s3 =	rddreg [dreg:$0x10]  }
0x315: {  	s11 =	simm.s32 $0xC;
	s7 =	rddreg [dreg:$0x11]  }
0x316: {  	[hbm:s21], [sflag:s3] =	dma.local [spmem:s7], $0x2700  }
0x317: {  	_ =	swait.ge [sflag:s11], $0x2700  }
0x318: {  	s24 =	sld [smem:$0x7FD];
	_ =	sdelay $0x1  }
0x319: {  	[sflag:s11] =	ssyncset.done $0x0;
	s0 =	rddreg [dreg:$0xd]  }
0x31a: {  	s7 =	rddreg [dreg:$0x12];
	[sflag:s11] =	ssyncadd.s32 $0xFFFFD900;
	p1 =	seq.s32 s24, $0x1  }
0x31b: {  	[hbm:s0], [sflag:s3] =	dma.local @!p1 [spmem:s7], $0x100  }
0x31c: {  	s0 =	simm.s32 @!p1 $0xC  }
0x31d: {  	_ =	swait.ge @!p1 [sflag:s0], $0x100  }
0x31e: {  	s26 =	rddreg [dreg:$0xf]  }
0x31f: {  	s30 =	rddreg [dreg:$0xe];
	s7 =	sadd.s32 $0x1, s26  }
0x320: {  	p0 =	sne.s32 s7, s30  }
.Ltmp6:
0x321: {  	_ = 	snop;
	(pc) =	sbr.rel @p0 .LBB2_1-.Ltmp6, $3  }
0x322: {  	_ =	sdelay $0x1  }
0x323: {  	[sflag:s0] =	ssyncset.done @!p1 $0x0  }
0x324: {  	[sflag:s0] =	ssyncadd.s32 @!p1 $0xFFFFFF00  }
0x325: {  	_ =	sfence.sel $0x180000  }
0x326: {  	[bflag:$0x0] =	sbarrier.arrive $0xFFFF  }
0x327: {  	_ =	strace $0x90000047  }
0x328: {  	[bflag:$0x2] =	sbarrier.arrive $0xFFFF  }
0x329: {  	s0 =	rddreg [dreg:$0x4]  }
0x32a: {  	s0 =	sadd.s32 @!p1 $0x100000, s0  }
0x32b: {  	[sflag:s0] =	ssyncadd.tile.s32 @!p1 $0x1;
	_ =	shalt  }
.Lfunc_end2:
_tile_overlayer_lowered:
.L_overlay_start_2:
0x32c: {  	(tag) =	ssettag $0x2  }
0x32d: {  	s0 =	rddreg [dreg:$0x0];
	s2 =	stileid.u32  }
0x32e: {  	s1 =	rddreg [dreg:$0x1];
	p0 =	sne.s32 s2, $0x0  }
0x32f: {  	s3 =	rddreg [dreg:$0x2];
	[bflag:$0x3] =	sbarrier.arrive $0xFFFF;
	s2 =	simm.s32 @!p0 $0x1C0C  }
0x330: {  	[timem:s3], [sflag:s2] =	dma.local @!p0 [hbm:s0], s1  }
0x331: {  	s0 =	simm.s32 @!p0 $0xC  }
0x332: {  	_ =	swait.ge @!p0 [sflag:s0], s1  }
0x333: {  	s1 =	ssub.s32 @!p0 $0x0, s1;
	[sflag:s0] =	ssyncset.done @!p0 $0x0  }
0x334: {  	[sflag:s0] =	ssyncadd.s32 @!p0 s1  }
0x335: {  	[bflag:$0x3] =	sbarrier.arrive $0xFFFF  }
0x336: {  	_ =	shalt  }

</sc_bundles>
